<compile_context>
chip_gen: v7x
topology: tpu7x:2x2x1
jax: 0.10.2.dev20260603
libtpu: 0.0.44.dev20260713+nightly
codegen_flags: <defaults>
</compile_context>

<pallas_src>
import functools

import jax
import jax.numpy as jnp
from jax import lax
from jax.scipy.linalg import block_diag
from jax.experimental import pallas as pl
from jax.experimental.pallas import tpu as pltpu
from jax.experimental.pallas import tpu_sc as plsc

_N = 10000
_E = 320000
_D_IN = 128
_D = 32

_NC, _NS = 2, 16
_NW = _NC * _NS
_CHUNK = 128
_CPW = 80
_EP = _NW * _CPW * _CHUNK
_NP = 10240
_RPT = _NP // _NS
_PR = _NP // 4
_CR = _NP // 128

_PBLK = _PR // 8
_NBLK = 8

_GRP = 1
_EPD = _GRP * _CHUNK
_CPD = _CPW // _GRP
_NBUF = 10
_LOOKA = 7



@functools.lru_cache(maxsize=None)
def _make_sc_segsum(with_count: bool):
    mesh = plsc.VectorSubcoreMesh(core_axis_name="c", subcore_axis_name="s")
    out_type = [jax.ShapeDtypeStruct((_NC * _NP, _D), jnp.float32)]
    scratch = [
        pltpu.VMEM((_CPD, _EPD), jnp.int32),
        pltpu.VMEM((_CPD, _EPD), jnp.int32),
        pltpu.VMEM((_NBUF, _EPD, _D), jnp.float32),
        pltpu.VMEM_SHARED((_NP, _D), jnp.float32),
        pltpu.VMEM_SHARED((_NP, _D), jnp.float32),
        [pltpu.SemaphoreType.DMA] * _NBUF,
        [pltpu.SemaphoreType.DMA] * _NBUF,
    ]
    if with_count:
        out_type.append(jax.ShapeDtypeStruct((_NC * _NP, _D), jnp.float32))
        scratch += [
            pltpu.VMEM((_EPD, _D), jnp.float32),
            pltpu.VMEM_SHARED((_NP, _D), jnp.float32),
        ]

    def body(y_hbm, src_hbm, dst_hbm, *rest):
        if with_count:
            (agg_out, cnt_out, src_v, dst_v, rows_v, agg_sh, y_sh,
             gsem, ssem, one_v, cnt_sh) = rest
        else:
            (agg_out, src_v, dst_v, rows_v, agg_sh, y_sh,
             gsem, ssem) = rest

        c = lax.axis_index("c")
        s = lax.axis_index("s")
        w = s * _NC + c

        pltpu.async_copy(src_hbm.at[pl.ds(w * _CPD, _CPD)], src_v, gsem[0])
        pltpu.async_copy(dst_hbm.at[pl.ds(w * _CPD, _CPD)], dst_v, gsem[1])
        pltpu.async_copy(y_hbm.at[pl.ds(s * _RPT, _RPT)],
                         y_sh.at[pl.ds(s * _RPT, _RPT)], gsem[2])

        zv = jnp.zeros((16,), jnp.float32)

        def fill_rows(i, _):
            rows_v[0, i, pl.ds(0, 16)] = zv
            rows_v[0, i, pl.ds(16, 16)] = zv
            return 0
        lax.fori_loop(0, _CHUNK, fill_rows, 0)

        if with_count:
            ov = jnp.ones((16,), jnp.float32)

            def fill_ones(i, _):
                one_v[i, pl.ds(0, 16)] = ov
                one_v[i, pl.ds(16, 16)] = ov
                return 0
            lax.fori_loop(0, _EPD, fill_ones, 0)

        pltpu.make_async_copy(
            src_hbm.at[pl.ds(0, _CPD)], src_v, gsem[0]).wait()
        pltpu.make_async_copy(
            dst_hbm.at[pl.ds(0, _CPD)], dst_v, gsem[1]).wait()
        pltpu.make_async_copy(
            y_hbm.at[pl.ds(0, _RPT)], y_sh.at[pl.ds(0, _RPT)],
            gsem[2]).wait()
        nz = _RPT // _CHUNK
        for k in range(nz):
            base = s * _RPT + k * _CHUNK
            pltpu.async_copy(rows_v.at[0], agg_sh.at[pl.ds(base, _CHUNK)],
                             ssem[k])
            if with_count:
                pltpu.async_copy(rows_v.at[0], cnt_sh.at[pl.ds(base, _CHUNK)],
                                 ssem[nz + k])
        for k in range(nz):
            pltpu.make_async_copy(
                rows_v.at[0], agg_sh.at[pl.ds(0, _CHUNK)], ssem[k]).wait()
            if with_count:
                pltpu.make_async_copy(
                    rows_v.at[0], cnt_sh.at[pl.ds(0, _CHUNK)],
                    ssem[nz + k]).wait()
        plsc.subcore_barrier()

        def gather(j, b):
            pltpu.async_copy(y_sh.at[src_v.at[j]], rows_v.at[b], gsem[b])

        def wait_gather(b):
            pltpu.make_async_copy(
                y_sh.at[src_v.at[0]], rows_v.at[b], gsem[b]).wait()

        def scatter(j, b):
            pltpu.async_copy(rows_v.at[b], agg_sh.at[dst_v.at[j]], ssem[b],
                             add=True)
            if with_count:
                pltpu.async_copy(one_v, cnt_sh.at[dst_v.at[j]], ssem[b],
                                 add=True)

        def wait_scatter(b):
            pltpu.make_async_copy(
                rows_v.at[b], agg_sh.at[dst_v.at[0]], ssem[b]).wait()
            if with_count:
                pltpu.make_async_copy(
                    one_v, cnt_sh.at[dst_v.at[0]], ssem[b]).wait()

        lag = _NBUF - _LOOKA
        npb = _CPD // _NBUF

        for b in range(_LOOKA):
            gather(b, b)

        def eloop(i, _):
            for b in range(_NBUF):
                j = i * _NBUF + b
                bf = (b + _LOOKA) % _NBUF
                if b >= lag:
                    wait_scatter(bf)
                else:
                    @pl.when(i > 0)
                    def _(bf=bf):
                        wait_scatter(bf)
                if b < (_CPD - _LOOKA) % _NBUF:
                    gather(j + _LOOKA, bf)
                else:
                    @pl.when(i + 1 < npb)
                    def _(j=j, bf=bf):
                        gather(j + _LOOKA, bf)
                wait_gather(b)
                scatter(j, b)
            return 0
        lax.fori_loop(0, npb, eloop, 0)
        for b in range(lag):
            wait_scatter((_CPD - lag + b) % _NBUF)
        plsc.subcore_barrier()

        pltpu.sync_copy(agg_sh.at[pl.ds(s * _RPT, _RPT)],
                        agg_out.at[pl.ds(c * _NP + s * _RPT, _RPT)])
        if with_count:
            pltpu.sync_copy(cnt_sh.at[pl.ds(s * _RPT, _RPT)],
                            cnt_out.at[pl.ds(c * _NP + s * _RPT, _RPT)])

    return pl.kernel(
        body, out_type=out_type, mesh=mesh, scratch_types=scratch,
        compiler_params=pltpu.CompilerParams(use_tc_tiling_on_sc=False))



def _tc1_body(x_ref, wl_ref, wr_ref, b_ref, y_ref, r_ref):
    xb = x_ref[...]
    y_ref[...] = jnp.dot(xb, wl_ref[...], preferred_element_type=jnp.float32)
    r_ref[...] = jnp.dot(xb, wr_ref[...],
                         preferred_element_type=jnp.float32) + b_ref[...]


def _inv_packed(cntp_ref):
    return 1.0 / jnp.maximum(cntp_ref[0] + cntp_ref[1], 1.0)


def _tc2_body(aggp_ref, cntp_ref, r1_ref, wl_ref, wr_ref, b_ref,
              y2_ref, r2_ref):
    agg = aggp_ref[0] + aggp_ref[1]
    h = jnp.maximum(agg * _inv_packed(cntp_ref) + r1_ref[...], 0.0)
    y2_ref[...] = jnp.dot(h, wl_ref[...], preferred_element_type=jnp.float32)
    r2_ref[...] = jnp.dot(h, wr_ref[...],
                          preferred_element_type=jnp.float32) + b_ref[...]


def _tc3_body(aggp_ref, cntp_ref, r2_ref, w_ref, b_ref, o_ref):
    agg = aggp_ref[0] + aggp_ref[1]
    h2 = agg * _inv_packed(cntp_ref) + r2_ref[...]
    o_ref[...] = jnp.dot(h2, w_ref[...],
                         preferred_element_type=jnp.float32) + b_ref[...]


def _rows_spec(width):
    return pl.BlockSpec((_PBLK, width), lambda i: (i, 0))


def _part_spec(rows, width):
    return pl.BlockSpec((2, rows, width), lambda i: (0, i, 0))


def _full_spec(shape):
    return pl.BlockSpec(shape, lambda i: tuple(0 for _ in shape))


_CBLK = _CR // _NBLK

_tc1 = pl.pallas_call(
    _tc1_body,
    grid=(_NBLK,),
    in_specs=[pl.BlockSpec((_PBLK, 4 * _D_IN), lambda i: (i, 0)),
              _full_spec((4 * _D_IN, 128)), _full_spec((4 * _D_IN, 128)),
              _full_spec((1, 128))],
    out_specs=[_rows_spec(128), _rows_spec(128)],
    out_shape=[jax.ShapeDtypeStruct((_PR, 128), jnp.float32)] * 2,
)

_tc2 = pl.pallas_call(
    _tc2_body,
    grid=(_NBLK,),
    in_specs=[_part_spec(_PBLK, 128), _part_spec(_PBLK, 128),
              _rows_spec(128), _full_spec((128, 128)), _full_spec((128, 128)),
              _full_spec((1, 128))],
    out_specs=[_rows_spec(128), _rows_spec(128)],
    out_shape=[jax.ShapeDtypeStruct((_PR, 128), jnp.float32)] * 2,
)

_tc3 = pl.pallas_call(
    _tc3_body,
    grid=(_NBLK,),
    in_specs=[_part_spec(_PBLK, 128), _part_spec(_PBLK, 128),
              _rows_spec(128), _full_spec((128, 4)), _full_spec((1, 1))],
    out_specs=_rows_spec(4),
    out_shape=jax.ShapeDtypeStruct((_PR, 4), jnp.float32),
)


def kernel(x, edge_index, W1_l, W1_r, b1, W2_l, W2_r, b2, W3, b3):
    src = edge_index[0].astype(jnp.int32)
    dst = edge_index[1].astype(jnp.int32)
    pad = _EP - _E
    src2d = jnp.concatenate([src, jnp.zeros((pad,), jnp.int32)]
                            ).reshape(_EP // _EPD, _EPD)
    dst2d = jnp.concatenate([dst, jnp.full((pad,), _N, jnp.int32)]
                            ).reshape(_EP // _EPD, _EPD)
    xp = jnp.pad(x, ((0, _NP - _N), (0, 0))).reshape(_PR, 4 * _D_IN)

    W1lB = block_diag(W1_l, W1_l, W1_l, W1_l)
    W1rB = block_diag(W1_r, W1_r, W1_r, W1_r)
    W2lB = block_diag(W2_l, W2_l, W2_l, W2_l)
    W2rB = block_diag(W2_r, W2_r, W2_r, W2_r)
    W3B = block_diag(W3, W3, W3, W3)
    b1t = jnp.tile(b1, 4).reshape(1, 128)
    b2t = jnp.tile(b2, 4).reshape(1, 128)

    y1p, r1p = _tc1(xp, W1lB, W1rB, b1t)
    agg1, cnt = _make_sc_segsum(True)(y1p.reshape(_NP, _D), src2d, dst2d)
    aggp1 = agg1.reshape(_NC, _PR, 128)
    cntp = cnt.reshape(_NC, _PR, 128)
    y2p, r2p = _tc2(aggp1, cntp, r1p, W2lB, W2rB, b2t)
    (agg2,) = jax.tree.leaves(
        _make_sc_segsum(False)(y2p.reshape(_NP, _D), src2d, dst2d))
    outp = _tc3(agg2.reshape(_NC, _PR, 128), cntp, r2p, W3B,
                b3.reshape(1, 1))
    return outp.reshape(_NP, 1)[:_N]

# --- scband reference (transcript-rebuilt; emitter-appended) ---
"""Pipeline reference for scband-hetero-sage-24232205484267 (READ-ONLY COPY).

The authoritative reference and input builder live on the scoring server;
editing this copy changes nothing except your own understanding.
"""

import jax, jax.numpy as jnp
import numpy as np

N = 10000
E = 320000
D_IN = 128
D_HID = 32


def _glorot(key, shape):
    fan_in, fan_out = shape[0], shape[1]
    lim = float(np.sqrt(6.0 / (fan_in + fan_out)))
    return jax.random.uniform(key, shape, dtype=jnp.float32, minval=-lim, maxval=lim)


def setup_inputs(seed: int = 0) -> dict:
    key = jax.random.key(seed)
    ks = jax.random.split(key, 12)
    x = jax.random.normal(ks[0], (N, D_IN), dtype=jnp.float32)
    edge_index = jax.random.randint(ks[1], (2, E), 0, N, dtype=jnp.int64)
    W1_l = _glorot(ks[2], (D_IN, D_HID))
    W1_r = _glorot(ks[3], (D_IN, D_HID))
    b1 = jnp.zeros((D_HID,), dtype=jnp.float32)
    W2_l = _glorot(ks[4], (D_HID, D_HID))
    W2_r = _glorot(ks[5], (D_HID, D_HID))
    b2 = jnp.zeros((D_HID,), dtype=jnp.float32)
    W3 = _glorot(ks[6], (D_HID, 1))
    b3 = jnp.zeros((1,), dtype=jnp.float32)
    return {"x": x, "edge_index": edge_index, "W1_l": W1_l, "W1_r": W1_r, "b1": b1,
            "W2_l": W2_l, "W2_r": W2_r, "b2": b2, "W3": W3, "b3": b3}


def _sage_conv(x, src, dst, W_l, W_r, b, n_nodes):
    # mean aggregation of neighbor (source) features onto destination nodes
    msg = jnp.take(x, src, axis=0)
    agg = jax.ops.segment_sum(msg, dst, num_segments=n_nodes)
    cnt = jax.ops.segment_sum(jnp.ones((src.shape[0], 1), dtype=x.dtype), dst, num_segments=n_nodes)
    mean = agg / jnp.maximum(cnt, 1.0)
    # SAGEConv: lin_l(aggregated) + lin_r(root), bias in lin_l
    return mean @ W_l + x @ W_r + b


def reference(x, edge_index, W1_l, W1_r, b1, W2_l, W2_r, b2, W3, b3):
    src = edge_index[0]
    dst = edge_index[1]
    h = _sage_conv(x, src, dst, W1_l, W1_r, b1, N)
    h = jax.nn.relu(h)
    h = _sage_conv(h, src, dst, W2_l, W2_r, b2, N)
    # final linear head on 'paper' node embeddings
    return h @ W3 + b3

if __name__ == "__main__":
    import jax
    _d = setup_inputs()
    print(jax.jit(kernel)(*tuple(_d.values())))

</pallas_src>

<mosaic_0001>
#map = affine_map<(d0, d1) -> (0, 0)>
module attributes {stable_mosaic.version = 14 : i64} {
  func.func @body(%arg0: i32, %arg1: i32, %arg2: memref<10240x32xf32, #tpu.memory_space<hbm>>, %arg3: memref<2560x128xi32, #tpu.memory_space<hbm>>, %arg4: memref<2560x128xi32, #tpu.memory_space<hbm>>, %arg5: memref<20480x32xf32, #tpu.memory_space<hbm>>, %arg6: memref<20480x32xf32, #tpu.memory_space<hbm>>, %arg7: memref<80x128xi32, #tpu.memory_space<vmem>>, %arg8: memref<80x128xi32, #tpu.memory_space<vmem>>, %arg9: memref<10x128x32xf32, #tpu.memory_space<vmem>>, %arg10: memref<10240x32xf32, #tpu.memory_space<vmem_shared>>, %arg11: memref<10240x32xf32, #tpu.memory_space<vmem_shared>>, %arg12: memref<!tpu.dma_semaphore, #tpu.memory_space<semaphore_mem>>, %arg13: memref<!tpu.dma_semaphore, #tpu.memory_space<semaphore_mem>>, %arg14: memref<!tpu.dma_semaphore, #tpu.memory_space<semaphore_mem>>, %arg15: memref<!tpu.dma_semaphore, #tpu.memory_space<semaphore_mem>>, %arg16: memref<!tpu.dma_semaphore, #tpu.memory_space<semaphore_mem>>, %arg17: memref<!tpu.dma_semaphore, #tpu.memory_space<semaphore_mem>>, %arg18: memref<!tpu.dma_semaphore, #tpu.memory_space<semaphore_mem>>, %arg19: memref<!tpu.dma_semaphore, #tpu.memory_space<semaphore_mem>>, %arg20: memref<!tpu.dma_semaphore, #tpu.memory_space<semaphore_mem>>, %arg21: memref<!tpu.dma_semaphore, #tpu.memory_space<semaphore_mem>>, %arg22: memref<!tpu.dma_semaphore, #tpu.memory_space<semaphore_mem>>, %arg23: memref<!tpu.dma_semaphore, #tpu.memory_space<semaphore_mem>>, %arg24: memref<!tpu.dma_semaphore, #tpu.memory_space<semaphore_mem>>, %arg25: memref<!tpu.dma_semaphore, #tpu.memory_space<semaphore_mem>>, %arg26: memref<!tpu.dma_semaphore, #tpu.memory_space<semaphore_mem>>, %arg27: memref<!tpu.dma_semaphore, #tpu.memory_space<semaphore_mem>>, %arg28: memref<!tpu.dma_semaphore, #tpu.memory_space<semaphore_mem>>, %arg29: memref<!tpu.dma_semaphore, #tpu.memory_space<semaphore_mem>>, %arg30: memref<!tpu.dma_semaphore, #tpu.memory_space<semaphore_mem>>, %arg31: memref<!tpu.dma_semaphore, #tpu.memory_space<semaphore_mem>>, %arg32: memref<128x32xf32, #tpu.memory_space<vmem>>, %arg33: memref<10240x32xf32, #tpu.memory_space<vmem_shared>>) attributes {dimension_semantics = [#tpu.dimension_semantics<core_parallel>, #tpu.dimension_semantics<subcore_parallel>], iteration_bounds = array<i64: 2, 16>, scalar_prefetch = 0 : i64, scratch_operands = 27 : i64, tpu.core_type = #tpu.core_type<sc_vector_subcore>, window_params = [{transform_indices = #map}, {transform_indices = #map}, {transform_indices = #map}, {transform_indices = #map}, {transform_indices = #map}]} {
    %mul3A = arith.constant 2 : i32
    %mul3A_0 = arith.muli %arg1, %mul3A : i32
    %add3A = arith.addi %mul3A_0, %arg0 : i32
    %mul3A_1 = arith.constant 80 : i32
    %mul3A_2 = arith.muli %add3A, %mul3A_1 : i32
    %dma_start3A = arith.constant 0 : i32
    %dma_start3A_3 = tpu.memref_slice %arg3[%mul3A_2, %dma_start3A] : memref<2560x128xi32, #tpu.memory_space<hbm>> -> memref<80x128xi32, #tpu.memory_space<hbm>>
    %dma_start3A_4 = arith.constant 0 : i32
    %dma_start3A_5 = tpu.memref_slice %arg3[%mul3A_2, %dma_start3A_4] : memref<2560x128xi32, #tpu.memory_space<hbm>> -> memref<80x128xi32, #tpu.memory_space<hbm>>
    tpu.enqueue_dma source(%dma_start3A_5 : memref<80x128xi32, #tpu.memory_space<hbm>>) target(%arg7 : memref<80x128xi32, #tpu.memory_space<vmem>>) target_semaphore(%arg12 : memref<!tpu.dma_semaphore, #tpu.memory_space<semaphore_mem>>)
    %mul3A_6 = arith.constant 80 : i32
    %mul3A_7 = arith.muli %add3A, %mul3A_6 : i32
    %dma_start3A_8 = arith.constant 0 : i32
    %dma_start3A_9 = tpu.memref_slice %arg4[%mul3A_7, %dma_start3A_8] : memref<2560x128xi32, #tpu.memory_space<hbm>> -> memref<80x128xi32, #tpu.memory_space<hbm>>
    %dma_start3A_10 = arith.constant 0 : i32
    %dma_start3A_11 = tpu.memref_slice %arg4[%mul3A_7, %dma_start3A_10] : memref<2560x128xi32, #tpu.memory_space<hbm>> -> memref<80x128xi32, #tpu.memory_space<hbm>>
    tpu.enqueue_dma source(%dma_start3A_11 : memref<80x128xi32, #tpu.memory_space<hbm>>) target(%arg8 : memref<80x128xi32, #tpu.memory_space<vmem>>) target_semaphore(%arg13 : memref<!tpu.dma_semaphore, #tpu.memory_space<semaphore_mem>>)
    %mul3A_12 = arith.constant 640 : i32
    %mul3A_13 = arith.muli %arg1, %mul3A_12 : i32
    %mul3A_14 = arith.constant 640 : i32
    %mul3A_15 = arith.muli %arg1, %mul3A_14 : i32
    %dma_start3A_16 = arith.constant 0 : i32
    %dma_start3A_17 = tpu.memref_slice %arg11[%mul3A_15, %dma_start3A_16] : memref<10240x32xf32, #tpu.memory_space<vmem_shared>> -> memref<640x32xf32, #tpu.memory_space<vmem_shared>>
    %dma_start3A_18 = arith.constant 0 : i32
    %dma_start3A_19 = tpu.memref_slice %arg2[%mul3A_13, %dma_start3A_18] : memref<10240x32xf32, #tpu.memory_space<hbm>> -> memref<640x32xf32, #tpu.memory_space<hbm>>
    tpu.enqueue_dma source(%dma_start3A_19 : memref<640x32xf32, #tpu.memory_space<hbm>>) target(%dma_start3A_17 : memref<640x32xf32, #tpu.memory_space<vmem_shared>>) target_semaphore(%arg14 : memref<!tpu.dma_semaphore, #tpu.memory_space<semaphore_mem>>)
    %broadcast_in_dim3A = arith.constant 0.000000e+00 : f32
    %broadcast_in_dim3A_20 = vector.broadcast %broadcast_in_dim3A : f32 to vector<16xf32>
    %scan3A = arith.constant 0 : i32
    %scan3A_21 = arith.constant 0 : i32
    %scan3A_22 = arith.constant 128 : i32
    %scan3A_23 = arith.addi %scan3A_21, %scan3A_22 : i32
    %scan3A_24 = arith.constant 1 : i32
    %scan3A_25 = scf.for %scan3A_516 = %scan3A_21 to %scan3A_23 step %scan3A_24 iter_args(%scan3A_517 = %scan3A) -> (i32)  : i32 {
      %swap3A = arith.constant 0 : i32
      %swap3A_518 = arith.index_cast %swap3A : i32 to index
      %swap3A_519 = arith.index_cast %scan3A_516 : i32 to index
      %swap3A_520 = arith.constant 0 : index
      %swap3A_521 = tpu.vector_load %arg9[%swap3A_518, %swap3A_519, %swap3A_520] {strides = array<i32>} : memref<10x128x32xf32, #tpu.memory_space<vmem>>, vector<1x1x16xf32>,
      %swap3A_522 = vector.shape_cast %swap3A_521 : vector<1x1x16xf32> to vector<16xf32>
      %swap3A_523 = vector.shape_cast %broadcast_in_dim3A_20 : vector<16xf32> to vector<1x1x16xf32>
      tpu.vector_store %arg9[%swap3A_518, %swap3A_519, %swap3A_520], %swap3A_523 {strides = array<i32>} : memref<10x128x32xf32, #tpu.memory_space<vmem>>, vector<1x1x16xf32>,
      %swap3A_524 = arith.constant 0 : i32
      %swap3A_525 = arith.index_cast %swap3A_524 : i32 to index
      %swap3A_526 = arith.index_cast %scan3A_516 : i32 to index
      %swap3A_527 = arith.constant 16 : index
      %swap3A_528 = tpu.vector_load %arg9[%swap3A_525, %swap3A_526, %swap3A_527] {strides = array<i32>} : memref<10x128x32xf32, #tpu.memory_space<vmem>>, vector<1x1x16xf32>,
      %swap3A_529 = vector.shape_cast %swap3A_528 : vector<1x1x16xf32> to vector<16xf32>
      %swap3A_530 = vector.shape_cast %broadcast_in_dim3A_20 : vector<16xf32> to vector<1x1x16xf32>
      tpu.vector_store %arg9[%swap3A_525, %swap3A_526, %swap3A_527], %swap3A_530 {strides = array<i32>} : memref<10x128x32xf32, #tpu.memory_space<vmem>>, vector<1x1x16xf32>,
      %scan3A_531 = arith.constant 0 : i32
      scf.yield %scan3A_531 : i32
    }
    %scan3A_26 = arith.constant 128 : i32
    %broadcast_in_dim3A_27 = arith.constant 1.000000e+00 : f32
    %broadcast_in_dim3A_28 = vector.broadcast %broadcast_in_dim3A_27 : f32 to vector<16xf32>
    %scan3A_29 = arith.constant 0 : i32
    %scan3A_30 = arith.constant 0 : i32
    %scan3A_31 = arith.constant 128 : i32
    %scan3A_32 = arith.addi %scan3A_30, %scan3A_31 : i32
    %scan3A_33 = arith.constant 1 : i32
    %scan3A_34 = scf.for %scan3A_516 = %scan3A_30 to %scan3A_32 step %scan3A_33 iter_args(%scan3A_517 = %scan3A_29) -> (i32)  : i32 {
      %swap3A = arith.index_cast %scan3A_516 : i32 to index
      %swap3A_518 = arith.constant 0 : index
      %swap3A_519 = tpu.vector_load %arg32[%swap3A, %swap3A_518] {strides = array<i32>} : memref<128x32xf32, #tpu.memory_space<vmem>>, vector<1x16xf32>,
      %swap3A_520 = vector.shape_cast %swap3A_519 : vector<1x16xf32> to vector<16xf32>
      %swap3A_521 = vector.shape_cast %broadcast_in_dim3A_28 : vector<16xf32> to vector<1x16xf32>
      tpu.vector_store %arg32[%swap3A, %swap3A_518], %swap3A_521 {strides = array<i32>} : memref<128x32xf32, #tpu.memory_space<vmem>>, vector<1x16xf32>,
      %swap3A_522 = arith.index_cast %scan3A_516 : i32 to index
      %swap3A_523 = arith.constant 16 : index
      %swap3A_524 = tpu.vector_load %arg32[%swap3A_522, %swap3A_523] {strides = array<i32>} : memref<128x32xf32, #tpu.memory_space<vmem>>, vector<1x16xf32>,
      %swap3A_525 = vector.shape_cast %swap3A_524 : vector<1x16xf32> to vector<16xf32>
      %swap3A_526 = vector.shape_cast %broadcast_in_dim3A_28 : vector<16xf32> to vector<1x16xf32>
      tpu.vector_store %arg32[%swap3A_522, %swap3A_523], %swap3A_526 {strides = array<i32>} : memref<128x32xf32, #tpu.memory_space<vmem>>, vector<1x16xf32>,
      %scan3A_527 = arith.constant 0 : i32
      scf.yield %scan3A_527 : i32
    }
    %scan3A_35 = arith.constant 128 : i32
    %dma_wait3A = arith.constant 0 : i32
    %dma_wait3A_36 = arith.constant 0 : i32
    %dma_wait3A_37 = tpu.memref_slice %arg3[%dma_wait3A, %dma_wait3A_36] : memref<2560x128xi32, #tpu.memory_space<hbm>> -> memref<80x128xi32, #tpu.memory_space<hbm>>
    %dma_wait3A_38 = arith.constant 0 : i32
    %dma_wait3A_39 = arith.constant 0 : i32
    %dma_wait3A_40 = tpu.memref_slice %arg3[%dma_wait3A_38, %dma_wait3A_39] : memref<2560x128xi32, #tpu.memory_space<hbm>> -> memref<80x128xi32, #tpu.memory_space<hbm>>
    tpu.wait_dma2 semaphore(%arg12 : memref<!tpu.dma_semaphore, #tpu.memory_space<semaphore_mem>>) src(%dma_wait3A_40 : memref<80x128xi32, #tpu.memory_space<hbm>>) dst(%arg7 : memref<80x128xi32, #tpu.memory_space<vmem>>)
    %dma_wait3A_41 = arith.constant 0 : i32
    %dma_wait3A_42 = arith.constant 0 : i32
    %dma_wait3A_43 = tpu.memref_slice %arg4[%dma_wait3A_41, %dma_wait3A_42] : memref<2560x128xi32, #tpu.memory_space<hbm>> -> memref<80x128xi32, #tpu.memory_space<hbm>>
    %dma_wait3A_44 = arith.constant 0 : i32
    %dma_wait3A_45 = arith.constant 0 : i32
    %dma_wait3A_46 = tpu.memref_slice %arg4[%dma_wait3A_44, %dma_wait3A_45] : memref<2560x128xi32, #tpu.memory_space<hbm>> -> memref<80x128xi32, #tpu.memory_space<hbm>>
    tpu.wait_dma2 semaphore(%arg13 : memref<!tpu.dma_semaphore, #tpu.memory_space<semaphore_mem>>) src(%dma_wait3A_46 : memref<80x128xi32, #tpu.memory_space<hbm>>) dst(%arg8 : memref<80x128xi32, #tpu.memory_space<vmem>>)
    %dma_wait3A_47 = arith.constant 0 : i32
    %dma_wait3A_48 = arith.constant 0 : i32
    %dma_wait3A_49 = tpu.memref_slice %arg11[%dma_wait3A_47, %dma_wait3A_48] : memref<10240x32xf32, #tpu.memory_space<vmem_shared>> -> memref<640x32xf32, #tpu.memory_space<vmem_shared>>
    %dma_wait3A_50 = arith.constant 0 : i32
    %dma_wait3A_51 = arith.constant 0 : i32
    %dma_wait3A_52 = tpu.memref_slice %arg2[%dma_wait3A_50, %dma_wait3A_51] : memref<10240x32xf32, #tpu.memory_space<hbm>> -> memref<640x32xf32, #tpu.memory_space<hbm>>
    tpu.wait_dma2 semaphore(%arg14 : memref<!tpu.dma_semaphore, #tpu.memory_space<semaphore_mem>>) src(%dma_wait3A_52 : memref<640x32xf32, #tpu.memory_space<hbm>>) dst(%dma_wait3A_49 : memref<640x32xf32, #tpu.memory_space<vmem_shared>>)
    %mul3A_53 = arith.constant 640 : i32
    %mul3A_54 = arith.muli %arg1, %mul3A_53 : i32
    %add3A_55 = arith.constant 0 : i32
    %add3A_56 = arith.addi %mul3A_54, %add3A_55 : i32
    %dma_start3A_57 = arith.constant 0 : i32
    %dma_start3A_58 = arith.constant 0 : i32
    %dma_start3A_59 = arith.constant 0 : i32
    %dma_start3A_60 = tpu.memref_slice %arg9[%dma_start3A_57, %dma_start3A_58, %dma_start3A_59] : memref<10x128x32xf32, #tpu.memory_space<vmem>> -> memref<1x128x32xf32, #tpu.memory_space<vmem>>
    %dma_start3A_61 = tpu.memref_squeeze %dma_start3A_60 : memref<1x128x32xf32, #tpu.memory_space<vmem>> -> memref<128x32xf32, #tpu.memory_space<vmem>>
    %dma_start3A_62 = arith.constant 0 : i32
    %dma_start3A_63 = tpu.memref_slice %arg10[%add3A_56, %dma_start3A_62] : memref<10240x32xf32, #tpu.memory_space<vmem_shared>> -> memref<128x32xf32, #tpu.memory_space<vmem_shared>>
    %dma_start3A_64 = arith.constant 0 : i32
    %dma_start3A_65 = tpu.memref_slice %arg10[%add3A_56, %dma_start3A_64] : memref<10240x32xf32, #tpu.memory_space<vmem_shared>> -> memref<128x32xf32, #tpu.memory_space<vmem_shared>>
    %dma_start3A_66 = arith.constant 0 : i32
    %dma_start3A_67 = arith.constant 0 : i32
    %dma_start3A_68 = tpu.memref_slice %arg9[%dma_start3A_57, %dma_start3A_66, %dma_start3A_67] : memref<10x128x32xf32, #tpu.memory_space<vmem>> -> memref<1x128x32xf32, #tpu.memory_space<vmem>>
    %dma_start3A_69 = tpu.memref_squeeze %dma_start3A_68 : memref<1x128x32xf32, #tpu.memory_space<vmem>> -> memref<128x32xf32, #tpu.memory_space<vmem>>
    tpu.enqueue_dma source(%dma_start3A_69 : memref<128x32xf32, #tpu.memory_space<vmem>>) target(%dma_start3A_65 : memref<128x32xf32, #tpu.memory_space<vmem_shared>>) target_semaphore(%arg22 : memref<!tpu.dma_semaphore, #tpu.memory_space<semaphore_mem>>)
    %dma_start3A_70 = arith.constant 0 : i32
    %dma_start3A_71 = arith.constant 0 : i32
    %dma_start3A_72 = arith.constant 0 : i32
    %dma_start3A_73 = tpu.memref_slice %arg9[%dma_start3A_70, %dma_start3A_71, %dma_start3A_72] : memref<10x128x32xf32, #tpu.memory_space<vmem>> -> memref<1x128x32xf32, #tpu.memory_space<vmem>>
    %dma_start3A_74 = tpu.memref_squeeze %dma_start3A_73 : memref<1x128x32xf32, #tpu.memory_space<vmem>> -> memref<128x32xf32, #tpu.memory_space<vmem>>
    %dma_start3A_75 = arith.constant 0 : i32
    %dma_start3A_76 = tpu.memref_slice %arg33[%add3A_56, %dma_start3A_75] : memref<10240x32xf32, #tpu.memory_space<vmem_shared>> -> memref<128x32xf32, #tpu.memory_space<vmem_shared>>
    %dma_start3A_77 = arith.constant 0 : i32
    %dma_start3A_78 = tpu.memref_slice %arg33[%add3A_56, %dma_start3A_77] : memref<10240x32xf32, #tpu.memory_space<vmem_shared>> -> memref<128x32xf32, #tpu.memory_space<vmem_shared>>
    %dma_start3A_79 = arith.constant 0 : i32
    %dma_start3A_80 = arith.constant 0 : i32
    %dma_start3A_81 = tpu.memref_slice %arg9[%dma_start3A_70, %dma_start3A_79, %dma_start3A_80] : memref<10x128x32xf32, #tpu.memory_space<vmem>> -> memref<1x128x32xf32, #tpu.memory_space<vmem>>
    %dma_start3A_82 = tpu.memref_squeeze %dma_start3A_81 : memref<1x128x32xf32, #tpu.memory_space<vmem>> -> memref<128x32xf32, #tpu.memory_space<vmem>>
    tpu.enqueue_dma source(%dma_start3A_82 : memref<128x32xf32, #tpu.memory_space<vmem>>) target(%dma_start3A_78 : memref<128x32xf32, #tpu.memory_space<vmem_shared>>) target_semaphore(%arg27 : memref<!tpu.dma_semaphore, #tpu.memory_space<semaphore_mem>>)
    %mul3A_83 = arith.constant 640 : i32
    %mul3A_84 = arith.muli %arg1, %mul3A_83 : i32
    %add3A_85 = arith.constant 128 : i32
    %add3A_86 = arith.addi %mul3A_84, %add3A_85 : i32
    %dma_start3A_87 = arith.constant 0 : i32
    %dma_start3A_88 = arith.constant 0 : i32
    %dma_start3A_89 = arith.constant 0 : i32
    %dma_start3A_90 = tpu.memref_slice %arg9[%dma_start3A_87, %dma_start3A_88, %dma_start3A_89] : memref<10x128x32xf32, #tpu.memory_space<vmem>> -> memref<1x128x32xf32, #tpu.memory_space<vmem>>
    %dma_start3A_91 = tpu.memref_squeeze %dma_start3A_90 : memref<1x128x32xf32, #tpu.memory_space<vmem>> -> memref<128x32xf32, #tpu.memory_space<vmem>>
    %dma_start3A_92 = arith.constant 0 : i32
    %dma_start3A_93 = tpu.memref_slice %arg10[%add3A_86, %dma_start3A_92] : memref<10240x32xf32, #tpu.memory_space<vmem_shared>> -> memref<128x32xf32, #tpu.memory_space<vmem_shared>>
    %dma_start3A_94 = arith.constant 0 : i32
    %dma_start3A_95 = tpu.memref_slice %arg10[%add3A_86, %dma_start3A_94] : memref<10240x32xf32, #tpu.memory_space<vmem_shared>> -> memref<128x32xf32, #tpu.memory_space<vmem_shared>>
    %dma_start3A_96 = arith.constant 0 : i32
    %dma_start3A_97 = arith.constant 0 : i32
    %dma_start3A_98 = tpu.memref_slice %arg9[%dma_start3A_87, %dma_start3A_96, %dma_start3A_97] : memref<10x128x32xf32, #tpu.memory_space<vmem>> -> memref<1x128x32xf32, #tpu.memory_space<vmem>>
    %dma_start3A_99 = tpu.memref_squeeze %dma_start3A_98 : memref<1x128x32xf32, #tpu.memory_space<vmem>> -> memref<128x32xf32, #tpu.memory_space<vmem>>
    tpu.enqueue_dma source(%dma_start3A_99 : memref<128x32xf32, #tpu.memory_space<vmem>>) target(%dma_start3A_95 : memref<128x32xf32, #tpu.memory_space<vmem_shared>>) target_semaphore(%arg23 : memref<!tpu.dma_semaphore, #tpu.memory_space<semaphore_mem>>)
    %dma_start3A_100 = arith.constant 0 : i32
    %dma_start3A_101 = arith.constant 0 : i32
    %dma_start3A_102 = arith.constant 0 : i32
    %dma_start3A_103 = tpu.memref_slice %arg9[%dma_start3A_100, %dma_start3A_101, %dma_start3A_102] : memref<10x128x32xf32, #tpu.memory_space<vmem>> -> memref<1x128x32xf32, #tpu.memory_space<vmem>>
    %dma_start3A_104 = tpu.memref_squeeze %dma_start3A_103 : memref<1x128x32xf32, #tpu.memory_space<vmem>> -> memref<128x32xf32, #tpu.memory_space<vmem>>
    %dma_start3A_105 = arith.constant 0 : i32
    %dma_start3A_106 = tpu.memref_slice %arg33[%add3A_86, %dma_start3A_105] : memref<10240x32xf32, #tpu.memory_space<vmem_shared>> -> memref<128x32xf32, #tpu.memory_space<vmem_shared>>
    %dma_start3A_107 = arith.constant 0 : i32
    %dma_start3A_108 = tpu.memref_slice %arg33[%add3A_86, %dma_start3A_107] : memref<10240x32xf32, #tpu.memory_space<vmem_shared>> -> memref<128x32xf32, #tpu.memory_space<vmem_shared>>
    %dma_start3A_109 = arith.constant 0 : i32
    %dma_start3A_110 = arith.constant 0 : i32
    %dma_start3A_111 = tpu.memref_slice %arg9[%dma_start3A_100, %dma_start3A_109, %dma_start3A_110] : memref<10x128x32xf32, #tpu.memory_space<vmem>> -> memref<1x128x32xf32, #tpu.memory_space<vmem>>
    %dma_start3A_112 = tpu.memref_squeeze %dma_start3A_111 : memref<1x128x32xf32, #tpu.memory_space<vmem>> -> memref<128x32xf32, #tpu.memory_space<vmem>>
    tpu.enqueue_dma source(%dma_start3A_112 : memref<128x32xf32, #tpu.memory_space<vmem>>) target(%dma_start3A_108 : memref<128x32xf32, #tpu.memory_space<vmem_shared>>) target_semaphore(%arg28 : memref<!tpu.dma_semaphore, #tpu.memory_space<semaphore_mem>>)
    %mul3A_113 = arith.constant 640 : i32
    %mul3A_114 = arith.muli %arg1, %mul3A_113 : i32
    %add3A_115 = arith.constant 256 : i32
    %add3A_116 = arith.addi %mul3A_114, %add3A_115 : i32
    %dma_start3A_117 = arith.constant 0 : i32
    %dma_start3A_118 = arith.constant 0 : i32
    %dma_start3A_119 = arith.constant 0 : i32
    %dma_start3A_120 = tpu.memref_slice %arg9[%dma_start3A_117, %dma_start3A_118, %dma_start3A_119] : memref<10x128x32xf32, #tpu.memory_space<vmem>> -> memref<1x128x32xf32, #tpu.memory_space<vmem>>
    %dma_start3A_121 = tpu.memref_squeeze %dma_start3A_120 : memref<1x128x32xf32, #tpu.memory_space<vmem>> -> memref<128x32xf32, #tpu.memory_space<vmem>>
    %dma_start3A_122 = arith.constant 0 : i32
    %dma_start3A_123 = tpu.memref_slice %arg10[%add3A_116, %dma_start3A_122] : memref<10240x32xf32, #tpu.memory_space<vmem_shared>> -> memref<128x32xf32, #tpu.memory_space<vmem_shared>>
    %dma_start3A_124 = arith.constant 0 : i32
    %dma_start3A_125 = tpu.memref_slice %arg10[%add3A_116, %dma_start3A_124] : memref<10240x32xf32, #tpu.memory_space<vmem_shared>> -> memref<128x32xf32, #tpu.memory_space<vmem_shared>>
    %dma_start3A_126 = arith.constant 0 : i32
    %dma_start3A_127 = arith.constant 0 : i32
    %dma_start3A_128 = tpu.memref_slice %arg9[%dma_start3A_117, %dma_start3A_126, %dma_start3A_127] : memref<10x128x32xf32, #tpu.memory_space<vmem>> -> memref<1x128x32xf32, #tpu.memory_space<vmem>>
    %dma_start3A_129 = tpu.memref_squeeze %dma_start3A_128 : memref<1x128x32xf32, #tpu.memory_space<vmem>> -> memref<128x32xf32, #tpu.memory_space<vmem>>
    tpu.enqueue_dma source(%dma_start3A_129 : memref<128x32xf32, #tpu.memory_space<vmem>>) target(%dma_start3A_125 : memref<128x32xf32, #tpu.memory_space<vmem_shared>>) target_semaphore(%arg24 : memref<!tpu.dma_semaphore, #tpu.memory_space<semaphore_mem>>)
    %dma_start3A_130 = arith.constant 0 : i32
    %dma_start3A_131 = arith.constant 0 : i32
    %dma_start3A_132 = arith.constant 0 : i32
    %dma_start3A_133 = tpu.memref_slice %arg9[%dma_start3A_130, %dma_start3A_131, %dma_start3A_132] : memref<10x128x32xf32, #tpu.memory_space<vmem>> -> memref<1x128x32xf32, #tpu.memory_space<vmem>>
    %dma_start3A_134 = tpu.memref_squeeze %dma_start3A_133 : memref<1x128x32xf32, #tpu.memory_space<vmem>> -> memref<128x32xf32, #tpu.memory_space<vmem>>
    %dma_start3A_135 = arith.constant 0 : i32
    %dma_start3A_136 = tpu.memref_slice %arg33[%add3A_116, %dma_start3A_135] : memref<10240x32xf32, #tpu.memory_space<vmem_shared>> -> memref<128x32xf32, #tpu.memory_space<vmem_shared>>
    %dma_start3A_137 = arith.constant 0 : i32
    %dma_start3A_138 = tpu.memref_slice %arg33[%add3A_116, %dma_start3A_137] : memref<10240x32xf32, #tpu.memory_space<vmem_shared>> -> memref<128x32xf32, #tpu.memory_space<vmem_shared>>
    %dma_start3A_139 = arith.constant 0 : i32
    %dma_start3A_140 = arith.constant 0 : i32
    %dma_start3A_141 = tpu.memref_slice %arg9[%dma_start3A_130, %dma_start3A_139, %dma_start3A_140] : memref<10x128x32xf32, #tpu.memory_space<vmem>> -> memref<1x128x32xf32, #tpu.memory_space<vmem>>
    %dma_start3A_142 = tpu.memref_squeeze %dma_start3A_141 : memref<1x128x32xf32, #tpu.memory_space<vmem>> -> memref<128x32xf32, #tpu.memory_space<vmem>>
    tpu.enqueue_dma source(%dma_start3A_142 : memref<128x32xf32, #tpu.memory_space<vmem>>) target(%dma_start3A_138 : memref<128x32xf32, #tpu.memory_space<vmem_shared>>) target_semaphore(%arg29 : memref<!tpu.dma_semaphore, #tpu.memory_space<semaphore_mem>>)
    %mul3A_143 = arith.constant 640 : i32
    %mul3A_144 = arith.muli %arg1, %mul3A_143 : i32
    %add3A_145 = arith.constant 384 : i32
    %add3A_146 = arith.addi %mul3A_144, %add3A_145 : i32
    %dma_start3A_147 = arith.constant 0 : i32
    %dma_start3A_148 = arith.constant 0 : i32
    %dma_start3A_149 = arith.constant 0 : i32
    %dma_start3A_150 = tpu.memref_slice %arg9[%dma_start3A_147, %dma_start3A_148, %dma_start3A_149] : memref<10x128x32xf32, #tpu.memory_space<vmem>> -> memref<1x128x32xf32, #tpu.memory_space<vmem>>
    %dma_start3A_151 = tpu.memref_squeeze %dma_start3A_150 : memref<1x128x32xf32, #tpu.memory_space<vmem>> -> memref<128x32xf32, #tpu.memory_space<vmem>>
    %dma_start3A_152 = arith.constant 0 : i32
    %dma_start3A_153 = tpu.memref_slice %arg10[%add3A_146, %dma_start3A_152] : memref<10240x32xf32, #tpu.memory_space<vmem_shared>> -> memref<128x32xf32, #tpu.memory_space<vmem_shared>>
    %dma_start3A_154 = arith.constant 0 : i32
    %dma_start3A_155 = tpu.memref_slice %arg10[%add3A_146, %dma_start3A_154] : memref<10240x32xf32, #tpu.memory_space<vmem_shared>> -> memref<128x32xf32, #tpu.memory_space<vmem_shared>>
    %dma_start3A_156 = arith.constant 0 : i32
    %dma_start3A_157 = arith.constant 0 : i32
    %dma_start3A_158 = tpu.memref_slice %arg9[%dma_start3A_147, %dma_start3A_156, %dma_start3A_157] : memref<10x128x32xf32, #tpu.memory_space<vmem>> -> memref<1x128x32xf32, #tpu.memory_space<vmem>>
    %dma_start3A_159 = tpu.memref_squeeze %dma_start3A_158 : memref<1x128x32xf32, #tpu.memory_space<vmem>> -> memref<128x32xf32, #tpu.memory_space<vmem>>
    tpu.enqueue_dma source(%dma_start3A_159 : memref<128x32xf32, #tpu.memory_space<vmem>>) target(%dma_start3A_155 : memref<128x32xf32, #tpu.memory_space<vmem_shared>>) target_semaphore(%arg25 : memref<!tpu.dma_semaphore, #tpu.memory_space<semaphore_mem>>)
    %dma_start3A_160 = arith.constant 0 : i32
    %dma_start3A_161 = arith.constant 0 : i32
    %dma_start3A_162 = arith.constant 0 : i32
    %dma_start3A_163 = tpu.memref_slice %arg9[%dma_start3A_160, %dma_start3A_161, %dma_start3A_162] : memref<10x128x32xf32, #tpu.memory_space<vmem>> -> memref<1x128x32xf32, #tpu.memory_space<vmem>>
    %dma_start3A_164 = tpu.memref_squeeze %dma_start3A_163 : memref<1x128x32xf32, #tpu.memory_space<vmem>> -> memref<128x32xf32, #tpu.memory_space<vmem>>
    %dma_start3A_165 = arith.constant 0 : i32
    %dma_start3A_166 = tpu.memref_slice %arg33[%add3A_146, %dma_start3A_165] : memref<10240x32xf32, #tpu.memory_space<vmem_shared>> -> memref<128x32xf32, #tpu.memory_space<vmem_shared>>
    %dma_start3A_167 = arith.constant 0 : i32
    %dma_start3A_168 = tpu.memref_slice %arg33[%add3A_146, %dma_start3A_167] : memref<10240x32xf32, #tpu.memory_space<vmem_shared>> -> memref<128x32xf32, #tpu.memory_space<vmem_shared>>
    %dma_start3A_169 = arith.constant 0 : i32
    %dma_start3A_170 = arith.constant 0 : i32
    %dma_start3A_171 = tpu.memref_slice %arg9[%dma_start3A_160, %dma_start3A_169, %dma_start3A_170] : memref<10x128x32xf32, #tpu.memory_space<vmem>> -> memref<1x128x32xf32, #tpu.memory_space<vmem>>
    %dma_start3A_172 = tpu.memref_squeeze %dma_start3A_171 : memref<1x128x32xf32, #tpu.memory_space<vmem>> -> memref<128x32xf32, #tpu.memory_space<vmem>>
    tpu.enqueue_dma source(%dma_start3A_172 : memref<128x32xf32, #tpu.memory_space<vmem>>) target(%dma_start3A_168 : memref<128x32xf32, #tpu.memory_space<vmem_shared>>) target_semaphore(%arg30 : memref<!tpu.dma_semaphore, #tpu.memory_space<semaphore_mem>>)
    %mul3A_173 = arith.constant 640 : i32
    %mul3A_174 = arith.muli %arg1, %mul3A_173 : i32
    %add3A_175 = arith.constant 512 : i32
    %add3A_176 = arith.addi %mul3A_174, %add3A_175 : i32
    %dma_start3A_177 = arith.constant 0 : i32
    %dma_start3A_178 = arith.constant 0 : i32
    %dma_start3A_179 = arith.constant 0 : i32
    %dma_start3A_180 = tpu.memref_slice %arg9[%dma_start3A_177, %dma_start3A_178, %dma_start3A_179] : memref<10x128x32xf32, #tpu.memory_space<vmem>> -> memref<1x128x32xf32, #tpu.memory_space<vmem>>
    %dma_start3A_181 = tpu.memref_squeeze %dma_start3A_180 : memref<1x128x32xf32, #tpu.memory_space<vmem>> -> memref<128x32xf32, #tpu.memory_space<vmem>>
    %dma_start3A_182 = arith.constant 0 : i32
    %dma_start3A_183 = tpu.memref_slice %arg10[%add3A_176, %dma_start3A_182] : memref<10240x32xf32, #tpu.memory_space<vmem_shared>> -> memref<128x32xf32, #tpu.memory_space<vmem_shared>>
    %dma_start3A_184 = arith.constant 0 : i32
    %dma_start3A_185 = tpu.memref_slice %arg10[%add3A_176, %dma_start3A_184] : memref<10240x32xf32, #tpu.memory_space<vmem_shared>> -> memref<128x32xf32, #tpu.memory_space<vmem_shared>>
    %dma_start3A_186 = arith.constant 0 : i32
    %dma_start3A_187 = arith.constant 0 : i32
    %dma_start3A_188 = tpu.memref_slice %arg9[%dma_start3A_177, %dma_start3A_186, %dma_start3A_187] : memref<10x128x32xf32, #tpu.memory_space<vmem>> -> memref<1x128x32xf32, #tpu.memory_space<vmem>>
    %dma_start3A_189 = tpu.memref_squeeze %dma_start3A_188 : memref<1x128x32xf32, #tpu.memory_space<vmem>> -> memref<128x32xf32, #tpu.memory_space<vmem>>
    tpu.enqueue_dma source(%dma_start3A_189 : memref<128x32xf32, #tpu.memory_space<vmem>>) target(%dma_start3A_185 : memref<128x32xf32, #tpu.memory_space<vmem_shared>>) target_semaphore(%arg26 : memref<!tpu.dma_semaphore, #tpu.memory_space<semaphore_mem>>)
    %dma_start3A_190 = arith.constant 0 : i32
    %dma_start3A_191 = arith.constant 0 : i32
    %dma_start3A_192 = arith.constant 0 : i32
    %dma_start3A_193 = tpu.memref_slice %arg9[%dma_start3A_190, %dma_start3A_191, %dma_start3A_192] : memref<10x128x32xf32, #tpu.memory_space<vmem>> -> memref<1x128x32xf32, #tpu.memory_space<vmem>>
    %dma_start3A_194 = tpu.memref_squeeze %dma_start3A_193 : memref<1x128x32xf32, #tpu.memory_space<vmem>> -> memref<128x32xf32, #tpu.memory_space<vmem>>
    %dma_start3A_195 = arith.constant 0 : i32
    %dma_start3A_196 = tpu.memref_slice %arg33[%add3A_176, %dma_start3A_195] : memref<10240x32xf32, #tpu.memory_space<vmem_shared>> -> memref<128x32xf32, #tpu.memory_space<vmem_shared>>
    %dma_start3A_197 = arith.constant 0 : i32
    %dma_start3A_198 = tpu.memref_slice %arg33[%add3A_176, %dma_start3A_197] : memref<10240x32xf32, #tpu.memory_space<vmem_shared>> -> memref<128x32xf32, #tpu.memory_space<vmem_shared>>
    %dma_start3A_199 = arith.constant 0 : i32
    %dma_start3A_200 = arith.constant 0 : i32
    %dma_start3A_201 = tpu.memref_slice %arg9[%dma_start3A_190, %dma_start3A_199, %dma_start3A_200] : memref<10x128x32xf32, #tpu.memory_space<vmem>> -> memref<1x128x32xf32, #tpu.memory_space<vmem>>
    %dma_start3A_202 = tpu.memref_squeeze %dma_start3A_201 : memref<1x128x32xf32, #tpu.memory_space<vmem>> -> memref<128x32xf32, #tpu.memory_space<vmem>>
    tpu.enqueue_dma source(%dma_start3A_202 : memref<128x32xf32, #tpu.memory_space<vmem>>) target(%dma_start3A_198 : memref<128x32xf32, #tpu.memory_space<vmem_shared>>) target_semaphore(%arg31 : memref<!tpu.dma_semaphore, #tpu.memory_space<semaphore_mem>>)
    %dma_wait3A_203 = arith.constant 0 : i32
    %dma_wait3A_204 = arith.constant 0 : i32
    %dma_wait3A_205 = arith.constant 0 : i32
    %dma_wait3A_206 = tpu.memref_slice %arg9[%dma_wait3A_203, %dma_wait3A_204, %dma_wait3A_205] : memref<10x128x32xf32, #tpu.memory_space<vmem>> -> memref<1x128x32xf32, #tpu.memory_space<vmem>>
    %dma_wait3A_207 = tpu.memref_squeeze %dma_wait3A_206 : memref<1x128x32xf32, #tpu.memory_space<vmem>> -> memref<128x32xf32, #tpu.memory_space<vmem>>
    %dma_wait3A_208 = arith.constant 0 : i32
    %dma_wait3A_209 = arith.constant 0 : i32
    %dma_wait3A_210 = tpu.memref_slice %arg10[%dma_wait3A_208, %dma_wait3A_209] : memref<10240x32xf32, #tpu.memory_space<vmem_shared>> -> memref<128x32xf32, #tpu.memory_space<vmem_shared>>
    %dma_wait3A_211 = arith.constant 0 : i32
    %dma_wait3A_212 = arith.constant 0 : i32
    %dma_wait3A_213 = tpu.memref_slice %arg10[%dma_wait3A_211, %dma_wait3A_212] : memref<10240x32xf32, #tpu.memory_space<vmem_shared>> -> memref<128x32xf32, #tpu.memory_space<vmem_shared>>
    %dma_wait3A_214 = arith.constant 0 : i32
    %dma_wait3A_215 = arith.constant 0 : i32
    %dma_wait3A_216 = tpu.memref_slice %arg9[%dma_wait3A_203, %dma_wait3A_214, %dma_wait3A_215] : memref<10x128x32xf32, #tpu.memory_space<vmem>> -> memref<1x128x32xf32, #tpu.memory_space<vmem>>
    %dma_wait3A_217 = tpu.memref_squeeze %dma_wait3A_216 : memref<1x128x32xf32, #tpu.memory_space<vmem>> -> memref<128x32xf32, #tpu.memory_space<vmem>>
    tpu.wait_dma2 semaphore(%arg22 : memref<!tpu.dma_semaphore, #tpu.memory_space<semaphore_mem>>) src(%dma_wait3A_217 : memref<128x32xf32, #tpu.memory_space<vmem>>) dst(%dma_wait3A_213 : memref<128x32xf32, #tpu.memory_space<vmem_shared>>)
    %dma_wait3A_218 = arith.constant 0 : i32
    %dma_wait3A_219 = arith.constant 0 : i32
    %dma_wait3A_220 = arith.constant 0 : i32
    %dma_wait3A_221 = tpu.memref_slice %arg9[%dma_wait3A_218, %dma_wait3A_219, %dma_wait3A_220] : memref<10x128x32xf32, #tpu.memory_space<vmem>> -> memref<1x128x32xf32, #tpu.memory_space<vmem>>
    %dma_wait3A_222 = tpu.memref_squeeze %dma_wait3A_221 : memref<1x128x32xf32, #tpu.memory_space<vmem>> -> memref<128x32xf32, #tpu.memory_space<vmem>>
    %dma_wait3A_223 = arith.constant 0 : i32
    %dma_wait3A_224 = arith.constant 0 : i32
    %dma_wait3A_225 = tpu.memref_slice %arg33[%dma_wait3A_223, %dma_wait3A_224] : memref<10240x32xf32, #tpu.memory_space<vmem_shared>> -> memref<128x32xf32, #tpu.memory_space<vmem_shared>>
    %dma_wait3A_226 = arith.constant 0 : i32
    %dma_wait3A_227 = arith.constant 0 : i32
    %dma_wait3A_228 = tpu.memref_slice %arg33[%dma_wait3A_226, %dma_wait3A_227] : memref<10240x32xf32, #tpu.memory_space<vmem_shared>> -> memref<128x32xf32, #tpu.memory_space<vmem_shared>>
    %dma_wait3A_229 = arith.constant 0 : i32
    %dma_wait3A_230 = arith.constant 0 : i32
    %dma_wait3A_231 = tpu.memref_slice %arg9[%dma_wait3A_218, %dma_wait3A_229, %dma_wait3A_230] : memref<10x128x32xf32, #tpu.memory_space<vmem>> -> memref<1x128x32xf32, #tpu.memory_space<vmem>>
    %dma_wait3A_232 = tpu.memref_squeeze %dma_wait3A_231 : memref<1x128x32xf32, #tpu.memory_space<vmem>> -> memref<128x32xf32, #tpu.memory_space<vmem>>
    tpu.wait_dma2 semaphore(%arg27 : memref<!tpu.dma_semaphore, #tpu.memory_space<semaphore_mem>>) src(%dma_wait3A_232 : memref<128x32xf32, #tpu.memory_space<vmem>>) dst(%dma_wait3A_228 : memref<128x32xf32, #tpu.memory_space<vmem_shared>>)
    %dma_wait3A_233 = arith.constant 0 : i32
    %dma_wait3A_234 = arith.constant 0 : i32
    %dma_wait3A_235 = arith.constant 0 : i32
    %dma_wait3A_236 = tpu.memref_slice %arg9[%dma_wait3A_233, %dma_wait3A_234, %dma_wait3A_235] : memref<10x128x32xf32, #tpu.memory_space<vmem>> -> memref<1x128x32xf32, #tpu.memory_space<vmem>>
    %dma_wait3A_237 = tpu.memref_squeeze %dma_wait3A_236 : memref<1x128x32xf32, #tpu.memory_space<vmem>> -> memref<128x32xf32, #tpu.memory_space<vmem>>
    %dma_wait3A_238 = arith.constant 0 : i32
    %dma_wait3A_239 = arith.constant 0 : i32
    %dma_wait3A_240 = tpu.memref_slice %arg10[%dma_wait3A_238, %dma_wait3A_239] : memref<10240x32xf32, #tpu.memory_space<vmem_shared>> -> memref<128x32xf32, #tpu.memory_space<vmem_shared>>
    %dma_wait3A_241 = arith.constant 0 : i32
    %dma_wait3A_242 = arith.constant 0 : i32
    %dma_wait3A_243 = tpu.memref_slice %arg10[%dma_wait3A_241, %dma_wait3A_242] : memref<10240x32xf32, #tpu.memory_space<vmem_shared>> -> memref<128x32xf32, #tpu.memory_space<vmem_shared>>
    %dma_wait3A_244 = arith.constant 0 : i32
    %dma_wait3A_245 = arith.constant 0 : i32
    %dma_wait3A_246 = tpu.memref_slice %arg9[%dma_wait3A_233, %dma_wait3A_244, %dma_wait3A_245] : memref<10x128x32xf32, #tpu.memory_space<vmem>> -> memref<1x128x32xf32, #tpu.memory_space<vmem>>
    %dma_wait3A_247 = tpu.memref_squeeze %dma_wait3A_246 : memref<1x128x32xf32, #tpu.memory_space<vmem>> -> memref<128x32xf32, #tpu.memory_space<vmem>>
    tpu.wait_dma2 semaphore(%arg23 : memref<!tpu.dma_semaphore, #tpu.memory_space<semaphore_mem>>) src(%dma_wait3A_247 : memref<128x32xf32, #tpu.memory_space<vmem>>) dst(%dma_wait3A_243 : memref<128x32xf32, #tpu.memory_space<vmem_shared>>)
    %dma_wait3A_248 = arith.constant 0 : i32
    %dma_wait3A_249 = arith.constant 0 : i32
    %dma_wait3A_250 = arith.constant 0 : i32
    %dma_wait3A_251 = tpu.memref_slice %arg9[%dma_wait3A_248, %dma_wait3A_249, %dma_wait3A_250] : memref<10x128x32xf32, #tpu.memory_space<vmem>> -> memref<1x128x32xf32, #tpu.memory_space<vmem>>
    %dma_wait3A_252 = tpu.memref_squeeze %dma_wait3A_251 : memref<1x128x32xf32, #tpu.memory_space<vmem>> -> memref<128x32xf32, #tpu.memory_space<vmem>>
    %dma_wait3A_253 = arith.constant 0 : i32
    %dma_wait3A_254 = arith.constant 0 : i32
    %dma_wait3A_255 = tpu.memref_slice %arg33[%dma_wait3A_253, %dma_wait3A_254] : memref<10240x32xf32, #tpu.memory_space<vmem_shared>> -> memref<128x32xf32, #tpu.memory_space<vmem_shared>>
    %dma_wait3A_256 = arith.constant 0 : i32
    %dma_wait3A_257 = arith.constant 0 : i32
    %dma_wait3A_258 = tpu.memref_slice %arg33[%dma_wait3A_256, %dma_wait3A_257] : memref<10240x32xf32, #tpu.memory_space<vmem_shared>> -> memref<128x32xf32, #tpu.memory_space<vmem_shared>>
    %dma_wait3A_259 = arith.constant 0 : i32
    %dma_wait3A_260 = arith.constant 0 : i32
    %dma_wait3A_261 = tpu.memref_slice %arg9[%dma_wait3A_248, %dma_wait3A_259, %dma_wait3A_260] : memref<10x128x32xf32, #tpu.memory_space<vmem>> -> memref<1x128x32xf32, #tpu.memory_space<vmem>>
    %dma_wait3A_262 = tpu.memref_squeeze %dma_wait3A_261 : memref<1x128x32xf32, #tpu.memory_space<vmem>> -> memref<128x32xf32, #tpu.memory_space<vmem>>
    tpu.wait_dma2 semaphore(%arg28 : memref<!tpu.dma_semaphore, #tpu.memory_space<semaphore_mem>>) src(%dma_wait3A_262 : memref<128x32xf32, #tpu.memory_space<vmem>>) dst(%dma_wait3A_258 : memref<128x32xf32, #tpu.memory_space<vmem_shared>>)
    %dma_wait3A_263 = arith.constant 0 : i32
    %dma_wait3A_264 = arith.constant 0 : i32
    %dma_wait3A_265 = arith.constant 0 : i32
    %dma_wait3A_266 = tpu.memref_slice %arg9[%dma_wait3A_263, %dma_wait3A_264, %dma_wait3A_265] : memref<10x128x32xf32, #tpu.memory_space<vmem>> -> memref<1x128x32xf32, #tpu.memory_space<vmem>>
    %dma_wait3A_267 = tpu.memref_squeeze %dma_wait3A_266 : memref<1x128x32xf32, #tpu.memory_space<vmem>> -> memref<128x32xf32, #tpu.memory_space<vmem>>
    %dma_wait3A_268 = arith.constant 0 : i32
    %dma_wait3A_269 = arith.constant 0 : i32
    %dma_wait3A_270 = tpu.memref_slice %arg10[%dma_wait3A_268, %dma_wait3A_269] : memref<10240x32xf32, #tpu.memory_space<vmem_shared>> -> memref<128x32xf32, #tpu.memory_space<vmem_shared>>
    %dma_wait3A_271 = arith.constant 0 : i32
    %dma_wait3A_272 = arith.constant 0 : i32
    %dma_wait3A_273 = tpu.memref_slice %arg10[%dma_wait3A_271, %dma_wait3A_272] : memref<10240x32xf32, #tpu.memory_space<vmem_shared>> -> memref<128x32xf32, #tpu.memory_space<vmem_shared>>
    %dma_wait3A_274 = arith.constant 0 : i32
    %dma_wait3A_275 = arith.constant 0 : i32
    %dma_wait3A_276 = tpu.memref_slice %arg9[%dma_wait3A_263, %dma_wait3A_274, %dma_wait3A_275] : memref<10x128x32xf32, #tpu.memory_space<vmem>> -> memref<1x128x32xf32, #tpu.memory_space<vmem>>
    %dma_wait3A_277 = tpu.memref_squeeze %dma_wait3A_276 : memref<1x128x32xf32, #tpu.memory_space<vmem>> -> memref<128x32xf32, #tpu.memory_space<vmem>>
    tpu.wait_dma2 semaphore(%arg24 : memref<!tpu.dma_semaphore, #tpu.memory_space<semaphore_mem>>) src(%dma_wait3A_277 : memref<128x32xf32, #tpu.memory_space<vmem>>) dst(%dma_wait3A_273 : memref<128x32xf32, #tpu.memory_space<vmem_shared>>)
    %dma_wait3A_278 = arith.constant 0 : i32
    %dma_wait3A_279 = arith.constant 0 : i32
    %dma_wait3A_280 = arith.constant 0 : i32
    %dma_wait3A_281 = tpu.memref_slice %arg9[%dma_wait3A_278, %dma_wait3A_279, %dma_wait3A_280] : memref<10x128x32xf32, #tpu.memory_space<vmem>> -> memref<1x128x32xf32, #tpu.memory_space<vmem>>
    %dma_wait3A_282 = tpu.memref_squeeze %dma_wait3A_281 : memref<1x128x32xf32, #tpu.memory_space<vmem>> -> memref<128x32xf32, #tpu.memory_space<vmem>>
    %dma_wait3A_283 = arith.constant 0 : i32
    %dma_wait3A_284 = arith.constant 0 : i32
    %dma_wait3A_285 = tpu.memref_slice %arg33[%dma_wait3A_283, %dma_wait3A_284] : memref<10240x32xf32, #tpu.memory_space<vmem_shared>> -> memref<128x32xf32, #tpu.memory_space<vmem_shared>>
    %dma_wait3A_286 = arith.constant 0 : i32
    %dma_wait3A_287 = arith.constant 0 : i32
    %dma_wait3A_288 = tpu.memref_slice %arg33[%dma_wait3A_286, %dma_wait3A_287] : memref<10240x32xf32, #tpu.memory_space<vmem_shared>> -> memref<128x32xf32, #tpu.memory_space<vmem_shared>>
    %dma_wait3A_289 = arith.constant 0 : i32
    %dma_wait3A_290 = arith.constant 0 : i32
    %dma_wait3A_291 = tpu.memref_slice %arg9[%dma_wait3A_278, %dma_wait3A_289, %dma_wait3A_290] : memref<10x128x32xf32, #tpu.memory_space<vmem>> -> memref<1x128x32xf32, #tpu.memory_space<vmem>>
    %dma_wait3A_292 = tpu.memref_squeeze %dma_wait3A_291 : memref<1x128x32xf32, #tpu.memory_space<vmem>> -> memref<128x32xf32, #tpu.memory_space<vmem>>
    tpu.wait_dma2 semaphore(%arg29 : memref<!tpu.dma_semaphore, #tpu.memory_space<semaphore_mem>>) src(%dma_wait3A_292 : memref<128x32xf32, #tpu.memory_space<vmem>>) dst(%dma_wait3A_288 : memref<128x32xf32, #tpu.memory_space<vmem_shared>>)
    %dma_wait3A_293 = arith.constant 0 : i32
    %dma_wait3A_294 = arith.constant 0 : i32
    %dma_wait3A_295 = arith.constant 0 : i32
    %dma_wait3A_296 = tpu.memref_slice %arg9[%dma_wait3A_293, %dma_wait3A_294, %dma_wait3A_295] : memref<10x128x32xf32, #tpu.memory_space<vmem>> -> memref<1x128x32xf32, #tpu.memory_space<vmem>>
    %dma_wait3A_297 = tpu.memref_squeeze %dma_wait3A_296 : memref<1x128x32xf32, #tpu.memory_space<vmem>> -> memref<128x32xf32, #tpu.memory_space<vmem>>
    %dma_wait3A_298 = arith.constant 0 : i32
    %dma_wait3A_299 = arith.constant 0 : i32
    %dma_wait3A_300 = tpu.memref_slice %arg10[%dma_wait3A_298, %dma_wait3A_299] : memref<10240x32xf32, #tpu.memory_space<vmem_shared>> -> memref<128x32xf32, #tpu.memory_space<vmem_shared>>
    %dma_wait3A_301 = arith.constant 0 : i32
    %dma_wait3A_302 = arith.constant 0 : i32
    %dma_wait3A_303 = tpu.memref_slice %arg10[%dma_wait3A_301, %dma_wait3A_302] : memref<10240x32xf32, #tpu.memory_space<vmem_shared>> -> memref<128x32xf32, #tpu.memory_space<vmem_shared>>
    %dma_wait3A_304 = arith.constant 0 : i32
    %dma_wait3A_305 = arith.constant 0 : i32
    %dma_wait3A_306 = tpu.memref_slice %arg9[%dma_wait3A_293, %dma_wait3A_304, %dma_wait3A_305] : memref<10x128x32xf32, #tpu.memory_space<vmem>> -> memref<1x128x32xf32, #tpu.memory_space<vmem>>
    %dma_wait3A_307 = tpu.memref_squeeze %dma_wait3A_306 : memref<1x128x32xf32, #tpu.memory_space<vmem>> -> memref<128x32xf32, #tpu.memory_space<vmem>>
    tpu.wait_dma2 semaphore(%arg25 : memref<!tpu.dma_semaphore, #tpu.memory_space<semaphore_mem>>) src(%dma_wait3A_307 : memref<128x32xf32, #tpu.memory_space<vmem>>) dst(%dma_wait3A_303 : memref<128x32xf32, #tpu.memory_space<vmem_shared>>)
    %dma_wait3A_308 = arith.constant 0 : i32
    %dma_wait3A_309 = arith.constant 0 : i32
    %dma_wait3A_310 = arith.constant 0 : i32
    %dma_wait3A_311 = tpu.memref_slice %arg9[%dma_wait3A_308, %dma_wait3A_309, %dma_wait3A_310] : memref<10x128x32xf32, #tpu.memory_space<vmem>> -> memref<1x128x32xf32, #tpu.memory_space<vmem>>
    %dma_wait3A_312 = tpu.memref_squeeze %dma_wait3A_311 : memref<1x128x32xf32, #tpu.memory_space<vmem>> -> memref<128x32xf32, #tpu.memory_space<vmem>>
    %dma_wait3A_313 = arith.constant 0 : i32
    %dma_wait3A_314 = arith.constant 0 : i32
    %dma_wait3A_315 = tpu.memref_slice %arg33[%dma_wait3A_313, %dma_wait3A_314] : memref<10240x32xf32, #tpu.memory_space<vmem_shared>> -> memref<128x32xf32, #tpu.memory_space<vmem_shared>>
    %dma_wait3A_316 = arith.constant 0 : i32
    %dma_wait3A_317 = arith.constant 0 : i32
    %dma_wait3A_318 = tpu.memref_slice %arg33[%dma_wait3A_316, %dma_wait3A_317] : memref<10240x32xf32, #tpu.memory_space<vmem_shared>> -> memref<128x32xf32, #tpu.memory_space<vmem_shared>>
    %dma_wait3A_319 = arith.constant 0 : i32
    %dma_wait3A_320 = arith.constant 0 : i32
    %dma_wait3A_321 = tpu.memref_slice %arg9[%dma_wait3A_308, %dma_wait3A_319, %dma_wait3A_320] : memref<10x128x32xf32, #tpu.memory_space<vmem>> -> memref<1x128x32xf32, #tpu.memory_space<vmem>>
    %dma_wait3A_322 = tpu.memref_squeeze %dma_wait3A_321 : memref<1x128x32xf32, #tpu.memory_space<vmem>> -> memref<128x32xf32, #tpu.memory_space<vmem>>
    tpu.wait_dma2 semaphore(%arg30 : memref<!tpu.dma_semaphore, #tpu.memory_space<semaphore_mem>>) src(%dma_wait3A_322 : memref<128x32xf32, #tpu.memory_space<vmem>>) dst(%dma_wait3A_318 : memref<128x32xf32, #tpu.memory_space<vmem_shared>>)
    %dma_wait3A_323 = arith.constant 0 : i32
    %dma_wait3A_324 = arith.constant 0 : i32
    %dma_wait3A_325 = arith.constant 0 : i32
    %dma_wait3A_326 = tpu.memref_slice %arg9[%dma_wait3A_323, %dma_wait3A_324, %dma_wait3A_325] : memref<10x128x32xf32, #tpu.memory_space<vmem>> -> memref<1x128x32xf32, #tpu.memory_space<vmem>>
    %dma_wait3A_327 = tpu.memref_squeeze %dma_wait3A_326 : memref<1x128x32xf32, #tpu.memory_space<vmem>> -> memref<128x32xf32, #tpu.memory_space<vmem>>
    %dma_wait3A_328 = arith.constant 0 : i32
    %dma_wait3A_329 = arith.constant 0 : i32
    %dma_wait3A_330 = tpu.memref_slice %arg10[%dma_wait3A_328, %dma_wait3A_329] : memref<10240x32xf32, #tpu.memory_space<vmem_shared>> -> memref<128x32xf32, #tpu.memory_space<vmem_shared>>
    %dma_wait3A_331 = arith.constant 0 : i32
    %dma_wait3A_332 = arith.constant 0 : i32
    %dma_wait3A_333 = tpu.memref_slice %arg10[%dma_wait3A_331, %dma_wait3A_332] : memref<10240x32xf32, #tpu.memory_space<vmem_shared>> -> memref<128x32xf32, #tpu.memory_space<vmem_shared>>
    %dma_wait3A_334 = arith.constant 0 : i32
    %dma_wait3A_335 = arith.constant 0 : i32
    %dma_wait3A_336 = tpu.memref_slice %arg9[%dma_wait3A_323, %dma_wait3A_334, %dma_wait3A_335] : memref<10x128x32xf32, #tpu.memory_space<vmem>> -> memref<1x128x32xf32, #tpu.memory_space<vmem>>
    %dma_wait3A_337 = tpu.memref_squeeze %dma_wait3A_336 : memref<1x128x32xf32, #tpu.memory_space<vmem>> -> memref<128x32xf32, #tpu.memory_space<vmem>>
    tpu.wait_dma2 semaphore(%arg26 : memref<!tpu.dma_semaphore, #tpu.memory_space<semaphore_mem>>) src(%dma_wait3A_337 : memref<128x32xf32, #tpu.memory_space<vmem>>) dst(%dma_wait3A_333 : memref<128x32xf32, #tpu.memory_space<vmem_shared>>)
    %dma_wait3A_338 = arith.constant 0 : i32
    %dma_wait3A_339 = arith.constant 0 : i32
    %dma_wait3A_340 = arith.constant 0 : i32
    %dma_wait3A_341 = tpu.memref_slice %arg9[%dma_wait3A_338, %dma_wait3A_339, %dma_wait3A_340] : memref<10x128x32xf32, #tpu.memory_space<vmem>> -> memref<1x128x32xf32, #tpu.memory_space<vmem>>
    %dma_wait3A_342 = tpu.memref_squeeze %dma_wait3A_341 : memref<1x128x32xf32, #tpu.memory_space<vmem>> -> memref<128x32xf32, #tpu.memory_space<vmem>>
    %dma_wait3A_343 = arith.constant 0 : i32
    %dma_wait3A_344 = arith.constant 0 : i32
    %dma_wait3A_345 = tpu.memref_slice %arg33[%dma_wait3A_343, %dma_wait3A_344] : memref<10240x32xf32, #tpu.memory_space<vmem_shared>> -> memref<128x32xf32, #tpu.memory_space<vmem_shared>>
    %dma_wait3A_346 = arith.constant 0 : i32
    %dma_wait3A_347 = arith.constant 0 : i32
    %dma_wait3A_348 = tpu.memref_slice %arg33[%dma_wait3A_346, %dma_wait3A_347] : memref<10240x32xf32, #tpu.memory_space<vmem_shared>> -> memref<128x32xf32, #tpu.memory_space<vmem_shared>>
    %dma_wait3A_349 = arith.constant 0 : i32
    %dma_wait3A_350 = arith.constant 0 : i32
    %dma_wait3A_351 = tpu.memref_slice %arg9[%dma_wait3A_338, %dma_wait3A_349, %dma_wait3A_350] : memref<10x128x32xf32, #tpu.memory_space<vmem>> -> memref<1x128x32xf32, #tpu.memory_space<vmem>>
    %dma_wait3A_352 = tpu.memref_squeeze %dma_wait3A_351 : memref<1x128x32xf32, #tpu.memory_space<vmem>> -> memref<128x32xf32, #tpu.memory_space<vmem>>
    tpu.wait_dma2 semaphore(%arg31 : memref<!tpu.dma_semaphore, #tpu.memory_space<semaphore_mem>>) src(%dma_wait3A_352 : memref<128x32xf32, #tpu.memory_space<vmem>>) dst(%dma_wait3A_348 : memref<128x32xf32, #tpu.memory_space<vmem_shared>>)
    %barrier3A = arith.constant 0 : index
    tpu.barrier barrier_id(%barrier3A)
    %dma_start3A_353 = arith.constant 0 : i32
    %dma_start3A_354 = arith.constant 0 : i32
    %dma_start3A_355 = arith.constant 0 : i32
    %dma_start3A_356 = arith.constant 0 : i32
    %dma_start3A_357 = tpu.memref_slice %arg9[%dma_start3A_354, %dma_start3A_355, %dma_start3A_356] : memref<10x128x32xf32, #tpu.memory_space<vmem>> -> memref<1x128x32xf32, #tpu.memory_space<vmem>>
    %dma_start3A_358 = tpu.memref_squeeze %dma_start3A_357 : memref<1x128x32xf32, #tpu.memory_space<vmem>> -> memref<128x32xf32, #tpu.memory_space<vmem>>
    %dma_start3A_359 = arith.constant 0 : i32
    %dma_start3A_360 = tpu.memref_slice %arg7[%dma_start3A_353, %dma_start3A_359] : memref<80x128xi32, #tpu.memory_space<vmem>> -> memref<1x128xi32, #tpu.memory_space<vmem>>
    %dma_start3A_361 = tpu.memref_squeeze %dma_start3A_360 : memref<1x128xi32, #tpu.memory_space<vmem>> -> memref<128xi32, #tpu.memory_space<vmem>>
    %dma_start3A_362 = arith.constant 0 : i32
    %dma_start3A_363 = arith.constant 0 : i32
    %dma_start3A_364 = tpu.memref_slice %arg11[%dma_start3A_362, %dma_start3A_363] : memref<10240x32xf32, #tpu.memory_space<vmem_shared>> -> memref<10240x32xf32, #tpu.memory_space<vmem_shared>>
    tpu.enqueue_indirect_dma source(%dma_start3A_364 : memref<10240x32xf32, #tpu.memory_space<vmem_shared>>) target(%dma_start3A_358 : memref<128x32xf32, #tpu.memory_space<vmem>>) offsets(%dma_start3A_361 : memref<128xi32, #tpu.memory_space<vmem>>) semaphore(%arg12 : memref<!tpu.dma_semaphore, #tpu.memory_space<semaphore_mem>>)
    %dma_start3A_365 = arith.constant 1 : i32
    %dma_start3A_366 = arith.constant 1 : i32
    %dma_start3A_367 = arith.constant 0 : i32
    %dma_start3A_368 = arith.constant 0 : i32
    %dma_start3A_369 = tpu.memref_slice %arg9[%dma_start3A_366, %dma_start3A_367, %dma_start3A_368] : memref<10x128x32xf32, #tpu.memory_space<vmem>> -> memref<1x128x32xf32, #tpu.memory_space<vmem>>
    %dma_start3A_370 = tpu.memref_squeeze %dma_start3A_369 : memref<1x128x32xf32, #tpu.memory_space<vmem>> -> memref<128x32xf32, #tpu.memory_space<vmem>>
    %dma_start3A_371 = arith.constant 0 : i32
    %dma_start3A_372 = tpu.memref_slice %arg7[%dma_start3A_365, %dma_start3A_371] : memref<80x128xi32, #tpu.memory_space<vmem>> -> memref<1x128xi32, #tpu.memory_space<vmem>>
    %dma_start3A_373 = tpu.memref_squeeze %dma_start3A_372 : memref<1x128xi32, #tpu.memory_space<vmem>> -> memref<128xi32, #tpu.memory_space<vmem>>
    %dma_start3A_374 = arith.constant 0 : i32
    %dma_start3A_375 = arith.constant 0 : i32
    %dma_start3A_376 = tpu.memref_slice %arg11[%dma_start3A_374, %dma_start3A_375] : memref<10240x32xf32, #tpu.memory_space<vmem_shared>> -> memref<10240x32xf32, #tpu.memory_space<vmem_shared>>
    tpu.enqueue_indirect_dma source(%dma_start3A_376 : memref<10240x32xf32, #tpu.memory_space<vmem_shared>>) target(%dma_start3A_370 : memref<128x32xf32, #tpu.memory_space<vmem>>) offsets(%dma_start3A_373 : memref<128xi32, #tpu.memory_space<vmem>>) semaphore(%arg13 : memref<!tpu.dma_semaphore, #tpu.memory_space<semaphore_mem>>)
    %dma_start3A_377 = arith.constant 2 : i32
    %dma_start3A_378 = arith.constant 2 : i32
    %dma_start3A_379 = arith.constant 0 : i32
    %dma_start3A_380 = arith.constant 0 : i32
    %dma_start3A_381 = tpu.memref_slice %arg9[%dma_start3A_378, %dma_start3A_379, %dma_start3A_380] : memref<10x128x32xf32, #tpu.memory_space<vmem>> -> memref<1x128x32xf32, #tpu.memory_space<vmem>>
    %dma_start3A_382 = tpu.memref_squeeze %dma_start3A_381 : memref<1x128x32xf32, #tpu.memory_space<vmem>> -> memref<128x32xf32, #tpu.memory_space<vmem>>
    %dma_start3A_383 = arith.constant 0 : i32
    %dma_start3A_384 = tpu.memref_slice %arg7[%dma_start3A_377, %dma_start3A_383] : memref<80x128xi32, #tpu.memory_space<vmem>> -> memref<1x128xi32, #tpu.memory_space<vmem>>
    %dma_start3A_385 = tpu.memref_squeeze %dma_start3A_384 : memref<1x128xi32, #tpu.memory_space<vmem>> -> memref<128xi32, #tpu.memory_space<vmem>>
    %dma_start3A_386 = arith.constant 0 : i32
    %dma_start3A_387 = arith.constant 0 : i32
    %dma_start3A_388 = tpu.memref_slice %arg11[%dma_start3A_386, %dma_start3A_387] : memref<10240x32xf32, #tpu.memory_space<vmem_shared>> -> memref<10240x32xf32, #tpu.memory_space<vmem_shared>>
    tpu.enqueue_indirect_dma source(%dma_start3A_388 : memref<10240x32xf32, #tpu.memory_space<vmem_shared>>) target(%dma_start3A_382 : memref<128x32xf32, #tpu.memory_space<vmem>>) offsets(%dma_start3A_385 : memref<128xi32, #tpu.memory_space<vmem>>) semaphore(%arg14 : memref<!tpu.dma_semaphore, #tpu.memory_space<semaphore_mem>>)
    %dma_start3A_389 = arith.constant 3 : i32
    %dma_start3A_390 = arith.constant 3 : i32
    %dma_start3A_391 = arith.constant 0 : i32
    %dma_start3A_392 = arith.constant 0 : i32
    %dma_start3A_393 = tpu.memref_slice %arg9[%dma_start3A_390, %dma_start3A_391, %dma_start3A_392] : memref<10x128x32xf32, #tpu.memory_space<vmem>> -> memref<1x128x32xf32, #tpu.memory_space<vmem>>
    %dma_start3A_394 = tpu.memref_squeeze %dma_start3A_393 : memref<1x128x32xf32, #tpu.memory_space<vmem>> -> memref<128x32xf32, #tpu.memory_space<vmem>>
    %dma_start3A_395 = arith.constant 0 : i32
    %dma_start3A_396 = tpu.memref_slice %arg7[%dma_start3A_389, %dma_start3A_395] : memref<80x128xi32, #tpu.memory_space<vmem>> -> memref<1x128xi32, #tpu.memory_space<vmem>>
    %dma_start3A_397 = tpu.memref_squeeze %dma_start3A_396 : memref<1x128xi32, #tpu.memory_space<vmem>> -> memref<128xi32, #tpu.memory_space<vmem>>
    %dma_start3A_398 = arith.constant 0 : i32
    %dma_start3A_399 = arith.constant 0 : i32
    %dma_start3A_400 = tpu.memref_slice %arg11[%dma_start3A_398, %dma_start3A_399] : memref<10240x32xf32, #tpu.memory_space<vmem_shared>> -> memref<10240x32xf32, #tpu.memory_space<vmem_shared>>
    tpu.enqueue_indirect_dma source(%dma_start3A_400 : memref<10240x32xf32, #tpu.memory_space<vmem_shared>>) target(%dma_start3A_394 : memref<128x32xf32, #tpu.memory_space<vmem>>) offsets(%dma_start3A_397 : memref<128xi32, #tpu.memory_space<vmem>>) semaphore(%arg15 : memref<!tpu.dma_semaphore, #tpu.memory_space<semaphore_mem>>)
    %dma_start3A_401 = arith.constant 4 : i32
    %dma_start3A_402 = arith.constant 4 : i32
    %dma_start3A_403 = arith.constant 0 : i32
    %dma_start3A_404 = arith.constant 0 : i32
    %dma_start3A_405 = tpu.memref_slice %arg9[%dma_start3A_402, %dma_start3A_403, %dma_start3A_404] : memref<10x128x32xf32, #tpu.memory_space<vmem>> -> memref<1x128x32xf32, #tpu.memory_space<vmem>>
    %dma_start3A_406 = tpu.memref_squeeze %dma_start3A_405 : memref<1x128x32xf32, #tpu.memory_space<vmem>> -> memref<128x32xf32, #tpu.memory_space<vmem>>
    %dma_start3A_407 = arith.constant 0 : i32
    %dma_start3A_408 = tpu.memref_slice %arg7[%dma_start3A_401, %dma_start3A_407] : memref<80x128xi32, #tpu.memory_space<vmem>> -> memref<1x128xi32, #tpu.memory_space<vmem>>
    %dma_start3A_409 = tpu.memref_squeeze %dma_start3A_408 : memref<1x128xi32, #tpu.memory_space<vmem>> -> memref<128xi32, #tpu.memory_space<vmem>>
    %dma_start3A_410 = arith.constant 0 : i32
    %dma_start3A_411 = arith.constant 0 : i32
    %dma_start3A_412 = tpu.memref_slice %arg11[%dma_start3A_410, %dma_start3A_411] : memref<10240x32xf32, #tpu.memory_space<vmem_shared>> -> memref<10240x32xf32, #tpu.memory_space<vmem_shared>>
    tpu.enqueue_indirect_dma source(%dma_start3A_412 : memref<10240x32xf32, #tpu.memory_space<vmem_shared>>) target(%dma_start3A_406 : memref<128x32xf32, #tpu.memory_space<vmem>>) offsets(%dma_start3A_409 : memref<128xi32, #tpu.memory_space<vmem>>) semaphore(%arg16 : memref<!tpu.dma_semaphore, #tpu.memory_space<semaphore_mem>>)
    %dma_start3A_413 = arith.constant 5 : i32
    %dma_start3A_414 = arith.constant 5 : i32
    %dma_start3A_415 = arith.constant 0 : i32
    %dma_start3A_416 = arith.constant 0 : i32
    %dma_start3A_417 = tpu.memref_slice %arg9[%dma_start3A_414, %dma_start3A_415, %dma_start3A_416] : memref<10x128x32xf32, #tpu.memory_space<vmem>> -> memref<1x128x32xf32, #tpu.memory_space<vmem>>
    %dma_start3A_418 = tpu.memref_squeeze %dma_start3A_417 : memref<1x128x32xf32, #tpu.memory_space<vmem>> -> memref<128x32xf32, #tpu.memory_space<vmem>>
    %dma_start3A_419 = arith.constant 0 : i32
    %dma_start3A_420 = tpu.memref_slice %arg7[%dma_start3A_413, %dma_start3A_419] : memref<80x128xi32, #tpu.memory_space<vmem>> -> memref<1x128xi32, #tpu.memory_space<vmem>>
    %dma_start3A_421 = tpu.memref_squeeze %dma_start3A_420 : memref<1x128xi32, #tpu.memory_space<vmem>> -> memref<128xi32, #tpu.memory_space<vmem>>
    %dma_start3A_422 = arith.constant 0 : i32
    %dma_start3A_423 = arith.constant 0 : i32
    %dma_start3A_424 = tpu.memref_slice %arg11[%dma_start3A_422, %dma_start3A_423] : memref<10240x32xf32, #tpu.memory_space<vmem_shared>> -> memref<10240x32xf32, #tpu.memory_space<vmem_shared>>
    tpu.enqueue_indirect_dma source(%dma_start3A_424 : memref<10240x32xf32, #tpu.memory_space<vmem_shared>>) target(%dma_start3A_418 : memref<128x32xf32, #tpu.memory_space<vmem>>) offsets(%dma_start3A_421 : memref<128xi32, #tpu.memory_space<vmem>>) semaphore(%arg17 : memref<!tpu.dma_semaphore, #tpu.memory_space<semaphore_mem>>)
    %dma_start3A_425 = arith.constant 6 : i32
    %dma_start3A_426 = arith.constant 6 : i32
    %dma_start3A_427 = arith.constant 0 : i32
    %dma_start3A_428 = arith.constant 0 : i32
    %dma_start3A_429 = tpu.memref_slice %arg9[%dma_start3A_426, %dma_start3A_427, %dma_start3A_428] : memref<10x128x32xf32, #tpu.memory_space<vmem>> -> memref<1x128x32xf32, #tpu.memory_space<vmem>>
    %dma_start3A_430 = tpu.memref_squeeze %dma_start3A_429 : memref<1x128x32xf32, #tpu.memory_space<vmem>> -> memref<128x32xf32, #tpu.memory_space<vmem>>
    %dma_start3A_431 = arith.constant 0 : i32
    %dma_start3A_432 = tpu.memref_slice %arg7[%dma_start3A_425, %dma_start3A_431] : memref<80x128xi32, #tpu.memory_space<vmem>> -> memref<1x128xi32, #tpu.memory_space<vmem>>
    %dma_start3A_433 = tpu.memref_squeeze %dma_start3A_432 : memref<1x128xi32, #tpu.memory_space<vmem>> -> memref<128xi32, #tpu.memory_space<vmem>>
    %dma_start3A_434 = arith.constant 0 : i32
    %dma_start3A_435 = arith.constant 0 : i32
    %dma_start3A_436 = tpu.memref_slice %arg11[%dma_start3A_434, %dma_start3A_435] : memref<10240x32xf32, #tpu.memory_space<vmem_shared>> -> memref<10240x32xf32, #tpu.memory_space<vmem_shared>>
    tpu.enqueue_indirect_dma source(%dma_start3A_436 : memref<10240x32xf32, #tpu.memory_space<vmem_shared>>) target(%dma_start3A_430 : memref<128x32xf32, #tpu.memory_space<vmem>>) offsets(%dma_start3A_433 : memref<128xi32, #tpu.memory_space<vmem>>) semaphore(%arg18 : memref<!tpu.dma_semaphore, #tpu.memory_space<semaphore_mem>>)
    %scan3A_437 = arith.constant 0 : i32
    %scan3A_438 = arith.constant 0 : i32
    %scan3A_439 = arith.constant 8 : i32
    %scan3A_440 = arith.addi %scan3A_438, %scan3A_439 : i32
    %scan3A_441 = arith.constant 1 : i32
    %scan3A_442 = scf.for %scan3A_516 = %scan3A_438 to %scan3A_440 step %scan3A_441 iter_args(%scan3A_517 = %scan3A_437) -> (i32)  : i32 {
      %mul3A_518 = arith.constant 10 : i32
      %mul3A_519 = arith.muli %scan3A_516, %mul3A_518 : i32
      %add3A_520 = arith.constant 0 : i32
      %add3A_521 = arith.addi %mul3A_519, %add3A_520 : i32
      %gt3A = arith.constant 0 : i32
      %gt3A_522 = arith.cmpi sgt, %scan3A_516, %gt3A : i32
      %convert_element_type3A = arith.extui %gt3A_522 : i1 to i32
      %cond3A = arith.constant 0 : i32
      %cond3A_523 = arith.cmpi ne, %convert_element_type3A, %cond3A : i32
      scf.if %cond3A_523 {
        %dma_wait3A_1081 = arith.constant 7 : i32
        %dma_wait3A_1082 = arith.constant 0 : i32
        %dma_wait3A_1083 = arith.constant 0 : i32
        %dma_wait3A_1084 = arith.constant 0 : i32
        %dma_wait3A_1085 = tpu.memref_slice %arg9[%dma_wait3A_1081, %dma_wait3A_1083, %dma_wait3A_1084] : memref<10x128x32xf32, #tpu.memory_space<vmem>> -> memref<1x128x32xf32, #tpu.memory_space<vmem>>
        %dma_wait3A_1086 = tpu.memref_squeeze %dma_wait3A_1085 : memref<1x128x32xf32, #tpu.memory_space<vmem>> -> memref<128x32xf32, #tpu.memory_space<vmem>>
        %dma_wait3A_1087 = arith.constant 0 : i32
        %dma_wait3A_1088 = tpu.memref_slice %arg8[%dma_wait3A_1082, %dma_wait3A_1087] : memref<80x128xi32, #tpu.memory_space<vmem>> -> memref<1x128xi32, #tpu.memory_space<vmem>>
        %dma_wait3A_1089 = tpu.memref_squeeze %dma_wait3A_1088 : memref<1x128xi32, #tpu.memory_space<vmem>> -> memref<128xi32, #tpu.memory_space<vmem>>
        %dma_wait3A_1090 = arith.constant 0 : i32
        %dma_wait3A_1091 = arith.constant 0 : i32
        %dma_wait3A_1092 = tpu.memref_slice %arg10[%dma_wait3A_1090, %dma_wait3A_1091] : memref<10240x32xf32, #tpu.memory_space<vmem_shared>> -> memref<10240x32xf32, #tpu.memory_space<vmem_shared>>
        tpu.wait_indirect_dma semaphore(%arg29 : memref<!tpu.dma_semaphore, #tpu.memory_space<semaphore_mem>>) src(%dma_wait3A_1086 : memref<128x32xf32, #tpu.memory_space<vmem>>) dst(%dma_wait3A_1092 : memref<10240x32xf32, #tpu.memory_space<vmem_shared>>)
        %dma_wait3A_1093 = arith.constant 0 : i32
        %dma_wait3A_1094 = arith.constant 0 : i32
        %dma_wait3A_1095 = tpu.memref_slice %arg8[%dma_wait3A_1093, %dma_wait3A_1094] : memref<80x128xi32, #tpu.memory_space<vmem>> -> memref<1x128xi32, #tpu.memory_space<vmem>>
        %dma_wait3A_1096 = tpu.memref_squeeze %dma_wait3A_1095 : memref<1x128xi32, #tpu.memory_space<vmem>> -> memref<128xi32, #tpu.memory_space<vmem>>
        %dma_wait3A_1097 = arith.constant 0 : i32
        %dma_wait3A_1098 = arith.constant 0 : i32
        %dma_wait3A_1099 = tpu.memref_slice %arg33[%dma_wait3A_1097, %dma_wait3A_1098] : memref<10240x32xf32, #tpu.memory_space<vmem_shared>> -> memref<10240x32xf32, #tpu.memory_space<vmem_shared>>
        tpu.wait_indirect_dma semaphore(%arg29 : memref<!tpu.dma_semaphore, #tpu.memory_space<semaphore_mem>>) src(%arg32 : memref<128x32xf32, #tpu.memory_space<vmem>>) dst(%dma_wait3A_1099 : memref<10240x32xf32, #tpu.memory_space<vmem_shared>>)
      } else {
      }
      %add3A_524 = arith.constant 7 : i32
      %add3A_525 = arith.addi %add3A_521, %add3A_524 : i32
      %dma_start3A_526 = arith.constant 7 : i32
      %dma_start3A_527 = arith.constant 0 : i32
      %dma_start3A_528 = arith.constant 0 : i32
      %dma_start3A_529 = tpu.memref_slice %arg9[%dma_start3A_526, %dma_start3A_527, %dma_start3A_528] : memref<10x128x32xf32, #tpu.memory_space<vmem>> -> memref<1x128x32xf32, #tpu.memory_space<vmem>>
      %dma_start3A_530 = tpu.memref_squeeze %dma_start3A_529 : memref<1x128x32xf32, #tpu.memory_space<vmem>> -> memref<128x32xf32, #tpu.memory_space<vmem>>
      %dma_start3A_531 = arith.constant 0 : i32
      %dma_start3A_532 = tpu.memref_slice %arg7[%add3A_525, %dma_start3A_531] : memref<80x128xi32, #tpu.memory_space<vmem>> -> memref<1x128xi32, #tpu.memory_space<vmem>>
      %dma_start3A_533 = tpu.memref_squeeze %dma_start3A_532 : memref<1x128xi32, #tpu.memory_space<vmem>> -> memref<128xi32, #tpu.memory_space<vmem>>
      %dma_start3A_534 = arith.constant 0 : i32
      %dma_start3A_535 = arith.constant 0 : i32
      %dma_start3A_536 = tpu.memref_slice %arg11[%dma_start3A_534, %dma_start3A_535] : memref<10240x32xf32, #tpu.memory_space<vmem_shared>> -> memref<10240x32xf32, #tpu.memory_space<vmem_shared>>
      tpu.enqueue_indirect_dma source(%dma_start3A_536 : memref<10240x32xf32, #tpu.memory_space<vmem_shared>>) target(%dma_start3A_530 : memref<128x32xf32, #tpu.memory_space<vmem>>) offsets(%dma_start3A_533 : memref<128xi32, #tpu.memory_space<vmem>>) semaphore(%arg19 : memref<!tpu.dma_semaphore, #tpu.memory_space<semaphore_mem>>)
      %dma_wait3A_537 = arith.constant 0 : i32
      %dma_wait3A_538 = arith.constant 0 : i32
      %dma_wait3A_539 = arith.constant 0 : i32
      %dma_wait3A_540 = arith.constant 0 : i32
      %dma_wait3A_541 = tpu.memref_slice %arg9[%dma_wait3A_538, %dma_wait3A_539, %dma_wait3A_540] : memref<10x128x32xf32, #tpu.memory_space<vmem>> -> memref<1x128x32xf32, #tpu.memory_space<vmem>>
      %dma_wait3A_542 = tpu.memref_squeeze %dma_wait3A_541 : memref<1x128x32xf32, #tpu.memory_space<vmem>> -> memref<128x32xf32, #tpu.memory_space<vmem>>
      %dma_wait3A_543 = arith.constant 0 : i32
      %dma_wait3A_544 = tpu.memref_slice %arg7[%dma_wait3A_537, %dma_wait3A_543] : memref<80x128xi32, #tpu.memory_space<vmem>> -> memref<1x128xi32, #tpu.memory_space<vmem>>
      %dma_wait3A_545 = tpu.memref_squeeze %dma_wait3A_544 : memref<1x128xi32, #tpu.memory_space<vmem>> -> memref<128xi32, #tpu.memory_space<vmem>>
      %dma_wait3A_546 = arith.constant 0 : i32
      %dma_wait3A_547 = arith.constant 0 : i32
      %dma_wait3A_548 = tpu.memref_slice %arg11[%dma_wait3A_546, %dma_wait3A_547] : memref<10240x32xf32, #tpu.memory_space<vmem_shared>> -> memref<10240x32xf32, #tpu.memory_space<vmem_shared>>
      tpu.wait_indirect_dma semaphore(%arg12 : memref<!tpu.dma_semaphore, #tpu.memory_space<semaphore_mem>>) src(%dma_wait3A_548 : memref<10240x32xf32, #tpu.memory_space<vmem_shared>>) dst(%dma_wait3A_542 : memref<128x32xf32, #tpu.memory_space<vmem>>)
      %dma_start3A_549 = arith.constant 0 : i32
      %dma_start3A_550 = arith.constant 0 : i32
      %dma_start3A_551 = arith.constant 0 : i32
      %dma_start3A_552 = tpu.memref_slice %arg9[%dma_start3A_549, %dma_start3A_550, %dma_start3A_551] : memref<10x128x32xf32, #tpu.memory_space<vmem>> -> memref<1x128x32xf32, #tpu.memory_space<vmem>>
      %dma_start3A_553 = tpu.memref_squeeze %dma_start3A_552 : memref<1x128x32xf32, #tpu.memory_space<vmem>> -> memref<128x32xf32, #tpu.memory_space<vmem>>
      %dma_start3A_554 = arith.constant 0 : i32
      %dma_start3A_555 = tpu.memref_slice %arg8[%add3A_521, %dma_start3A_554] : memref<80x128xi32, #tpu.memory_space<vmem>> -> memref<1x128xi32, #tpu.memory_space<vmem>>
      %dma_start3A_556 = tpu.memref_squeeze %dma_start3A_555 : memref<1x128xi32, #tpu.memory_space<vmem>> -> memref<128xi32, #tpu.memory_space<vmem>>
      %dma_start3A_557 = arith.constant 0 : i32
      %dma_start3A_558 = arith.constant 0 : i32
      %dma_start3A_559 = tpu.memref_slice %arg10[%dma_start3A_557, %dma_start3A_558] : memref<10240x32xf32, #tpu.memory_space<vmem_shared>> -> memref<10240x32xf32, #tpu.memory_space<vmem_shared>>
      tpu.enqueue_indirect_dma source(%dma_start3A_553 : memref<128x32xf32, #tpu.memory_space<vmem>>) target(%dma_start3A_559 : memref<10240x32xf32, #tpu.memory_space<vmem_shared>>) offsets(%dma_start3A_556 : memref<128xi32, #tpu.memory_space<vmem>>) semaphore(%arg22 : memref<!tpu.dma_semaphore, #tpu.memory_space<semaphore_mem>>) {add = true}
      %dma_start3A_560 = arith.constant 0 : i32
      %dma_start3A_561 = tpu.memref_slice %arg8[%add3A_521, %dma_start3A_560] : memref<80x128xi32, #tpu.memory_space<vmem>> -> memref<1x128xi32, #tpu.memory_space<vmem>>
      %dma_start3A_562 = tpu.memref_squeeze %dma_start3A_561 : memref<1x128xi32, #tpu.memory_space<vmem>> -> memref<128xi32, #tpu.memory_space<vmem>>
      %dma_start3A_563 = arith.constant 0 : i32
      %dma_start3A_564 = arith.constant 0 : i32
      %dma_start3A_565 = tpu.memref_slice %arg33[%dma_start3A_563, %dma_start3A_564] : memref<10240x32xf32, #tpu.memory_space<vmem_shared>> -> memref<10240x32xf32, #tpu.memory_space<vmem_shared>>
      tpu.enqueue_indirect_dma source(%arg32 : memref<128x32xf32, #tpu.memory_space<vmem>>) target(%dma_start3A_565 : memref<10240x32xf32, #tpu.memory_space<vmem_shared>>) offsets(%dma_start3A_562 : memref<128xi32, #tpu.memory_space<vmem>>) semaphore(%arg22 : memref<!tpu.dma_semaphore, #tpu.memory_space<semaphore_mem>>) {add = true}
      %mul3A_566 = arith.constant 10 : i32
      %mul3A_567 = arith.muli %scan3A_516, %mul3A_566 : i32
      %add3A_568 = arith.constant 1 : i32
      %add3A_569 = arith.addi %mul3A_567, %add3A_568 : i32
      %gt3A_570 = arith.constant 0 : i32
      %gt3A_571 = arith.cmpi sgt, %scan3A_516, %gt3A_570 : i32
      %convert_element_type3A_572 = arith.extui %gt3A_571 : i1 to i32
      %cond3A_573 = arith.constant 0 : i32
      %cond3A_574 = arith.cmpi ne, %convert_element_type3A_572, %cond3A_573 : i32
      scf.if %cond3A_574 {
        %dma_wait3A_1081 = arith.constant 8 : i32
        %dma_wait3A_1082 = arith.constant 0 : i32
        %dma_wait3A_1083 = arith.constant 0 : i32
        %dma_wait3A_1084 = arith.constant 0 : i32
        %dma_wait3A_1085 = tpu.memref_slice %arg9[%dma_wait3A_1081, %dma_wait3A_1083, %dma_wait3A_1084] : memref<10x128x32xf32, #tpu.memory_space<vmem>> -> memref<1x128x32xf32, #tpu.memory_space<vmem>>
        %dma_wait3A_1086 = tpu.memref_squeeze %dma_wait3A_1085 : memref<1x128x32xf32, #tpu.memory_space<vmem>> -> memref<128x32xf32, #tpu.memory_space<vmem>>
        %dma_wait3A_1087 = arith.constant 0 : i32
        %dma_wait3A_1088 = tpu.memref_slice %arg8[%dma_wait3A_1082, %dma_wait3A_1087] : memref<80x128xi32, #tpu.memory_space<vmem>> -> memref<1x128xi32, #tpu.memory_space<vmem>>
        %dma_wait3A_1089 = tpu.memref_squeeze %dma_wait3A_1088 : memref<1x128xi32, #tpu.memory_space<vmem>> -> memref<128xi32, #tpu.memory_space<vmem>>
        %dma_wait3A_1090 = arith.constant 0 : i32
        %dma_wait3A_1091 = arith.constant 0 : i32
        %dma_wait3A_1092 = tpu.memref_slice %arg10[%dma_wait3A_1090, %dma_wait3A_1091] : memref<10240x32xf32, #tpu.memory_space<vmem_shared>> -> memref<10240x32xf32, #tpu.memory_space<vmem_shared>>
        tpu.wait_indirect_dma semaphore(%arg30 : memref<!tpu.dma_semaphore, #tpu.memory_space<semaphore_mem>>) src(%dma_wait3A_1086 : memref<128x32xf32, #tpu.memory_space<vmem>>) dst(%dma_wait3A_1092 : memref<10240x32xf32, #tpu.memory_space<vmem_shared>>)
        %dma_wait3A_1093 = arith.constant 0 : i32
        %dma_wait3A_1094 = arith.constant 0 : i32
        %dma_wait3A_1095 = tpu.memref_slice %arg8[%dma_wait3A_1093, %dma_wait3A_1094] : memref<80x128xi32, #tpu.memory_space<vmem>> -> memref<1x128xi32, #tpu.memory_space<vmem>>
        %dma_wait3A_1096 = tpu.memref_squeeze %dma_wait3A_1095 : memref<1x128xi32, #tpu.memory_space<vmem>> -> memref<128xi32, #tpu.memory_space<vmem>>
        %dma_wait3A_1097 = arith.constant 0 : i32
        %dma_wait3A_1098 = arith.constant 0 : i32
        %dma_wait3A_1099 = tpu.memref_slice %arg33[%dma_wait3A_1097, %dma_wait3A_1098] : memref<10240x32xf32, #tpu.memory_space<vmem_shared>> -> memref<10240x32xf32, #tpu.memory_space<vmem_shared>>
        tpu.wait_indirect_dma semaphore(%arg30 : memref<!tpu.dma_semaphore, #tpu.memory_space<semaphore_mem>>) src(%arg32 : memref<128x32xf32, #tpu.memory_space<vmem>>) dst(%dma_wait3A_1099 : memref<10240x32xf32, #tpu.memory_space<vmem_shared>>)
      } else {
      }
      %add3A_575 = arith.constant 7 : i32
      %add3A_576 = arith.addi %add3A_569, %add3A_575 : i32
      %dma_start3A_577 = arith.constant 8 : i32
      %dma_start3A_578 = arith.constant 0 : i32
      %dma_start3A_579 = arith.constant 0 : i32
      %dma_start3A_580 = tpu.memref_slice %arg9[%dma_start3A_577, %dma_start3A_578, %dma_start3A_579] : memref<10x128x32xf32, #tpu.memory_space<vmem>> -> memref<1x128x32xf32, #tpu.memory_space<vmem>>
      %dma_start3A_581 = tpu.memref_squeeze %dma_start3A_580 : memref<1x128x32xf32, #tpu.memory_space<vmem>> -> memref<128x32xf32, #tpu.memory_space<vmem>>
      %dma_start3A_582 = arith.constant 0 : i32
      %dma_start3A_583 = tpu.memref_slice %arg7[%add3A_576, %dma_start3A_582] : memref<80x128xi32, #tpu.memory_space<vmem>> -> memref<1x128xi32, #tpu.memory_space<vmem>>
      %dma_start3A_584 = tpu.memref_squeeze %dma_start3A_583 : memref<1x128xi32, #tpu.memory_space<vmem>> -> memref<128xi32, #tpu.memory_space<vmem>>
      %dma_start3A_585 = arith.constant 0 : i32
      %dma_start3A_586 = arith.constant 0 : i32
      %dma_start3A_587 = tpu.memref_slice %arg11[%dma_start3A_585, %dma_start3A_586] : memref<10240x32xf32, #tpu.memory_space<vmem_shared>> -> memref<10240x32xf32, #tpu.memory_space<vmem_shared>>
      tpu.enqueue_indirect_dma source(%dma_start3A_587 : memref<10240x32xf32, #tpu.memory_space<vmem_shared>>) target(%dma_start3A_581 : memref<128x32xf32, #tpu.memory_space<vmem>>) offsets(%dma_start3A_584 : memref<128xi32, #tpu.memory_space<vmem>>) semaphore(%arg20 : memref<!tpu.dma_semaphore, #tpu.memory_space<semaphore_mem>>)
      %dma_wait3A_588 = arith.constant 0 : i32
      %dma_wait3A_589 = arith.constant 1 : i32
      %dma_wait3A_590 = arith.constant 0 : i32
      %dma_wait3A_591 = arith.constant 0 : i32
      %dma_wait3A_592 = tpu.memref_slice %arg9[%dma_wait3A_589, %dma_wait3A_590, %dma_wait3A_591] : memref<10x128x32xf32, #tpu.memory_space<vmem>> -> memref<1x128x32xf32, #tpu.memory_space<vmem>>
      %dma_wait3A_593 = tpu.memref_squeeze %dma_wait3A_592 : memref<1x128x32xf32, #tpu.memory_space<vmem>> -> memref<128x32xf32, #tpu.memory_space<vmem>>
      %dma_wait3A_594 = arith.constant 0 : i32
      %dma_wait3A_595 = tpu.memref_slice %arg7[%dma_wait3A_588, %dma_wait3A_594] : memref<80x128xi32, #tpu.memory_space<vmem>> -> memref<1x128xi32, #tpu.memory_space<vmem>>
      %dma_wait3A_596 = tpu.memref_squeeze %dma_wait3A_595 : memref<1x128xi32, #tpu.memory_space<vmem>> -> memref<128xi32, #tpu.memory_space<vmem>>
      %dma_wait3A_597 = arith.constant 0 : i32
      %dma_wait3A_598 = arith.constant 0 : i32
      %dma_wait3A_599 = tpu.memref_slice %arg11[%dma_wait3A_597, %dma_wait3A_598] : memref<10240x32xf32, #tpu.memory_space<vmem_shared>> -> memref<10240x32xf32, #tpu.memory_space<vmem_shared>>
      tpu.wait_indirect_dma semaphore(%arg13 : memref<!tpu.dma_semaphore, #tpu.memory_space<semaphore_mem>>) src(%dma_wait3A_599 : memref<10240x32xf32, #tpu.memory_space<vmem_shared>>) dst(%dma_wait3A_593 : memref<128x32xf32, #tpu.memory_space<vmem>>)
      %dma_start3A_600 = arith.constant 1 : i32
      %dma_start3A_601 = arith.constant 0 : i32
      %dma_start3A_602 = arith.constant 0 : i32
      %dma_start3A_603 = tpu.memref_slice %arg9[%dma_start3A_600, %dma_start3A_601, %dma_start3A_602] : memref<10x128x32xf32, #tpu.memory_space<vmem>> -> memref<1x128x32xf32, #tpu.memory_space<vmem>>
      %dma_start3A_604 = tpu.memref_squeeze %dma_start3A_603 : memref<1x128x32xf32, #tpu.memory_space<vmem>> -> memref<128x32xf32, #tpu.memory_space<vmem>>
      %dma_start3A_605 = arith.constant 0 : i32
      %dma_start3A_606 = tpu.memref_slice %arg8[%add3A_569, %dma_start3A_605] : memref<80x128xi32, #tpu.memory_space<vmem>> -> memref<1x128xi32, #tpu.memory_space<vmem>>
      %dma_start3A_607 = tpu.memref_squeeze %dma_start3A_606 : memref<1x128xi32, #tpu.memory_space<vmem>> -> memref<128xi32, #tpu.memory_space<vmem>>
      %dma_start3A_608 = arith.constant 0 : i32
      %dma_start3A_609 = arith.constant 0 : i32
      %dma_start3A_610 = tpu.memref_slice %arg10[%dma_start3A_608, %dma_start3A_609] : memref<10240x32xf32, #tpu.memory_space<vmem_shared>> -> memref<10240x32xf32, #tpu.memory_space<vmem_shared>>
      tpu.enqueue_indirect_dma source(%dma_start3A_604 : memref<128x32xf32, #tpu.memory_space<vmem>>) target(%dma_start3A_610 : memref<10240x32xf32, #tpu.memory_space<vmem_shared>>) offsets(%dma_start3A_607 : memref<128xi32, #tpu.memory_space<vmem>>) semaphore(%arg23 : memref<!tpu.dma_semaphore, #tpu.memory_space<semaphore_mem>>) {add = true}
      %dma_start3A_611 = arith.constant 0 : i32
      %dma_start3A_612 = tpu.memref_slice %arg8[%add3A_569, %dma_start3A_611] : memref<80x128xi32, #tpu.memory_space<vmem>> -> memref<1x128xi32, #tpu.memory_space<vmem>>
      %dma_start3A_613 = tpu.memref_squeeze %dma_start3A_612 : memref<1x128xi32, #tpu.memory_space<vmem>> -> memref<128xi32, #tpu.memory_space<vmem>>
      %dma_start3A_614 = arith.constant 0 : i32
      %dma_start3A_615 = arith.constant 0 : i32
      %dma_start3A_616 = tpu.memref_slice %arg33[%dma_start3A_614, %dma_start3A_615] : memref<10240x32xf32, #tpu.memory_space<vmem_shared>> -> memref<10240x32xf32, #tpu.memory_space<vmem_shared>>
      tpu.enqueue_indirect_dma source(%arg32 : memref<128x32xf32, #tpu.memory_space<vmem>>) target(%dma_start3A_616 : memref<10240x32xf32, #tpu.memory_space<vmem_shared>>) offsets(%dma_start3A_613 : memref<128xi32, #tpu.memory_space<vmem>>) semaphore(%arg23 : memref<!tpu.dma_semaphore, #tpu.memory_space<semaphore_mem>>) {add = true}
      %mul3A_617 = arith.constant 10 : i32
      %mul3A_618 = arith.muli %scan3A_516, %mul3A_617 : i32
      %add3A_619 = arith.constant 2 : i32
      %add3A_620 = arith.addi %mul3A_618, %add3A_619 : i32
      %gt3A_621 = arith.constant 0 : i32
      %gt3A_622 = arith.cmpi sgt, %scan3A_516, %gt3A_621 : i32
      %convert_element_type3A_623 = arith.extui %gt3A_622 : i1 to i32
      %cond3A_624 = arith.constant 0 : i32
      %cond3A_625 = arith.cmpi ne, %convert_element_type3A_623, %cond3A_624 : i32
      scf.if %cond3A_625 {
        %dma_wait3A_1081 = arith.constant 9 : i32
        %dma_wait3A_1082 = arith.constant 0 : i32
        %dma_wait3A_1083 = arith.constant 0 : i32
        %dma_wait3A_1084 = arith.constant 0 : i32
        %dma_wait3A_1085 = tpu.memref_slice %arg9[%dma_wait3A_1081, %dma_wait3A_1083, %dma_wait3A_1084] : memref<10x128x32xf32, #tpu.memory_space<vmem>> -> memref<1x128x32xf32, #tpu.memory_space<vmem>>
        %dma_wait3A_1086 = tpu.memref_squeeze %dma_wait3A_1085 : memref<1x128x32xf32, #tpu.memory_space<vmem>> -> memref<128x32xf32, #tpu.memory_space<vmem>>
        %dma_wait3A_1087 = arith.constant 0 : i32
        %dma_wait3A_1088 = tpu.memref_slice %arg8[%dma_wait3A_1082, %dma_wait3A_1087] : memref<80x128xi32, #tpu.memory_space<vmem>> -> memref<1x128xi32, #tpu.memory_space<vmem>>
        %dma_wait3A_1089 = tpu.memref_squeeze %dma_wait3A_1088 : memref<1x128xi32, #tpu.memory_space<vmem>> -> memref<128xi32, #tpu.memory_space<vmem>>
        %dma_wait3A_1090 = arith.constant 0 : i32
        %dma_wait3A_1091 = arith.constant 0 : i32
        %dma_wait3A_1092 = tpu.memref_slice %arg10[%dma_wait3A_1090, %dma_wait3A_1091] : memref<10240x32xf32, #tpu.memory_space<vmem_shared>> -> memref<10240x32xf32, #tpu.memory_space<vmem_shared>>
        tpu.wait_indirect_dma semaphore(%arg31 : memref<!tpu.dma_semaphore, #tpu.memory_space<semaphore_mem>>) src(%dma_wait3A_1086 : memref<128x32xf32, #tpu.memory_space<vmem>>) dst(%dma_wait3A_1092 : memref<10240x32xf32, #tpu.memory_space<vmem_shared>>)
        %dma_wait3A_1093 = arith.constant 0 : i32
        %dma_wait3A_1094 = arith.constant 0 : i32
        %dma_wait3A_1095 = tpu.memref_slice %arg8[%dma_wait3A_1093, %dma_wait3A_1094] : memref<80x128xi32, #tpu.memory_space<vmem>> -> memref<1x128xi32, #tpu.memory_space<vmem>>
        %dma_wait3A_1096 = tpu.memref_squeeze %dma_wait3A_1095 : memref<1x128xi32, #tpu.memory_space<vmem>> -> memref<128xi32, #tpu.memory_space<vmem>>
        %dma_wait3A_1097 = arith.constant 0 : i32
        %dma_wait3A_1098 = arith.constant 0 : i32
        %dma_wait3A_1099 = tpu.memref_slice %arg33[%dma_wait3A_1097, %dma_wait3A_1098] : memref<10240x32xf32, #tpu.memory_space<vmem_shared>> -> memref<10240x32xf32, #tpu.memory_space<vmem_shared>>
        tpu.wait_indirect_dma semaphore(%arg31 : memref<!tpu.dma_semaphore, #tpu.memory_space<semaphore_mem>>) src(%arg32 : memref<128x32xf32, #tpu.memory_space<vmem>>) dst(%dma_wait3A_1099 : memref<10240x32xf32, #tpu.memory_space<vmem_shared>>)
      } else {
      }
      %add3A_626 = arith.constant 7 : i32
      %add3A_627 = arith.addi %add3A_620, %add3A_626 : i32
      %dma_start3A_628 = arith.constant 9 : i32
      %dma_start3A_629 = arith.constant 0 : i32
      %dma_start3A_630 = arith.constant 0 : i32
      %dma_start3A_631 = tpu.memref_slice %arg9[%dma_start3A_628, %dma_start3A_629, %dma_start3A_630] : memref<10x128x32xf32, #tpu.memory_space<vmem>> -> memref<1x128x32xf32, #tpu.memory_space<vmem>>
      %dma_start3A_632 = tpu.memref_squeeze %dma_start3A_631 : memref<1x128x32xf32, #tpu.memory_space<vmem>> -> memref<128x32xf32, #tpu.memory_space<vmem>>
      %dma_start3A_633 = arith.constant 0 : i32
      %dma_start3A_634 = tpu.memref_slice %arg7[%add3A_627, %dma_start3A_633] : memref<80x128xi32, #tpu.memory_space<vmem>> -> memref<1x128xi32, #tpu.memory_space<vmem>>
      %dma_start3A_635 = tpu.memref_squeeze %dma_start3A_634 : memref<1x128xi32, #tpu.memory_space<vmem>> -> memref<128xi32, #tpu.memory_space<vmem>>
      %dma_start3A_636 = arith.constant 0 : i32
      %dma_start3A_637 = arith.constant 0 : i32
      %dma_start3A_638 = tpu.memref_slice %arg11[%dma_start3A_636, %dma_start3A_637] : memref<10240x32xf32, #tpu.memory_space<vmem_shared>> -> memref<10240x32xf32, #tpu.memory_space<vmem_shared>>
      tpu.enqueue_indirect_dma source(%dma_start3A_638 : memref<10240x32xf32, #tpu.memory_space<vmem_shared>>) target(%dma_start3A_632 : memref<128x32xf32, #tpu.memory_space<vmem>>) offsets(%dma_start3A_635 : memref<128xi32, #tpu.memory_space<vmem>>) semaphore(%arg21 : memref<!tpu.dma_semaphore, #tpu.memory_space<semaphore_mem>>)
      %dma_wait3A_639 = arith.constant 0 : i32
      %dma_wait3A_640 = arith.constant 2 : i32
      %dma_wait3A_641 = arith.constant 0 : i32
      %dma_wait3A_642 = arith.constant 0 : i32
      %dma_wait3A_643 = tpu.memref_slice %arg9[%dma_wait3A_640, %dma_wait3A_641, %dma_wait3A_642] : memref<10x128x32xf32, #tpu.memory_space<vmem>> -> memref<1x128x32xf32, #tpu.memory_space<vmem>>
      %dma_wait3A_644 = tpu.memref_squeeze %dma_wait3A_643 : memref<1x128x32xf32, #tpu.memory_space<vmem>> -> memref<128x32xf32, #tpu.memory_space<vmem>>
      %dma_wait3A_645 = arith.constant 0 : i32
      %dma_wait3A_646 = tpu.memref_slice %arg7[%dma_wait3A_639, %dma_wait3A_645] : memref<80x128xi32, #tpu.memory_space<vmem>> -> memref<1x128xi32, #tpu.memory_space<vmem>>
      %dma_wait3A_647 = tpu.memref_squeeze %dma_wait3A_646 : memref<1x128xi32, #tpu.memory_space<vmem>> -> memref<128xi32, #tpu.memory_space<vmem>>
      %dma_wait3A_648 = arith.constant 0 : i32
      %dma_wait3A_649 = arith.constant 0 : i32
      %dma_wait3A_650 = tpu.memref_slice %arg11[%dma_wait3A_648, %dma_wait3A_649] : memref<10240x32xf32, #tpu.memory_space<vmem_shared>> -> memref<10240x32xf32, #tpu.memory_space<vmem_shared>>
      tpu.wait_indirect_dma semaphore(%arg14 : memref<!tpu.dma_semaphore, #tpu.memory_space<semaphore_mem>>) src(%dma_wait3A_650 : memref<10240x32xf32, #tpu.memory_space<vmem_shared>>) dst(%dma_wait3A_644 : memref<128x32xf32, #tpu.memory_space<vmem>>)
      %dma_start3A_651 = arith.constant 2 : i32
      %dma_start3A_652 = arith.constant 0 : i32
      %dma_start3A_653 = arith.constant 0 : i32
      %dma_start3A_654 = tpu.memref_slice %arg9[%dma_start3A_651, %dma_start3A_652, %dma_start3A_653] : memref<10x128x32xf32, #tpu.memory_space<vmem>> -> memref<1x128x32xf32, #tpu.memory_space<vmem>>
      %dma_start3A_655 = tpu.memref_squeeze %dma_start3A_654 : memref<1x128x32xf32, #tpu.memory_space<vmem>> -> memref<128x32xf32, #tpu.memory_space<vmem>>
      %dma_start3A_656 = arith.constant 0 : i32
      %dma_start3A_657 = tpu.memref_slice %arg8[%add3A_620, %dma_start3A_656] : memref<80x128xi32, #tpu.memory_space<vmem>> -> memref<1x128xi32, #tpu.memory_space<vmem>>
      %dma_start3A_658 = tpu.memref_squeeze %dma_start3A_657 : memref<1x128xi32, #tpu.memory_space<vmem>> -> memref<128xi32, #tpu.memory_space<vmem>>
      %dma_start3A_659 = arith.constant 0 : i32
      %dma_start3A_660 = arith.constant 0 : i32
      %dma_start3A_661 = tpu.memref_slice %arg10[%dma_start3A_659, %dma_start3A_660] : memref<10240x32xf32, #tpu.memory_space<vmem_shared>> -> memref<10240x32xf32, #tpu.memory_space<vmem_shared>>
      tpu.enqueue_indirect_dma source(%dma_start3A_655 : memref<128x32xf32, #tpu.memory_space<vmem>>) target(%dma_start3A_661 : memref<10240x32xf32, #tpu.memory_space<vmem_shared>>) offsets(%dma_start3A_658 : memref<128xi32, #tpu.memory_space<vmem>>) semaphore(%arg24 : memref<!tpu.dma_semaphore, #tpu.memory_space<semaphore_mem>>) {add = true}
      %dma_start3A_662 = arith.constant 0 : i32
      %dma_start3A_663 = tpu.memref_slice %arg8[%add3A_620, %dma_start3A_662] : memref<80x128xi32, #tpu.memory_space<vmem>> -> memref<1x128xi32, #tpu.memory_space<vmem>>
      %dma_start3A_664 = tpu.memref_squeeze %dma_start3A_663 : memref<1x128xi32, #tpu.memory_space<vmem>> -> memref<128xi32, #tpu.memory_space<vmem>>
      %dma_start3A_665 = arith.constant 0 : i32
      %dma_start3A_666 = arith.constant 0 : i32
      %dma_start3A_667 = tpu.memref_slice %arg33[%dma_start3A_665, %dma_start3A_666] : memref<10240x32xf32, #tpu.memory_space<vmem_shared>> -> memref<10240x32xf32, #tpu.memory_space<vmem_shared>>
      tpu.enqueue_indirect_dma source(%arg32 : memref<128x32xf32, #tpu.memory_space<vmem>>) target(%dma_start3A_667 : memref<10240x32xf32, #tpu.memory_space<vmem_shared>>) offsets(%dma_start3A_664 : memref<128xi32, #tpu.memory_space<vmem>>) semaphore(%arg24 : memref<!tpu.dma_semaphore, #tpu.memory_space<semaphore_mem>>) {add = true}
      %mul3A_668 = arith.constant 10 : i32
      %mul3A_669 = arith.muli %scan3A_516, %mul3A_668 : i32
      %add3A_670 = arith.constant 3 : i32
      %add3A_671 = arith.addi %mul3A_669, %add3A_670 : i32
      %dma_wait3A_672 = arith.constant 0 : i32
      %dma_wait3A_673 = arith.constant 0 : i32
      %dma_wait3A_674 = arith.constant 0 : i32
      %dma_wait3A_675 = arith.constant 0 : i32
      %dma_wait3A_676 = tpu.memref_slice %arg9[%dma_wait3A_672, %dma_wait3A_674, %dma_wait3A_675] : memref<10x128x32xf32, #tpu.memory_space<vmem>> -> memref<1x128x32xf32, #tpu.memory_space<vmem>>
      %dma_wait3A_677 = tpu.memref_squeeze %dma_wait3A_676 : memref<1x128x32xf32, #tpu.memory_space<vmem>> -> memref<128x32xf32, #tpu.memory_space<vmem>>
      %dma_wait3A_678 = arith.constant 0 : i32
      %dma_wait3A_679 = tpu.memref_slice %arg8[%dma_wait3A_673, %dma_wait3A_678] : memref<80x128xi32, #tpu.memory_space<vmem>> -> memref<1x128xi32, #tpu.memory_space<vmem>>
      %dma_wait3A_680 = tpu.memref_squeeze %dma_wait3A_679 : memref<1x128xi32, #tpu.memory_space<vmem>> -> memref<128xi32, #tpu.memory_space<vmem>>
      %dma_wait3A_681 = arith.constant 0 : i32
      %dma_wait3A_682 = arith.constant 0 : i32
      %dma_wait3A_683 = tpu.memref_slice %arg10[%dma_wait3A_681, %dma_wait3A_682] : memref<10240x32xf32, #tpu.memory_space<vmem_shared>> -> memref<10240x32xf32, #tpu.memory_space<vmem_shared>>
      tpu.wait_indirect_dma semaphore(%arg22 : memref<!tpu.dma_semaphore, #tpu.memory_space<semaphore_mem>>) src(%dma_wait3A_677 : memref<128x32xf32, #tpu.memory_space<vmem>>) dst(%dma_wait3A_683 : memref<10240x32xf32, #tpu.memory_space<vmem_shared>>)
      %dma_wait3A_684 = arith.constant 0 : i32
      %dma_wait3A_685 = arith.constant 0 : i32
      %dma_wait3A_686 = tpu.memref_slice %arg8[%dma_wait3A_684, %dma_wait3A_685] : memref<80x128xi32, #tpu.memory_space<vmem>> -> memref<1x128xi32, #tpu.memory_space<vmem>>
      %dma_wait3A_687 = tpu.memref_squeeze %dma_wait3A_686 : memref<1x128xi32, #tpu.memory_space<vmem>> -> memref<128xi32, #tpu.memory_space<vmem>>
      %dma_wait3A_688 = arith.constant 0 : i32
      %dma_wait3A_689 = arith.constant 0 : i32
      %dma_wait3A_690 = tpu.memref_slice %arg33[%dma_wait3A_688, %dma_wait3A_689] : memref<10240x32xf32, #tpu.memory_space<vmem_shared>> -> memref<10240x32xf32, #tpu.memory_space<vmem_shared>>
      tpu.wait_indirect_dma semaphore(%arg22 : memref<!tpu.dma_semaphore, #tpu.memory_space<semaphore_mem>>) src(%arg32 : memref<128x32xf32, #tpu.memory_space<vmem>>) dst(%dma_wait3A_690 : memref<10240x32xf32, #tpu.memory_space<vmem_shared>>)
      %add3A_691 = arith.constant 1 : i32
      %add3A_692 = arith.addi %scan3A_516, %add3A_691 : i32
      %lt3A = arith.constant 8 : i32
      %lt3A_693 = arith.cmpi slt, %add3A_692, %lt3A : i32
      %convert_element_type3A_694 = arith.extui %lt3A_693 : i1 to i32
      %cond3A_695 = arith.constant 0 : i32
      %cond3A_696 = arith.cmpi ne, %convert_element_type3A_694, %cond3A_695 : i32
      scf.if %cond3A_696 {
        %add3A_1081 = arith.constant 7 : i32
        %add3A_1082 = arith.addi %add3A_671, %add3A_1081 : i32
        %dma_start3A_1083 = arith.constant 0 : i32
        %dma_start3A_1084 = arith.constant 0 : i32
        %dma_start3A_1085 = arith.constant 0 : i32
        %dma_start3A_1086 = tpu.memref_slice %arg9[%dma_start3A_1083, %dma_start3A_1084, %dma_start3A_1085] : memref<10x128x32xf32, #tpu.memory_space<vmem>> -> memref<1x128x32xf32, #tpu.memory_space<vmem>>
        %dma_start3A_1087 = tpu.memref_squeeze %dma_start3A_1086 : memref<1x128x32xf32, #tpu.memory_space<vmem>> -> memref<128x32xf32, #tpu.memory_space<vmem>>
        %dma_start3A_1088 = arith.constant 0 : i32
        %dma_start3A_1089 = tpu.memref_slice %arg7[%add3A_1082, %dma_start3A_1088] : memref<80x128xi32, #tpu.memory_space<vmem>> -> memref<1x128xi32, #tpu.memory_space<vmem>>
        %dma_start3A_1090 = tpu.memref_squeeze %dma_start3A_1089 : memref<1x128xi32, #tpu.memory_space<vmem>> -> memref<128xi32, #tpu.memory_space<vmem>>
        %dma_start3A_1091 = arith.constant 0 : i32
        %dma_start3A_1092 = arith.constant 0 : i32
        %dma_start3A_1093 = tpu.memref_slice %arg11[%dma_start3A_1091, %dma_start3A_1092] : memref<10240x32xf32, #tpu.memory_space<vmem_shared>> -> memref<10240x32xf32, #tpu.memory_space<vmem_shared>>
        tpu.enqueue_indirect_dma source(%dma_start3A_1093 : memref<10240x32xf32, #tpu.memory_space<vmem_shared>>) target(%dma_start3A_1087 : memref<128x32xf32, #tpu.memory_space<vmem>>) offsets(%dma_start3A_1090 : memref<128xi32, #tpu.memory_space<vmem>>) semaphore(%arg12 : memref<!tpu.dma_semaphore, #tpu.memory_space<semaphore_mem>>)
      } else {
      }
      %dma_wait3A_697 = arith.constant 0 : i32
      %dma_wait3A_698 = arith.constant 3 : i32
      %dma_wait3A_699 = arith.constant 0 : i32
      %dma_wait3A_700 = arith.constant 0 : i32
      %dma_wait3A_701 = tpu.memref_slice %arg9[%dma_wait3A_698, %dma_wait3A_699, %dma_wait3A_700] : memref<10x128x32xf32, #tpu.memory_space<vmem>> -> memref<1x128x32xf32, #tpu.memory_space<vmem>>
      %dma_wait3A_702 = tpu.memref_squeeze %dma_wait3A_701 : memref<1x128x32xf32, #tpu.memory_space<vmem>> -> memref<128x32xf32, #tpu.memory_space<vmem>>
      %dma_wait3A_703 = arith.constant 0 : i32
      %dma_wait3A_704 = tpu.memref_slice %arg7[%dma_wait3A_697, %dma_wait3A_703] : memref<80x128xi32, #tpu.memory_space<vmem>> -> memref<1x128xi32, #tpu.memory_space<vmem>>
      %dma_wait3A_705 = tpu.memref_squeeze %dma_wait3A_704 : memref<1x128xi32, #tpu.memory_space<vmem>> -> memref<128xi32, #tpu.memory_space<vmem>>
      %dma_wait3A_706 = arith.constant 0 : i32
      %dma_wait3A_707 = arith.constant 0 : i32
      %dma_wait3A_708 = tpu.memref_slice %arg11[%dma_wait3A_706, %dma_wait3A_707] : memref<10240x32xf32, #tpu.memory_space<vmem_shared>> -> memref<10240x32xf32, #tpu.memory_space<vmem_shared>>
      tpu.wait_indirect_dma semaphore(%arg15 : memref<!tpu.dma_semaphore, #tpu.memory_space<semaphore_mem>>) src(%dma_wait3A_708 : memref<10240x32xf32, #tpu.memory_space<vmem_shared>>) dst(%dma_wait3A_702 : memref<128x32xf32, #tpu.memory_space<vmem>>)
      %dma_start3A_709 = arith.constant 3 : i32
      %dma_start3A_710 = arith.constant 0 : i32
      %dma_start3A_711 = arith.constant 0 : i32
      %dma_start3A_712 = tpu.memref_slice %arg9[%dma_start3A_709, %dma_start3A_710, %dma_start3A_711] : memref<10x128x32xf32, #tpu.memory_space<vmem>> -> memref<1x128x32xf32, #tpu.memory_space<vmem>>
      %dma_start3A_713 = tpu.memref_squeeze %dma_start3A_712 : memref<1x128x32xf32, #tpu.memory_space<vmem>> -> memref<128x32xf32, #tpu.memory_space<vmem>>
      %dma_start3A_714 = arith.constant 0 : i32
      %dma_start3A_715 = tpu.memref_slice %arg8[%add3A_671, %dma_start3A_714] : memref<80x128xi32, #tpu.memory_space<vmem>> -> memref<1x128xi32, #tpu.memory_space<vmem>>
      %dma_start3A_716 = tpu.memref_squeeze %dma_start3A_715 : memref<1x128xi32, #tpu.memory_space<vmem>> -> memref<128xi32, #tpu.memory_space<vmem>>
      %dma_start3A_717 = arith.constant 0 : i32
      %dma_start3A_718 = arith.constant 0 : i32
      %dma_start3A_719 = tpu.memref_slice %arg10[%dma_start3A_717, %dma_start3A_718] : memref<10240x32xf32, #tpu.memory_space<vmem_shared>> -> memref<10240x32xf32, #tpu.memory_space<vmem_shared>>
      tpu.enqueue_indirect_dma source(%dma_start3A_713 : memref<128x32xf32, #tpu.memory_space<vmem>>) target(%dma_start3A_719 : memref<10240x32xf32, #tpu.memory_space<vmem_shared>>) offsets(%dma_start3A_716 : memref<128xi32, #tpu.memory_space<vmem>>) semaphore(%arg25 : memref<!tpu.dma_semaphore, #tpu.memory_space<semaphore_mem>>) {add = true}
      %dma_start3A_720 = arith.constant 0 : i32
      %dma_start3A_721 = tpu.memref_slice %arg8[%add3A_671, %dma_start3A_720] : memref<80x128xi32, #tpu.memory_space<vmem>> -> memref<1x128xi32, #tpu.memory_space<vmem>>
      %dma_start3A_722 = tpu.memref_squeeze %dma_start3A_721 : memref<1x128xi32, #tpu.memory_space<vmem>> -> memref<128xi32, #tpu.memory_space<vmem>>
      %dma_start3A_723 = arith.constant 0 : i32
      %dma_start3A_724 = arith.constant 0 : i32
      %dma_start3A_725 = tpu.memref_slice %arg33[%dma_start3A_723, %dma_start3A_724] : memref<10240x32xf32, #tpu.memory_space<vmem_shared>> -> memref<10240x32xf32, #tpu.memory_space<vmem_shared>>
      tpu.enqueue_indirect_dma source(%arg32 : memref<128x32xf32, #tpu.memory_space<vmem>>) target(%dma_start3A_725 : memref<10240x32xf32, #tpu.memory_space<vmem_shared>>) offsets(%dma_start3A_722 : memref<128xi32, #tpu.memory_space<vmem>>) semaphore(%arg25 : memref<!tpu.dma_semaphore, #tpu.memory_space<semaphore_mem>>) {add = true}
      %mul3A_726 = arith.constant 10 : i32
      %mul3A_727 = arith.muli %scan3A_516, %mul3A_726 : i32
      %add3A_728 = arith.constant 4 : i32
      %add3A_729 = arith.addi %mul3A_727, %add3A_728 : i32
      %dma_wait3A_730 = arith.constant 1 : i32
      %dma_wait3A_731 = arith.constant 0 : i32
      %dma_wait3A_732 = arith.constant 0 : i32
      %dma_wait3A_733 = arith.constant 0 : i32
      %dma_wait3A_734 = tpu.memref_slice %arg9[%dma_wait3A_730, %dma_wait3A_732, %dma_wait3A_733] : memref<10x128x32xf32, #tpu.memory_space<vmem>> -> memref<1x128x32xf32, #tpu.memory_space<vmem>>
      %dma_wait3A_735 = tpu.memref_squeeze %dma_wait3A_734 : memref<1x128x32xf32, #tpu.memory_space<vmem>> -> memref<128x32xf32, #tpu.memory_space<vmem>>
      %dma_wait3A_736 = arith.constant 0 : i32
      %dma_wait3A_737 = tpu.memref_slice %arg8[%dma_wait3A_731, %dma_wait3A_736] : memref<80x128xi32, #tpu.memory_space<vmem>> -> memref<1x128xi32, #tpu.memory_space<vmem>>
      %dma_wait3A_738 = tpu.memref_squeeze %dma_wait3A_737 : memref<1x128xi32, #tpu.memory_space<vmem>> -> memref<128xi32, #tpu.memory_space<vmem>>
      %dma_wait3A_739 = arith.constant 0 : i32
      %dma_wait3A_740 = arith.constant 0 : i32
      %dma_wait3A_741 = tpu.memref_slice %arg10[%dma_wait3A_739, %dma_wait3A_740] : memref<10240x32xf32, #tpu.memory_space<vmem_shared>> -> memref<10240x32xf32, #tpu.memory_space<vmem_shared>>
      tpu.wait_indirect_dma semaphore(%arg23 : memref<!tpu.dma_semaphore, #tpu.memory_space<semaphore_mem>>) src(%dma_wait3A_735 : memref<128x32xf32, #tpu.memory_space<vmem>>) dst(%dma_wait3A_741 : memref<10240x32xf32, #tpu.memory_space<vmem_shared>>)
      %dma_wait3A_742 = arith.constant 0 : i32
      %dma_wait3A_743 = arith.constant 0 : i32
      %dma_wait3A_744 = tpu.memref_slice %arg8[%dma_wait3A_742, %dma_wait3A_743] : memref<80x128xi32, #tpu.memory_space<vmem>> -> memref<1x128xi32, #tpu.memory_space<vmem>>
      %dma_wait3A_745 = tpu.memref_squeeze %dma_wait3A_744 : memref<1x128xi32, #tpu.memory_space<vmem>> -> memref<128xi32, #tpu.memory_space<vmem>>
      %dma_wait3A_746 = arith.constant 0 : i32
      %dma_wait3A_747 = arith.constant 0 : i32
      %dma_wait3A_748 = tpu.memref_slice %arg33[%dma_wait3A_746, %dma_wait3A_747] : memref<10240x32xf32, #tpu.memory_space<vmem_shared>> -> memref<10240x32xf32, #tpu.memory_space<vmem_shared>>
      tpu.wait_indirect_dma semaphore(%arg23 : memref<!tpu.dma_semaphore, #tpu.memory_space<semaphore_mem>>) src(%arg32 : memref<128x32xf32, #tpu.memory_space<vmem>>) dst(%dma_wait3A_748 : memref<10240x32xf32, #tpu.memory_space<vmem_shared>>)
      %add3A_749 = arith.constant 1 : i32
      %add3A_750 = arith.addi %scan3A_516, %add3A_749 : i32
      %lt3A_751 = arith.constant 8 : i32
      %lt3A_752 = arith.cmpi slt, %add3A_750, %lt3A_751 : i32
      %convert_element_type3A_753 = arith.extui %lt3A_752 : i1 to i32
      %cond3A_754 = arith.constant 0 : i32
      %cond3A_755 = arith.cmpi ne, %convert_element_type3A_753, %cond3A_754 : i32
      scf.if %cond3A_755 {
        %add3A_1081 = arith.constant 7 : i32
        %add3A_1082 = arith.addi %add3A_729, %add3A_1081 : i32
        %dma_start3A_1083 = arith.constant 1 : i32
        %dma_start3A_1084 = arith.constant 0 : i32
        %dma_start3A_1085 = arith.constant 0 : i32
        %dma_start3A_1086 = tpu.memref_slice %arg9[%dma_start3A_1083, %dma_start3A_1084, %dma_start3A_1085] : memref<10x128x32xf32, #tpu.memory_space<vmem>> -> memref<1x128x32xf32, #tpu.memory_space<vmem>>
        %dma_start3A_1087 = tpu.memref_squeeze %dma_start3A_1086 : memref<1x128x32xf32, #tpu.memory_space<vmem>> -> memref<128x32xf32, #tpu.memory_space<vmem>>
        %dma_start3A_1088 = arith.constant 0 : i32
        %dma_start3A_1089 = tpu.memref_slice %arg7[%add3A_1082, %dma_start3A_1088] : memref<80x128xi32, #tpu.memory_space<vmem>> -> memref<1x128xi32, #tpu.memory_space<vmem>>
        %dma_start3A_1090 = tpu.memref_squeeze %dma_start3A_1089 : memref<1x128xi32, #tpu.memory_space<vmem>> -> memref<128xi32, #tpu.memory_space<vmem>>
        %dma_start3A_1091 = arith.constant 0 : i32
        %dma_start3A_1092 = arith.constant 0 : i32
        %dma_start3A_1093 = tpu.memref_slice %arg11[%dma_start3A_1091, %dma_start3A_1092] : memref<10240x32xf32, #tpu.memory_space<vmem_shared>> -> memref<10240x32xf32, #tpu.memory_space<vmem_shared>>
        tpu.enqueue_indirect_dma source(%dma_start3A_1093 : memref<10240x32xf32, #tpu.memory_space<vmem_shared>>) target(%dma_start3A_1087 : memref<128x32xf32, #tpu.memory_space<vmem>>) offsets(%dma_start3A_1090 : memref<128xi32, #tpu.memory_space<vmem>>) semaphore(%arg13 : memref<!tpu.dma_semaphore, #tpu.memory_space<semaphore_mem>>)
      } else {
      }
      %dma_wait3A_756 = arith.constant 0 : i32
      %dma_wait3A_757 = arith.constant 4 : i32
      %dma_wait3A_758 = arith.constant 0 : i32
      %dma_wait3A_759 = arith.constant 0 : i32
      %dma_wait3A_760 = tpu.memref_slice %arg9[%dma_wait3A_757, %dma_wait3A_758, %dma_wait3A_759] : memref<10x128x32xf32, #tpu.memory_space<vmem>> -> memref<1x128x32xf32, #tpu.memory_space<vmem>>
      %dma_wait3A_761 = tpu.memref_squeeze %dma_wait3A_760 : memref<1x128x32xf32, #tpu.memory_space<vmem>> -> memref<128x32xf32, #tpu.memory_space<vmem>>
      %dma_wait3A_762 = arith.constant 0 : i32
      %dma_wait3A_763 = tpu.memref_slice %arg7[%dma_wait3A_756, %dma_wait3A_762] : memref<80x128xi32, #tpu.memory_space<vmem>> -> memref<1x128xi32, #tpu.memory_space<vmem>>
      %dma_wait3A_764 = tpu.memref_squeeze %dma_wait3A_763 : memref<1x128xi32, #tpu.memory_space<vmem>> -> memref<128xi32, #tpu.memory_space<vmem>>
      %dma_wait3A_765 = arith.constant 0 : i32
      %dma_wait3A_766 = arith.constant 0 : i32
      %dma_wait3A_767 = tpu.memref_slice %arg11[%dma_wait3A_765, %dma_wait3A_766] : memref<10240x32xf32, #tpu.memory_space<vmem_shared>> -> memref<10240x32xf32, #tpu.memory_space<vmem_shared>>
      tpu.wait_indirect_dma semaphore(%arg16 : memref<!tpu.dma_semaphore, #tpu.memory_space<semaphore_mem>>) src(%dma_wait3A_767 : memref<10240x32xf32, #tpu.memory_space<vmem_shared>>) dst(%dma_wait3A_761 : memref<128x32xf32, #tpu.memory_space<vmem>>)
      %dma_start3A_768 = arith.constant 4 : i32
      %dma_start3A_769 = arith.constant 0 : i32
      %dma_start3A_770 = arith.constant 0 : i32
      %dma_start3A_771 = tpu.memref_slice %arg9[%dma_start3A_768, %dma_start3A_769, %dma_start3A_770] : memref<10x128x32xf32, #tpu.memory_space<vmem>> -> memref<1x128x32xf32, #tpu.memory_space<vmem>>
      %dma_start3A_772 = tpu.memref_squeeze %dma_start3A_771 : memref<1x128x32xf32, #tpu.memory_space<vmem>> -> memref<128x32xf32, #tpu.memory_space<vmem>>
      %dma_start3A_773 = arith.constant 0 : i32
      %dma_start3A_774 = tpu.memref_slice %arg8[%add3A_729, %dma_start3A_773] : memref<80x128xi32, #tpu.memory_space<vmem>> -> memref<1x128xi32, #tpu.memory_space<vmem>>
      %dma_start3A_775 = tpu.memref_squeeze %dma_start3A_774 : memref<1x128xi32, #tpu.memory_space<vmem>> -> memref<128xi32, #tpu.memory_space<vmem>>
      %dma_start3A_776 = arith.constant 0 : i32
      %dma_start3A_777 = arith.constant 0 : i32
      %dma_start3A_778 = tpu.memref_slice %arg10[%dma_start3A_776, %dma_start3A_777] : memref<10240x32xf32, #tpu.memory_space<vmem_shared>> -> memref<10240x32xf32, #tpu.memory_space<vmem_shared>>
      tpu.enqueue_indirect_dma source(%dma_start3A_772 : memref<128x32xf32, #tpu.memory_space<vmem>>) target(%dma_start3A_778 : memref<10240x32xf32, #tpu.memory_space<vmem_shared>>) offsets(%dma_start3A_775 : memref<128xi32, #tpu.memory_space<vmem>>) semaphore(%arg26 : memref<!tpu.dma_semaphore, #tpu.memory_space<semaphore_mem>>) {add = true}
      %dma_start3A_779 = arith.constant 0 : i32
      %dma_start3A_780 = tpu.memref_slice %arg8[%add3A_729, %dma_start3A_779] : memref<80x128xi32, #tpu.memory_space<vmem>> -> memref<1x128xi32, #tpu.memory_space<vmem>>
      %dma_start3A_781 = tpu.memref_squeeze %dma_start3A_780 : memref<1x128xi32, #tpu.memory_space<vmem>> -> memref<128xi32, #tpu.memory_space<vmem>>
      %dma_start3A_782 = arith.constant 0 : i32
      %dma_start3A_783 = arith.constant 0 : i32
      %dma_start3A_784 = tpu.memref_slice %arg33[%dma_start3A_782, %dma_start3A_783] : memref<10240x32xf32, #tpu.memory_space<vmem_shared>> -> memref<10240x32xf32, #tpu.memory_space<vmem_shared>>
      tpu.enqueue_indirect_dma source(%arg32 : memref<128x32xf32, #tpu.memory_space<vmem>>) target(%dma_start3A_784 : memref<10240x32xf32, #tpu.memory_space<vmem_shared>>) offsets(%dma_start3A_781 : memref<128xi32, #tpu.memory_space<vmem>>) semaphore(%arg26 : memref<!tpu.dma_semaphore, #tpu.memory_space<semaphore_mem>>) {add = true}
      %mul3A_785 = arith.constant 10 : i32
      %mul3A_786 = arith.muli %scan3A_516, %mul3A_785 : i32
      %add3A_787 = arith.constant 5 : i32
      %add3A_788 = arith.addi %mul3A_786, %add3A_787 : i32
      %dma_wait3A_789 = arith.constant 2 : i32
      %dma_wait3A_790 = arith.constant 0 : i32
      %dma_wait3A_791 = arith.constant 0 : i32
      %dma_wait3A_792 = arith.constant 0 : i32
      %dma_wait3A_793 = tpu.memref_slice %arg9[%dma_wait3A_789, %dma_wait3A_791, %dma_wait3A_792] : memref<10x128x32xf32, #tpu.memory_space<vmem>> -> memref<1x128x32xf32, #tpu.memory_space<vmem>>
      %dma_wait3A_794 = tpu.memref_squeeze %dma_wait3A_793 : memref<1x128x32xf32, #tpu.memory_space<vmem>> -> memref<128x32xf32, #tpu.memory_space<vmem>>
      %dma_wait3A_795 = arith.constant 0 : i32
      %dma_wait3A_796 = tpu.memref_slice %arg8[%dma_wait3A_790, %dma_wait3A_795] : memref<80x128xi32, #tpu.memory_space<vmem>> -> memref<1x128xi32, #tpu.memory_space<vmem>>
      %dma_wait3A_797 = tpu.memref_squeeze %dma_wait3A_796 : memref<1x128xi32, #tpu.memory_space<vmem>> -> memref<128xi32, #tpu.memory_space<vmem>>
      %dma_wait3A_798 = arith.constant 0 : i32
      %dma_wait3A_799 = arith.constant 0 : i32
      %dma_wait3A_800 = tpu.memref_slice %arg10[%dma_wait3A_798, %dma_wait3A_799] : memref<10240x32xf32, #tpu.memory_space<vmem_shared>> -> memref<10240x32xf32, #tpu.memory_space<vmem_shared>>
      tpu.wait_indirect_dma semaphore(%arg24 : memref<!tpu.dma_semaphore, #tpu.memory_space<semaphore_mem>>) src(%dma_wait3A_794 : memref<128x32xf32, #tpu.memory_space<vmem>>) dst(%dma_wait3A_800 : memref<10240x32xf32, #tpu.memory_space<vmem_shared>>)
      %dma_wait3A_801 = arith.constant 0 : i32
      %dma_wait3A_802 = arith.constant 0 : i32
      %dma_wait3A_803 = tpu.memref_slice %arg8[%dma_wait3A_801, %dma_wait3A_802] : memref<80x128xi32, #tpu.memory_space<vmem>> -> memref<1x128xi32, #tpu.memory_space<vmem>>
      %dma_wait3A_804 = tpu.memref_squeeze %dma_wait3A_803 : memref<1x128xi32, #tpu.memory_space<vmem>> -> memref<128xi32, #tpu.memory_space<vmem>>
      %dma_wait3A_805 = arith.constant 0 : i32
      %dma_wait3A_806 = arith.constant 0 : i32
      %dma_wait3A_807 = tpu.memref_slice %arg33[%dma_wait3A_805, %dma_wait3A_806] : memref<10240x32xf32, #tpu.memory_space<vmem_shared>> -> memref<10240x32xf32, #tpu.memory_space<vmem_shared>>
      tpu.wait_indirect_dma semaphore(%arg24 : memref<!tpu.dma_semaphore, #tpu.memory_space<semaphore_mem>>) src(%arg32 : memref<128x32xf32, #tpu.memory_space<vmem>>) dst(%dma_wait3A_807 : memref<10240x32xf32, #tpu.memory_space<vmem_shared>>)
      %add3A_808 = arith.constant 1 : i32
      %add3A_809 = arith.addi %scan3A_516, %add3A_808 : i32
      %lt3A_810 = arith.constant 8 : i32
      %lt3A_811 = arith.cmpi slt, %add3A_809, %lt3A_810 : i32
      %convert_element_type3A_812 = arith.extui %lt3A_811 : i1 to i32
      %cond3A_813 = arith.constant 0 : i32
      %cond3A_814 = arith.cmpi ne, %convert_element_type3A_812, %cond3A_813 : i32
      scf.if %cond3A_814 {
        %add3A_1081 = arith.constant 7 : i32
        %add3A_1082 = arith.addi %add3A_788, %add3A_1081 : i32
        %dma_start3A_1083 = arith.constant 2 : i32
        %dma_start3A_1084 = arith.constant 0 : i32
        %dma_start3A_1085 = arith.constant 0 : i32
        %dma_start3A_1086 = tpu.memref_slice %arg9[%dma_start3A_1083, %dma_start3A_1084, %dma_start3A_1085] : memref<10x128x32xf32, #tpu.memory_space<vmem>> -> memref<1x128x32xf32, #tpu.memory_space<vmem>>
        %dma_start3A_1087 = tpu.memref_squeeze %dma_start3A_1086 : memref<1x128x32xf32, #tpu.memory_space<vmem>> -> memref<128x32xf32, #tpu.memory_space<vmem>>
        %dma_start3A_1088 = arith.constant 0 : i32
        %dma_start3A_1089 = tpu.memref_slice %arg7[%add3A_1082, %dma_start3A_1088] : memref<80x128xi32, #tpu.memory_space<vmem>> -> memref<1x128xi32, #tpu.memory_space<vmem>>
        %dma_start3A_1090 = tpu.memref_squeeze %dma_start3A_1089 : memref<1x128xi32, #tpu.memory_space<vmem>> -> memref<128xi32, #tpu.memory_space<vmem>>
        %dma_start3A_1091 = arith.constant 0 : i32
        %dma_start3A_1092 = arith.constant 0 : i32
        %dma_start3A_1093 = tpu.memref_slice %arg11[%dma_start3A_1091, %dma_start3A_1092] : memref<10240x32xf32, #tpu.memory_space<vmem_shared>> -> memref<10240x32xf32, #tpu.memory_space<vmem_shared>>
        tpu.enqueue_indirect_dma source(%dma_start3A_1093 : memref<10240x32xf32, #tpu.memory_space<vmem_shared>>) target(%dma_start3A_1087 : memref<128x32xf32, #tpu.memory_space<vmem>>) offsets(%dma_start3A_1090 : memref<128xi32, #tpu.memory_space<vmem>>) semaphore(%arg14 : memref<!tpu.dma_semaphore, #tpu.memory_space<semaphore_mem>>)
      } else {
      }
      %dma_wait3A_815 = arith.constant 0 : i32
      %dma_wait3A_816 = arith.constant 5 : i32
      %dma_wait3A_817 = arith.constant 0 : i32
      %dma_wait3A_818 = arith.constant 0 : i32
      %dma_wait3A_819 = tpu.memref_slice %arg9[%dma_wait3A_816, %dma_wait3A_817, %dma_wait3A_818] : memref<10x128x32xf32, #tpu.memory_space<vmem>> -> memref<1x128x32xf32, #tpu.memory_space<vmem>>
      %dma_wait3A_820 = tpu.memref_squeeze %dma_wait3A_819 : memref<1x128x32xf32, #tpu.memory_space<vmem>> -> memref<128x32xf32, #tpu.memory_space<vmem>>
      %dma_wait3A_821 = arith.constant 0 : i32
      %dma_wait3A_822 = tpu.memref_slice %arg7[%dma_wait3A_815, %dma_wait3A_821] : memref<80x128xi32, #tpu.memory_space<vmem>> -> memref<1x128xi32, #tpu.memory_space<vmem>>
      %dma_wait3A_823 = tpu.memref_squeeze %dma_wait3A_822 : memref<1x128xi32, #tpu.memory_space<vmem>> -> memref<128xi32, #tpu.memory_space<vmem>>
      %dma_wait3A_824 = arith.constant 0 : i32
      %dma_wait3A_825 = arith.constant 0 : i32
      %dma_wait3A_826 = tpu.memref_slice %arg11[%dma_wait3A_824, %dma_wait3A_825] : memref<10240x32xf32, #tpu.memory_space<vmem_shared>> -> memref<10240x32xf32, #tpu.memory_space<vmem_shared>>
      tpu.wait_indirect_dma semaphore(%arg17 : memref<!tpu.dma_semaphore, #tpu.memory_space<semaphore_mem>>) src(%dma_wait3A_826 : memref<10240x32xf32, #tpu.memory_space<vmem_shared>>) dst(%dma_wait3A_820 : memref<128x32xf32, #tpu.memory_space<vmem>>)
      %dma_start3A_827 = arith.constant 5 : i32
      %dma_start3A_828 = arith.constant 0 : i32
      %dma_start3A_829 = arith.constant 0 : i32
      %dma_start3A_830 = tpu.memref_slice %arg9[%dma_start3A_827, %dma_start3A_828, %dma_start3A_829] : memref<10x128x32xf32, #tpu.memory_space<vmem>> -> memref<1x128x32xf32, #tpu.memory_space<vmem>>
      %dma_start3A_831 = tpu.memref_squeeze %dma_start3A_830 : memref<1x128x32xf32, #tpu.memory_space<vmem>> -> memref<128x32xf32, #tpu.memory_space<vmem>>
      %dma_start3A_832 = arith.constant 0 : i32
      %dma_start3A_833 = tpu.memref_slice %arg8[%add3A_788, %dma_start3A_832] : memref<80x128xi32, #tpu.memory_space<vmem>> -> memref<1x128xi32, #tpu.memory_space<vmem>>
      %dma_start3A_834 = tpu.memref_squeeze %dma_start3A_833 : memref<1x128xi32, #tpu.memory_space<vmem>> -> memref<128xi32, #tpu.memory_space<vmem>>
      %dma_start3A_835 = arith.constant 0 : i32
      %dma_start3A_836 = arith.constant 0 : i32
      %dma_start3A_837 = tpu.memref_slice %arg10[%dma_start3A_835, %dma_start3A_836] : memref<10240x32xf32, #tpu.memory_space<vmem_shared>> -> memref<10240x32xf32, #tpu.memory_space<vmem_shared>>
      tpu.enqueue_indirect_dma source(%dma_start3A_831 : memref<128x32xf32, #tpu.memory_space<vmem>>) target(%dma_start3A_837 : memref<10240x32xf32, #tpu.memory_space<vmem_shared>>) offsets(%dma_start3A_834 : memref<128xi32, #tpu.memory_space<vmem>>) semaphore(%arg27 : memref<!tpu.dma_semaphore, #tpu.memory_space<semaphore_mem>>) {add = true}
      %dma_start3A_838 = arith.constant 0 : i32
      %dma_start3A_839 = tpu.memref_slice %arg8[%add3A_788, %dma_start3A_838] : memref<80x128xi32, #tpu.memory_space<vmem>> -> memref<1x128xi32, #tpu.memory_space<vmem>>
      %dma_start3A_840 = tpu.memref_squeeze %dma_start3A_839 : memref<1x128xi32, #tpu.memory_space<vmem>> -> memref<128xi32, #tpu.memory_space<vmem>>
      %dma_start3A_841 = arith.constant 0 : i32
      %dma_start3A_842 = arith.constant 0 : i32
      %dma_start3A_843 = tpu.memref_slice %arg33[%dma_start3A_841, %dma_start3A_842] : memref<10240x32xf32, #tpu.memory_space<vmem_shared>> -> memref<10240x32xf32, #tpu.memory_space<vmem_shared>>
      tpu.enqueue_indirect_dma source(%arg32 : memref<128x32xf32, #tpu.memory_space<vmem>>) target(%dma_start3A_843 : memref<10240x32xf32, #tpu.memory_space<vmem_shared>>) offsets(%dma_start3A_840 : memref<128xi32, #tpu.memory_space<vmem>>) semaphore(%arg27 : memref<!tpu.dma_semaphore, #tpu.memory_space<semaphore_mem>>) {add = true}
      %mul3A_844 = arith.constant 10 : i32
      %mul3A_845 = arith.muli %scan3A_516, %mul3A_844 : i32
      %add3A_846 = arith.constant 6 : i32
      %add3A_847 = arith.addi %mul3A_845, %add3A_846 : i32
      %dma_wait3A_848 = arith.constant 3 : i32
      %dma_wait3A_849 = arith.constant 0 : i32
      %dma_wait3A_850 = arith.constant 0 : i32
      %dma_wait3A_851 = arith.constant 0 : i32
      %dma_wait3A_852 = tpu.memref_slice %arg9[%dma_wait3A_848, %dma_wait3A_850, %dma_wait3A_851] : memref<10x128x32xf32, #tpu.memory_space<vmem>> -> memref<1x128x32xf32, #tpu.memory_space<vmem>>
      %dma_wait3A_853 = tpu.memref_squeeze %dma_wait3A_852 : memref<1x128x32xf32, #tpu.memory_space<vmem>> -> memref<128x32xf32, #tpu.memory_space<vmem>>
      %dma_wait3A_854 = arith.constant 0 : i32
      %dma_wait3A_855 = tpu.memref_slice %arg8[%dma_wait3A_849, %dma_wait3A_854] : memref<80x128xi32, #tpu.memory_space<vmem>> -> memref<1x128xi32, #tpu.memory_space<vmem>>
      %dma_wait3A_856 = tpu.memref_squeeze %dma_wait3A_855 : memref<1x128xi32, #tpu.memory_space<vmem>> -> memref<128xi32, #tpu.memory_space<vmem>>
      %dma_wait3A_857 = arith.constant 0 : i32
      %dma_wait3A_858 = arith.constant 0 : i32
      %dma_wait3A_859 = tpu.memref_slice %arg10[%dma_wait3A_857, %dma_wait3A_858] : memref<10240x32xf32, #tpu.memory_space<vmem_shared>> -> memref<10240x32xf32, #tpu.memory_space<vmem_shared>>
      tpu.wait_indirect_dma semaphore(%arg25 : memref<!tpu.dma_semaphore, #tpu.memory_space<semaphore_mem>>) src(%dma_wait3A_853 : memref<128x32xf32, #tpu.memory_space<vmem>>) dst(%dma_wait3A_859 : memref<10240x32xf32, #tpu.memory_space<vmem_shared>>)
      %dma_wait3A_860 = arith.constant 0 : i32
      %dma_wait3A_861 = arith.constant 0 : i32
      %dma_wait3A_862 = tpu.memref_slice %arg8[%dma_wait3A_860, %dma_wait3A_861] : memref<80x128xi32, #tpu.memory_space<vmem>> -> memref<1x128xi32, #tpu.memory_space<vmem>>
      %dma_wait3A_863 = tpu.memref_squeeze %dma_wait3A_862 : memref<1x128xi32, #tpu.memory_space<vmem>> -> memref<128xi32, #tpu.memory_space<vmem>>
      %dma_wait3A_864 = arith.constant 0 : i32
      %dma_wait3A_865 = arith.constant 0 : i32
      %dma_wait3A_866 = tpu.memref_slice %arg33[%dma_wait3A_864, %dma_wait3A_865] : memref<10240x32xf32, #tpu.memory_space<vmem_shared>> -> memref<10240x32xf32, #tpu.memory_space<vmem_shared>>
      tpu.wait_indirect_dma semaphore(%arg25 : memref<!tpu.dma_semaphore, #tpu.memory_space<semaphore_mem>>) src(%arg32 : memref<128x32xf32, #tpu.memory_space<vmem>>) dst(%dma_wait3A_866 : memref<10240x32xf32, #tpu.memory_space<vmem_shared>>)
      %add3A_867 = arith.constant 1 : i32
      %add3A_868 = arith.addi %scan3A_516, %add3A_867 : i32
      %lt3A_869 = arith.constant 8 : i32
      %lt3A_870 = arith.cmpi slt, %add3A_868, %lt3A_869 : i32
      %convert_element_type3A_871 = arith.extui %lt3A_870 : i1 to i32
      %cond3A_872 = arith.constant 0 : i32
      %cond3A_873 = arith.cmpi ne, %convert_element_type3A_871, %cond3A_872 : i32
      scf.if %cond3A_873 {
        %add3A_1081 = arith.constant 7 : i32
        %add3A_1082 = arith.addi %add3A_847, %add3A_1081 : i32
        %dma_start3A_1083 = arith.constant 3 : i32
        %dma_start3A_1084 = arith.constant 0 : i32
        %dma_start3A_1085 = arith.constant 0 : i32
        %dma_start3A_1086 = tpu.memref_slice %arg9[%dma_start3A_1083, %dma_start3A_1084, %dma_start3A_1085] : memref<10x128x32xf32, #tpu.memory_space<vmem>> -> memref<1x128x32xf32, #tpu.memory_space<vmem>>
        %dma_start3A_1087 = tpu.memref_squeeze %dma_start3A_1086 : memref<1x128x32xf32, #tpu.memory_space<vmem>> -> memref<128x32xf32, #tpu.memory_space<vmem>>
        %dma_start3A_1088 = arith.constant 0 : i32
        %dma_start3A_1089 = tpu.memref_slice %arg7[%add3A_1082, %dma_start3A_1088] : memref<80x128xi32, #tpu.memory_space<vmem>> -> memref<1x128xi32, #tpu.memory_space<vmem>>
        %dma_start3A_1090 = tpu.memref_squeeze %dma_start3A_1089 : memref<1x128xi32, #tpu.memory_space<vmem>> -> memref<128xi32, #tpu.memory_space<vmem>>
        %dma_start3A_1091 = arith.constant 0 : i32
        %dma_start3A_1092 = arith.constant 0 : i32
        %dma_start3A_1093 = tpu.memref_slice %arg11[%dma_start3A_1091, %dma_start3A_1092] : memref<10240x32xf32, #tpu.memory_space<vmem_shared>> -> memref<10240x32xf32, #tpu.memory_space<vmem_shared>>
        tpu.enqueue_indirect_dma source(%dma_start3A_1093 : memref<10240x32xf32, #tpu.memory_space<vmem_shared>>) target(%dma_start3A_1087 : memref<128x32xf32, #tpu.memory_space<vmem>>) offsets(%dma_start3A_1090 : memref<128xi32, #tpu.memory_space<vmem>>) semaphore(%arg15 : memref<!tpu.dma_semaphore, #tpu.memory_space<semaphore_mem>>)
      } else {
      }
      %dma_wait3A_874 = arith.constant 0 : i32
      %dma_wait3A_875 = arith.constant 6 : i32
      %dma_wait3A_876 = arith.constant 0 : i32
      %dma_wait3A_877 = arith.constant 0 : i32
      %dma_wait3A_878 = tpu.memref_slice %arg9[%dma_wait3A_875, %dma_wait3A_876, %dma_wait3A_877] : memref<10x128x32xf32, #tpu.memory_space<vmem>> -> memref<1x128x32xf32, #tpu.memory_space<vmem>>
      %dma_wait3A_879 = tpu.memref_squeeze %dma_wait3A_878 : memref<1x128x32xf32, #tpu.memory_space<vmem>> -> memref<128x32xf32, #tpu.memory_space<vmem>>
      %dma_wait3A_880 = arith.constant 0 : i32
      %dma_wait3A_881 = tpu.memref_slice %arg7[%dma_wait3A_874, %dma_wait3A_880] : memref<80x128xi32, #tpu.memory_space<vmem>> -> memref<1x128xi32, #tpu.memory_space<vmem>>
      %dma_wait3A_882 = tpu.memref_squeeze %dma_wait3A_881 : memref<1x128xi32, #tpu.memory_space<vmem>> -> memref<128xi32, #tpu.memory_space<vmem>>
      %dma_wait3A_883 = arith.constant 0 : i32
      %dma_wait3A_884 = arith.constant 0 : i32
      %dma_wait3A_885 = tpu.memref_slice %arg11[%dma_wait3A_883, %dma_wait3A_884] : memref<10240x32xf32, #tpu.memory_space<vmem_shared>> -> memref<10240x32xf32, #tpu.memory_space<vmem_shared>>
      tpu.wait_indirect_dma semaphore(%arg18 : memref<!tpu.dma_semaphore, #tpu.memory_space<semaphore_mem>>) src(%dma_wait3A_885 : memref<10240x32xf32, #tpu.memory_space<vmem_shared>>) dst(%dma_wait3A_879 : memref<128x32xf32, #tpu.memory_space<vmem>>)
      %dma_start3A_886 = arith.constant 6 : i32
      %dma_start3A_887 = arith.constant 0 : i32
      %dma_start3A_888 = arith.constant 0 : i32
      %dma_start3A_889 = tpu.memref_slice %arg9[%dma_start3A_886, %dma_start3A_887, %dma_start3A_888] : memref<10x128x32xf32, #tpu.memory_space<vmem>> -> memref<1x128x32xf32, #tpu.memory_space<vmem>>
      %dma_start3A_890 = tpu.memref_squeeze %dma_start3A_889 : memref<1x128x32xf32, #tpu.memory_space<vmem>> -> memref<128x32xf32, #tpu.memory_space<vmem>>
      %dma_start3A_891 = arith.constant 0 : i32
      %dma_start3A_892 = tpu.memref_slice %arg8[%add3A_847, %dma_start3A_891] : memref<80x128xi32, #tpu.memory_space<vmem>> -> memref<1x128xi32, #tpu.memory_space<vmem>>
      %dma_start3A_893 = tpu.memref_squeeze %dma_start3A_892 : memref<1x128xi32, #tpu.memory_space<vmem>> -> memref<128xi32, #tpu.memory_space<vmem>>
      %dma_start3A_894 = arith.constant 0 : i32
      %dma_start3A_895 = arith.constant 0 : i32
      %dma_start3A_896 = tpu.memref_slice %arg10[%dma_start3A_894, %dma_start3A_895] : memref<10240x32xf32, #tpu.memory_space<vmem_shared>> -> memref<10240x32xf32, #tpu.memory_space<vmem_shared>>
      tpu.enqueue_indirect_dma source(%dma_start3A_890 : memref<128x32xf32, #tpu.memory_space<vmem>>) target(%dma_start3A_896 : memref<10240x32xf32, #tpu.memory_space<vmem_shared>>) offsets(%dma_start3A_893 : memref<128xi32, #tpu.memory_space<vmem>>) semaphore(%arg28 : memref<!tpu.dma_semaphore, #tpu.memory_space<semaphore_mem>>) {add = true}
      %dma_start3A_897 = arith.constant 0 : i32
      %dma_start3A_898 = tpu.memref_slice %arg8[%add3A_847, %dma_start3A_897] : memref<80x128xi32, #tpu.memory_space<vmem>> -> memref<1x128xi32, #tpu.memory_space<vmem>>
      %dma_start3A_899 = tpu.memref_squeeze %dma_start3A_898 : memref<1x128xi32, #tpu.memory_space<vmem>> -> memref<128xi32, #tpu.memory_space<vmem>>
      %dma_start3A_900 = arith.constant 0 : i32
      %dma_start3A_901 = arith.constant 0 : i32
      %dma_start3A_902 = tpu.memref_slice %arg33[%dma_start3A_900, %dma_start3A_901] : memref<10240x32xf32, #tpu.memory_space<vmem_shared>> -> memref<10240x32xf32, #tpu.memory_space<vmem_shared>>
      tpu.enqueue_indirect_dma source(%arg32 : memref<128x32xf32, #tpu.memory_space<vmem>>) target(%dma_start3A_902 : memref<10240x32xf32, #tpu.memory_space<vmem_shared>>) offsets(%dma_start3A_899 : memref<128xi32, #tpu.memory_space<vmem>>) semaphore(%arg28 : memref<!tpu.dma_semaphore, #tpu.memory_space<semaphore_mem>>) {add = true}
      %mul3A_903 = arith.constant 10 : i32
      %mul3A_904 = arith.muli %scan3A_516, %mul3A_903 : i32
      %add3A_905 = arith.constant 7 : i32
      %add3A_906 = arith.addi %mul3A_904, %add3A_905 : i32
      %dma_wait3A_907 = arith.constant 4 : i32
      %dma_wait3A_908 = arith.constant 0 : i32
      %dma_wait3A_909 = arith.constant 0 : i32
      %dma_wait3A_910 = arith.constant 0 : i32
      %dma_wait3A_911 = tpu.memref_slice %arg9[%dma_wait3A_907, %dma_wait3A_909, %dma_wait3A_910] : memref<10x128x32xf32, #tpu.memory_space<vmem>> -> memref<1x128x32xf32, #tpu.memory_space<vmem>>
      %dma_wait3A_912 = tpu.memref_squeeze %dma_wait3A_911 : memref<1x128x32xf32, #tpu.memory_space<vmem>> -> memref<128x32xf32, #tpu.memory_space<vmem>>
      %dma_wait3A_913 = arith.constant 0 : i32
      %dma_wait3A_914 = tpu.memref_slice %arg8[%dma_wait3A_908, %dma_wait3A_913] : memref<80x128xi32, #tpu.memory_space<vmem>> -> memref<1x128xi32, #tpu.memory_space<vmem>>
      %dma_wait3A_915 = tpu.memref_squeeze %dma_wait3A_914 : memref<1x128xi32, #tpu.memory_space<vmem>> -> memref<128xi32, #tpu.memory_space<vmem>>
      %dma_wait3A_916 = arith.constant 0 : i32
      %dma_wait3A_917 = arith.constant 0 : i32
      %dma_wait3A_918 = tpu.memref_slice %arg10[%dma_wait3A_916, %dma_wait3A_917] : memref<10240x32xf32, #tpu.memory_space<vmem_shared>> -> memref<10240x32xf32, #tpu.memory_space<vmem_shared>>
      tpu.wait_indirect_dma semaphore(%arg26 : memref<!tpu.dma_semaphore, #tpu.memory_space<semaphore_mem>>) src(%dma_wait3A_912 : memref<128x32xf32, #tpu.memory_space<vmem>>) dst(%dma_wait3A_918 : memref<10240x32xf32, #tpu.memory_space<vmem_shared>>)
      %dma_wait3A_919 = arith.constant 0 : i32
      %dma_wait3A_920 = arith.constant 0 : i32
      %dma_wait3A_921 = tpu.memref_slice %arg8[%dma_wait3A_919, %dma_wait3A_920] : memref<80x128xi32, #tpu.memory_space<vmem>> -> memref<1x128xi32, #tpu.memory_space<vmem>>
      %dma_wait3A_922 = tpu.memref_squeeze %dma_wait3A_921 : memref<1x128xi32, #tpu.memory_space<vmem>> -> memref<128xi32, #tpu.memory_space<vmem>>
      %dma_wait3A_923 = arith.constant 0 : i32
      %dma_wait3A_924 = arith.constant 0 : i32
      %dma_wait3A_925 = tpu.memref_slice %arg33[%dma_wait3A_923, %dma_wait3A_924] : memref<10240x32xf32, #tpu.memory_space<vmem_shared>> -> memref<10240x32xf32, #tpu.memory_space<vmem_shared>>
      tpu.wait_indirect_dma semaphore(%arg26 : memref<!tpu.dma_semaphore, #tpu.memory_space<semaphore_mem>>) src(%arg32 : memref<128x32xf32, #tpu.memory_space<vmem>>) dst(%dma_wait3A_925 : memref<10240x32xf32, #tpu.memory_space<vmem_shared>>)
      %add3A_926 = arith.constant 1 : i32
      %add3A_927 = arith.addi %scan3A_516, %add3A_926 : i32
      %lt3A_928 = arith.constant 8 : i32
      %lt3A_929 = arith.cmpi slt, %add3A_927, %lt3A_928 : i32
      %convert_element_type3A_930 = arith.extui %lt3A_929 : i1 to i32
      %cond3A_931 = arith.constant 0 : i32
      %cond3A_932 = arith.cmpi ne, %convert_element_type3A_930, %cond3A_931 : i32
      scf.if %cond3A_932 {
        %add3A_1081 = arith.constant 7 : i32
        %add3A_1082 = arith.addi %add3A_906, %add3A_1081 : i32
        %dma_start3A_1083 = arith.constant 4 : i32
        %dma_start3A_1084 = arith.constant 0 : i32
        %dma_start3A_1085 = arith.constant 0 : i32
        %dma_start3A_1086 = tpu.memref_slice %arg9[%dma_start3A_1083, %dma_start3A_1084, %dma_start3A_1085] : memref<10x128x32xf32, #tpu.memory_space<vmem>> -> memref<1x128x32xf32, #tpu.memory_space<vmem>>
        %dma_start3A_1087 = tpu.memref_squeeze %dma_start3A_1086 : memref<1x128x32xf32, #tpu.memory_space<vmem>> -> memref<128x32xf32, #tpu.memory_space<vmem>>
        %dma_start3A_1088 = arith.constant 0 : i32
        %dma_start3A_1089 = tpu.memref_slice %arg7[%add3A_1082, %dma_start3A_1088] : memref<80x128xi32, #tpu.memory_space<vmem>> -> memref<1x128xi32, #tpu.memory_space<vmem>>
        %dma_start3A_1090 = tpu.memref_squeeze %dma_start3A_1089 : memref<1x128xi32, #tpu.memory_space<vmem>> -> memref<128xi32, #tpu.memory_space<vmem>>
        %dma_start3A_1091 = arith.constant 0 : i32
        %dma_start3A_1092 = arith.constant 0 : i32
        %dma_start3A_1093 = tpu.memref_slice %arg11[%dma_start3A_1091, %dma_start3A_1092] : memref<10240x32xf32, #tpu.memory_space<vmem_shared>> -> memref<10240x32xf32, #tpu.memory_space<vmem_shared>>
        tpu.enqueue_indirect_dma source(%dma_start3A_1093 : memref<10240x32xf32, #tpu.memory_space<vmem_shared>>) target(%dma_start3A_1087 : memref<128x32xf32, #tpu.memory_space<vmem>>) offsets(%dma_start3A_1090 : memref<128xi32, #tpu.memory_space<vmem>>) semaphore(%arg16 : memref<!tpu.dma_semaphore, #tpu.memory_space<semaphore_mem>>)
      } else {
      }
      %dma_wait3A_933 = arith.constant 0 : i32
      %dma_wait3A_934 = arith.constant 7 : i32
      %dma_wait3A_935 = arith.constant 0 : i32
      %dma_wait3A_936 = arith.constant 0 : i32
      %dma_wait3A_937 = tpu.memref_slice %arg9[%dma_wait3A_934, %dma_wait3A_935, %dma_wait3A_936] : memref<10x128x32xf32, #tpu.memory_space<vmem>> -> memref<1x128x32xf32, #tpu.memory_space<vmem>>
      %dma_wait3A_938 = tpu.memref_squeeze %dma_wait3A_937 : memref<1x128x32xf32, #tpu.memory_space<vmem>> -> memref<128x32xf32, #tpu.memory_space<vmem>>
      %dma_wait3A_939 = arith.constant 0 : i32
      %dma_wait3A_940 = tpu.memref_slice %arg7[%dma_wait3A_933, %dma_wait3A_939] : memref<80x128xi32, #tpu.memory_space<vmem>> -> memref<1x128xi32, #tpu.memory_space<vmem>>
      %dma_wait3A_941 = tpu.memref_squeeze %dma_wait3A_940 : memref<1x128xi32, #tpu.memory_space<vmem>> -> memref<128xi32, #tpu.memory_space<vmem>>
      %dma_wait3A_942 = arith.constant 0 : i32
      %dma_wait3A_943 = arith.constant 0 : i32
      %dma_wait3A_944 = tpu.memref_slice %arg11[%dma_wait3A_942, %dma_wait3A_943] : memref<10240x32xf32, #tpu.memory_space<vmem_shared>> -> memref<10240x32xf32, #tpu.memory_space<vmem_shared>>
      tpu.wait_indirect_dma semaphore(%arg19 : memref<!tpu.dma_semaphore, #tpu.memory_space<semaphore_mem>>) src(%dma_wait3A_944 : memref<10240x32xf32, #tpu.memory_space<vmem_shared>>) dst(%dma_wait3A_938 : memref<128x32xf32, #tpu.memory_space<vmem>>)
      %dma_start3A_945 = arith.constant 7 : i32
      %dma_start3A_946 = arith.constant 0 : i32
      %dma_start3A_947 = arith.constant 0 : i32
      %dma_start3A_948 = tpu.memref_slice %arg9[%dma_start3A_945, %dma_start3A_946, %dma_start3A_947] : memref<10x128x32xf32, #tpu.memory_space<vmem>> -> memref<1x128x32xf32, #tpu.memory_space<vmem>>
      %dma_start3A_949 = tpu.memref_squeeze %dma_start3A_948 : memref<1x128x32xf32, #tpu.memory_space<vmem>> -> memref<128x32xf32, #tpu.memory_space<vmem>>
      %dma_start3A_950 = arith.constant 0 : i32
      %dma_start3A_951 = tpu.memref_slice %arg8[%add3A_906, %dma_start3A_950] : memref<80x128xi32, #tpu.memory_space<vmem>> -> memref<1x128xi32, #tpu.memory_space<vmem>>
      %dma_start3A_952 = tpu.memref_squeeze %dma_start3A_951 : memref<1x128xi32, #tpu.memory_space<vmem>> -> memref<128xi32, #tpu.memory_space<vmem>>
      %dma_start3A_953 = arith.constant 0 : i32
      %dma_start3A_954 = arith.constant 0 : i32
      %dma_start3A_955 = tpu.memref_slice %arg10[%dma_start3A_953, %dma_start3A_954] : memref<10240x32xf32, #tpu.memory_space<vmem_shared>> -> memref<10240x32xf32, #tpu.memory_space<vmem_shared>>
      tpu.enqueue_indirect_dma source(%dma_start3A_949 : memref<128x32xf32, #tpu.memory_space<vmem>>) target(%dma_start3A_955 : memref<10240x32xf32, #tpu.memory_space<vmem_shared>>) offsets(%dma_start3A_952 : memref<128xi32, #tpu.memory_space<vmem>>) semaphore(%arg29 : memref<!tpu.dma_semaphore, #tpu.memory_space<semaphore_mem>>) {add = true}
      %dma_start3A_956 = arith.constant 0 : i32
      %dma_start3A_957 = tpu.memref_slice %arg8[%add3A_906, %dma_start3A_956] : memref<80x128xi32, #tpu.memory_space<vmem>> -> memref<1x128xi32, #tpu.memory_space<vmem>>
      %dma_start3A_958 = tpu.memref_squeeze %dma_start3A_957 : memref<1x128xi32, #tpu.memory_space<vmem>> -> memref<128xi32, #tpu.memory_space<vmem>>
      %dma_start3A_959 = arith.constant 0 : i32
      %dma_start3A_960 = arith.constant 0 : i32
      %dma_start3A_961 = tpu.memref_slice %arg33[%dma_start3A_959, %dma_start3A_960] : memref<10240x32xf32, #tpu.memory_space<vmem_shared>> -> memref<10240x32xf32, #tpu.memory_space<vmem_shared>>
      tpu.enqueue_indirect_dma source(%arg32 : memref<128x32xf32, #tpu.memory_space<vmem>>) target(%dma_start3A_961 : memref<10240x32xf32, #tpu.memory_space<vmem_shared>>) offsets(%dma_start3A_958 : memref<128xi32, #tpu.memory_space<vmem>>) semaphore(%arg29 : memref<!tpu.dma_semaphore, #tpu.memory_space<semaphore_mem>>) {add = true}
      %mul3A_962 = arith.constant 10 : i32
      %mul3A_963 = arith.muli %scan3A_516, %mul3A_962 : i32
      %add3A_964 = arith.constant 8 : i32
      %add3A_965 = arith.addi %mul3A_963, %add3A_964 : i32
      %dma_wait3A_966 = arith.constant 5 : i32
      %dma_wait3A_967 = arith.constant 0 : i32
      %dma_wait3A_968 = arith.constant 0 : i32
      %dma_wait3A_969 = arith.constant 0 : i32
      %dma_wait3A_970 = tpu.memref_slice %arg9[%dma_wait3A_966, %dma_wait3A_968, %dma_wait3A_969] : memref<10x128x32xf32, #tpu.memory_space<vmem>> -> memref<1x128x32xf32, #tpu.memory_space<vmem>>
      %dma_wait3A_971 = tpu.memref_squeeze %dma_wait3A_970 : memref<1x128x32xf32, #tpu.memory_space<vmem>> -> memref<128x32xf32, #tpu.memory_space<vmem>>
      %dma_wait3A_972 = arith.constant 0 : i32
      %dma_wait3A_973 = tpu.memref_slice %arg8[%dma_wait3A_967, %dma_wait3A_972] : memref<80x128xi32, #tpu.memory_space<vmem>> -> memref<1x128xi32, #tpu.memory_space<vmem>>
      %dma_wait3A_974 = tpu.memref_squeeze %dma_wait3A_973 : memref<1x128xi32, #tpu.memory_space<vmem>> -> memref<128xi32, #tpu.memory_space<vmem>>
      %dma_wait3A_975 = arith.constant 0 : i32
      %dma_wait3A_976 = arith.constant 0 : i32
      %dma_wait3A_977 = tpu.memref_slice %arg10[%dma_wait3A_975, %dma_wait3A_976] : memref<10240x32xf32, #tpu.memory_space<vmem_shared>> -> memref<10240x32xf32, #tpu.memory_space<vmem_shared>>
      tpu.wait_indirect_dma semaphore(%arg27 : memref<!tpu.dma_semaphore, #tpu.memory_space<semaphore_mem>>) src(%dma_wait3A_971 : memref<128x32xf32, #tpu.memory_space<vmem>>) dst(%dma_wait3A_977 : memref<10240x32xf32, #tpu.memory_space<vmem_shared>>)
      %dma_wait3A_978 = arith.constant 0 : i32
      %dma_wait3A_979 = arith.constant 0 : i32
      %dma_wait3A_980 = tpu.memref_slice %arg8[%dma_wait3A_978, %dma_wait3A_979] : memref<80x128xi32, #tpu.memory_space<vmem>> -> memref<1x128xi32, #tpu.memory_space<vmem>>
      %dma_wait3A_981 = tpu.memref_squeeze %dma_wait3A_980 : memref<1x128xi32, #tpu.memory_space<vmem>> -> memref<128xi32, #tpu.memory_space<vmem>>
      %dma_wait3A_982 = arith.constant 0 : i32
      %dma_wait3A_983 = arith.constant 0 : i32
      %dma_wait3A_984 = tpu.memref_slice %arg33[%dma_wait3A_982, %dma_wait3A_983] : memref<10240x32xf32, #tpu.memory_space<vmem_shared>> -> memref<10240x32xf32, #tpu.memory_space<vmem_shared>>
      tpu.wait_indirect_dma semaphore(%arg27 : memref<!tpu.dma_semaphore, #tpu.memory_space<semaphore_mem>>) src(%arg32 : memref<128x32xf32, #tpu.memory_space<vmem>>) dst(%dma_wait3A_984 : memref<10240x32xf32, #tpu.memory_space<vmem_shared>>)
      %add3A_985 = arith.constant 1 : i32
      %add3A_986 = arith.addi %scan3A_516, %add3A_985 : i32
      %lt3A_987 = arith.constant 8 : i32
      %lt3A_988 = arith.cmpi slt, %add3A_986, %lt3A_987 : i32
      %convert_element_type3A_989 = arith.extui %lt3A_988 : i1 to i32
      %cond3A_990 = arith.constant 0 : i32
      %cond3A_991 = arith.cmpi ne, %convert_element_type3A_989, %cond3A_990 : i32
      scf.if %cond3A_991 {
        %add3A_1081 = arith.constant 7 : i32
        %add3A_1082 = arith.addi %add3A_965, %add3A_1081 : i32
        %dma_start3A_1083 = arith.constant 5 : i32
        %dma_start3A_1084 = arith.constant 0 : i32
        %dma_start3A_1085 = arith.constant 0 : i32
        %dma_start3A_1086 = tpu.memref_slice %arg9[%dma_start3A_1083, %dma_start3A_1084, %dma_start3A_1085] : memref<10x128x32xf32, #tpu.memory_space<vmem>> -> memref<1x128x32xf32, #tpu.memory_space<vmem>>
        %dma_start3A_1087 = tpu.memref_squeeze %dma_start3A_1086 : memref<1x128x32xf32, #tpu.memory_space<vmem>> -> memref<128x32xf32, #tpu.memory_space<vmem>>
        %dma_start3A_1088 = arith.constant 0 : i32
        %dma_start3A_1089 = tpu.memref_slice %arg7[%add3A_1082, %dma_start3A_1088] : memref<80x128xi32, #tpu.memory_space<vmem>> -> memref<1x128xi32, #tpu.memory_space<vmem>>
        %dma_start3A_1090 = tpu.memref_squeeze %dma_start3A_1089 : memref<1x128xi32, #tpu.memory_space<vmem>> -> memref<128xi32, #tpu.memory_space<vmem>>
        %dma_start3A_1091 = arith.constant 0 : i32
        %dma_start3A_1092 = arith.constant 0 : i32
        %dma_start3A_1093 = tpu.memref_slice %arg11[%dma_start3A_1091, %dma_start3A_1092] : memref<10240x32xf32, #tpu.memory_space<vmem_shared>> -> memref<10240x32xf32, #tpu.memory_space<vmem_shared>>
        tpu.enqueue_indirect_dma source(%dma_start3A_1093 : memref<10240x32xf32, #tpu.memory_space<vmem_shared>>) target(%dma_start3A_1087 : memref<128x32xf32, #tpu.memory_space<vmem>>) offsets(%dma_start3A_1090 : memref<128xi32, #tpu.memory_space<vmem>>) semaphore(%arg17 : memref<!tpu.dma_semaphore, #tpu.memory_space<semaphore_mem>>)
      } else {
      }
      %dma_wait3A_992 = arith.constant 0 : i32
      %dma_wait3A_993 = arith.constant 8 : i32
      %dma_wait3A_994 = arith.constant 0 : i32
      %dma_wait3A_995 = arith.constant 0 : i32
      %dma_wait3A_996 = tpu.memref_slice %arg9[%dma_wait3A_993, %dma_wait3A_994, %dma_wait3A_995] : memref<10x128x32xf32, #tpu.memory_space<vmem>> -> memref<1x128x32xf32, #tpu.memory_space<vmem>>
      %dma_wait3A_997 = tpu.memref_squeeze %dma_wait3A_996 : memref<1x128x32xf32, #tpu.memory_space<vmem>> -> memref<128x32xf32, #tpu.memory_space<vmem>>
      %dma_wait3A_998 = arith.constant 0 : i32
      %dma_wait3A_999 = tpu.memref_slice %arg7[%dma_wait3A_992, %dma_wait3A_998] : memref<80x128xi32, #tpu.memory_space<vmem>> -> memref<1x128xi32, #tpu.memory_space<vmem>>
      %dma_wait3A_1000 = tpu.memref_squeeze %dma_wait3A_999 : memref<1x128xi32, #tpu.memory_space<vmem>> -> memref<128xi32, #tpu.memory_space<vmem>>
      %dma_wait3A_1001 = arith.constant 0 : i32
      %dma_wait3A_1002 = arith.constant 0 : i32
      %dma_wait3A_1003 = tpu.memref_slice %arg11[%dma_wait3A_1001, %dma_wait3A_1002] : memref<10240x32xf32, #tpu.memory_space<vmem_shared>> -> memref<10240x32xf32, #tpu.memory_space<vmem_shared>>
      tpu.wait_indirect_dma semaphore(%arg20 : memref<!tpu.dma_semaphore, #tpu.memory_space<semaphore_mem>>) src(%dma_wait3A_1003 : memref<10240x32xf32, #tpu.memory_space<vmem_shared>>) dst(%dma_wait3A_997 : memref<128x32xf32, #tpu.memory_space<vmem>>)
      %dma_start3A_1004 = arith.constant 8 : i32
      %dma_start3A_1005 = arith.constant 0 : i32
      %dma_start3A_1006 = arith.constant 0 : i32
      %dma_start3A_1007 = tpu.memref_slice %arg9[%dma_start3A_1004, %dma_start3A_1005, %dma_start3A_1006] : memref<10x128x32xf32, #tpu.memory_space<vmem>> -> memref<1x128x32xf32, #tpu.memory_space<vmem>>
      %dma_start3A_1008 = tpu.memref_squeeze %dma_start3A_1007 : memref<1x128x32xf32, #tpu.memory_space<vmem>> -> memref<128x32xf32, #tpu.memory_space<vmem>>
      %dma_start3A_1009 = arith.constant 0 : i32
      %dma_start3A_1010 = tpu.memref_slice %arg8[%add3A_965, %dma_start3A_1009] : memref<80x128xi32, #tpu.memory_space<vmem>> -> memref<1x128xi32, #tpu.memory_space<vmem>>
      %dma_start3A_1011 = tpu.memref_squeeze %dma_start3A_1010 : memref<1x128xi32, #tpu.memory_space<vmem>> -> memref<128xi32, #tpu.memory_space<vmem>>
      %dma_start3A_1012 = arith.constant 0 : i32
      %dma_start3A_1013 = arith.constant 0 : i32
      %dma_start3A_1014 = tpu.memref_slice %arg10[%dma_start3A_1012, %dma_start3A_1013] : memref<10240x32xf32, #tpu.memory_space<vmem_shared>> -> memref<10240x32xf32, #tpu.memory_space<vmem_shared>>
      tpu.enqueue_indirect_dma source(%dma_start3A_1008 : memref<128x32xf32, #tpu.memory_space<vmem>>) target(%dma_start3A_1014 : memref<10240x32xf32, #tpu.memory_space<vmem_shared>>) offsets(%dma_start3A_1011 : memref<128xi32, #tpu.memory_space<vmem>>) semaphore(%arg30 : memref<!tpu.dma_semaphore, #tpu.memory_space<semaphore_mem>>) {add = true}
      %dma_start3A_1015 = arith.constant 0 : i32
      %dma_start3A_1016 = tpu.memref_slice %arg8[%add3A_965, %dma_start3A_1015] : memref<80x128xi32, #tpu.memory_space<vmem>> -> memref<1x128xi32, #tpu.memory_space<vmem>>
      %dma_start3A_1017 = tpu.memref_squeeze %dma_start3A_1016 : memref<1x128xi32, #tpu.memory_space<vmem>> -> memref<128xi32, #tpu.memory_space<vmem>>
      %dma_start3A_1018 = arith.constant 0 : i32
      %dma_start3A_1019 = arith.constant 0 : i32
      %dma_start3A_1020 = tpu.memref_slice %arg33[%dma_start3A_1018, %dma_start3A_1019] : memref<10240x32xf32, #tpu.memory_space<vmem_shared>> -> memref<10240x32xf32, #tpu.memory_space<vmem_shared>>
      tpu.enqueue_indirect_dma source(%arg32 : memref<128x32xf32, #tpu.memory_space<vmem>>) target(%dma_start3A_1020 : memref<10240x32xf32, #tpu.memory_space<vmem_shared>>) offsets(%dma_start3A_1017 : memref<128xi32, #tpu.memory_space<vmem>>) semaphore(%arg30 : memref<!tpu.dma_semaphore, #tpu.memory_space<semaphore_mem>>) {add = true}
      %mul3A_1021 = arith.constant 10 : i32
      %mul3A_1022 = arith.muli %scan3A_516, %mul3A_1021 : i32
      %add3A_1023 = arith.constant 9 : i32
      %add3A_1024 = arith.addi %mul3A_1022, %add3A_1023 : i32
      %dma_wait3A_1025 = arith.constant 6 : i32
      %dma_wait3A_1026 = arith.constant 0 : i32
      %dma_wait3A_1027 = arith.constant 0 : i32
      %dma_wait3A_1028 = arith.constant 0 : i32
      %dma_wait3A_1029 = tpu.memref_slice %arg9[%dma_wait3A_1025, %dma_wait3A_1027, %dma_wait3A_1028] : memref<10x128x32xf32, #tpu.memory_space<vmem>> -> memref<1x128x32xf32, #tpu.memory_space<vmem>>
      %dma_wait3A_1030 = tpu.memref_squeeze %dma_wait3A_1029 : memref<1x128x32xf32, #tpu.memory_space<vmem>> -> memref<128x32xf32, #tpu.memory_space<vmem>>
      %dma_wait3A_1031 = arith.constant 0 : i32
      %dma_wait3A_1032 = tpu.memref_slice %arg8[%dma_wait3A_1026, %dma_wait3A_1031] : memref<80x128xi32, #tpu.memory_space<vmem>> -> memref<1x128xi32, #tpu.memory_space<vmem>>
      %dma_wait3A_1033 = tpu.memref_squeeze %dma_wait3A_1032 : memref<1x128xi32, #tpu.memory_space<vmem>> -> memref<128xi32, #tpu.memory_space<vmem>>
      %dma_wait3A_1034 = arith.constant 0 : i32
      %dma_wait3A_1035 = arith.constant 0 : i32
      %dma_wait3A_1036 = tpu.memref_slice %arg10[%dma_wait3A_1034, %dma_wait3A_1035] : memref<10240x32xf32, #tpu.memory_space<vmem_shared>> -> memref<10240x32xf32, #tpu.memory_space<vmem_shared>>
      tpu.wait_indirect_dma semaphore(%arg28 : memref<!tpu.dma_semaphore, #tpu.memory_space<semaphore_mem>>) src(%dma_wait3A_1030 : memref<128x32xf32, #tpu.memory_space<vmem>>) dst(%dma_wait3A_1036 : memref<10240x32xf32, #tpu.memory_space<vmem_shared>>)
      %dma_wait3A_1037 = arith.constant 0 : i32
      %dma_wait3A_1038 = arith.constant 0 : i32
      %dma_wait3A_1039 = tpu.memref_slice %arg8[%dma_wait3A_1037, %dma_wait3A_1038] : memref<80x128xi32, #tpu.memory_space<vmem>> -> memref<1x128xi32, #tpu.memory_space<vmem>>
      %dma_wait3A_1040 = tpu.memref_squeeze %dma_wait3A_1039 : memref<1x128xi32, #tpu.memory_space<vmem>> -> memref<128xi32, #tpu.memory_space<vmem>>
      %dma_wait3A_1041 = arith.constant 0 : i32
      %dma_wait3A_1042 = arith.constant 0 : i32
      %dma_wait3A_1043 = tpu.memref_slice %arg33[%dma_wait3A_1041, %dma_wait3A_1042] : memref<10240x32xf32, #tpu.memory_space<vmem_shared>> -> memref<10240x32xf32, #tpu.memory_space<vmem_shared>>
      tpu.wait_indirect_dma semaphore(%arg28 : memref<!tpu.dma_semaphore, #tpu.memory_space<semaphore_mem>>) src(%arg32 : memref<128x32xf32, #tpu.memory_space<vmem>>) dst(%dma_wait3A_1043 : memref<10240x32xf32, #tpu.memory_space<vmem_shared>>)
      %add3A_1044 = arith.constant 1 : i32
      %add3A_1045 = arith.addi %scan3A_516, %add3A_1044 : i32
      %lt3A_1046 = arith.constant 8 : i32
      %lt3A_1047 = arith.cmpi slt, %add3A_1045, %lt3A_1046 : i32
      %convert_element_type3A_1048 = arith.extui %lt3A_1047 : i1 to i32
      %cond3A_1049 = arith.constant 0 : i32
      %cond3A_1050 = arith.cmpi ne, %convert_element_type3A_1048, %cond3A_1049 : i32
      scf.if %cond3A_1050 {
        %add3A_1081 = arith.constant 7 : i32
        %add3A_1082 = arith.addi %add3A_1024, %add3A_1081 : i32
        %dma_start3A_1083 = arith.constant 6 : i32
        %dma_start3A_1084 = arith.constant 0 : i32
        %dma_start3A_1085 = arith.constant 0 : i32
        %dma_start3A_1086 = tpu.memref_slice %arg9[%dma_start3A_1083, %dma_start3A_1084, %dma_start3A_1085] : memref<10x128x32xf32, #tpu.memory_space<vmem>> -> memref<1x128x32xf32, #tpu.memory_space<vmem>>
        %dma_start3A_1087 = tpu.memref_squeeze %dma_start3A_1086 : memref<1x128x32xf32, #tpu.memory_space<vmem>> -> memref<128x32xf32, #tpu.memory_space<vmem>>
        %dma_start3A_1088 = arith.constant 0 : i32
        %dma_start3A_1089 = tpu.memref_slice %arg7[%add3A_1082, %dma_start3A_1088] : memref<80x128xi32, #tpu.memory_space<vmem>> -> memref<1x128xi32, #tpu.memory_space<vmem>>
        %dma_start3A_1090 = tpu.memref_squeeze %dma_start3A_1089 : memref<1x128xi32, #tpu.memory_space<vmem>> -> memref<128xi32, #tpu.memory_space<vmem>>
        %dma_start3A_1091 = arith.constant 0 : i32
        %dma_start3A_1092 = arith.constant 0 : i32
        %dma_start3A_1093 = tpu.memref_slice %arg11[%dma_start3A_1091, %dma_start3A_1092] : memref<10240x32xf32, #tpu.memory_space<vmem_shared>> -> memref<10240x32xf32, #tpu.memory_space<vmem_shared>>
        tpu.enqueue_indirect_dma source(%dma_start3A_1093 : memref<10240x32xf32, #tpu.memory_space<vmem_shared>>) target(%dma_start3A_1087 : memref<128x32xf32, #tpu.memory_space<vmem>>) offsets(%dma_start3A_1090 : memref<128xi32, #tpu.memory_space<vmem>>) semaphore(%arg18 : memref<!tpu.dma_semaphore, #tpu.memory_space<semaphore_mem>>)
      } else {
      }
      %dma_wait3A_1051 = arith.constant 0 : i32
      %dma_wait3A_1052 = arith.constant 9 : i32
      %dma_wait3A_1053 = arith.constant 0 : i32
      %dma_wait3A_1054 = arith.constant 0 : i32
      %dma_wait3A_1055 = tpu.memref_slice %arg9[%dma_wait3A_1052, %dma_wait3A_1053, %dma_wait3A_1054] : memref<10x128x32xf32, #tpu.memory_space<vmem>> -> memref<1x128x32xf32, #tpu.memory_space<vmem>>
      %dma_wait3A_1056 = tpu.memref_squeeze %dma_wait3A_1055 : memref<1x128x32xf32, #tpu.memory_space<vmem>> -> memref<128x32xf32, #tpu.memory_space<vmem>>
      %dma_wait3A_1057 = arith.constant 0 : i32
      %dma_wait3A_1058 = tpu.memref_slice %arg7[%dma_wait3A_1051, %dma_wait3A_1057] : memref<80x128xi32, #tpu.memory_space<vmem>> -> memref<1x128xi32, #tpu.memory_space<vmem>>
      %dma_wait3A_1059 = tpu.memref_squeeze %dma_wait3A_1058 : memref<1x128xi32, #tpu.memory_space<vmem>> -> memref<128xi32, #tpu.memory_space<vmem>>
      %dma_wait3A_1060 = arith.constant 0 : i32
      %dma_wait3A_1061 = arith.constant 0 : i32
      %dma_wait3A_1062 = tpu.memref_slice %arg11[%dma_wait3A_1060, %dma_wait3A_1061] : memref<10240x32xf32, #tpu.memory_space<vmem_shared>> -> memref<10240x32xf32, #tpu.memory_space<vmem_shared>>
      tpu.wait_indirect_dma semaphore(%arg21 : memref<!tpu.dma_semaphore, #tpu.memory_space<semaphore_mem>>) src(%dma_wait3A_1062 : memref<10240x32xf32, #tpu.memory_space<vmem_shared>>) dst(%dma_wait3A_1056 : memref<128x32xf32, #tpu.memory_space<vmem>>)
      %dma_start3A_1063 = arith.constant 9 : i32
      %dma_start3A_1064 = arith.constant 0 : i32
      %dma_start3A_1065 = arith.constant 0 : i32
      %dma_start3A_1066 = tpu.memref_slice %arg9[%dma_start3A_1063, %dma_start3A_1064, %dma_start3A_1065] : memref<10x128x32xf32, #tpu.memory_space<vmem>> -> memref<1x128x32xf32, #tpu.memory_space<vmem>>
      %dma_start3A_1067 = tpu.memref_squeeze %dma_start3A_1066 : memref<1x128x32xf32, #tpu.memory_space<vmem>> -> memref<128x32xf32, #tpu.memory_space<vmem>>
      %dma_start3A_1068 = arith.constant 0 : i32
      %dma_start3A_1069 = tpu.memref_slice %arg8[%add3A_1024, %dma_start3A_1068] : memref<80x128xi32, #tpu.memory_space<vmem>> -> memref<1x128xi32, #tpu.memory_space<vmem>>
      %dma_start3A_1070 = tpu.memref_squeeze %dma_start3A_1069 : memref<1x128xi32, #tpu.memory_space<vmem>> -> memref<128xi32, #tpu.memory_space<vmem>>
      %dma_start3A_1071 = arith.constant 0 : i32
      %dma_start3A_1072 = arith.constant 0 : i32
      %dma_start3A_1073 = tpu.memref_slice %arg10[%dma_start3A_1071, %dma_start3A_1072] : memref<10240x32xf32, #tpu.memory_space<vmem_shared>> -> memref<10240x32xf32, #tpu.memory_space<vmem_shared>>
      tpu.enqueue_indirect_dma source(%dma_start3A_1067 : memref<128x32xf32, #tpu.memory_space<vmem>>) target(%dma_start3A_1073 : memref<10240x32xf32, #tpu.memory_space<vmem_shared>>) offsets(%dma_start3A_1070 : memref<128xi32, #tpu.memory_space<vmem>>) semaphore(%arg31 : memref<!tpu.dma_semaphore, #tpu.memory_space<semaphore_mem>>) {add = true}
      %dma_start3A_1074 = arith.constant 0 : i32
      %dma_start3A_1075 = tpu.memref_slice %arg8[%add3A_1024, %dma_start3A_1074] : memref<80x128xi32, #tpu.memory_space<vmem>> -> memref<1x128xi32, #tpu.memory_space<vmem>>
      %dma_start3A_1076 = tpu.memref_squeeze %dma_start3A_1075 : memref<1x128xi32, #tpu.memory_space<vmem>> -> memref<128xi32, #tpu.memory_space<vmem>>
      %dma_start3A_1077 = arith.constant 0 : i32
      %dma_start3A_1078 = arith.constant 0 : i32
      %dma_start3A_1079 = tpu.memref_slice %arg33[%dma_start3A_1077, %dma_start3A_1078] : memref<10240x32xf32, #tpu.memory_space<vmem_shared>> -> memref<10240x32xf32, #tpu.memory_space<vmem_shared>>
      tpu.enqueue_indirect_dma source(%arg32 : memref<128x32xf32, #tpu.memory_space<vmem>>) target(%dma_start3A_1079 : memref<10240x32xf32, #tpu.memory_space<vmem_shared>>) offsets(%dma_start3A_1076 : memref<128xi32, #tpu.memory_space<vmem>>) semaphore(%arg31 : memref<!tpu.dma_semaphore, #tpu.memory_space<semaphore_mem>>) {add = true}
      %scan3A_1080 = arith.constant 0 : i32
      scf.yield %scan3A_1080 : i32
    }
    %scan3A_443 = arith.constant 8 : i32
    %dma_wait3A_444 = arith.constant 7 : i32
    %dma_wait3A_445 = arith.constant 0 : i32
    %dma_wait3A_446 = arith.constant 0 : i32
    %dma_wait3A_447 = arith.constant 0 : i32
    %dma_wait3A_448 = tpu.memref_slice %arg9[%dma_wait3A_444, %dma_wait3A_446, %dma_wait3A_447] : memref<10x128x32xf32, #tpu.memory_space<vmem>> -> memref<1x128x32xf32, #tpu.memory_space<vmem>>
    %dma_wait3A_449 = tpu.memref_squeeze %dma_wait3A_448 : memref<1x128x32xf32, #tpu.memory_space<vmem>> -> memref<128x32xf32, #tpu.memory_space<vmem>>
    %dma_wait3A_450 = arith.constant 0 : i32
    %dma_wait3A_451 = tpu.memref_slice %arg8[%dma_wait3A_445, %dma_wait3A_450] : memref<80x128xi32, #tpu.memory_space<vmem>> -> memref<1x128xi32, #tpu.memory_space<vmem>>
    %dma_wait3A_452 = tpu.memref_squeeze %dma_wait3A_451 : memref<1x128xi32, #tpu.memory_space<vmem>> -> memref<128xi32, #tpu.memory_space<vmem>>
    %dma_wait3A_453 = arith.constant 0 : i32
    %dma_wait3A_454 = arith.constant 0 : i32
    %dma_wait3A_455 = tpu.memref_slice %arg10[%dma_wait3A_453, %dma_wait3A_454] : memref<10240x32xf32, #tpu.memory_space<vmem_shared>> -> memref<10240x32xf32, #tpu.memory_space<vmem_shared>>
    tpu.wait_indirect_dma semaphore(%arg29 : memref<!tpu.dma_semaphore, #tpu.memory_space<semaphore_mem>>) src(%dma_wait3A_449 : memref<128x32xf32, #tpu.memory_space<vmem>>) dst(%dma_wait3A_455 : memref<10240x32xf32, #tpu.memory_space<vmem_shared>>)
    %dma_wait3A_456 = arith.constant 0 : i32
    %dma_wait3A_457 = arith.constant 0 : i32
    %dma_wait3A_458 = tpu.memref_slice %arg8[%dma_wait3A_456, %dma_wait3A_457] : memref<80x128xi32, #tpu.memory_space<vmem>> -> memref<1x128xi32, #tpu.memory_space<vmem>>
    %dma_wait3A_459 = tpu.memref_squeeze %dma_wait3A_458 : memref<1x128xi32, #tpu.memory_space<vmem>> -> memref<128xi32, #tpu.memory_space<vmem>>
    %dma_wait3A_460 = arith.constant 0 : i32
    %dma_wait3A_461 = arith.constant 0 : i32
    %dma_wait3A_462 = tpu.memref_slice %arg33[%dma_wait3A_460, %dma_wait3A_461] : memref<10240x32xf32, #tpu.memory_space<vmem_shared>> -> memref<10240x32xf32, #tpu.memory_space<vmem_shared>>
    tpu.wait_indirect_dma semaphore(%arg29 : memref<!tpu.dma_semaphore, #tpu.memory_space<semaphore_mem>>) src(%arg32 : memref<128x32xf32, #tpu.memory_space<vmem>>) dst(%dma_wait3A_462 : memref<10240x32xf32, #tpu.memory_space<vmem_shared>>)
    %dma_wait3A_463 = arith.constant 8 : i32
    %dma_wait3A_464 = arith.constant 0 : i32
    %dma_wait3A_465 = arith.constant 0 : i32
    %dma_wait3A_466 = arith.constant 0 : i32
    %dma_wait3A_467 = tpu.memref_slice %arg9[%dma_wait3A_463, %dma_wait3A_465, %dma_wait3A_466] : memref<10x128x32xf32, #tpu.memory_space<vmem>> -> memref<1x128x32xf32, #tpu.memory_space<vmem>>
    %dma_wait3A_468 = tpu.memref_squeeze %dma_wait3A_467 : memref<1x128x32xf32, #tpu.memory_space<vmem>> -> memref<128x32xf32, #tpu.memory_space<vmem>>
    %dma_wait3A_469 = arith.constant 0 : i32
    %dma_wait3A_470 = tpu.memref_slice %arg8[%dma_wait3A_464, %dma_wait3A_469] : memref<80x128xi32, #tpu.memory_space<vmem>> -> memref<1x128xi32, #tpu.memory_space<vmem>>
    %dma_wait3A_471 = tpu.memref_squeeze %dma_wait3A_470 : memref<1x128xi32, #tpu.memory_space<vmem>> -> memref<128xi32, #tpu.memory_space<vmem>>
    %dma_wait3A_472 = arith.constant 0 : i32
    %dma_wait3A_473 = arith.constant 0 : i32
    %dma_wait3A_474 = tpu.memref_slice %arg10[%dma_wait3A_472, %dma_wait3A_473] : memref<10240x32xf32, #tpu.memory_space<vmem_shared>> -> memref<10240x32xf32, #tpu.memory_space<vmem_shared>>
    tpu.wait_indirect_dma semaphore(%arg30 : memref<!tpu.dma_semaphore, #tpu.memory_space<semaphore_mem>>) src(%dma_wait3A_468 : memref<128x32xf32, #tpu.memory_space<vmem>>) dst(%dma_wait3A_474 : memref<10240x32xf32, #tpu.memory_space<vmem_shared>>)
    %dma_wait3A_475 = arith.constant 0 : i32
    %dma_wait3A_476 = arith.constant 0 : i32
    %dma_wait3A_477 = tpu.memref_slice %arg8[%dma_wait3A_475, %dma_wait3A_476] : memref<80x128xi32, #tpu.memory_space<vmem>> -> memref<1x128xi32, #tpu.memory_space<vmem>>
    %dma_wait3A_478 = tpu.memref_squeeze %dma_wait3A_477 : memref<1x128xi32, #tpu.memory_space<vmem>> -> memref<128xi32, #tpu.memory_space<vmem>>
    %dma_wait3A_479 = arith.constant 0 : i32
    %dma_wait3A_480 = arith.constant 0 : i32
    %dma_wait3A_481 = tpu.memref_slice %arg33[%dma_wait3A_479, %dma_wait3A_480] : memref<10240x32xf32, #tpu.memory_space<vmem_shared>> -> memref<10240x32xf32, #tpu.memory_space<vmem_shared>>
    tpu.wait_indirect_dma semaphore(%arg30 : memref<!tpu.dma_semaphore, #tpu.memory_space<semaphore_mem>>) src(%arg32 : memref<128x32xf32, #tpu.memory_space<vmem>>) dst(%dma_wait3A_481 : memref<10240x32xf32, #tpu.memory_space<vmem_shared>>)
    %dma_wait3A_482 = arith.constant 9 : i32
    %dma_wait3A_483 = arith.constant 0 : i32
    %dma_wait3A_484 = arith.constant 0 : i32
    %dma_wait3A_485 = arith.constant 0 : i32
    %dma_wait3A_486 = tpu.memref_slice %arg9[%dma_wait3A_482, %dma_wait3A_484, %dma_wait3A_485] : memref<10x128x32xf32, #tpu.memory_space<vmem>> -> memref<1x128x32xf32, #tpu.memory_space<vmem>>
    %dma_wait3A_487 = tpu.memref_squeeze %dma_wait3A_486 : memref<1x128x32xf32, #tpu.memory_space<vmem>> -> memref<128x32xf32, #tpu.memory_space<vmem>>
    %dma_wait3A_488 = arith.constant 0 : i32
    %dma_wait3A_489 = tpu.memref_slice %arg8[%dma_wait3A_483, %dma_wait3A_488] : memref<80x128xi32, #tpu.memory_space<vmem>> -> memref<1x128xi32, #tpu.memory_space<vmem>>
    %dma_wait3A_490 = tpu.memref_squeeze %dma_wait3A_489 : memref<1x128xi32, #tpu.memory_space<vmem>> -> memref<128xi32, #tpu.memory_space<vmem>>
    %dma_wait3A_491 = arith.constant 0 : i32
    %dma_wait3A_492 = arith.constant 0 : i32
    %dma_wait3A_493 = tpu.memref_slice %arg10[%dma_wait3A_491, %dma_wait3A_492] : memref<10240x32xf32, #tpu.memory_space<vmem_shared>> -> memref<10240x32xf32, #tpu.memory_space<vmem_shared>>
    tpu.wait_indirect_dma semaphore(%arg31 : memref<!tpu.dma_semaphore, #tpu.memory_space<semaphore_mem>>) src(%dma_wait3A_487 : memref<128x32xf32, #tpu.memory_space<vmem>>) dst(%dma_wait3A_493 : memref<10240x32xf32, #tpu.memory_space<vmem_shared>>)
    %dma_wait3A_494 = arith.constant 0 : i32
    %dma_wait3A_495 = arith.constant 0 : i32
    %dma_wait3A_496 = tpu.memref_slice %arg8[%dma_wait3A_494, %dma_wait3A_495] : memref<80x128xi32, #tpu.memory_space<vmem>> -> memref<1x128xi32, #tpu.memory_space<vmem>>
    %dma_wait3A_497 = tpu.memref_squeeze %dma_wait3A_496 : memref<1x128xi32, #tpu.memory_space<vmem>> -> memref<128xi32, #tpu.memory_space<vmem>>
    %dma_wait3A_498 = arith.constant 0 : i32
    %dma_wait3A_499 = arith.constant 0 : i32
    %dma_wait3A_500 = tpu.memref_slice %arg33[%dma_wait3A_498, %dma_wait3A_499] : memref<10240x32xf32, #tpu.memory_space<vmem_shared>> -> memref<10240x32xf32, #tpu.memory_space<vmem_shared>>
    tpu.wait_indirect_dma semaphore(%arg31 : memref<!tpu.dma_semaphore, #tpu.memory_space<semaphore_mem>>) src(%arg32 : memref<128x32xf32, #tpu.memory_space<vmem>>) dst(%dma_wait3A_500 : memref<10240x32xf32, #tpu.memory_space<vmem_shared>>)
    %barrier3A_501 = arith.constant 0 : index
    tpu.barrier barrier_id(%barrier3A_501)
    %mul3A_502 = arith.constant 640 : i32
    %mul3A_503 = arith.muli %arg1, %mul3A_502 : i32
    %mul3A_504 = arith.constant 10240 : i32
    %mul3A_505 = arith.muli %arg0, %mul3A_504 : i32
    %mul3A_506 = arith.constant 640 : i32
    %mul3A_507 = arith.muli %arg1, %mul3A_506 : i32
    %add3A_508 = arith.addi %mul3A_505, %mul3A_507 : i32
    "tpu.region"() ({
      %run_scoped3A = tpu.sem_alloc : memref<!tpu.dma_semaphore, #tpu.memory_space<semaphore_mem>>
      %dma_start3A_516 = arith.constant 0 : i32
      %dma_start3A_517 = tpu.memref_slice %arg5[%add3A_508, %dma_start3A_516] : memref<20480x32xf32, #tpu.memory_space<hbm>> -> memref<640x32xf32, #tpu.memory_space<hbm>>
      %dma_start3A_518 = arith.constant 0 : i32
      %dma_start3A_519 = tpu.memref_slice %arg10[%mul3A_503, %dma_start3A_518] : memref<10240x32xf32, #tpu.memory_space<vmem_shared>> -> memref<640x32xf32, #tpu.memory_space<vmem_shared>>
      tpu.enqueue_dma source(%dma_start3A_519 : memref<640x32xf32, #tpu.memory_space<vmem_shared>>) target(%dma_start3A_517 : memref<640x32xf32, #tpu.memory_space<hbm>>) target_semaphore(%run_scoped3A : memref<!tpu.dma_semaphore, #tpu.memory_space<semaphore_mem>>)
      %dma_wait3A_520 = arith.constant 0 : i32
      %dma_wait3A_521 = tpu.memref_slice %arg5[%add3A_508, %dma_wait3A_520] : memref<20480x32xf32, #tpu.memory_space<hbm>> -> memref<640x32xf32, #tpu.memory_space<hbm>>
      %dma_wait3A_522 = arith.constant 0 : i32
      %dma_wait3A_523 = tpu.memref_slice %arg10[%mul3A_503, %dma_wait3A_522] : memref<10240x32xf32, #tpu.memory_space<vmem_shared>> -> memref<640x32xf32, #tpu.memory_space<vmem_shared>>
      tpu.wait_dma2 semaphore(%run_scoped3A : memref<!tpu.dma_semaphore, #tpu.memory_space<semaphore_mem>>) src(%dma_wait3A_523 : memref<640x32xf32, #tpu.memory_space<vmem_shared>>) dst(%dma_wait3A_521 : memref<640x32xf32, #tpu.memory_space<hbm>>)
      tpu.yield
    }) : () -> ()
    %mul3A_509 = arith.constant 640 : i32
    %mul3A_510 = arith.muli %arg1, %mul3A_509 : i32
    %mul3A_511 = arith.constant 10240 : i32
    %mul3A_512 = arith.muli %arg0, %mul3A_511 : i32
    %mul3A_513 = arith.constant 640 : i32
    %mul3A_514 = arith.muli %arg1, %mul3A_513 : i32
    %add3A_515 = arith.addi %mul3A_512, %mul3A_514 : i32
    "tpu.region"() ({
      %run_scoped3A = tpu.sem_alloc : memref<!tpu.dma_semaphore, #tpu.memory_space<semaphore_mem>>
      %dma_start3A_516 = arith.constant 0 : i32
      %dma_start3A_517 = tpu.memref_slice %arg6[%add3A_515, %dma_start3A_516] : memref<20480x32xf32, #tpu.memory_space<hbm>> -> memref<640x32xf32, #tpu.memory_space<hbm>>
      %dma_start3A_518 = arith.constant 0 : i32
      %dma_start3A_519 = tpu.memref_slice %arg33[%mul3A_510, %dma_start3A_518] : memref<10240x32xf32, #tpu.memory_space<vmem_shared>> -> memref<640x32xf32, #tpu.memory_space<vmem_shared>>
      tpu.enqueue_dma source(%dma_start3A_519 : memref<640x32xf32, #tpu.memory_space<vmem_shared>>) target(%dma_start3A_517 : memref<640x32xf32, #tpu.memory_space<hbm>>) target_semaphore(%run_scoped3A : memref<!tpu.dma_semaphore, #tpu.memory_space<semaphore_mem>>)
      %dma_wait3A_520 = arith.constant 0 : i32
      %dma_wait3A_521 = tpu.memref_slice %arg6[%add3A_515, %dma_wait3A_520] : memref<20480x32xf32, #tpu.memory_space<hbm>> -> memref<640x32xf32, #tpu.memory_space<hbm>>
      %dma_wait3A_522 = arith.constant 0 : i32
      %dma_wait3A_523 = tpu.memref_slice %arg33[%mul3A_510, %dma_wait3A_522] : memref<10240x32xf32, #tpu.memory_space<vmem_shared>> -> memref<640x32xf32, #tpu.memory_space<vmem_shared>>
      tpu.wait_dma2 semaphore(%run_scoped3A : memref<!tpu.dma_semaphore, #tpu.memory_space<semaphore_mem>>) src(%dma_wait3A_523 : memref<640x32xf32, #tpu.memory_space<vmem_shared>>) dst(%dma_wait3A_521 : memref<640x32xf32, #tpu.memory_space<hbm>>)
      tpu.yield
    }) : () -> ()
    return
  }
}

#map = affine_map<(d0, d1) -> (0, 0)>
module attributes {stable_mosaic.version = 14 : i64} {
  func.func @body(%arg0: i32, %arg1: i32, %arg2: memref<10240x32xf32, #tpu.memory_space<hbm>>, %arg3: memref<2560x128xi32, #tpu.memory_space<hbm>>, %arg4: memref<2560x128xi32, #tpu.memory_space<hbm>>, %arg5: memref<20480x32xf32, #tpu.memory_space<hbm>>, %arg6: memref<80x128xi32, #tpu.memory_space<vmem>>, %arg7: memref<80x128xi32, #tpu.memory_space<vmem>>, %arg8: memref<10x128x32xf32, #tpu.memory_space<vmem>>, %arg9: memref<10240x32xf32, #tpu.memory_space<vmem_shared>>, %arg10: memref<10240x32xf32, #tpu.memory_space<vmem_shared>>, %arg11: memref<!tpu.dma_semaphore, #tpu.memory_space<semaphore_mem>>, %arg12: memref<!tpu.dma_semaphore, #tpu.memory_space<semaphore_mem>>, %arg13: memref<!tpu.dma_semaphore, #tpu.memory_space<semaphore_mem>>, %arg14: memref<!tpu.dma_semaphore, #tpu.memory_space<semaphore_mem>>, %arg15: memref<!tpu.dma_semaphore, #tpu.memory_space<semaphore_mem>>, %arg16: memref<!tpu.dma_semaphore, #tpu.memory_space<semaphore_mem>>, %arg17: memref<!tpu.dma_semaphore, #tpu.memory_space<semaphore_mem>>, %arg18: memref<!tpu.dma_semaphore, #tpu.memory_space<semaphore_mem>>, %arg19: memref<!tpu.dma_semaphore, #tpu.memory_space<semaphore_mem>>, %arg20: memref<!tpu.dma_semaphore, #tpu.memory_space<semaphore_mem>>, %arg21: memref<!tpu.dma_semaphore, #tpu.memory_space<semaphore_mem>>, %arg22: memref<!tpu.dma_semaphore, #tpu.memory_space<semaphore_mem>>, %arg23: memref<!tpu.dma_semaphore, #tpu.memory_space<semaphore_mem>>, %arg24: memref<!tpu.dma_semaphore, #tpu.memory_space<semaphore_mem>>, %arg25: memref<!tpu.dma_semaphore, #tpu.memory_space<semaphore_mem>>, %arg26: memref<!tpu.dma_semaphore, #tpu.memory_space<semaphore_mem>>, %arg27: memref<!tpu.dma_semaphore, #tpu.memory_space<semaphore_mem>>, %arg28: memref<!tpu.dma_semaphore, #tpu.memory_space<semaphore_mem>>, %arg29: memref<!tpu.dma_semaphore, #tpu.memory_space<semaphore_mem>>, %arg30: memref<!tpu.dma_semaphore, #tpu.memory_space<semaphore_mem>>) attributes {dimension_semantics = [#tpu.dimension_semantics<core_parallel>, #tpu.dimension_semantics<subcore_parallel>], iteration_bounds = array<i64: 2, 16>, scalar_prefetch = 0 : i64, scratch_operands = 25 : i64, tpu.core_type = #tpu.core_type<sc_vector_subcore>, window_params = [{transform_indices = #map}, {transform_indices = #map}, {transform_indices = #map}, {transform_indices = #map}]} {
    %mul3A = arith.constant 2 : i32
    %mul3A_0 = arith.muli %arg1, %mul3A : i32
    %add3A = arith.addi %mul3A_0, %arg0 : i32
    %mul3A_1 = arith.constant 80 : i32
    %mul3A_2 = arith.muli %add3A, %mul3A_1 : i32
    %dma_start3A = arith.constant 0 : i32
    %dma_start3A_3 = tpu.memref_slice %arg3[%mul3A_2, %dma_start3A] : memref<2560x128xi32, #tpu.memory_space<hbm>> -> memref<80x128xi32, #tpu.memory_space<hbm>>
    %dma_start3A_4 = arith.constant 0 : i32
    %dma_start3A_5 = tpu.memref_slice %arg3[%mul3A_2, %dma_start3A_4] : memref<2560x128xi32, #tpu.memory_space<hbm>> -> memref<80x128xi32, #tpu.memory_space<hbm>>
    tpu.enqueue_dma source(%dma_start3A_5 : memref<80x128xi32, #tpu.memory_space<hbm>>) target(%arg6 : memref<80x128xi32, #tpu.memory_space<vmem>>) target_semaphore(%arg11 : memref<!tpu.dma_semaphore, #tpu.memory_space<semaphore_mem>>)
    %mul3A_6 = arith.constant 80 : i32
    %mul3A_7 = arith.muli %add3A, %mul3A_6 : i32
    %dma_start3A_8 = arith.constant 0 : i32
    %dma_start3A_9 = tpu.memref_slice %arg4[%mul3A_7, %dma_start3A_8] : memref<2560x128xi32, #tpu.memory_space<hbm>> -> memref<80x128xi32, #tpu.memory_space<hbm>>
    %dma_start3A_10 = arith.constant 0 : i32
    %dma_start3A_11 = tpu.memref_slice %arg4[%mul3A_7, %dma_start3A_10] : memref<2560x128xi32, #tpu.memory_space<hbm>> -> memref<80x128xi32, #tpu.memory_space<hbm>>
    tpu.enqueue_dma source(%dma_start3A_11 : memref<80x128xi32, #tpu.memory_space<hbm>>) target(%arg7 : memref<80x128xi32, #tpu.memory_space<vmem>>) target_semaphore(%arg12 : memref<!tpu.dma_semaphore, #tpu.memory_space<semaphore_mem>>)
    %mul3A_12 = arith.constant 640 : i32
    %mul3A_13 = arith.muli %arg1, %mul3A_12 : i32
    %mul3A_14 = arith.constant 640 : i32
    %mul3A_15 = arith.muli %arg1, %mul3A_14 : i32
    %dma_start3A_16 = arith.constant 0 : i32
    %dma_start3A_17 = tpu.memref_slice %arg10[%mul3A_15, %dma_start3A_16] : memref<10240x32xf32, #tpu.memory_space<vmem_shared>> -> memref<640x32xf32, #tpu.memory_space<vmem_shared>>
    %dma_start3A_18 = arith.constant 0 : i32
    %dma_start3A_19 = tpu.memref_slice %arg2[%mul3A_13, %dma_start3A_18] : memref<10240x32xf32, #tpu.memory_space<hbm>> -> memref<640x32xf32, #tpu.memory_space<hbm>>
    tpu.enqueue_dma source(%dma_start3A_19 : memref<640x32xf32, #tpu.memory_space<hbm>>) target(%dma_start3A_17 : memref<640x32xf32, #tpu.memory_space<vmem_shared>>) target_semaphore(%arg13 : memref<!tpu.dma_semaphore, #tpu.memory_space<semaphore_mem>>)
    %broadcast_in_dim3A = arith.constant 0.000000e+00 : f32
    %broadcast_in_dim3A_20 = vector.broadcast %broadcast_in_dim3A : f32 to vector<16xf32>
    %scan3A = arith.constant 0 : i32
    %scan3A_21 = arith.constant 0 : i32
    %scan3A_22 = arith.constant 128 : i32
    %scan3A_23 = arith.addi %scan3A_21, %scan3A_22 : i32
    %scan3A_24 = arith.constant 1 : i32
    %scan3A_25 = scf.for %scan3A_339 = %scan3A_21 to %scan3A_23 step %scan3A_24 iter_args(%scan3A_340 = %scan3A) -> (i32)  : i32 {
      %swap3A = arith.constant 0 : i32
      %swap3A_341 = arith.index_cast %swap3A : i32 to index
      %swap3A_342 = arith.index_cast %scan3A_339 : i32 to index
      %swap3A_343 = arith.constant 0 : index
      %swap3A_344 = tpu.vector_load %arg8[%swap3A_341, %swap3A_342, %swap3A_343] {strides = array<i32>} : memref<10x128x32xf32, #tpu.memory_space<vmem>>, vector<1x1x16xf32>,
      %swap3A_345 = vector.shape_cast %swap3A_344 : vector<1x1x16xf32> to vector<16xf32>
      %swap3A_346 = vector.shape_cast %broadcast_in_dim3A_20 : vector<16xf32> to vector<1x1x16xf32>
      tpu.vector_store %arg8[%swap3A_341, %swap3A_342, %swap3A_343], %swap3A_346 {strides = array<i32>} : memref<10x128x32xf32, #tpu.memory_space<vmem>>, vector<1x1x16xf32>,
      %swap3A_347 = arith.constant 0 : i32
      %swap3A_348 = arith.index_cast %swap3A_347 : i32 to index
      %swap3A_349 = arith.index_cast %scan3A_339 : i32 to index
      %swap3A_350 = arith.constant 16 : index
      %swap3A_351 = tpu.vector_load %arg8[%swap3A_348, %swap3A_349, %swap3A_350] {strides = array<i32>} : memref<10x128x32xf32, #tpu.memory_space<vmem>>, vector<1x1x16xf32>,
      %swap3A_352 = vector.shape_cast %swap3A_351 : vector<1x1x16xf32> to vector<16xf32>
      %swap3A_353 = vector.shape_cast %broadcast_in_dim3A_20 : vector<16xf32> to vector<1x1x16xf32>
      tpu.vector_store %arg8[%swap3A_348, %swap3A_349, %swap3A_350], %swap3A_353 {strides = array<i32>} : memref<10x128x32xf32, #tpu.memory_space<vmem>>, vector<1x1x16xf32>,
      %scan3A_354 = arith.constant 0 : i32
      scf.yield %scan3A_354 : i32
    }
    %scan3A_26 = arith.constant 128 : i32
    %dma_wait3A = arith.constant 0 : i32
    %dma_wait3A_27 = arith.constant 0 : i32
    %dma_wait3A_28 = tpu.memref_slice %arg3[%dma_wait3A, %dma_wait3A_27] : memref<2560x128xi32, #tpu.memory_space<hbm>> -> memref<80x128xi32, #tpu.memory_space<hbm>>
    %dma_wait3A_29 = arith.constant 0 : i32
    %dma_wait3A_30 = arith.constant 0 : i32
    %dma_wait3A_31 = tpu.memref_slice %arg3[%dma_wait3A_29, %dma_wait3A_30] : memref<2560x128xi32, #tpu.memory_space<hbm>> -> memref<80x128xi32, #tpu.memory_space<hbm>>
    tpu.wait_dma2 semaphore(%arg11 : memref<!tpu.dma_semaphore, #tpu.memory_space<semaphore_mem>>) src(%dma_wait3A_31 : memref<80x128xi32, #tpu.memory_space<hbm>>) dst(%arg6 : memref<80x128xi32, #tpu.memory_space<vmem>>)
    %dma_wait3A_32 = arith.constant 0 : i32
    %dma_wait3A_33 = arith.constant 0 : i32
    %dma_wait3A_34 = tpu.memref_slice %arg4[%dma_wait3A_32, %dma_wait3A_33] : memref<2560x128xi32, #tpu.memory_space<hbm>> -> memref<80x128xi32, #tpu.memory_space<hbm>>
    %dma_wait3A_35 = arith.constant 0 : i32
    %dma_wait3A_36 = arith.constant 0 : i32
    %dma_wait3A_37 = tpu.memref_slice %arg4[%dma_wait3A_35, %dma_wait3A_36] : memref<2560x128xi32, #tpu.memory_space<hbm>> -> memref<80x128xi32, #tpu.memory_space<hbm>>
    tpu.wait_dma2 semaphore(%arg12 : memref<!tpu.dma_semaphore, #tpu.memory_space<semaphore_mem>>) src(%dma_wait3A_37 : memref<80x128xi32, #tpu.memory_space<hbm>>) dst(%arg7 : memref<80x128xi32, #tpu.memory_space<vmem>>)
    %dma_wait3A_38 = arith.constant 0 : i32
    %dma_wait3A_39 = arith.constant 0 : i32
    %dma_wait3A_40 = tpu.memref_slice %arg10[%dma_wait3A_38, %dma_wait3A_39] : memref<10240x32xf32, #tpu.memory_space<vmem_shared>> -> memref<640x32xf32, #tpu.memory_space<vmem_shared>>
    %dma_wait3A_41 = arith.constant 0 : i32
    %dma_wait3A_42 = arith.constant 0 : i32
    %dma_wait3A_43 = tpu.memref_slice %arg2[%dma_wait3A_41, %dma_wait3A_42] : memref<10240x32xf32, #tpu.memory_space<hbm>> -> memref<640x32xf32, #tpu.memory_space<hbm>>
    tpu.wait_dma2 semaphore(%arg13 : memref<!tpu.dma_semaphore, #tpu.memory_space<semaphore_mem>>) src(%dma_wait3A_43 : memref<640x32xf32, #tpu.memory_space<hbm>>) dst(%dma_wait3A_40 : memref<640x32xf32, #tpu.memory_space<vmem_shared>>)
    %mul3A_44 = arith.constant 640 : i32
    %mul3A_45 = arith.muli %arg1, %mul3A_44 : i32
    %add3A_46 = arith.constant 0 : i32
    %add3A_47 = arith.addi %mul3A_45, %add3A_46 : i32
    %dma_start3A_48 = arith.constant 0 : i32
    %dma_start3A_49 = arith.constant 0 : i32
    %dma_start3A_50 = arith.constant 0 : i32
    %dma_start3A_51 = tpu.memref_slice %arg8[%dma_start3A_48, %dma_start3A_49, %dma_start3A_50] : memref<10x128x32xf32, #tpu.memory_space<vmem>> -> memref<1x128x32xf32, #tpu.memory_space<vmem>>
    %dma_start3A_52 = tpu.memref_squeeze %dma_start3A_51 : memref<1x128x32xf32, #tpu.memory_space<vmem>> -> memref<128x32xf32, #tpu.memory_space<vmem>>
    %dma_start3A_53 = arith.constant 0 : i32
    %dma_start3A_54 = tpu.memref_slice %arg9[%add3A_47, %dma_start3A_53] : memref<10240x32xf32, #tpu.memory_space<vmem_shared>> -> memref<128x32xf32, #tpu.memory_space<vmem_shared>>
    %dma_start3A_55 = arith.constant 0 : i32
    %dma_start3A_56 = tpu.memref_slice %arg9[%add3A_47, %dma_start3A_55] : memref<10240x32xf32, #tpu.memory_space<vmem_shared>> -> memref<128x32xf32, #tpu.memory_space<vmem_shared>>
    %dma_start3A_57 = arith.constant 0 : i32
    %dma_start3A_58 = arith.constant 0 : i32
    %dma_start3A_59 = tpu.memref_slice %arg8[%dma_start3A_48, %dma_start3A_57, %dma_start3A_58] : memref<10x128x32xf32, #tpu.memory_space<vmem>> -> memref<1x128x32xf32, #tpu.memory_space<vmem>>
    %dma_start3A_60 = tpu.memref_squeeze %dma_start3A_59 : memref<1x128x32xf32, #tpu.memory_space<vmem>> -> memref<128x32xf32, #tpu.memory_space<vmem>>
    tpu.enqueue_dma source(%dma_start3A_60 : memref<128x32xf32, #tpu.memory_space<vmem>>) target(%dma_start3A_56 : memref<128x32xf32, #tpu.memory_space<vmem_shared>>) target_semaphore(%arg21 : memref<!tpu.dma_semaphore, #tpu.memory_space<semaphore_mem>>)
    %mul3A_61 = arith.constant 640 : i32
    %mul3A_62 = arith.muli %arg1, %mul3A_61 : i32
    %add3A_63 = arith.constant 128 : i32
    %add3A_64 = arith.addi %mul3A_62, %add3A_63 : i32
    %dma_start3A_65 = arith.constant 0 : i32
    %dma_start3A_66 = arith.constant 0 : i32
    %dma_start3A_67 = arith.constant 0 : i32
    %dma_start3A_68 = tpu.memref_slice %arg8[%dma_start3A_65, %dma_start3A_66, %dma_start3A_67] : memref<10x128x32xf32, #tpu.memory_space<vmem>> -> memref<1x128x32xf32, #tpu.memory_space<vmem>>
    %dma_start3A_69 = tpu.memref_squeeze %dma_start3A_68 : memref<1x128x32xf32, #tpu.memory_space<vmem>> -> memref<128x32xf32, #tpu.memory_space<vmem>>
    %dma_start3A_70 = arith.constant 0 : i32
    %dma_start3A_71 = tpu.memref_slice %arg9[%add3A_64, %dma_start3A_70] : memref<10240x32xf32, #tpu.memory_space<vmem_shared>> -> memref<128x32xf32, #tpu.memory_space<vmem_shared>>
    %dma_start3A_72 = arith.constant 0 : i32
    %dma_start3A_73 = tpu.memref_slice %arg9[%add3A_64, %dma_start3A_72] : memref<10240x32xf32, #tpu.memory_space<vmem_shared>> -> memref<128x32xf32, #tpu.memory_space<vmem_shared>>
    %dma_start3A_74 = arith.constant 0 : i32
    %dma_start3A_75 = arith.constant 0 : i32
    %dma_start3A_76 = tpu.memref_slice %arg8[%dma_start3A_65, %dma_start3A_74, %dma_start3A_75] : memref<10x128x32xf32, #tpu.memory_space<vmem>> -> memref<1x128x32xf32, #tpu.memory_space<vmem>>
    %dma_start3A_77 = tpu.memref_squeeze %dma_start3A_76 : memref<1x128x32xf32, #tpu.memory_space<vmem>> -> memref<128x32xf32, #tpu.memory_space<vmem>>
    tpu.enqueue_dma source(%dma_start3A_77 : memref<128x32xf32, #tpu.memory_space<vmem>>) target(%dma_start3A_73 : memref<128x32xf32, #tpu.memory_space<vmem_shared>>) target_semaphore(%arg22 : memref<!tpu.dma_semaphore, #tpu.memory_space<semaphore_mem>>)
    %mul3A_78 = arith.constant 640 : i32
    %mul3A_79 = arith.muli %arg1, %mul3A_78 : i32
    %add3A_80 = arith.constant 256 : i32
    %add3A_81 = arith.addi %mul3A_79, %add3A_80 : i32
    %dma_start3A_82 = arith.constant 0 : i32
    %dma_start3A_83 = arith.constant 0 : i32
    %dma_start3A_84 = arith.constant 0 : i32
    %dma_start3A_85 = tpu.memref_slice %arg8[%dma_start3A_82, %dma_start3A_83, %dma_start3A_84] : memref<10x128x32xf32, #tpu.memory_space<vmem>> -> memref<1x128x32xf32, #tpu.memory_space<vmem>>
    %dma_start3A_86 = tpu.memref_squeeze %dma_start3A_85 : memref<1x128x32xf32, #tpu.memory_space<vmem>> -> memref<128x32xf32, #tpu.memory_space<vmem>>
    %dma_start3A_87 = arith.constant 0 : i32
    %dma_start3A_88 = tpu.memref_slice %arg9[%add3A_81, %dma_start3A_87] : memref<10240x32xf32, #tpu.memory_space<vmem_shared>> -> memref<128x32xf32, #tpu.memory_space<vmem_shared>>
    %dma_start3A_89 = arith.constant 0 : i32
    %dma_start3A_90 = tpu.memref_slice %arg9[%add3A_81, %dma_start3A_89] : memref<10240x32xf32, #tpu.memory_space<vmem_shared>> -> memref<128x32xf32, #tpu.memory_space<vmem_shared>>
    %dma_start3A_91 = arith.constant 0 : i32
    %dma_start3A_92 = arith.constant 0 : i32
    %dma_start3A_93 = tpu.memref_slice %arg8[%dma_start3A_82, %dma_start3A_91, %dma_start3A_92] : memref<10x128x32xf32, #tpu.memory_space<vmem>> -> memref<1x128x32xf32, #tpu.memory_space<vmem>>
    %dma_start3A_94 = tpu.memref_squeeze %dma_start3A_93 : memref<1x128x32xf32, #tpu.memory_space<vmem>> -> memref<128x32xf32, #tpu.memory_space<vmem>>
    tpu.enqueue_dma source(%dma_start3A_94 : memref<128x32xf32, #tpu.memory_space<vmem>>) target(%dma_start3A_90 : memref<128x32xf32, #tpu.memory_space<vmem_shared>>) target_semaphore(%arg23 : memref<!tpu.dma_semaphore, #tpu.memory_space<semaphore_mem>>)
    %mul3A_95 = arith.constant 640 : i32
    %mul3A_96 = arith.muli %arg1, %mul3A_95 : i32
    %add3A_97 = arith.constant 384 : i32
    %add3A_98 = arith.addi %mul3A_96, %add3A_97 : i32
    %dma_start3A_99 = arith.constant 0 : i32
    %dma_start3A_100 = arith.constant 0 : i32
    %dma_start3A_101 = arith.constant 0 : i32
    %dma_start3A_102 = tpu.memref_slice %arg8[%dma_start3A_99, %dma_start3A_100, %dma_start3A_101] : memref<10x128x32xf32, #tpu.memory_space<vmem>> -> memref<1x128x32xf32, #tpu.memory_space<vmem>>
    %dma_start3A_103 = tpu.memref_squeeze %dma_start3A_102 : memref<1x128x32xf32, #tpu.memory_space<vmem>> -> memref<128x32xf32, #tpu.memory_space<vmem>>
    %dma_start3A_104 = arith.constant 0 : i32
    %dma_start3A_105 = tpu.memref_slice %arg9[%add3A_98, %dma_start3A_104] : memref<10240x32xf32, #tpu.memory_space<vmem_shared>> -> memref<128x32xf32, #tpu.memory_space<vmem_shared>>
    %dma_start3A_106 = arith.constant 0 : i32
    %dma_start3A_107 = tpu.memref_slice %arg9[%add3A_98, %dma_start3A_106] : memref<10240x32xf32, #tpu.memory_space<vmem_shared>> -> memref<128x32xf32, #tpu.memory_space<vmem_shared>>
    %dma_start3A_108 = arith.constant 0 : i32
    %dma_start3A_109 = arith.constant 0 : i32
    %dma_start3A_110 = tpu.memref_slice %arg8[%dma_start3A_99, %dma_start3A_108, %dma_start3A_109] : memref<10x128x32xf32, #tpu.memory_space<vmem>> -> memref<1x128x32xf32, #tpu.memory_space<vmem>>
    %dma_start3A_111 = tpu.memref_squeeze %dma_start3A_110 : memref<1x128x32xf32, #tpu.memory_space<vmem>> -> memref<128x32xf32, #tpu.memory_space<vmem>>
    tpu.enqueue_dma source(%dma_start3A_111 : memref<128x32xf32, #tpu.memory_space<vmem>>) target(%dma_start3A_107 : memref<128x32xf32, #tpu.memory_space<vmem_shared>>) target_semaphore(%arg24 : memref<!tpu.dma_semaphore, #tpu.memory_space<semaphore_mem>>)
    %mul3A_112 = arith.constant 640 : i32
    %mul3A_113 = arith.muli %arg1, %mul3A_112 : i32
    %add3A_114 = arith.constant 512 : i32
    %add3A_115 = arith.addi %mul3A_113, %add3A_114 : i32
    %dma_start3A_116 = arith.constant 0 : i32
    %dma_start3A_117 = arith.constant 0 : i32
    %dma_start3A_118 = arith.constant 0 : i32
    %dma_start3A_119 = tpu.memref_slice %arg8[%dma_start3A_116, %dma_start3A_117, %dma_start3A_118] : memref<10x128x32xf32, #tpu.memory_space<vmem>> -> memref<1x128x32xf32, #tpu.memory_space<vmem>>
    %dma_start3A_120 = tpu.memref_squeeze %dma_start3A_119 : memref<1x128x32xf32, #tpu.memory_space<vmem>> -> memref<128x32xf32, #tpu.memory_space<vmem>>
    %dma_start3A_121 = arith.constant 0 : i32
    %dma_start3A_122 = tpu.memref_slice %arg9[%add3A_115, %dma_start3A_121] : memref<10240x32xf32, #tpu.memory_space<vmem_shared>> -> memref<128x32xf32, #tpu.memory_space<vmem_shared>>
    %dma_start3A_123 = arith.constant 0 : i32
    %dma_start3A_124 = tpu.memref_slice %arg9[%add3A_115, %dma_start3A_123] : memref<10240x32xf32, #tpu.memory_space<vmem_shared>> -> memref<128x32xf32, #tpu.memory_space<vmem_shared>>
    %dma_start3A_125 = arith.constant 0 : i32
    %dma_start3A_126 = arith.constant 0 : i32
    %dma_start3A_127 = tpu.memref_slice %arg8[%dma_start3A_116, %dma_start3A_125, %dma_start3A_126] : memref<10x128x32xf32, #tpu.memory_space<vmem>> -> memref<1x128x32xf32, #tpu.memory_space<vmem>>
    %dma_start3A_128 = tpu.memref_squeeze %dma_start3A_127 : memref<1x128x32xf32, #tpu.memory_space<vmem>> -> memref<128x32xf32, #tpu.memory_space<vmem>>
    tpu.enqueue_dma source(%dma_start3A_128 : memref<128x32xf32, #tpu.memory_space<vmem>>) target(%dma_start3A_124 : memref<128x32xf32, #tpu.memory_space<vmem_shared>>) target_semaphore(%arg25 : memref<!tpu.dma_semaphore, #tpu.memory_space<semaphore_mem>>)
    %dma_wait3A_129 = arith.constant 0 : i32
    %dma_wait3A_130 = arith.constant 0 : i32
    %dma_wait3A_131 = arith.constant 0 : i32
    %dma_wait3A_132 = tpu.memref_slice %arg8[%dma_wait3A_129, %dma_wait3A_130, %dma_wait3A_131] : memref<10x128x32xf32, #tpu.memory_space<vmem>> -> memref<1x128x32xf32, #tpu.memory_space<vmem>>
    %dma_wait3A_133 = tpu.memref_squeeze %dma_wait3A_132 : memref<1x128x32xf32, #tpu.memory_space<vmem>> -> memref<128x32xf32, #tpu.memory_space<vmem>>
    %dma_wait3A_134 = arith.constant 0 : i32
    %dma_wait3A_135 = arith.constant 0 : i32
    %dma_wait3A_136 = tpu.memref_slice %arg9[%dma_wait3A_134, %dma_wait3A_135] : memref<10240x32xf32, #tpu.memory_space<vmem_shared>> -> memref<128x32xf32, #tpu.memory_space<vmem_shared>>
    %dma_wait3A_137 = arith.constant 0 : i32
    %dma_wait3A_138 = arith.constant 0 : i32
    %dma_wait3A_139 = tpu.memref_slice %arg9[%dma_wait3A_137, %dma_wait3A_138] : memref<10240x32xf32, #tpu.memory_space<vmem_shared>> -> memref<128x32xf32, #tpu.memory_space<vmem_shared>>
    %dma_wait3A_140 = arith.constant 0 : i32
    %dma_wait3A_141 = arith.constant 0 : i32
    %dma_wait3A_142 = tpu.memref_slice %arg8[%dma_wait3A_129, %dma_wait3A_140, %dma_wait3A_141] : memref<10x128x32xf32, #tpu.memory_space<vmem>> -> memref<1x128x32xf32, #tpu.memory_space<vmem>>
    %dma_wait3A_143 = tpu.memref_squeeze %dma_wait3A_142 : memref<1x128x32xf32, #tpu.memory_space<vmem>> -> memref<128x32xf32, #tpu.memory_space<vmem>>
    tpu.wait_dma2 semaphore(%arg21 : memref<!tpu.dma_semaphore, #tpu.memory_space<semaphore_mem>>) src(%dma_wait3A_143 : memref<128x32xf32, #tpu.memory_space<vmem>>) dst(%dma_wait3A_139 : memref<128x32xf32, #tpu.memory_space<vmem_shared>>)
    %dma_wait3A_144 = arith.constant 0 : i32
    %dma_wait3A_145 = arith.constant 0 : i32
    %dma_wait3A_146 = arith.constant 0 : i32
    %dma_wait3A_147 = tpu.memref_slice %arg8[%dma_wait3A_144, %dma_wait3A_145, %dma_wait3A_146] : memref<10x128x32xf32, #tpu.memory_space<vmem>> -> memref<1x128x32xf32, #tpu.memory_space<vmem>>
    %dma_wait3A_148 = tpu.memref_squeeze %dma_wait3A_147 : memref<1x128x32xf32, #tpu.memory_space<vmem>> -> memref<128x32xf32, #tpu.memory_space<vmem>>
    %dma_wait3A_149 = arith.constant 0 : i32
    %dma_wait3A_150 = arith.constant 0 : i32
    %dma_wait3A_151 = tpu.memref_slice %arg9[%dma_wait3A_149, %dma_wait3A_150] : memref<10240x32xf32, #tpu.memory_space<vmem_shared>> -> memref<128x32xf32, #tpu.memory_space<vmem_shared>>
    %dma_wait3A_152 = arith.constant 0 : i32
    %dma_wait3A_153 = arith.constant 0 : i32
    %dma_wait3A_154 = tpu.memref_slice %arg9[%dma_wait3A_152, %dma_wait3A_153] : memref<10240x32xf32, #tpu.memory_space<vmem_shared>> -> memref<128x32xf32, #tpu.memory_space<vmem_shared>>
    %dma_wait3A_155 = arith.constant 0 : i32
    %dma_wait3A_156 = arith.constant 0 : i32
    %dma_wait3A_157 = tpu.memref_slice %arg8[%dma_wait3A_144, %dma_wait3A_155, %dma_wait3A_156] : memref<10x128x32xf32, #tpu.memory_space<vmem>> -> memref<1x128x32xf32, #tpu.memory_space<vmem>>
    %dma_wait3A_158 = tpu.memref_squeeze %dma_wait3A_157 : memref<1x128x32xf32, #tpu.memory_space<vmem>> -> memref<128x32xf32, #tpu.memory_space<vmem>>
    tpu.wait_dma2 semaphore(%arg22 : memref<!tpu.dma_semaphore, #tpu.memory_space<semaphore_mem>>) src(%dma_wait3A_158 : memref<128x32xf32, #tpu.memory_space<vmem>>) dst(%dma_wait3A_154 : memref<128x32xf32, #tpu.memory_space<vmem_shared>>)
    %dma_wait3A_159 = arith.constant 0 : i32
    %dma_wait3A_160 = arith.constant 0 : i32
    %dma_wait3A_161 = arith.constant 0 : i32
    %dma_wait3A_162 = tpu.memref_slice %arg8[%dma_wait3A_159, %dma_wait3A_160, %dma_wait3A_161] : memref<10x128x32xf32, #tpu.memory_space<vmem>> -> memref<1x128x32xf32, #tpu.memory_space<vmem>>
    %dma_wait3A_163 = tpu.memref_squeeze %dma_wait3A_162 : memref<1x128x32xf32, #tpu.memory_space<vmem>> -> memref<128x32xf32, #tpu.memory_space<vmem>>
    %dma_wait3A_164 = arith.constant 0 : i32
    %dma_wait3A_165 = arith.constant 0 : i32
    %dma_wait3A_166 = tpu.memref_slice %arg9[%dma_wait3A_164, %dma_wait3A_165] : memref<10240x32xf32, #tpu.memory_space<vmem_shared>> -> memref<128x32xf32, #tpu.memory_space<vmem_shared>>
    %dma_wait3A_167 = arith.constant 0 : i32
    %dma_wait3A_168 = arith.constant 0 : i32
    %dma_wait3A_169 = tpu.memref_slice %arg9[%dma_wait3A_167, %dma_wait3A_168] : memref<10240x32xf32, #tpu.memory_space<vmem_shared>> -> memref<128x32xf32, #tpu.memory_space<vmem_shared>>
    %dma_wait3A_170 = arith.constant 0 : i32
    %dma_wait3A_171 = arith.constant 0 : i32
    %dma_wait3A_172 = tpu.memref_slice %arg8[%dma_wait3A_159, %dma_wait3A_170, %dma_wait3A_171] : memref<10x128x32xf32, #tpu.memory_space<vmem>> -> memref<1x128x32xf32, #tpu.memory_space<vmem>>
    %dma_wait3A_173 = tpu.memref_squeeze %dma_wait3A_172 : memref<1x128x32xf32, #tpu.memory_space<vmem>> -> memref<128x32xf32, #tpu.memory_space<vmem>>
    tpu.wait_dma2 semaphore(%arg23 : memref<!tpu.dma_semaphore, #tpu.memory_space<semaphore_mem>>) src(%dma_wait3A_173 : memref<128x32xf32, #tpu.memory_space<vmem>>) dst(%dma_wait3A_169 : memref<128x32xf32, #tpu.memory_space<vmem_shared>>)
    %dma_wait3A_174 = arith.constant 0 : i32
    %dma_wait3A_175 = arith.constant 0 : i32
    %dma_wait3A_176 = arith.constant 0 : i32
    %dma_wait3A_177 = tpu.memref_slice %arg8[%dma_wait3A_174, %dma_wait3A_175, %dma_wait3A_176] : memref<10x128x32xf32, #tpu.memory_space<vmem>> -> memref<1x128x32xf32, #tpu.memory_space<vmem>>
    %dma_wait3A_178 = tpu.memref_squeeze %dma_wait3A_177 : memref<1x128x32xf32, #tpu.memory_space<vmem>> -> memref<128x32xf32, #tpu.memory_space<vmem>>
    %dma_wait3A_179 = arith.constant 0 : i32
    %dma_wait3A_180 = arith.constant 0 : i32
    %dma_wait3A_181 = tpu.memref_slice %arg9[%dma_wait3A_179, %dma_wait3A_180] : memref<10240x32xf32, #tpu.memory_space<vmem_shared>> -> memref<128x32xf32, #tpu.memory_space<vmem_shared>>
    %dma_wait3A_182 = arith.constant 0 : i32
    %dma_wait3A_183 = arith.constant 0 : i32
    %dma_wait3A_184 = tpu.memref_slice %arg9[%dma_wait3A_182, %dma_wait3A_183] : memref<10240x32xf32, #tpu.memory_space<vmem_shared>> -> memref<128x32xf32, #tpu.memory_space<vmem_shared>>
    %dma_wait3A_185 = arith.constant 0 : i32
    %dma_wait3A_186 = arith.constant 0 : i32
    %dma_wait3A_187 = tpu.memref_slice %arg8[%dma_wait3A_174, %dma_wait3A_185, %dma_wait3A_186] : memref<10x128x32xf32, #tpu.memory_space<vmem>> -> memref<1x128x32xf32, #tpu.memory_space<vmem>>
    %dma_wait3A_188 = tpu.memref_squeeze %dma_wait3A_187 : memref<1x128x32xf32, #tpu.memory_space<vmem>> -> memref<128x32xf32, #tpu.memory_space<vmem>>
    tpu.wait_dma2 semaphore(%arg24 : memref<!tpu.dma_semaphore, #tpu.memory_space<semaphore_mem>>) src(%dma_wait3A_188 : memref<128x32xf32, #tpu.memory_space<vmem>>) dst(%dma_wait3A_184 : memref<128x32xf32, #tpu.memory_space<vmem_shared>>)
    %dma_wait3A_189 = arith.constant 0 : i32
    %dma_wait3A_190 = arith.constant 0 : i32
    %dma_wait3A_191 = arith.constant 0 : i32
    %dma_wait3A_192 = tpu.memref_slice %arg8[%dma_wait3A_189, %dma_wait3A_190, %dma_wait3A_191] : memref<10x128x32xf32, #tpu.memory_space<vmem>> -> memref<1x128x32xf32, #tpu.memory_space<vmem>>
    %dma_wait3A_193 = tpu.memref_squeeze %dma_wait3A_192 : memref<1x128x32xf32, #tpu.memory_space<vmem>> -> memref<128x32xf32, #tpu.memory_space<vmem>>
    %dma_wait3A_194 = arith.constant 0 : i32
    %dma_wait3A_195 = arith.constant 0 : i32
    %dma_wait3A_196 = tpu.memref_slice %arg9[%dma_wait3A_194, %dma_wait3A_195] : memref<10240x32xf32, #tpu.memory_space<vmem_shared>> -> memref<128x32xf32, #tpu.memory_space<vmem_shared>>
    %dma_wait3A_197 = arith.constant 0 : i32
    %dma_wait3A_198 = arith.constant 0 : i32
    %dma_wait3A_199 = tpu.memref_slice %arg9[%dma_wait3A_197, %dma_wait3A_198] : memref<10240x32xf32, #tpu.memory_space<vmem_shared>> -> memref<128x32xf32, #tpu.memory_space<vmem_shared>>
    %dma_wait3A_200 = arith.constant 0 : i32
    %dma_wait3A_201 = arith.constant 0 : i32
    %dma_wait3A_202 = tpu.memref_slice %arg8[%dma_wait3A_189, %dma_wait3A_200, %dma_wait3A_201] : memref<10x128x32xf32, #tpu.memory_space<vmem>> -> memref<1x128x32xf32, #tpu.memory_space<vmem>>
    %dma_wait3A_203 = tpu.memref_squeeze %dma_wait3A_202 : memref<1x128x32xf32, #tpu.memory_space<vmem>> -> memref<128x32xf32, #tpu.memory_space<vmem>>
    tpu.wait_dma2 semaphore(%arg25 : memref<!tpu.dma_semaphore, #tpu.memory_space<semaphore_mem>>) src(%dma_wait3A_203 : memref<128x32xf32, #tpu.memory_space<vmem>>) dst(%dma_wait3A_199 : memref<128x32xf32, #tpu.memory_space<vmem_shared>>)
    %barrier3A = arith.constant 0 : index
    tpu.barrier barrier_id(%barrier3A)
    %dma_start3A_204 = arith.constant 0 : i32
    %dma_start3A_205 = arith.constant 0 : i32
    %dma_start3A_206 = arith.constant 0 : i32
    %dma_start3A_207 = arith.constant 0 : i32
    %dma_start3A_208 = tpu.memref_slice %arg8[%dma_start3A_205, %dma_start3A_206, %dma_start3A_207] : memref<10x128x32xf32, #tpu.memory_space<vmem>> -> memref<1x128x32xf32, #tpu.memory_space<vmem>>
    %dma_start3A_209 = tpu.memref_squeeze %dma_start3A_208 : memref<1x128x32xf32, #tpu.memory_space<vmem>> -> memref<128x32xf32, #tpu.memory_space<vmem>>
    %dma_start3A_210 = arith.constant 0 : i32
    %dma_start3A_211 = tpu.memref_slice %arg6[%dma_start3A_204, %dma_start3A_210] : memref<80x128xi32, #tpu.memory_space<vmem>> -> memref<1x128xi32, #tpu.memory_space<vmem>>
    %dma_start3A_212 = tpu.memref_squeeze %dma_start3A_211 : memref<1x128xi32, #tpu.memory_space<vmem>> -> memref<128xi32, #tpu.memory_space<vmem>>
    %dma_start3A_213 = arith.constant 0 : i32
    %dma_start3A_214 = arith.constant 0 : i32
    %dma_start3A_215 = tpu.memref_slice %arg10[%dma_start3A_213, %dma_start3A_214] : memref<10240x32xf32, #tpu.memory_space<vmem_shared>> -> memref<10240x32xf32, #tpu.memory_space<vmem_shared>>
    tpu.enqueue_indirect_dma source(%dma_start3A_215 : memref<10240x32xf32, #tpu.memory_space<vmem_shared>>) target(%dma_start3A_209 : memref<128x32xf32, #tpu.memory_space<vmem>>) offsets(%dma_start3A_212 : memref<128xi32, #tpu.memory_space<vmem>>) semaphore(%arg11 : memref<!tpu.dma_semaphore, #tpu.memory_space<semaphore_mem>>)
    %dma_start3A_216 = arith.constant 1 : i32
    %dma_start3A_217 = arith.constant 1 : i32
    %dma_start3A_218 = arith.constant 0 : i32
    %dma_start3A_219 = arith.constant 0 : i32
    %dma_start3A_220 = tpu.memref_slice %arg8[%dma_start3A_217, %dma_start3A_218, %dma_start3A_219] : memref<10x128x32xf32, #tpu.memory_space<vmem>> -> memref<1x128x32xf32, #tpu.memory_space<vmem>>
    %dma_start3A_221 = tpu.memref_squeeze %dma_start3A_220 : memref<1x128x32xf32, #tpu.memory_space<vmem>> -> memref<128x32xf32, #tpu.memory_space<vmem>>
    %dma_start3A_222 = arith.constant 0 : i32
    %dma_start3A_223 = tpu.memref_slice %arg6[%dma_start3A_216, %dma_start3A_222] : memref<80x128xi32, #tpu.memory_space<vmem>> -> memref<1x128xi32, #tpu.memory_space<vmem>>
    %dma_start3A_224 = tpu.memref_squeeze %dma_start3A_223 : memref<1x128xi32, #tpu.memory_space<vmem>> -> memref<128xi32, #tpu.memory_space<vmem>>
    %dma_start3A_225 = arith.constant 0 : i32
    %dma_start3A_226 = arith.constant 0 : i32
    %dma_start3A_227 = tpu.memref_slice %arg10[%dma_start3A_225, %dma_start3A_226] : memref<10240x32xf32, #tpu.memory_space<vmem_shared>> -> memref<10240x32xf32, #tpu.memory_space<vmem_shared>>
    tpu.enqueue_indirect_dma source(%dma_start3A_227 : memref<10240x32xf32, #tpu.memory_space<vmem_shared>>) target(%dma_start3A_221 : memref<128x32xf32, #tpu.memory_space<vmem>>) offsets(%dma_start3A_224 : memref<128xi32, #tpu.memory_space<vmem>>) semaphore(%arg12 : memref<!tpu.dma_semaphore, #tpu.memory_space<semaphore_mem>>)
    %dma_start3A_228 = arith.constant 2 : i32
    %dma_start3A_229 = arith.constant 2 : i32
    %dma_start3A_230 = arith.constant 0 : i32
    %dma_start3A_231 = arith.constant 0 : i32
    %dma_start3A_232 = tpu.memref_slice %arg8[%dma_start3A_229, %dma_start3A_230, %dma_start3A_231] : memref<10x128x32xf32, #tpu.memory_space<vmem>> -> memref<1x128x32xf32, #tpu.memory_space<vmem>>
    %dma_start3A_233 = tpu.memref_squeeze %dma_start3A_232 : memref<1x128x32xf32, #tpu.memory_space<vmem>> -> memref<128x32xf32, #tpu.memory_space<vmem>>
    %dma_start3A_234 = arith.constant 0 : i32
    %dma_start3A_235 = tpu.memref_slice %arg6[%dma_start3A_228, %dma_start3A_234] : memref<80x128xi32, #tpu.memory_space<vmem>> -> memref<1x128xi32, #tpu.memory_space<vmem>>
    %dma_start3A_236 = tpu.memref_squeeze %dma_start3A_235 : memref<1x128xi32, #tpu.memory_space<vmem>> -> memref<128xi32, #tpu.memory_space<vmem>>
    %dma_start3A_237 = arith.constant 0 : i32
    %dma_start3A_238 = arith.constant 0 : i32
    %dma_start3A_239 = tpu.memref_slice %arg10[%dma_start3A_237, %dma_start3A_238] : memref<10240x32xf32, #tpu.memory_space<vmem_shared>> -> memref<10240x32xf32, #tpu.memory_space<vmem_shared>>
    tpu.enqueue_indirect_dma source(%dma_start3A_239 : memref<10240x32xf32, #tpu.memory_space<vmem_shared>>) target(%dma_start3A_233 : memref<128x32xf32, #tpu.memory_space<vmem>>) offsets(%dma_start3A_236 : memref<128xi32, #tpu.memory_space<vmem>>) semaphore(%arg13 : memref<!tpu.dma_semaphore, #tpu.memory_space<semaphore_mem>>)
    %dma_start3A_240 = arith.constant 3 : i32
    %dma_start3A_241 = arith.constant 3 : i32
    %dma_start3A_242 = arith.constant 0 : i32
    %dma_start3A_243 = arith.constant 0 : i32
    %dma_start3A_244 = tpu.memref_slice %arg8[%dma_start3A_241, %dma_start3A_242, %dma_start3A_243] : memref<10x128x32xf32, #tpu.memory_space<vmem>> -> memref<1x128x32xf32, #tpu.memory_space<vmem>>
    %dma_start3A_245 = tpu.memref_squeeze %dma_start3A_244 : memref<1x128x32xf32, #tpu.memory_space<vmem>> -> memref<128x32xf32, #tpu.memory_space<vmem>>
    %dma_start3A_246 = arith.constant 0 : i32
    %dma_start3A_247 = tpu.memref_slice %arg6[%dma_start3A_240, %dma_start3A_246] : memref<80x128xi32, #tpu.memory_space<vmem>> -> memref<1x128xi32, #tpu.memory_space<vmem>>
    %dma_start3A_248 = tpu.memref_squeeze %dma_start3A_247 : memref<1x128xi32, #tpu.memory_space<vmem>> -> memref<128xi32, #tpu.memory_space<vmem>>
    %dma_start3A_249 = arith.constant 0 : i32
    %dma_start3A_250 = arith.constant 0 : i32
    %dma_start3A_251 = tpu.memref_slice %arg10[%dma_start3A_249, %dma_start3A_250] : memref<10240x32xf32, #tpu.memory_space<vmem_shared>> -> memref<10240x32xf32, #tpu.memory_space<vmem_shared>>
    tpu.enqueue_indirect_dma source(%dma_start3A_251 : memref<10240x32xf32, #tpu.memory_space<vmem_shared>>) target(%dma_start3A_245 : memref<128x32xf32, #tpu.memory_space<vmem>>) offsets(%dma_start3A_248 : memref<128xi32, #tpu.memory_space<vmem>>) semaphore(%arg14 : memref<!tpu.dma_semaphore, #tpu.memory_space<semaphore_mem>>)
    %dma_start3A_252 = arith.constant 4 : i32
    %dma_start3A_253 = arith.constant 4 : i32
    %dma_start3A_254 = arith.constant 0 : i32
    %dma_start3A_255 = arith.constant 0 : i32
    %dma_start3A_256 = tpu.memref_slice %arg8[%dma_start3A_253, %dma_start3A_254, %dma_start3A_255] : memref<10x128x32xf32, #tpu.memory_space<vmem>> -> memref<1x128x32xf32, #tpu.memory_space<vmem>>
    %dma_start3A_257 = tpu.memref_squeeze %dma_start3A_256 : memref<1x128x32xf32, #tpu.memory_space<vmem>> -> memref<128x32xf32, #tpu.memory_space<vmem>>
    %dma_start3A_258 = arith.constant 0 : i32
    %dma_start3A_259 = tpu.memref_slice %arg6[%dma_start3A_252, %dma_start3A_258] : memref<80x128xi32, #tpu.memory_space<vmem>> -> memref<1x128xi32, #tpu.memory_space<vmem>>
    %dma_start3A_260 = tpu.memref_squeeze %dma_start3A_259 : memref<1x128xi32, #tpu.memory_space<vmem>> -> memref<128xi32, #tpu.memory_space<vmem>>
    %dma_start3A_261 = arith.constant 0 : i32
    %dma_start3A_262 = arith.constant 0 : i32
    %dma_start3A_263 = tpu.memref_slice %arg10[%dma_start3A_261, %dma_start3A_262] : memref<10240x32xf32, #tpu.memory_space<vmem_shared>> -> memref<10240x32xf32, #tpu.memory_space<vmem_shared>>
    tpu.enqueue_indirect_dma source(%dma_start3A_263 : memref<10240x32xf32, #tpu.memory_space<vmem_shared>>) target(%dma_start3A_257 : memref<128x32xf32, #tpu.memory_space<vmem>>) offsets(%dma_start3A_260 : memref<128xi32, #tpu.memory_space<vmem>>) semaphore(%arg15 : memref<!tpu.dma_semaphore, #tpu.memory_space<semaphore_mem>>)
    %dma_start3A_264 = arith.constant 5 : i32
    %dma_start3A_265 = arith.constant 5 : i32
    %dma_start3A_266 = arith.constant 0 : i32
    %dma_start3A_267 = arith.constant 0 : i32
    %dma_start3A_268 = tpu.memref_slice %arg8[%dma_start3A_265, %dma_start3A_266, %dma_start3A_267] : memref<10x128x32xf32, #tpu.memory_space<vmem>> -> memref<1x128x32xf32, #tpu.memory_space<vmem>>
    %dma_start3A_269 = tpu.memref_squeeze %dma_start3A_268 : memref<1x128x32xf32, #tpu.memory_space<vmem>> -> memref<128x32xf32, #tpu.memory_space<vmem>>
    %dma_start3A_270 = arith.constant 0 : i32
    %dma_start3A_271 = tpu.memref_slice %arg6[%dma_start3A_264, %dma_start3A_270] : memref<80x128xi32, #tpu.memory_space<vmem>> -> memref<1x128xi32, #tpu.memory_space<vmem>>
    %dma_start3A_272 = tpu.memref_squeeze %dma_start3A_271 : memref<1x128xi32, #tpu.memory_space<vmem>> -> memref<128xi32, #tpu.memory_space<vmem>>
    %dma_start3A_273 = arith.constant 0 : i32
    %dma_start3A_274 = arith.constant 0 : i32
    %dma_start3A_275 = tpu.memref_slice %arg10[%dma_start3A_273, %dma_start3A_274] : memref<10240x32xf32, #tpu.memory_space<vmem_shared>> -> memref<10240x32xf32, #tpu.memory_space<vmem_shared>>
    tpu.enqueue_indirect_dma source(%dma_start3A_275 : memref<10240x32xf32, #tpu.memory_space<vmem_shared>>) target(%dma_start3A_269 : memref<128x32xf32, #tpu.memory_space<vmem>>) offsets(%dma_start3A_272 : memref<128xi32, #tpu.memory_space<vmem>>) semaphore(%arg16 : memref<!tpu.dma_semaphore, #tpu.memory_space<semaphore_mem>>)
    %dma_start3A_276 = arith.constant 6 : i32
    %dma_start3A_277 = arith.constant 6 : i32
    %dma_start3A_278 = arith.constant 0 : i32
    %dma_start3A_279 = arith.constant 0 : i32
    %dma_start3A_280 = tpu.memref_slice %arg8[%dma_start3A_277, %dma_start3A_278, %dma_start3A_279] : memref<10x128x32xf32, #tpu.memory_space<vmem>> -> memref<1x128x32xf32, #tpu.memory_space<vmem>>
    %dma_start3A_281 = tpu.memref_squeeze %dma_start3A_280 : memref<1x128x32xf32, #tpu.memory_space<vmem>> -> memref<128x32xf32, #tpu.memory_space<vmem>>
    %dma_start3A_282 = arith.constant 0 : i32
    %dma_start3A_283 = tpu.memref_slice %arg6[%dma_start3A_276, %dma_start3A_282] : memref<80x128xi32, #tpu.memory_space<vmem>> -> memref<1x128xi32, #tpu.memory_space<vmem>>
    %dma_start3A_284 = tpu.memref_squeeze %dma_start3A_283 : memref<1x128xi32, #tpu.memory_space<vmem>> -> memref<128xi32, #tpu.memory_space<vmem>>
    %dma_start3A_285 = arith.constant 0 : i32
    %dma_start3A_286 = arith.constant 0 : i32
    %dma_start3A_287 = tpu.memref_slice %arg10[%dma_start3A_285, %dma_start3A_286] : memref<10240x32xf32, #tpu.memory_space<vmem_shared>> -> memref<10240x32xf32, #tpu.memory_space<vmem_shared>>
    tpu.enqueue_indirect_dma source(%dma_start3A_287 : memref<10240x32xf32, #tpu.memory_space<vmem_shared>>) target(%dma_start3A_281 : memref<128x32xf32, #tpu.memory_space<vmem>>) offsets(%dma_start3A_284 : memref<128xi32, #tpu.memory_space<vmem>>) semaphore(%arg17 : memref<!tpu.dma_semaphore, #tpu.memory_space<semaphore_mem>>)
    %scan3A_288 = arith.constant 0 : i32
    %scan3A_289 = arith.constant 0 : i32
    %scan3A_290 = arith.constant 8 : i32
    %scan3A_291 = arith.addi %scan3A_289, %scan3A_290 : i32
    %scan3A_292 = arith.constant 1 : i32
    %scan3A_293 = scf.for %scan3A_339 = %scan3A_289 to %scan3A_291 step %scan3A_292 iter_args(%scan3A_340 = %scan3A_288) -> (i32)  : i32 {
      %mul3A_341 = arith.constant 10 : i32
      %mul3A_342 = arith.muli %scan3A_339, %mul3A_341 : i32
      %add3A_343 = arith.constant 0 : i32
      %add3A_344 = arith.addi %mul3A_342, %add3A_343 : i32
      %gt3A = arith.constant 0 : i32
      %gt3A_345 = arith.cmpi sgt, %scan3A_339, %gt3A : i32
      %convert_element_type3A = arith.extui %gt3A_345 : i1 to i32
      %cond3A = arith.constant 0 : i32
      %cond3A_346 = arith.cmpi ne, %convert_element_type3A, %cond3A : i32
      scf.if %cond3A_346 {
        %dma_wait3A_795 = arith.constant 7 : i32
        %dma_wait3A_796 = arith.constant 0 : i32
        %dma_wait3A_797 = arith.constant 0 : i32
        %dma_wait3A_798 = arith.constant 0 : i32
        %dma_wait3A_799 = tpu.memref_slice %arg8[%dma_wait3A_795, %dma_wait3A_797, %dma_wait3A_798] : memref<10x128x32xf32, #tpu.memory_space<vmem>> -> memref<1x128x32xf32, #tpu.memory_space<vmem>>
        %dma_wait3A_800 = tpu.memref_squeeze %dma_wait3A_799 : memref<1x128x32xf32, #tpu.memory_space<vmem>> -> memref<128x32xf32, #tpu.memory_space<vmem>>
        %dma_wait3A_801 = arith.constant 0 : i32
        %dma_wait3A_802 = tpu.memref_slice %arg7[%dma_wait3A_796, %dma_wait3A_801] : memref<80x128xi32, #tpu.memory_space<vmem>> -> memref<1x128xi32, #tpu.memory_space<vmem>>
        %dma_wait3A_803 = tpu.memref_squeeze %dma_wait3A_802 : memref<1x128xi32, #tpu.memory_space<vmem>> -> memref<128xi32, #tpu.memory_space<vmem>>
        %dma_wait3A_804 = arith.constant 0 : i32
        %dma_wait3A_805 = arith.constant 0 : i32
        %dma_wait3A_806 = tpu.memref_slice %arg9[%dma_wait3A_804, %dma_wait3A_805] : memref<10240x32xf32, #tpu.memory_space<vmem_shared>> -> memref<10240x32xf32, #tpu.memory_space<vmem_shared>>
        tpu.wait_indirect_dma semaphore(%arg28 : memref<!tpu.dma_semaphore, #tpu.memory_space<semaphore_mem>>) src(%dma_wait3A_800 : memref<128x32xf32, #tpu.memory_space<vmem>>) dst(%dma_wait3A_806 : memref<10240x32xf32, #tpu.memory_space<vmem_shared>>)
      } else {
      }
      %add3A_347 = arith.constant 7 : i32
      %add3A_348 = arith.addi %add3A_344, %add3A_347 : i32
      %dma_start3A_349 = arith.constant 7 : i32
      %dma_start3A_350 = arith.constant 0 : i32
      %dma_start3A_351 = arith.constant 0 : i32
      %dma_start3A_352 = tpu.memref_slice %arg8[%dma_start3A_349, %dma_start3A_350, %dma_start3A_351] : memref<10x128x32xf32, #tpu.memory_space<vmem>> -> memref<1x128x32xf32, #tpu.memory_space<vmem>>
      %dma_start3A_353 = tpu.memref_squeeze %dma_start3A_352 : memref<1x128x32xf32, #tpu.memory_space<vmem>> -> memref<128x32xf32, #tpu.memory_space<vmem>>
      %dma_start3A_354 = arith.constant 0 : i32
      %dma_start3A_355 = tpu.memref_slice %arg6[%add3A_348, %dma_start3A_354] : memref<80x128xi32, #tpu.memory_space<vmem>> -> memref<1x128xi32, #tpu.memory_space<vmem>>
      %dma_start3A_356 = tpu.memref_squeeze %dma_start3A_355 : memref<1x128xi32, #tpu.memory_space<vmem>> -> memref<128xi32, #tpu.memory_space<vmem>>
      %dma_start3A_357 = arith.constant 0 : i32
      %dma_start3A_358 = arith.constant 0 : i32
      %dma_start3A_359 = tpu.memref_slice %arg10[%dma_start3A_357, %dma_start3A_358] : memref<10240x32xf32, #tpu.memory_space<vmem_shared>> -> memref<10240x32xf32, #tpu.memory_space<vmem_shared>>
      tpu.enqueue_indirect_dma source(%dma_start3A_359 : memref<10240x32xf32, #tpu.memory_space<vmem_shared>>) target(%dma_start3A_353 : memref<128x32xf32, #tpu.memory_space<vmem>>) offsets(%dma_start3A_356 : memref<128xi32, #tpu.memory_space<vmem>>) semaphore(%arg18 : memref<!tpu.dma_semaphore, #tpu.memory_space<semaphore_mem>>)
      %dma_wait3A_360 = arith.constant 0 : i32
      %dma_wait3A_361 = arith.constant 0 : i32
      %dma_wait3A_362 = arith.constant 0 : i32
      %dma_wait3A_363 = arith.constant 0 : i32
      %dma_wait3A_364 = tpu.memref_slice %arg8[%dma_wait3A_361, %dma_wait3A_362, %dma_wait3A_363] : memref<10x128x32xf32, #tpu.memory_space<vmem>> -> memref<1x128x32xf32, #tpu.memory_space<vmem>>
      %dma_wait3A_365 = tpu.memref_squeeze %dma_wait3A_364 : memref<1x128x32xf32, #tpu.memory_space<vmem>> -> memref<128x32xf32, #tpu.memory_space<vmem>>
      %dma_wait3A_366 = arith.constant 0 : i32
      %dma_wait3A_367 = tpu.memref_slice %arg6[%dma_wait3A_360, %dma_wait3A_366] : memref<80x128xi32, #tpu.memory_space<vmem>> -> memref<1x128xi32, #tpu.memory_space<vmem>>
      %dma_wait3A_368 = tpu.memref_squeeze %dma_wait3A_367 : memref<1x128xi32, #tpu.memory_space<vmem>> -> memref<128xi32, #tpu.memory_space<vmem>>
      %dma_wait3A_369 = arith.constant 0 : i32
      %dma_wait3A_370 = arith.constant 0 : i32
      %dma_wait3A_371 = tpu.memref_slice %arg10[%dma_wait3A_369, %dma_wait3A_370] : memref<10240x32xf32, #tpu.memory_space<vmem_shared>> -> memref<10240x32xf32, #tpu.memory_space<vmem_shared>>
      tpu.wait_indirect_dma semaphore(%arg11 : memref<!tpu.dma_semaphore, #tpu.memory_space<semaphore_mem>>) src(%dma_wait3A_371 : memref<10240x32xf32, #tpu.memory_space<vmem_shared>>) dst(%dma_wait3A_365 : memref<128x32xf32, #tpu.memory_space<vmem>>)
      %dma_start3A_372 = arith.constant 0 : i32
      %dma_start3A_373 = arith.constant 0 : i32
      %dma_start3A_374 = arith.constant 0 : i32
      %dma_start3A_375 = tpu.memref_slice %arg8[%dma_start3A_372, %dma_start3A_373, %dma_start3A_374] : memref<10x128x32xf32, #tpu.memory_space<vmem>> -> memref<1x128x32xf32, #tpu.memory_space<vmem>>
      %dma_start3A_376 = tpu.memref_squeeze %dma_start3A_375 : memref<1x128x32xf32, #tpu.memory_space<vmem>> -> memref<128x32xf32, #tpu.memory_space<vmem>>
      %dma_start3A_377 = arith.constant 0 : i32
      %dma_start3A_378 = tpu.memref_slice %arg7[%add3A_344, %dma_start3A_377] : memref<80x128xi32, #tpu.memory_space<vmem>> -> memref<1x128xi32, #tpu.memory_space<vmem>>
      %dma_start3A_379 = tpu.memref_squeeze %dma_start3A_378 : memref<1x128xi32, #tpu.memory_space<vmem>> -> memref<128xi32, #tpu.memory_space<vmem>>
      %dma_start3A_380 = arith.constant 0 : i32
      %dma_start3A_381 = arith.constant 0 : i32
      %dma_start3A_382 = tpu.memref_slice %arg9[%dma_start3A_380, %dma_start3A_381] : memref<10240x32xf32, #tpu.memory_space<vmem_shared>> -> memref<10240x32xf32, #tpu.memory_space<vmem_shared>>
      tpu.enqueue_indirect_dma source(%dma_start3A_376 : memref<128x32xf32, #tpu.memory_space<vmem>>) target(%dma_start3A_382 : memref<10240x32xf32, #tpu.memory_space<vmem_shared>>) offsets(%dma_start3A_379 : memref<128xi32, #tpu.memory_space<vmem>>) semaphore(%arg21 : memref<!tpu.dma_semaphore, #tpu.memory_space<semaphore_mem>>) {add = true}
      %mul3A_383 = arith.constant 10 : i32
      %mul3A_384 = arith.muli %scan3A_339, %mul3A_383 : i32
      %add3A_385 = arith.constant 1 : i32
      %add3A_386 = arith.addi %mul3A_384, %add3A_385 : i32
      %gt3A_387 = arith.constant 0 : i32
      %gt3A_388 = arith.cmpi sgt, %scan3A_339, %gt3A_387 : i32
      %convert_element_type3A_389 = arith.extui %gt3A_388 : i1 to i32
      %cond3A_390 = arith.constant 0 : i32
      %cond3A_391 = arith.cmpi ne, %convert_element_type3A_389, %cond3A_390 : i32
      scf.if %cond3A_391 {
        %dma_wait3A_795 = arith.constant 8 : i32
        %dma_wait3A_796 = arith.constant 0 : i32
        %dma_wait3A_797 = arith.constant 0 : i32
        %dma_wait3A_798 = arith.constant 0 : i32
        %dma_wait3A_799 = tpu.memref_slice %arg8[%dma_wait3A_795, %dma_wait3A_797, %dma_wait3A_798] : memref<10x128x32xf32, #tpu.memory_space<vmem>> -> memref<1x128x32xf32, #tpu.memory_space<vmem>>
        %dma_wait3A_800 = tpu.memref_squeeze %dma_wait3A_799 : memref<1x128x32xf32, #tpu.memory_space<vmem>> -> memref<128x32xf32, #tpu.memory_space<vmem>>
        %dma_wait3A_801 = arith.constant 0 : i32
        %dma_wait3A_802 = tpu.memref_slice %arg7[%dma_wait3A_796, %dma_wait3A_801] : memref<80x128xi32, #tpu.memory_space<vmem>> -> memref<1x128xi32, #tpu.memory_space<vmem>>
        %dma_wait3A_803 = tpu.memref_squeeze %dma_wait3A_802 : memref<1x128xi32, #tpu.memory_space<vmem>> -> memref<128xi32, #tpu.memory_space<vmem>>
        %dma_wait3A_804 = arith.constant 0 : i32
        %dma_wait3A_805 = arith.constant 0 : i32
        %dma_wait3A_806 = tpu.memref_slice %arg9[%dma_wait3A_804, %dma_wait3A_805] : memref<10240x32xf32, #tpu.memory_space<vmem_shared>> -> memref<10240x32xf32, #tpu.memory_space<vmem_shared>>
        tpu.wait_indirect_dma semaphore(%arg29 : memref<!tpu.dma_semaphore, #tpu.memory_space<semaphore_mem>>) src(%dma_wait3A_800 : memref<128x32xf32, #tpu.memory_space<vmem>>) dst(%dma_wait3A_806 : memref<10240x32xf32, #tpu.memory_space<vmem_shared>>)
      } else {
      }
      %add3A_392 = arith.constant 7 : i32
      %add3A_393 = arith.addi %add3A_386, %add3A_392 : i32
      %dma_start3A_394 = arith.constant 8 : i32
      %dma_start3A_395 = arith.constant 0 : i32
      %dma_start3A_396 = arith.constant 0 : i32
      %dma_start3A_397 = tpu.memref_slice %arg8[%dma_start3A_394, %dma_start3A_395, %dma_start3A_396] : memref<10x128x32xf32, #tpu.memory_space<vmem>> -> memref<1x128x32xf32, #tpu.memory_space<vmem>>
      %dma_start3A_398 = tpu.memref_squeeze %dma_start3A_397 : memref<1x128x32xf32, #tpu.memory_space<vmem>> -> memref<128x32xf32, #tpu.memory_space<vmem>>
      %dma_start3A_399 = arith.constant 0 : i32
      %dma_start3A_400 = tpu.memref_slice %arg6[%add3A_393, %dma_start3A_399] : memref<80x128xi32, #tpu.memory_space<vmem>> -> memref<1x128xi32, #tpu.memory_space<vmem>>
      %dma_start3A_401 = tpu.memref_squeeze %dma_start3A_400 : memref<1x128xi32, #tpu.memory_space<vmem>> -> memref<128xi32, #tpu.memory_space<vmem>>
      %dma_start3A_402 = arith.constant 0 : i32
      %dma_start3A_403 = arith.constant 0 : i32
      %dma_start3A_404 = tpu.memref_slice %arg10[%dma_start3A_402, %dma_start3A_403] : memref<10240x32xf32, #tpu.memory_space<vmem_shared>> -> memref<10240x32xf32, #tpu.memory_space<vmem_shared>>
      tpu.enqueue_indirect_dma source(%dma_start3A_404 : memref<10240x32xf32, #tpu.memory_space<vmem_shared>>) target(%dma_start3A_398 : memref<128x32xf32, #tpu.memory_space<vmem>>) offsets(%dma_start3A_401 : memref<128xi32, #tpu.memory_space<vmem>>) semaphore(%arg19 : memref<!tpu.dma_semaphore, #tpu.memory_space<semaphore_mem>>)
      %dma_wait3A_405 = arith.constant 0 : i32
      %dma_wait3A_406 = arith.constant 1 : i32
      %dma_wait3A_407 = arith.constant 0 : i32
      %dma_wait3A_408 = arith.constant 0 : i32
      %dma_wait3A_409 = tpu.memref_slice %arg8[%dma_wait3A_406, %dma_wait3A_407, %dma_wait3A_408] : memref<10x128x32xf32, #tpu.memory_space<vmem>> -> memref<1x128x32xf32, #tpu.memory_space<vmem>>
      %dma_wait3A_410 = tpu.memref_squeeze %dma_wait3A_409 : memref<1x128x32xf32, #tpu.memory_space<vmem>> -> memref<128x32xf32, #tpu.memory_space<vmem>>
      %dma_wait3A_411 = arith.constant 0 : i32
      %dma_wait3A_412 = tpu.memref_slice %arg6[%dma_wait3A_405, %dma_wait3A_411] : memref<80x128xi32, #tpu.memory_space<vmem>> -> memref<1x128xi32, #tpu.memory_space<vmem>>
      %dma_wait3A_413 = tpu.memref_squeeze %dma_wait3A_412 : memref<1x128xi32, #tpu.memory_space<vmem>> -> memref<128xi32, #tpu.memory_space<vmem>>
      %dma_wait3A_414 = arith.constant 0 : i32
      %dma_wait3A_415 = arith.constant 0 : i32
      %dma_wait3A_416 = tpu.memref_slice %arg10[%dma_wait3A_414, %dma_wait3A_415] : memref<10240x32xf32, #tpu.memory_space<vmem_shared>> -> memref<10240x32xf32, #tpu.memory_space<vmem_shared>>
      tpu.wait_indirect_dma semaphore(%arg12 : memref<!tpu.dma_semaphore, #tpu.memory_space<semaphore_mem>>) src(%dma_wait3A_416 : memref<10240x32xf32, #tpu.memory_space<vmem_shared>>) dst(%dma_wait3A_410 : memref<128x32xf32, #tpu.memory_space<vmem>>)
      %dma_start3A_417 = arith.constant 1 : i32
      %dma_start3A_418 = arith.constant 0 : i32
      %dma_start3A_419 = arith.constant 0 : i32
      %dma_start3A_420 = tpu.memref_slice %arg8[%dma_start3A_417, %dma_start3A_418, %dma_start3A_419] : memref<10x128x32xf32, #tpu.memory_space<vmem>> -> memref<1x128x32xf32, #tpu.memory_space<vmem>>
      %dma_start3A_421 = tpu.memref_squeeze %dma_start3A_420 : memref<1x128x32xf32, #tpu.memory_space<vmem>> -> memref<128x32xf32, #tpu.memory_space<vmem>>
      %dma_start3A_422 = arith.constant 0 : i32
      %dma_start3A_423 = tpu.memref_slice %arg7[%add3A_386, %dma_start3A_422] : memref<80x128xi32, #tpu.memory_space<vmem>> -> memref<1x128xi32, #tpu.memory_space<vmem>>
      %dma_start3A_424 = tpu.memref_squeeze %dma_start3A_423 : memref<1x128xi32, #tpu.memory_space<vmem>> -> memref<128xi32, #tpu.memory_space<vmem>>
      %dma_start3A_425 = arith.constant 0 : i32
      %dma_start3A_426 = arith.constant 0 : i32
      %dma_start3A_427 = tpu.memref_slice %arg9[%dma_start3A_425, %dma_start3A_426] : memref<10240x32xf32, #tpu.memory_space<vmem_shared>> -> memref<10240x32xf32, #tpu.memory_space<vmem_shared>>
      tpu.enqueue_indirect_dma source(%dma_start3A_421 : memref<128x32xf32, #tpu.memory_space<vmem>>) target(%dma_start3A_427 : memref<10240x32xf32, #tpu.memory_space<vmem_shared>>) offsets(%dma_start3A_424 : memref<128xi32, #tpu.memory_space<vmem>>) semaphore(%arg22 : memref<!tpu.dma_semaphore, #tpu.memory_space<semaphore_mem>>) {add = true}
      %mul3A_428 = arith.constant 10 : i32
      %mul3A_429 = arith.muli %scan3A_339, %mul3A_428 : i32
      %add3A_430 = arith.constant 2 : i32
      %add3A_431 = arith.addi %mul3A_429, %add3A_430 : i32
      %gt3A_432 = arith.constant 0 : i32
      %gt3A_433 = arith.cmpi sgt, %scan3A_339, %gt3A_432 : i32
      %convert_element_type3A_434 = arith.extui %gt3A_433 : i1 to i32
      %cond3A_435 = arith.constant 0 : i32
      %cond3A_436 = arith.cmpi ne, %convert_element_type3A_434, %cond3A_435 : i32
      scf.if %cond3A_436 {
        %dma_wait3A_795 = arith.constant 9 : i32
        %dma_wait3A_796 = arith.constant 0 : i32
        %dma_wait3A_797 = arith.constant 0 : i32
        %dma_wait3A_798 = arith.constant 0 : i32
        %dma_wait3A_799 = tpu.memref_slice %arg8[%dma_wait3A_795, %dma_wait3A_797, %dma_wait3A_798] : memref<10x128x32xf32, #tpu.memory_space<vmem>> -> memref<1x128x32xf32, #tpu.memory_space<vmem>>
        %dma_wait3A_800 = tpu.memref_squeeze %dma_wait3A_799 : memref<1x128x32xf32, #tpu.memory_space<vmem>> -> memref<128x32xf32, #tpu.memory_space<vmem>>
        %dma_wait3A_801 = arith.constant 0 : i32
        %dma_wait3A_802 = tpu.memref_slice %arg7[%dma_wait3A_796, %dma_wait3A_801] : memref<80x128xi32, #tpu.memory_space<vmem>> -> memref<1x128xi32, #tpu.memory_space<vmem>>
        %dma_wait3A_803 = tpu.memref_squeeze %dma_wait3A_802 : memref<1x128xi32, #tpu.memory_space<vmem>> -> memref<128xi32, #tpu.memory_space<vmem>>
        %dma_wait3A_804 = arith.constant 0 : i32
        %dma_wait3A_805 = arith.constant 0 : i32
        %dma_wait3A_806 = tpu.memref_slice %arg9[%dma_wait3A_804, %dma_wait3A_805] : memref<10240x32xf32, #tpu.memory_space<vmem_shared>> -> memref<10240x32xf32, #tpu.memory_space<vmem_shared>>
        tpu.wait_indirect_dma semaphore(%arg30 : memref<!tpu.dma_semaphore, #tpu.memory_space<semaphore_mem>>) src(%dma_wait3A_800 : memref<128x32xf32, #tpu.memory_space<vmem>>) dst(%dma_wait3A_806 : memref<10240x32xf32, #tpu.memory_space<vmem_shared>>)
      } else {
      }
      %add3A_437 = arith.constant 7 : i32
      %add3A_438 = arith.addi %add3A_431, %add3A_437 : i32
      %dma_start3A_439 = arith.constant 9 : i32
      %dma_start3A_440 = arith.constant 0 : i32
      %dma_start3A_441 = arith.constant 0 : i32
      %dma_start3A_442 = tpu.memref_slice %arg8[%dma_start3A_439, %dma_start3A_440, %dma_start3A_441] : memref<10x128x32xf32, #tpu.memory_space<vmem>> -> memref<1x128x32xf32, #tpu.memory_space<vmem>>
      %dma_start3A_443 = tpu.memref_squeeze %dma_start3A_442 : memref<1x128x32xf32, #tpu.memory_space<vmem>> -> memref<128x32xf32, #tpu.memory_space<vmem>>
      %dma_start3A_444 = arith.constant 0 : i32
      %dma_start3A_445 = tpu.memref_slice %arg6[%add3A_438, %dma_start3A_444] : memref<80x128xi32, #tpu.memory_space<vmem>> -> memref<1x128xi32, #tpu.memory_space<vmem>>
      %dma_start3A_446 = tpu.memref_squeeze %dma_start3A_445 : memref<1x128xi32, #tpu.memory_space<vmem>> -> memref<128xi32, #tpu.memory_space<vmem>>
      %dma_start3A_447 = arith.constant 0 : i32
      %dma_start3A_448 = arith.constant 0 : i32
      %dma_start3A_449 = tpu.memref_slice %arg10[%dma_start3A_447, %dma_start3A_448] : memref<10240x32xf32, #tpu.memory_space<vmem_shared>> -> memref<10240x32xf32, #tpu.memory_space<vmem_shared>>
      tpu.enqueue_indirect_dma source(%dma_start3A_449 : memref<10240x32xf32, #tpu.memory_space<vmem_shared>>) target(%dma_start3A_443 : memref<128x32xf32, #tpu.memory_space<vmem>>) offsets(%dma_start3A_446 : memref<128xi32, #tpu.memory_space<vmem>>) semaphore(%arg20 : memref<!tpu.dma_semaphore, #tpu.memory_space<semaphore_mem>>)
      %dma_wait3A_450 = arith.constant 0 : i32
      %dma_wait3A_451 = arith.constant 2 : i32
      %dma_wait3A_452 = arith.constant 0 : i32
      %dma_wait3A_453 = arith.constant 0 : i32
      %dma_wait3A_454 = tpu.memref_slice %arg8[%dma_wait3A_451, %dma_wait3A_452, %dma_wait3A_453] : memref<10x128x32xf32, #tpu.memory_space<vmem>> -> memref<1x128x32xf32, #tpu.memory_space<vmem>>
      %dma_wait3A_455 = tpu.memref_squeeze %dma_wait3A_454 : memref<1x128x32xf32, #tpu.memory_space<vmem>> -> memref<128x32xf32, #tpu.memory_space<vmem>>
      %dma_wait3A_456 = arith.constant 0 : i32
      %dma_wait3A_457 = tpu.memref_slice %arg6[%dma_wait3A_450, %dma_wait3A_456] : memref<80x128xi32, #tpu.memory_space<vmem>> -> memref<1x128xi32, #tpu.memory_space<vmem>>
      %dma_wait3A_458 = tpu.memref_squeeze %dma_wait3A_457 : memref<1x128xi32, #tpu.memory_space<vmem>> -> memref<128xi32, #tpu.memory_space<vmem>>
      %dma_wait3A_459 = arith.constant 0 : i32
      %dma_wait3A_460 = arith.constant 0 : i32
      %dma_wait3A_461 = tpu.memref_slice %arg10[%dma_wait3A_459, %dma_wait3A_460] : memref<10240x32xf32, #tpu.memory_space<vmem_shared>> -> memref<10240x32xf32, #tpu.memory_space<vmem_shared>>
      tpu.wait_indirect_dma semaphore(%arg13 : memref<!tpu.dma_semaphore, #tpu.memory_space<semaphore_mem>>) src(%dma_wait3A_461 : memref<10240x32xf32, #tpu.memory_space<vmem_shared>>) dst(%dma_wait3A_455 : memref<128x32xf32, #tpu.memory_space<vmem>>)
      %dma_start3A_462 = arith.constant 2 : i32
      %dma_start3A_463 = arith.constant 0 : i32
      %dma_start3A_464 = arith.constant 0 : i32
      %dma_start3A_465 = tpu.memref_slice %arg8[%dma_start3A_462, %dma_start3A_463, %dma_start3A_464] : memref<10x128x32xf32, #tpu.memory_space<vmem>> -> memref<1x128x32xf32, #tpu.memory_space<vmem>>
      %dma_start3A_466 = tpu.memref_squeeze %dma_start3A_465 : memref<1x128x32xf32, #tpu.memory_space<vmem>> -> memref<128x32xf32, #tpu.memory_space<vmem>>
      %dma_start3A_467 = arith.constant 0 : i32
      %dma_start3A_468 = tpu.memref_slice %arg7[%add3A_431, %dma_start3A_467] : memref<80x128xi32, #tpu.memory_space<vmem>> -> memref<1x128xi32, #tpu.memory_space<vmem>>
      %dma_start3A_469 = tpu.memref_squeeze %dma_start3A_468 : memref<1x128xi32, #tpu.memory_space<vmem>> -> memref<128xi32, #tpu.memory_space<vmem>>
      %dma_start3A_470 = arith.constant 0 : i32
      %dma_start3A_471 = arith.constant 0 : i32
      %dma_start3A_472 = tpu.memref_slice %arg9[%dma_start3A_470, %dma_start3A_471] : memref<10240x32xf32, #tpu.memory_space<vmem_shared>> -> memref<10240x32xf32, #tpu.memory_space<vmem_shared>>
      tpu.enqueue_indirect_dma source(%dma_start3A_466 : memref<128x32xf32, #tpu.memory_space<vmem>>) target(%dma_start3A_472 : memref<10240x32xf32, #tpu.memory_space<vmem_shared>>) offsets(%dma_start3A_469 : memref<128xi32, #tpu.memory_space<vmem>>) semaphore(%arg23 : memref<!tpu.dma_semaphore, #tpu.memory_space<semaphore_mem>>) {add = true}
      %mul3A_473 = arith.constant 10 : i32
      %mul3A_474 = arith.muli %scan3A_339, %mul3A_473 : i32
      %add3A_475 = arith.constant 3 : i32
      %add3A_476 = arith.addi %mul3A_474, %add3A_475 : i32
      %dma_wait3A_477 = arith.constant 0 : i32
      %dma_wait3A_478 = arith.constant 0 : i32
      %dma_wait3A_479 = arith.constant 0 : i32
      %dma_wait3A_480 = arith.constant 0 : i32
      %dma_wait3A_481 = tpu.memref_slice %arg8[%dma_wait3A_477, %dma_wait3A_479, %dma_wait3A_480] : memref<10x128x32xf32, #tpu.memory_space<vmem>> -> memref<1x128x32xf32, #tpu.memory_space<vmem>>
      %dma_wait3A_482 = tpu.memref_squeeze %dma_wait3A_481 : memref<1x128x32xf32, #tpu.memory_space<vmem>> -> memref<128x32xf32, #tpu.memory_space<vmem>>
      %dma_wait3A_483 = arith.constant 0 : i32
      %dma_wait3A_484 = tpu.memref_slice %arg7[%dma_wait3A_478, %dma_wait3A_483] : memref<80x128xi32, #tpu.memory_space<vmem>> -> memref<1x128xi32, #tpu.memory_space<vmem>>
      %dma_wait3A_485 = tpu.memref_squeeze %dma_wait3A_484 : memref<1x128xi32, #tpu.memory_space<vmem>> -> memref<128xi32, #tpu.memory_space<vmem>>
      %dma_wait3A_486 = arith.constant 0 : i32
      %dma_wait3A_487 = arith.constant 0 : i32
      %dma_wait3A_488 = tpu.memref_slice %arg9[%dma_wait3A_486, %dma_wait3A_487] : memref<10240x32xf32, #tpu.memory_space<vmem_shared>> -> memref<10240x32xf32, #tpu.memory_space<vmem_shared>>
      tpu.wait_indirect_dma semaphore(%arg21 : memref<!tpu.dma_semaphore, #tpu.memory_space<semaphore_mem>>) src(%dma_wait3A_482 : memref<128x32xf32, #tpu.memory_space<vmem>>) dst(%dma_wait3A_488 : memref<10240x32xf32, #tpu.memory_space<vmem_shared>>)
      %add3A_489 = arith.constant 1 : i32
      %add3A_490 = arith.addi %scan3A_339, %add3A_489 : i32
      %lt3A = arith.constant 8 : i32
      %lt3A_491 = arith.cmpi slt, %add3A_490, %lt3A : i32
      %convert_element_type3A_492 = arith.extui %lt3A_491 : i1 to i32
      %cond3A_493 = arith.constant 0 : i32
      %cond3A_494 = arith.cmpi ne, %convert_element_type3A_492, %cond3A_493 : i32
      scf.if %cond3A_494 {
        %add3A_795 = arith.constant 7 : i32
        %add3A_796 = arith.addi %add3A_476, %add3A_795 : i32
        %dma_start3A_797 = arith.constant 0 : i32
        %dma_start3A_798 = arith.constant 0 : i32
        %dma_start3A_799 = arith.constant 0 : i32
        %dma_start3A_800 = tpu.memref_slice %arg8[%dma_start3A_797, %dma_start3A_798, %dma_start3A_799] : memref<10x128x32xf32, #tpu.memory_space<vmem>> -> memref<1x128x32xf32, #tpu.memory_space<vmem>>
        %dma_start3A_801 = tpu.memref_squeeze %dma_start3A_800 : memref<1x128x32xf32, #tpu.memory_space<vmem>> -> memref<128x32xf32, #tpu.memory_space<vmem>>
        %dma_start3A_802 = arith.constant 0 : i32
        %dma_start3A_803 = tpu.memref_slice %arg6[%add3A_796, %dma_start3A_802] : memref<80x128xi32, #tpu.memory_space<vmem>> -> memref<1x128xi32, #tpu.memory_space<vmem>>
        %dma_start3A_804 = tpu.memref_squeeze %dma_start3A_803 : memref<1x128xi32, #tpu.memory_space<vmem>> -> memref<128xi32, #tpu.memory_space<vmem>>
        %dma_start3A_805 = arith.constant 0 : i32
        %dma_start3A_806 = arith.constant 0 : i32
        %dma_start3A_807 = tpu.memref_slice %arg10[%dma_start3A_805, %dma_start3A_806] : memref<10240x32xf32, #tpu.memory_space<vmem_shared>> -> memref<10240x32xf32, #tpu.memory_space<vmem_shared>>
        tpu.enqueue_indirect_dma source(%dma_start3A_807 : memref<10240x32xf32, #tpu.memory_space<vmem_shared>>) target(%dma_start3A_801 : memref<128x32xf32, #tpu.memory_space<vmem>>) offsets(%dma_start3A_804 : memref<128xi32, #tpu.memory_space<vmem>>) semaphore(%arg11 : memref<!tpu.dma_semaphore, #tpu.memory_space<semaphore_mem>>)
      } else {
      }
      %dma_wait3A_495 = arith.constant 0 : i32
      %dma_wait3A_496 = arith.constant 3 : i32
      %dma_wait3A_497 = arith.constant 0 : i32
      %dma_wait3A_498 = arith.constant 0 : i32
      %dma_wait3A_499 = tpu.memref_slice %arg8[%dma_wait3A_496, %dma_wait3A_497, %dma_wait3A_498] : memref<10x128x32xf32, #tpu.memory_space<vmem>> -> memref<1x128x32xf32, #tpu.memory_space<vmem>>
      %dma_wait3A_500 = tpu.memref_squeeze %dma_wait3A_499 : memref<1x128x32xf32, #tpu.memory_space<vmem>> -> memref<128x32xf32, #tpu.memory_space<vmem>>
      %dma_wait3A_501 = arith.constant 0 : i32
      %dma_wait3A_502 = tpu.memref_slice %arg6[%dma_wait3A_495, %dma_wait3A_501] : memref<80x128xi32, #tpu.memory_space<vmem>> -> memref<1x128xi32, #tpu.memory_space<vmem>>
      %dma_wait3A_503 = tpu.memref_squeeze %dma_wait3A_502 : memref<1x128xi32, #tpu.memory_space<vmem>> -> memref<128xi32, #tpu.memory_space<vmem>>
      %dma_wait3A_504 = arith.constant 0 : i32
      %dma_wait3A_505 = arith.constant 0 : i32
      %dma_wait3A_506 = tpu.memref_slice %arg10[%dma_wait3A_504, %dma_wait3A_505] : memref<10240x32xf32, #tpu.memory_space<vmem_shared>> -> memref<10240x32xf32, #tpu.memory_space<vmem_shared>>
      tpu.wait_indirect_dma semaphore(%arg14 : memref<!tpu.dma_semaphore, #tpu.memory_space<semaphore_mem>>) src(%dma_wait3A_506 : memref<10240x32xf32, #tpu.memory_space<vmem_shared>>) dst(%dma_wait3A_500 : memref<128x32xf32, #tpu.memory_space<vmem>>)
      %dma_start3A_507 = arith.constant 3 : i32
      %dma_start3A_508 = arith.constant 0 : i32
      %dma_start3A_509 = arith.constant 0 : i32
      %dma_start3A_510 = tpu.memref_slice %arg8[%dma_start3A_507, %dma_start3A_508, %dma_start3A_509] : memref<10x128x32xf32, #tpu.memory_space<vmem>> -> memref<1x128x32xf32, #tpu.memory_space<vmem>>
      %dma_start3A_511 = tpu.memref_squeeze %dma_start3A_510 : memref<1x128x32xf32, #tpu.memory_space<vmem>> -> memref<128x32xf32, #tpu.memory_space<vmem>>
      %dma_start3A_512 = arith.constant 0 : i32
      %dma_start3A_513 = tpu.memref_slice %arg7[%add3A_476, %dma_start3A_512] : memref<80x128xi32, #tpu.memory_space<vmem>> -> memref<1x128xi32, #tpu.memory_space<vmem>>
      %dma_start3A_514 = tpu.memref_squeeze %dma_start3A_513 : memref<1x128xi32, #tpu.memory_space<vmem>> -> memref<128xi32, #tpu.memory_space<vmem>>
      %dma_start3A_515 = arith.constant 0 : i32
      %dma_start3A_516 = arith.constant 0 : i32
      %dma_start3A_517 = tpu.memref_slice %arg9[%dma_start3A_515, %dma_start3A_516] : memref<10240x32xf32, #tpu.memory_space<vmem_shared>> -> memref<10240x32xf32, #tpu.memory_space<vmem_shared>>
      tpu.enqueue_indirect_dma source(%dma_start3A_511 : memref<128x32xf32, #tpu.memory_space<vmem>>) target(%dma_start3A_517 : memref<10240x32xf32, #tpu.memory_space<vmem_shared>>) offsets(%dma_start3A_514 : memref<128xi32, #tpu.memory_space<vmem>>) semaphore(%arg24 : memref<!tpu.dma_semaphore, #tpu.memory_space<semaphore_mem>>) {add = true}
      %mul3A_518 = arith.constant 10 : i32
      %mul3A_519 = arith.muli %scan3A_339, %mul3A_518 : i32
      %add3A_520 = arith.constant 4 : i32
      %add3A_521 = arith.addi %mul3A_519, %add3A_520 : i32
      %dma_wait3A_522 = arith.constant 1 : i32
      %dma_wait3A_523 = arith.constant 0 : i32
      %dma_wait3A_524 = arith.constant 0 : i32
      %dma_wait3A_525 = arith.constant 0 : i32
      %dma_wait3A_526 = tpu.memref_slice %arg8[%dma_wait3A_522, %dma_wait3A_524, %dma_wait3A_525] : memref<10x128x32xf32, #tpu.memory_space<vmem>> -> memref<1x128x32xf32, #tpu.memory_space<vmem>>
      %dma_wait3A_527 = tpu.memref_squeeze %dma_wait3A_526 : memref<1x128x32xf32, #tpu.memory_space<vmem>> -> memref<128x32xf32, #tpu.memory_space<vmem>>
      %dma_wait3A_528 = arith.constant 0 : i32
      %dma_wait3A_529 = tpu.memref_slice %arg7[%dma_wait3A_523, %dma_wait3A_528] : memref<80x128xi32, #tpu.memory_space<vmem>> -> memref<1x128xi32, #tpu.memory_space<vmem>>
      %dma_wait3A_530 = tpu.memref_squeeze %dma_wait3A_529 : memref<1x128xi32, #tpu.memory_space<vmem>> -> memref<128xi32, #tpu.memory_space<vmem>>
      %dma_wait3A_531 = arith.constant 0 : i32
      %dma_wait3A_532 = arith.constant 0 : i32
      %dma_wait3A_533 = tpu.memref_slice %arg9[%dma_wait3A_531, %dma_wait3A_532] : memref<10240x32xf32, #tpu.memory_space<vmem_shared>> -> memref<10240x32xf32, #tpu.memory_space<vmem_shared>>
      tpu.wait_indirect_dma semaphore(%arg22 : memref<!tpu.dma_semaphore, #tpu.memory_space<semaphore_mem>>) src(%dma_wait3A_527 : memref<128x32xf32, #tpu.memory_space<vmem>>) dst(%dma_wait3A_533 : memref<10240x32xf32, #tpu.memory_space<vmem_shared>>)
      %add3A_534 = arith.constant 1 : i32
      %add3A_535 = arith.addi %scan3A_339, %add3A_534 : i32
      %lt3A_536 = arith.constant 8 : i32
      %lt3A_537 = arith.cmpi slt, %add3A_535, %lt3A_536 : i32
      %convert_element_type3A_538 = arith.extui %lt3A_537 : i1 to i32
      %cond3A_539 = arith.constant 0 : i32
      %cond3A_540 = arith.cmpi ne, %convert_element_type3A_538, %cond3A_539 : i32
      scf.if %cond3A_540 {
        %add3A_795 = arith.constant 7 : i32
        %add3A_796 = arith.addi %add3A_521, %add3A_795 : i32
        %dma_start3A_797 = arith.constant 1 : i32
        %dma_start3A_798 = arith.constant 0 : i32
        %dma_start3A_799 = arith.constant 0 : i32
        %dma_start3A_800 = tpu.memref_slice %arg8[%dma_start3A_797, %dma_start3A_798, %dma_start3A_799] : memref<10x128x32xf32, #tpu.memory_space<vmem>> -> memref<1x128x32xf32, #tpu.memory_space<vmem>>
        %dma_start3A_801 = tpu.memref_squeeze %dma_start3A_800 : memref<1x128x32xf32, #tpu.memory_space<vmem>> -> memref<128x32xf32, #tpu.memory_space<vmem>>
        %dma_start3A_802 = arith.constant 0 : i32
        %dma_start3A_803 = tpu.memref_slice %arg6[%add3A_796, %dma_start3A_802] : memref<80x128xi32, #tpu.memory_space<vmem>> -> memref<1x128xi32, #tpu.memory_space<vmem>>
        %dma_start3A_804 = tpu.memref_squeeze %dma_start3A_803 : memref<1x128xi32, #tpu.memory_space<vmem>> -> memref<128xi32, #tpu.memory_space<vmem>>
        %dma_start3A_805 = arith.constant 0 : i32
        %dma_start3A_806 = arith.constant 0 : i32
        %dma_start3A_807 = tpu.memref_slice %arg10[%dma_start3A_805, %dma_start3A_806] : memref<10240x32xf32, #tpu.memory_space<vmem_shared>> -> memref<10240x32xf32, #tpu.memory_space<vmem_shared>>
        tpu.enqueue_indirect_dma source(%dma_start3A_807 : memref<10240x32xf32, #tpu.memory_space<vmem_shared>>) target(%dma_start3A_801 : memref<128x32xf32, #tpu.memory_space<vmem>>) offsets(%dma_start3A_804 : memref<128xi32, #tpu.memory_space<vmem>>) semaphore(%arg12 : memref<!tpu.dma_semaphore, #tpu.memory_space<semaphore_mem>>)
      } else {
      }
      %dma_wait3A_541 = arith.constant 0 : i32
      %dma_wait3A_542 = arith.constant 4 : i32
      %dma_wait3A_543 = arith.constant 0 : i32
      %dma_wait3A_544 = arith.constant 0 : i32
      %dma_wait3A_545 = tpu.memref_slice %arg8[%dma_wait3A_542, %dma_wait3A_543, %dma_wait3A_544] : memref<10x128x32xf32, #tpu.memory_space<vmem>> -> memref<1x128x32xf32, #tpu.memory_space<vmem>>
      %dma_wait3A_546 = tpu.memref_squeeze %dma_wait3A_545 : memref<1x128x32xf32, #tpu.memory_space<vmem>> -> memref<128x32xf32, #tpu.memory_space<vmem>>
      %dma_wait3A_547 = arith.constant 0 : i32
      %dma_wait3A_548 = tpu.memref_slice %arg6[%dma_wait3A_541, %dma_wait3A_547] : memref<80x128xi32, #tpu.memory_space<vmem>> -> memref<1x128xi32, #tpu.memory_space<vmem>>
      %dma_wait3A_549 = tpu.memref_squeeze %dma_wait3A_548 : memref<1x128xi32, #tpu.memory_space<vmem>> -> memref<128xi32, #tpu.memory_space<vmem>>
      %dma_wait3A_550 = arith.constant 0 : i32
      %dma_wait3A_551 = arith.constant 0 : i32
      %dma_wait3A_552 = tpu.memref_slice %arg10[%dma_wait3A_550, %dma_wait3A_551] : memref<10240x32xf32, #tpu.memory_space<vmem_shared>> -> memref<10240x32xf32, #tpu.memory_space<vmem_shared>>
      tpu.wait_indirect_dma semaphore(%arg15 : memref<!tpu.dma_semaphore, #tpu.memory_space<semaphore_mem>>) src(%dma_wait3A_552 : memref<10240x32xf32, #tpu.memory_space<vmem_shared>>) dst(%dma_wait3A_546 : memref<128x32xf32, #tpu.memory_space<vmem>>)
      %dma_start3A_553 = arith.constant 4 : i32
      %dma_start3A_554 = arith.constant 0 : i32
      %dma_start3A_555 = arith.constant 0 : i32
      %dma_start3A_556 = tpu.memref_slice %arg8[%dma_start3A_553, %dma_start3A_554, %dma_start3A_555] : memref<10x128x32xf32, #tpu.memory_space<vmem>> -> memref<1x128x32xf32, #tpu.memory_space<vmem>>
      %dma_start3A_557 = tpu.memref_squeeze %dma_start3A_556 : memref<1x128x32xf32, #tpu.memory_space<vmem>> -> memref<128x32xf32, #tpu.memory_space<vmem>>
      %dma_start3A_558 = arith.constant 0 : i32
      %dma_start3A_559 = tpu.memref_slice %arg7[%add3A_521, %dma_start3A_558] : memref<80x128xi32, #tpu.memory_space<vmem>> -> memref<1x128xi32, #tpu.memory_space<vmem>>
      %dma_start3A_560 = tpu.memref_squeeze %dma_start3A_559 : memref<1x128xi32, #tpu.memory_space<vmem>> -> memref<128xi32, #tpu.memory_space<vmem>>
      %dma_start3A_561 = arith.constant 0 : i32
      %dma_start3A_562 = arith.constant 0 : i32
      %dma_start3A_563 = tpu.memref_slice %arg9[%dma_start3A_561, %dma_start3A_562] : memref<10240x32xf32, #tpu.memory_space<vmem_shared>> -> memref<10240x32xf32, #tpu.memory_space<vmem_shared>>
      tpu.enqueue_indirect_dma source(%dma_start3A_557 : memref<128x32xf32, #tpu.memory_space<vmem>>) target(%dma_start3A_563 : memref<10240x32xf32, #tpu.memory_space<vmem_shared>>) offsets(%dma_start3A_560 : memref<128xi32, #tpu.memory_space<vmem>>) semaphore(%arg25 : memref<!tpu.dma_semaphore, #tpu.memory_space<semaphore_mem>>) {add = true}
      %mul3A_564 = arith.constant 10 : i32
      %mul3A_565 = arith.muli %scan3A_339, %mul3A_564 : i32
      %add3A_566 = arith.constant 5 : i32
      %add3A_567 = arith.addi %mul3A_565, %add3A_566 : i32
      %dma_wait3A_568 = arith.constant 2 : i32
      %dma_wait3A_569 = arith.constant 0 : i32
      %dma_wait3A_570 = arith.constant 0 : i32
      %dma_wait3A_571 = arith.constant 0 : i32
      %dma_wait3A_572 = tpu.memref_slice %arg8[%dma_wait3A_568, %dma_wait3A_570, %dma_wait3A_571] : memref<10x128x32xf32, #tpu.memory_space<vmem>> -> memref<1x128x32xf32, #tpu.memory_space<vmem>>
      %dma_wait3A_573 = tpu.memref_squeeze %dma_wait3A_572 : memref<1x128x32xf32, #tpu.memory_space<vmem>> -> memref<128x32xf32, #tpu.memory_space<vmem>>
      %dma_wait3A_574 = arith.constant 0 : i32
      %dma_wait3A_575 = tpu.memref_slice %arg7[%dma_wait3A_569, %dma_wait3A_574] : memref<80x128xi32, #tpu.memory_space<vmem>> -> memref<1x128xi32, #tpu.memory_space<vmem>>
      %dma_wait3A_576 = tpu.memref_squeeze %dma_wait3A_575 : memref<1x128xi32, #tpu.memory_space<vmem>> -> memref<128xi32, #tpu.memory_space<vmem>>
      %dma_wait3A_577 = arith.constant 0 : i32
      %dma_wait3A_578 = arith.constant 0 : i32
      %dma_wait3A_579 = tpu.memref_slice %arg9[%dma_wait3A_577, %dma_wait3A_578] : memref<10240x32xf32, #tpu.memory_space<vmem_shared>> -> memref<10240x32xf32, #tpu.memory_space<vmem_shared>>
      tpu.wait_indirect_dma semaphore(%arg23 : memref<!tpu.dma_semaphore, #tpu.memory_space<semaphore_mem>>) src(%dma_wait3A_573 : memref<128x32xf32, #tpu.memory_space<vmem>>) dst(%dma_wait3A_579 : memref<10240x32xf32, #tpu.memory_space<vmem_shared>>)
      %add3A_580 = arith.constant 1 : i32
      %add3A_581 = arith.addi %scan3A_339, %add3A_580 : i32
      %lt3A_582 = arith.constant 8 : i32
      %lt3A_583 = arith.cmpi slt, %add3A_581, %lt3A_582 : i32
      %convert_element_type3A_584 = arith.extui %lt3A_583 : i1 to i32
      %cond3A_585 = arith.constant 0 : i32
      %cond3A_586 = arith.cmpi ne, %convert_element_type3A_584, %cond3A_585 : i32
      scf.if %cond3A_586 {
        %add3A_795 = arith.constant 7 : i32
        %add3A_796 = arith.addi %add3A_567, %add3A_795 : i32
        %dma_start3A_797 = arith.constant 2 : i32
        %dma_start3A_798 = arith.constant 0 : i32
        %dma_start3A_799 = arith.constant 0 : i32
        %dma_start3A_800 = tpu.memref_slice %arg8[%dma_start3A_797, %dma_start3A_798, %dma_start3A_799] : memref<10x128x32xf32, #tpu.memory_space<vmem>> -> memref<1x128x32xf32, #tpu.memory_space<vmem>>
        %dma_start3A_801 = tpu.memref_squeeze %dma_start3A_800 : memref<1x128x32xf32, #tpu.memory_space<vmem>> -> memref<128x32xf32, #tpu.memory_space<vmem>>
        %dma_start3A_802 = arith.constant 0 : i32
        %dma_start3A_803 = tpu.memref_slice %arg6[%add3A_796, %dma_start3A_802] : memref<80x128xi32, #tpu.memory_space<vmem>> -> memref<1x128xi32, #tpu.memory_space<vmem>>
        %dma_start3A_804 = tpu.memref_squeeze %dma_start3A_803 : memref<1x128xi32, #tpu.memory_space<vmem>> -> memref<128xi32, #tpu.memory_space<vmem>>
        %dma_start3A_805 = arith.constant 0 : i32
        %dma_start3A_806 = arith.constant 0 : i32
        %dma_start3A_807 = tpu.memref_slice %arg10[%dma_start3A_805, %dma_start3A_806] : memref<10240x32xf32, #tpu.memory_space<vmem_shared>> -> memref<10240x32xf32, #tpu.memory_space<vmem_shared>>
        tpu.enqueue_indirect_dma source(%dma_start3A_807 : memref<10240x32xf32, #tpu.memory_space<vmem_shared>>) target(%dma_start3A_801 : memref<128x32xf32, #tpu.memory_space<vmem>>) offsets(%dma_start3A_804 : memref<128xi32, #tpu.memory_space<vmem>>) semaphore(%arg13 : memref<!tpu.dma_semaphore, #tpu.memory_space<semaphore_mem>>)
      } else {
      }
      %dma_wait3A_587 = arith.constant 0 : i32
      %dma_wait3A_588 = arith.constant 5 : i32
      %dma_wait3A_589 = arith.constant 0 : i32
      %dma_wait3A_590 = arith.constant 0 : i32
      %dma_wait3A_591 = tpu.memref_slice %arg8[%dma_wait3A_588, %dma_wait3A_589, %dma_wait3A_590] : memref<10x128x32xf32, #tpu.memory_space<vmem>> -> memref<1x128x32xf32, #tpu.memory_space<vmem>>
      %dma_wait3A_592 = tpu.memref_squeeze %dma_wait3A_591 : memref<1x128x32xf32, #tpu.memory_space<vmem>> -> memref<128x32xf32, #tpu.memory_space<vmem>>
      %dma_wait3A_593 = arith.constant 0 : i32
      %dma_wait3A_594 = tpu.memref_slice %arg6[%dma_wait3A_587, %dma_wait3A_593] : memref<80x128xi32, #tpu.memory_space<vmem>> -> memref<1x128xi32, #tpu.memory_space<vmem>>
      %dma_wait3A_595 = tpu.memref_squeeze %dma_wait3A_594 : memref<1x128xi32, #tpu.memory_space<vmem>> -> memref<128xi32, #tpu.memory_space<vmem>>
      %dma_wait3A_596 = arith.constant 0 : i32
      %dma_wait3A_597 = arith.constant 0 : i32
      %dma_wait3A_598 = tpu.memref_slice %arg10[%dma_wait3A_596, %dma_wait3A_597] : memref<10240x32xf32, #tpu.memory_space<vmem_shared>> -> memref<10240x32xf32, #tpu.memory_space<vmem_shared>>
      tpu.wait_indirect_dma semaphore(%arg16 : memref<!tpu.dma_semaphore, #tpu.memory_space<semaphore_mem>>) src(%dma_wait3A_598 : memref<10240x32xf32, #tpu.memory_space<vmem_shared>>) dst(%dma_wait3A_592 : memref<128x32xf32, #tpu.memory_space<vmem>>)
      %dma_start3A_599 = arith.constant 5 : i32
      %dma_start3A_600 = arith.constant 0 : i32
      %dma_start3A_601 = arith.constant 0 : i32
      %dma_start3A_602 = tpu.memref_slice %arg8[%dma_start3A_599, %dma_start3A_600, %dma_start3A_601] : memref<10x128x32xf32, #tpu.memory_space<vmem>> -> memref<1x128x32xf32, #tpu.memory_space<vmem>>
      %dma_start3A_603 = tpu.memref_squeeze %dma_start3A_602 : memref<1x128x32xf32, #tpu.memory_space<vmem>> -> memref<128x32xf32, #tpu.memory_space<vmem>>
      %dma_start3A_604 = arith.constant 0 : i32
      %dma_start3A_605 = tpu.memref_slice %arg7[%add3A_567, %dma_start3A_604] : memref<80x128xi32, #tpu.memory_space<vmem>> -> memref<1x128xi32, #tpu.memory_space<vmem>>
      %dma_start3A_606 = tpu.memref_squeeze %dma_start3A_605 : memref<1x128xi32, #tpu.memory_space<vmem>> -> memref<128xi32, #tpu.memory_space<vmem>>
      %dma_start3A_607 = arith.constant 0 : i32
      %dma_start3A_608 = arith.constant 0 : i32
      %dma_start3A_609 = tpu.memref_slice %arg9[%dma_start3A_607, %dma_start3A_608] : memref<10240x32xf32, #tpu.memory_space<vmem_shared>> -> memref<10240x32xf32, #tpu.memory_space<vmem_shared>>
      tpu.enqueue_indirect_dma source(%dma_start3A_603 : memref<128x32xf32, #tpu.memory_space<vmem>>) target(%dma_start3A_609 : memref<10240x32xf32, #tpu.memory_space<vmem_shared>>) offsets(%dma_start3A_606 : memref<128xi32, #tpu.memory_space<vmem>>) semaphore(%arg26 : memref<!tpu.dma_semaphore, #tpu.memory_space<semaphore_mem>>) {add = true}
      %mul3A_610 = arith.constant 10 : i32
      %mul3A_611 = arith.muli %scan3A_339, %mul3A_610 : i32
      %add3A_612 = arith.constant 6 : i32
      %add3A_613 = arith.addi %mul3A_611, %add3A_612 : i32
      %dma_wait3A_614 = arith.constant 3 : i32
      %dma_wait3A_615 = arith.constant 0 : i32
      %dma_wait3A_616 = arith.constant 0 : i32
      %dma_wait3A_617 = arith.constant 0 : i32
      %dma_wait3A_618 = tpu.memref_slice %arg8[%dma_wait3A_614, %dma_wait3A_616, %dma_wait3A_617] : memref<10x128x32xf32, #tpu.memory_space<vmem>> -> memref<1x128x32xf32, #tpu.memory_space<vmem>>
      %dma_wait3A_619 = tpu.memref_squeeze %dma_wait3A_618 : memref<1x128x32xf32, #tpu.memory_space<vmem>> -> memref<128x32xf32, #tpu.memory_space<vmem>>
      %dma_wait3A_620 = arith.constant 0 : i32
      %dma_wait3A_621 = tpu.memref_slice %arg7[%dma_wait3A_615, %dma_wait3A_620] : memref<80x128xi32, #tpu.memory_space<vmem>> -> memref<1x128xi32, #tpu.memory_space<vmem>>
      %dma_wait3A_622 = tpu.memref_squeeze %dma_wait3A_621 : memref<1x128xi32, #tpu.memory_space<vmem>> -> memref<128xi32, #tpu.memory_space<vmem>>
      %dma_wait3A_623 = arith.constant 0 : i32
      %dma_wait3A_624 = arith.constant 0 : i32
      %dma_wait3A_625 = tpu.memref_slice %arg9[%dma_wait3A_623, %dma_wait3A_624] : memref<10240x32xf32, #tpu.memory_space<vmem_shared>> -> memref<10240x32xf32, #tpu.memory_space<vmem_shared>>
      tpu.wait_indirect_dma semaphore(%arg24 : memref<!tpu.dma_semaphore, #tpu.memory_space<semaphore_mem>>) src(%dma_wait3A_619 : memref<128x32xf32, #tpu.memory_space<vmem>>) dst(%dma_wait3A_625 : memref<10240x32xf32, #tpu.memory_space<vmem_shared>>)
      %add3A_626 = arith.constant 1 : i32
      %add3A_627 = arith.addi %scan3A_339, %add3A_626 : i32
      %lt3A_628 = arith.constant 8 : i32
      %lt3A_629 = arith.cmpi slt, %add3A_627, %lt3A_628 : i32
      %convert_element_type3A_630 = arith.extui %lt3A_629 : i1 to i32
      %cond3A_631 = arith.constant 0 : i32
      %cond3A_632 = arith.cmpi ne, %convert_element_type3A_630, %cond3A_631 : i32
      scf.if %cond3A_632 {
        %add3A_795 = arith.constant 7 : i32
        %add3A_796 = arith.addi %add3A_613, %add3A_795 : i32
        %dma_start3A_797 = arith.constant 3 : i32
        %dma_start3A_798 = arith.constant 0 : i32
        %dma_start3A_799 = arith.constant 0 : i32
        %dma_start3A_800 = tpu.memref_slice %arg8[%dma_start3A_797, %dma_start3A_798, %dma_start3A_799] : memref<10x128x32xf32, #tpu.memory_space<vmem>> -> memref<1x128x32xf32, #tpu.memory_space<vmem>>
        %dma_start3A_801 = tpu.memref_squeeze %dma_start3A_800 : memref<1x128x32xf32, #tpu.memory_space<vmem>> -> memref<128x32xf32, #tpu.memory_space<vmem>>
        %dma_start3A_802 = arith.constant 0 : i32
        %dma_start3A_803 = tpu.memref_slice %arg6[%add3A_796, %dma_start3A_802] : memref<80x128xi32, #tpu.memory_space<vmem>> -> memref<1x128xi32, #tpu.memory_space<vmem>>
        %dma_start3A_804 = tpu.memref_squeeze %dma_start3A_803 : memref<1x128xi32, #tpu.memory_space<vmem>> -> memref<128xi32, #tpu.memory_space<vmem>>
        %dma_start3A_805 = arith.constant 0 : i32
        %dma_start3A_806 = arith.constant 0 : i32
        %dma_start3A_807 = tpu.memref_slice %arg10[%dma_start3A_805, %dma_start3A_806] : memref<10240x32xf32, #tpu.memory_space<vmem_shared>> -> memref<10240x32xf32, #tpu.memory_space<vmem_shared>>
        tpu.enqueue_indirect_dma source(%dma_start3A_807 : memref<10240x32xf32, #tpu.memory_space<vmem_shared>>) target(%dma_start3A_801 : memref<128x32xf32, #tpu.memory_space<vmem>>) offsets(%dma_start3A_804 : memref<128xi32, #tpu.memory_space<vmem>>) semaphore(%arg14 : memref<!tpu.dma_semaphore, #tpu.memory_space<semaphore_mem>>)
      } else {
      }
      %dma_wait3A_633 = arith.constant 0 : i32
      %dma_wait3A_634 = arith.constant 6 : i32
      %dma_wait3A_635 = arith.constant 0 : i32
      %dma_wait3A_636 = arith.constant 0 : i32
      %dma_wait3A_637 = tpu.memref_slice %arg8[%dma_wait3A_634, %dma_wait3A_635, %dma_wait3A_636] : memref<10x128x32xf32, #tpu.memory_space<vmem>> -> memref<1x128x32xf32, #tpu.memory_space<vmem>>
      %dma_wait3A_638 = tpu.memref_squeeze %dma_wait3A_637 : memref<1x128x32xf32, #tpu.memory_space<vmem>> -> memref<128x32xf32, #tpu.memory_space<vmem>>
      %dma_wait3A_639 = arith.constant 0 : i32
      %dma_wait3A_640 = tpu.memref_slice %arg6[%dma_wait3A_633, %dma_wait3A_639] : memref<80x128xi32, #tpu.memory_space<vmem>> -> memref<1x128xi32, #tpu.memory_space<vmem>>
      %dma_wait3A_641 = tpu.memref_squeeze %dma_wait3A_640 : memref<1x128xi32, #tpu.memory_space<vmem>> -> memref<128xi32, #tpu.memory_space<vmem>>
      %dma_wait3A_642 = arith.constant 0 : i32
      %dma_wait3A_643 = arith.constant 0 : i32
      %dma_wait3A_644 = tpu.memref_slice %arg10[%dma_wait3A_642, %dma_wait3A_643] : memref<10240x32xf32, #tpu.memory_space<vmem_shared>> -> memref<10240x32xf32, #tpu.memory_space<vmem_shared>>
      tpu.wait_indirect_dma semaphore(%arg17 : memref<!tpu.dma_semaphore, #tpu.memory_space<semaphore_mem>>) src(%dma_wait3A_644 : memref<10240x32xf32, #tpu.memory_space<vmem_shared>>) dst(%dma_wait3A_638 : memref<128x32xf32, #tpu.memory_space<vmem>>)
      %dma_start3A_645 = arith.constant 6 : i32
      %dma_start3A_646 = arith.constant 0 : i32
      %dma_start3A_647 = arith.constant 0 : i32
      %dma_start3A_648 = tpu.memref_slice %arg8[%dma_start3A_645, %dma_start3A_646, %dma_start3A_647] : memref<10x128x32xf32, #tpu.memory_space<vmem>> -> memref<1x128x32xf32, #tpu.memory_space<vmem>>
      %dma_start3A_649 = tpu.memref_squeeze %dma_start3A_648 : memref<1x128x32xf32, #tpu.memory_space<vmem>> -> memref<128x32xf32, #tpu.memory_space<vmem>>
      %dma_start3A_650 = arith.constant 0 : i32
      %dma_start3A_651 = tpu.memref_slice %arg7[%add3A_613, %dma_start3A_650] : memref<80x128xi32, #tpu.memory_space<vmem>> -> memref<1x128xi32, #tpu.memory_space<vmem>>
      %dma_start3A_652 = tpu.memref_squeeze %dma_start3A_651 : memref<1x128xi32, #tpu.memory_space<vmem>> -> memref<128xi32, #tpu.memory_space<vmem>>
      %dma_start3A_653 = arith.constant 0 : i32
      %dma_start3A_654 = arith.constant 0 : i32
      %dma_start3A_655 = tpu.memref_slice %arg9[%dma_start3A_653, %dma_start3A_654] : memref<10240x32xf32, #tpu.memory_space<vmem_shared>> -> memref<10240x32xf32, #tpu.memory_space<vmem_shared>>
      tpu.enqueue_indirect_dma source(%dma_start3A_649 : memref<128x32xf32, #tpu.memory_space<vmem>>) target(%dma_start3A_655 : memref<10240x32xf32, #tpu.memory_space<vmem_shared>>) offsets(%dma_start3A_652 : memref<128xi32, #tpu.memory_space<vmem>>) semaphore(%arg27 : memref<!tpu.dma_semaphore, #tpu.memory_space<semaphore_mem>>) {add = true}
      %mul3A_656 = arith.constant 10 : i32
      %mul3A_657 = arith.muli %scan3A_339, %mul3A_656 : i32
      %add3A_658 = arith.constant 7 : i32
      %add3A_659 = arith.addi %mul3A_657, %add3A_658 : i32
      %dma_wait3A_660 = arith.constant 4 : i32
      %dma_wait3A_661 = arith.constant 0 : i32
      %dma_wait3A_662 = arith.constant 0 : i32
      %dma_wait3A_663 = arith.constant 0 : i32
      %dma_wait3A_664 = tpu.memref_slice %arg8[%dma_wait3A_660, %dma_wait3A_662, %dma_wait3A_663] : memref<10x128x32xf32, #tpu.memory_space<vmem>> -> memref<1x128x32xf32, #tpu.memory_space<vmem>>
      %dma_wait3A_665 = tpu.memref_squeeze %dma_wait3A_664 : memref<1x128x32xf32, #tpu.memory_space<vmem>> -> memref<128x32xf32, #tpu.memory_space<vmem>>
      %dma_wait3A_666 = arith.constant 0 : i32
      %dma_wait3A_667 = tpu.memref_slice %arg7[%dma_wait3A_661, %dma_wait3A_666] : memref<80x128xi32, #tpu.memory_space<vmem>> -> memref<1x128xi32, #tpu.memory_space<vmem>>
      %dma_wait3A_668 = tpu.memref_squeeze %dma_wait3A_667 : memref<1x128xi32, #tpu.memory_space<vmem>> -> memref<128xi32, #tpu.memory_space<vmem>>
      %dma_wait3A_669 = arith.constant 0 : i32
      %dma_wait3A_670 = arith.constant 0 : i32
      %dma_wait3A_671 = tpu.memref_slice %arg9[%dma_wait3A_669, %dma_wait3A_670] : memref<10240x32xf32, #tpu.memory_space<vmem_shared>> -> memref<10240x32xf32, #tpu.memory_space<vmem_shared>>
      tpu.wait_indirect_dma semaphore(%arg25 : memref<!tpu.dma_semaphore, #tpu.memory_space<semaphore_mem>>) src(%dma_wait3A_665 : memref<128x32xf32, #tpu.memory_space<vmem>>) dst(%dma_wait3A_671 : memref<10240x32xf32, #tpu.memory_space<vmem_shared>>)
      %add3A_672 = arith.constant 1 : i32
      %add3A_673 = arith.addi %scan3A_339, %add3A_672 : i32
      %lt3A_674 = arith.constant 8 : i32
      %lt3A_675 = arith.cmpi slt, %add3A_673, %lt3A_674 : i32
      %convert_element_type3A_676 = arith.extui %lt3A_675 : i1 to i32
      %cond3A_677 = arith.constant 0 : i32
      %cond3A_678 = arith.cmpi ne, %convert_element_type3A_676, %cond3A_677 : i32
      scf.if %cond3A_678 {
        %add3A_795 = arith.constant 7 : i32
        %add3A_796 = arith.addi %add3A_659, %add3A_795 : i32
        %dma_start3A_797 = arith.constant 4 : i32
        %dma_start3A_798 = arith.constant 0 : i32
        %dma_start3A_799 = arith.constant 0 : i32
        %dma_start3A_800 = tpu.memref_slice %arg8[%dma_start3A_797, %dma_start3A_798, %dma_start3A_799] : memref<10x128x32xf32, #tpu.memory_space<vmem>> -> memref<1x128x32xf32, #tpu.memory_space<vmem>>
        %dma_start3A_801 = tpu.memref_squeeze %dma_start3A_800 : memref<1x128x32xf32, #tpu.memory_space<vmem>> -> memref<128x32xf32, #tpu.memory_space<vmem>>
        %dma_start3A_802 = arith.constant 0 : i32
        %dma_start3A_803 = tpu.memref_slice %arg6[%add3A_796, %dma_start3A_802] : memref<80x128xi32, #tpu.memory_space<vmem>> -> memref<1x128xi32, #tpu.memory_space<vmem>>
        %dma_start3A_804 = tpu.memref_squeeze %dma_start3A_803 : memref<1x128xi32, #tpu.memory_space<vmem>> -> memref<128xi32, #tpu.memory_space<vmem>>
        %dma_start3A_805 = arith.constant 0 : i32
        %dma_start3A_806 = arith.constant 0 : i32
        %dma_start3A_807 = tpu.memref_slice %arg10[%dma_start3A_805, %dma_start3A_806] : memref<10240x32xf32, #tpu.memory_space<vmem_shared>> -> memref<10240x32xf32, #tpu.memory_space<vmem_shared>>
        tpu.enqueue_indirect_dma source(%dma_start3A_807 : memref<10240x32xf32, #tpu.memory_space<vmem_shared>>) target(%dma_start3A_801 : memref<128x32xf32, #tpu.memory_space<vmem>>) offsets(%dma_start3A_804 : memref<128xi32, #tpu.memory_space<vmem>>) semaphore(%arg15 : memref<!tpu.dma_semaphore, #tpu.memory_space<semaphore_mem>>)
      } else {
      }
      %dma_wait3A_679 = arith.constant 0 : i32
      %dma_wait3A_680 = arith.constant 7 : i32
      %dma_wait3A_681 = arith.constant 0 : i32
      %dma_wait3A_682 = arith.constant 0 : i32
      %dma_wait3A_683 = tpu.memref_slice %arg8[%dma_wait3A_680, %dma_wait3A_681, %dma_wait3A_682] : memref<10x128x32xf32, #tpu.memory_space<vmem>> -> memref<1x128x32xf32, #tpu.memory_space<vmem>>
      %dma_wait3A_684 = tpu.memref_squeeze %dma_wait3A_683 : memref<1x128x32xf32, #tpu.memory_space<vmem>> -> memref<128x32xf32, #tpu.memory_space<vmem>>
      %dma_wait3A_685 = arith.constant 0 : i32
      %dma_wait3A_686 = tpu.memref_slice %arg6[%dma_wait3A_679, %dma_wait3A_685] : memref<80x128xi32, #tpu.memory_space<vmem>> -> memref<1x128xi32, #tpu.memory_space<vmem>>
      %dma_wait3A_687 = tpu.memref_squeeze %dma_wait3A_686 : memref<1x128xi32, #tpu.memory_space<vmem>> -> memref<128xi32, #tpu.memory_space<vmem>>
      %dma_wait3A_688 = arith.constant 0 : i32
      %dma_wait3A_689 = arith.constant 0 : i32
      %dma_wait3A_690 = tpu.memref_slice %arg10[%dma_wait3A_688, %dma_wait3A_689] : memref<10240x32xf32, #tpu.memory_space<vmem_shared>> -> memref<10240x32xf32, #tpu.memory_space<vmem_shared>>
      tpu.wait_indirect_dma semaphore(%arg18 : memref<!tpu.dma_semaphore, #tpu.memory_space<semaphore_mem>>) src(%dma_wait3A_690 : memref<10240x32xf32, #tpu.memory_space<vmem_shared>>) dst(%dma_wait3A_684 : memref<128x32xf32, #tpu.memory_space<vmem>>)
      %dma_start3A_691 = arith.constant 7 : i32
      %dma_start3A_692 = arith.constant 0 : i32
      %dma_start3A_693 = arith.constant 0 : i32
      %dma_start3A_694 = tpu.memref_slice %arg8[%dma_start3A_691, %dma_start3A_692, %dma_start3A_693] : memref<10x128x32xf32, #tpu.memory_space<vmem>> -> memref<1x128x32xf32, #tpu.memory_space<vmem>>
      %dma_start3A_695 = tpu.memref_squeeze %dma_start3A_694 : memref<1x128x32xf32, #tpu.memory_space<vmem>> -> memref<128x32xf32, #tpu.memory_space<vmem>>
      %dma_start3A_696 = arith.constant 0 : i32
      %dma_start3A_697 = tpu.memref_slice %arg7[%add3A_659, %dma_start3A_696] : memref<80x128xi32, #tpu.memory_space<vmem>> -> memref<1x128xi32, #tpu.memory_space<vmem>>
      %dma_start3A_698 = tpu.memref_squeeze %dma_start3A_697 : memref<1x128xi32, #tpu.memory_space<vmem>> -> memref<128xi32, #tpu.memory_space<vmem>>
      %dma_start3A_699 = arith.constant 0 : i32
      %dma_start3A_700 = arith.constant 0 : i32
      %dma_start3A_701 = tpu.memref_slice %arg9[%dma_start3A_699, %dma_start3A_700] : memref<10240x32xf32, #tpu.memory_space<vmem_shared>> -> memref<10240x32xf32, #tpu.memory_space<vmem_shared>>
      tpu.enqueue_indirect_dma source(%dma_start3A_695 : memref<128x32xf32, #tpu.memory_space<vmem>>) target(%dma_start3A_701 : memref<10240x32xf32, #tpu.memory_space<vmem_shared>>) offsets(%dma_start3A_698 : memref<128xi32, #tpu.memory_space<vmem>>) semaphore(%arg28 : memref<!tpu.dma_semaphore, #tpu.memory_space<semaphore_mem>>) {add = true}
      %mul3A_702 = arith.constant 10 : i32
      %mul3A_703 = arith.muli %scan3A_339, %mul3A_702 : i32
      %add3A_704 = arith.constant 8 : i32
      %add3A_705 = arith.addi %mul3A_703, %add3A_704 : i32
      %dma_wait3A_706 = arith.constant 5 : i32
      %dma_wait3A_707 = arith.constant 0 : i32
      %dma_wait3A_708 = arith.constant 0 : i32
      %dma_wait3A_709 = arith.constant 0 : i32
      %dma_wait3A_710 = tpu.memref_slice %arg8[%dma_wait3A_706, %dma_wait3A_708, %dma_wait3A_709] : memref<10x128x32xf32, #tpu.memory_space<vmem>> -> memref<1x128x32xf32, #tpu.memory_space<vmem>>
      %dma_wait3A_711 = tpu.memref_squeeze %dma_wait3A_710 : memref<1x128x32xf32, #tpu.memory_space<vmem>> -> memref<128x32xf32, #tpu.memory_space<vmem>>
      %dma_wait3A_712 = arith.constant 0 : i32
      %dma_wait3A_713 = tpu.memref_slice %arg7[%dma_wait3A_707, %dma_wait3A_712] : memref<80x128xi32, #tpu.memory_space<vmem>> -> memref<1x128xi32, #tpu.memory_space<vmem>>
      %dma_wait3A_714 = tpu.memref_squeeze %dma_wait3A_713 : memref<1x128xi32, #tpu.memory_space<vmem>> -> memref<128xi32, #tpu.memory_space<vmem>>
      %dma_wait3A_715 = arith.constant 0 : i32
      %dma_wait3A_716 = arith.constant 0 : i32
      %dma_wait3A_717 = tpu.memref_slice %arg9[%dma_wait3A_715, %dma_wait3A_716] : memref<10240x32xf32, #tpu.memory_space<vmem_shared>> -> memref<10240x32xf32, #tpu.memory_space<vmem_shared>>
      tpu.wait_indirect_dma semaphore(%arg26 : memref<!tpu.dma_semaphore, #tpu.memory_space<semaphore_mem>>) src(%dma_wait3A_711 : memref<128x32xf32, #tpu.memory_space<vmem>>) dst(%dma_wait3A_717 : memref<10240x32xf32, #tpu.memory_space<vmem_shared>>)
      %add3A_718 = arith.constant 1 : i32
      %add3A_719 = arith.addi %scan3A_339, %add3A_718 : i32
      %lt3A_720 = arith.constant 8 : i32
      %lt3A_721 = arith.cmpi slt, %add3A_719, %lt3A_720 : i32
      %convert_element_type3A_722 = arith.extui %lt3A_721 : i1 to i32
      %cond3A_723 = arith.constant 0 : i32
      %cond3A_724 = arith.cmpi ne, %convert_element_type3A_722, %cond3A_723 : i32
      scf.if %cond3A_724 {
        %add3A_795 = arith.constant 7 : i32
        %add3A_796 = arith.addi %add3A_705, %add3A_795 : i32
        %dma_start3A_797 = arith.constant 5 : i32
        %dma_start3A_798 = arith.constant 0 : i32
        %dma_start3A_799 = arith.constant 0 : i32
        %dma_start3A_800 = tpu.memref_slice %arg8[%dma_start3A_797, %dma_start3A_798, %dma_start3A_799] : memref<10x128x32xf32, #tpu.memory_space<vmem>> -> memref<1x128x32xf32, #tpu.memory_space<vmem>>
        %dma_start3A_801 = tpu.memref_squeeze %dma_start3A_800 : memref<1x128x32xf32, #tpu.memory_space<vmem>> -> memref<128x32xf32, #tpu.memory_space<vmem>>
        %dma_start3A_802 = arith.constant 0 : i32
        %dma_start3A_803 = tpu.memref_slice %arg6[%add3A_796, %dma_start3A_802] : memref<80x128xi32, #tpu.memory_space<vmem>> -> memref<1x128xi32, #tpu.memory_space<vmem>>
        %dma_start3A_804 = tpu.memref_squeeze %dma_start3A_803 : memref<1x128xi32, #tpu.memory_space<vmem>> -> memref<128xi32, #tpu.memory_space<vmem>>
        %dma_start3A_805 = arith.constant 0 : i32
        %dma_start3A_806 = arith.constant 0 : i32
        %dma_start3A_807 = tpu.memref_slice %arg10[%dma_start3A_805, %dma_start3A_806] : memref<10240x32xf32, #tpu.memory_space<vmem_shared>> -> memref<10240x32xf32, #tpu.memory_space<vmem_shared>>
        tpu.enqueue_indirect_dma source(%dma_start3A_807 : memref<10240x32xf32, #tpu.memory_space<vmem_shared>>) target(%dma_start3A_801 : memref<128x32xf32, #tpu.memory_space<vmem>>) offsets(%dma_start3A_804 : memref<128xi32, #tpu.memory_space<vmem>>) semaphore(%arg16 : memref<!tpu.dma_semaphore, #tpu.memory_space<semaphore_mem>>)
      } else {
      }
      %dma_wait3A_725 = arith.constant 0 : i32
      %dma_wait3A_726 = arith.constant 8 : i32
      %dma_wait3A_727 = arith.constant 0 : i32
      %dma_wait3A_728 = arith.constant 0 : i32
      %dma_wait3A_729 = tpu.memref_slice %arg8[%dma_wait3A_726, %dma_wait3A_727, %dma_wait3A_728] : memref<10x128x32xf32, #tpu.memory_space<vmem>> -> memref<1x128x32xf32, #tpu.memory_space<vmem>>
      %dma_wait3A_730 = tpu.memref_squeeze %dma_wait3A_729 : memref<1x128x32xf32, #tpu.memory_space<vmem>> -> memref<128x32xf32, #tpu.memory_space<vmem>>
      %dma_wait3A_731 = arith.constant 0 : i32
      %dma_wait3A_732 = tpu.memref_slice %arg6[%dma_wait3A_725, %dma_wait3A_731] : memref<80x128xi32, #tpu.memory_space<vmem>> -> memref<1x128xi32, #tpu.memory_space<vmem>>
      %dma_wait3A_733 = tpu.memref_squeeze %dma_wait3A_732 : memref<1x128xi32, #tpu.memory_space<vmem>> -> memref<128xi32, #tpu.memory_space<vmem>>
      %dma_wait3A_734 = arith.constant 0 : i32
      %dma_wait3A_735 = arith.constant 0 : i32
      %dma_wait3A_736 = tpu.memref_slice %arg10[%dma_wait3A_734, %dma_wait3A_735] : memref<10240x32xf32, #tpu.memory_space<vmem_shared>> -> memref<10240x32xf32, #tpu.memory_space<vmem_shared>>
      tpu.wait_indirect_dma semaphore(%arg19 : memref<!tpu.dma_semaphore, #tpu.memory_space<semaphore_mem>>) src(%dma_wait3A_736 : memref<10240x32xf32, #tpu.memory_space<vmem_shared>>) dst(%dma_wait3A_730 : memref<128x32xf32, #tpu.memory_space<vmem>>)
      %dma_start3A_737 = arith.constant 8 : i32
      %dma_start3A_738 = arith.constant 0 : i32
      %dma_start3A_739 = arith.constant 0 : i32
      %dma_start3A_740 = tpu.memref_slice %arg8[%dma_start3A_737, %dma_start3A_738, %dma_start3A_739] : memref<10x128x32xf32, #tpu.memory_space<vmem>> -> memref<1x128x32xf32, #tpu.memory_space<vmem>>
      %dma_start3A_741 = tpu.memref_squeeze %dma_start3A_740 : memref<1x128x32xf32, #tpu.memory_space<vmem>> -> memref<128x32xf32, #tpu.memory_space<vmem>>
      %dma_start3A_742 = arith.constant 0 : i32
      %dma_start3A_743 = tpu.memref_slice %arg7[%add3A_705, %dma_start3A_742] : memref<80x128xi32, #tpu.memory_space<vmem>> -> memref<1x128xi32, #tpu.memory_space<vmem>>
      %dma_start3A_744 = tpu.memref_squeeze %dma_start3A_743 : memref<1x128xi32, #tpu.memory_space<vmem>> -> memref<128xi32, #tpu.memory_space<vmem>>
      %dma_start3A_745 = arith.constant 0 : i32
      %dma_start3A_746 = arith.constant 0 : i32
      %dma_start3A_747 = tpu.memref_slice %arg9[%dma_start3A_745, %dma_start3A_746] : memref<10240x32xf32, #tpu.memory_space<vmem_shared>> -> memref<10240x32xf32, #tpu.memory_space<vmem_shared>>
      tpu.enqueue_indirect_dma source(%dma_start3A_741 : memref<128x32xf32, #tpu.memory_space<vmem>>) target(%dma_start3A_747 : memref<10240x32xf32, #tpu.memory_space<vmem_shared>>) offsets(%dma_start3A_744 : memref<128xi32, #tpu.memory_space<vmem>>) semaphore(%arg29 : memref<!tpu.dma_semaphore, #tpu.memory_space<semaphore_mem>>) {add = true}
      %mul3A_748 = arith.constant 10 : i32
      %mul3A_749 = arith.muli %scan3A_339, %mul3A_748 : i32
      %add3A_750 = arith.constant 9 : i32
      %add3A_751 = arith.addi %mul3A_749, %add3A_750 : i32
      %dma_wait3A_752 = arith.constant 6 : i32
      %dma_wait3A_753 = arith.constant 0 : i32
      %dma_wait3A_754 = arith.constant 0 : i32
      %dma_wait3A_755 = arith.constant 0 : i32
      %dma_wait3A_756 = tpu.memref_slice %arg8[%dma_wait3A_752, %dma_wait3A_754, %dma_wait3A_755] : memref<10x128x32xf32, #tpu.memory_space<vmem>> -> memref<1x128x32xf32, #tpu.memory_space<vmem>>
      %dma_wait3A_757 = tpu.memref_squeeze %dma_wait3A_756 : memref<1x128x32xf32, #tpu.memory_space<vmem>> -> memref<128x32xf32, #tpu.memory_space<vmem>>
      %dma_wait3A_758 = arith.constant 0 : i32
      %dma_wait3A_759 = tpu.memref_slice %arg7[%dma_wait3A_753, %dma_wait3A_758] : memref<80x128xi32, #tpu.memory_space<vmem>> -> memref<1x128xi32, #tpu.memory_space<vmem>>
      %dma_wait3A_760 = tpu.memref_squeeze %dma_wait3A_759 : memref<1x128xi32, #tpu.memory_space<vmem>> -> memref<128xi32, #tpu.memory_space<vmem>>
      %dma_wait3A_761 = arith.constant 0 : i32
      %dma_wait3A_762 = arith.constant 0 : i32
      %dma_wait3A_763 = tpu.memref_slice %arg9[%dma_wait3A_761, %dma_wait3A_762] : memref<10240x32xf32, #tpu.memory_space<vmem_shared>> -> memref<10240x32xf32, #tpu.memory_space<vmem_shared>>
      tpu.wait_indirect_dma semaphore(%arg27 : memref<!tpu.dma_semaphore, #tpu.memory_space<semaphore_mem>>) src(%dma_wait3A_757 : memref<128x32xf32, #tpu.memory_space<vmem>>) dst(%dma_wait3A_763 : memref<10240x32xf32, #tpu.memory_space<vmem_shared>>)
      %add3A_764 = arith.constant 1 : i32
      %add3A_765 = arith.addi %scan3A_339, %add3A_764 : i32
      %lt3A_766 = arith.constant 8 : i32
      %lt3A_767 = arith.cmpi slt, %add3A_765, %lt3A_766 : i32
      %convert_element_type3A_768 = arith.extui %lt3A_767 : i1 to i32
      %cond3A_769 = arith.constant 0 : i32
      %cond3A_770 = arith.cmpi ne, %convert_element_type3A_768, %cond3A_769 : i32
      scf.if %cond3A_770 {
        %add3A_795 = arith.constant 7 : i32
        %add3A_796 = arith.addi %add3A_751, %add3A_795 : i32
        %dma_start3A_797 = arith.constant 6 : i32
        %dma_start3A_798 = arith.constant 0 : i32
        %dma_start3A_799 = arith.constant 0 : i32
        %dma_start3A_800 = tpu.memref_slice %arg8[%dma_start3A_797, %dma_start3A_798, %dma_start3A_799] : memref<10x128x32xf32, #tpu.memory_space<vmem>> -> memref<1x128x32xf32, #tpu.memory_space<vmem>>
        %dma_start3A_801 = tpu.memref_squeeze %dma_start3A_800 : memref<1x128x32xf32, #tpu.memory_space<vmem>> -> memref<128x32xf32, #tpu.memory_space<vmem>>
        %dma_start3A_802 = arith.constant 0 : i32
        %dma_start3A_803 = tpu.memref_slice %arg6[%add3A_796, %dma_start3A_802] : memref<80x128xi32, #tpu.memory_space<vmem>> -> memref<1x128xi32, #tpu.memory_space<vmem>>
        %dma_start3A_804 = tpu.memref_squeeze %dma_start3A_803 : memref<1x128xi32, #tpu.memory_space<vmem>> -> memref<128xi32, #tpu.memory_space<vmem>>
        %dma_start3A_805 = arith.constant 0 : i32
        %dma_start3A_806 = arith.constant 0 : i32
        %dma_start3A_807 = tpu.memref_slice %arg10[%dma_start3A_805, %dma_start3A_806] : memref<10240x32xf32, #tpu.memory_space<vmem_shared>> -> memref<10240x32xf32, #tpu.memory_space<vmem_shared>>
        tpu.enqueue_indirect_dma source(%dma_start3A_807 : memref<10240x32xf32, #tpu.memory_space<vmem_shared>>) target(%dma_start3A_801 : memref<128x32xf32, #tpu.memory_space<vmem>>) offsets(%dma_start3A_804 : memref<128xi32, #tpu.memory_space<vmem>>) semaphore(%arg17 : memref<!tpu.dma_semaphore, #tpu.memory_space<semaphore_mem>>)
      } else {
      }
      %dma_wait3A_771 = arith.constant 0 : i32
      %dma_wait3A_772 = arith.constant 9 : i32
      %dma_wait3A_773 = arith.constant 0 : i32
      %dma_wait3A_774 = arith.constant 0 : i32
      %dma_wait3A_775 = tpu.memref_slice %arg8[%dma_wait3A_772, %dma_wait3A_773, %dma_wait3A_774] : memref<10x128x32xf32, #tpu.memory_space<vmem>> -> memref<1x128x32xf32, #tpu.memory_space<vmem>>
      %dma_wait3A_776 = tpu.memref_squeeze %dma_wait3A_775 : memref<1x128x32xf32, #tpu.memory_space<vmem>> -> memref<128x32xf32, #tpu.memory_space<vmem>>
      %dma_wait3A_777 = arith.constant 0 : i32
      %dma_wait3A_778 = tpu.memref_slice %arg6[%dma_wait3A_771, %dma_wait3A_777] : memref<80x128xi32, #tpu.memory_space<vmem>> -> memref<1x128xi32, #tpu.memory_space<vmem>>
      %dma_wait3A_779 = tpu.memref_squeeze %dma_wait3A_778 : memref<1x128xi32, #tpu.memory_space<vmem>> -> memref<128xi32, #tpu.memory_space<vmem>>
      %dma_wait3A_780 = arith.constant 0 : i32
      %dma_wait3A_781 = arith.constant 0 : i32
      %dma_wait3A_782 = tpu.memref_slice %arg10[%dma_wait3A_780, %dma_wait3A_781] : memref<10240x32xf32, #tpu.memory_space<vmem_shared>> -> memref<10240x32xf32, #tpu.memory_space<vmem_shared>>
      tpu.wait_indirect_dma semaphore(%arg20 : memref<!tpu.dma_semaphore, #tpu.memory_space<semaphore_mem>>) src(%dma_wait3A_782 : memref<10240x32xf32, #tpu.memory_space<vmem_shared>>) dst(%dma_wait3A_776 : memref<128x32xf32, #tpu.memory_space<vmem>>)
      %dma_start3A_783 = arith.constant 9 : i32
      %dma_start3A_784 = arith.constant 0 : i32
      %dma_start3A_785 = arith.constant 0 : i32
      %dma_start3A_786 = tpu.memref_slice %arg8[%dma_start3A_783, %dma_start3A_784, %dma_start3A_785] : memref<10x128x32xf32, #tpu.memory_space<vmem>> -> memref<1x128x32xf32, #tpu.memory_space<vmem>>
      %dma_start3A_787 = tpu.memref_squeeze %dma_start3A_786 : memref<1x128x32xf32, #tpu.memory_space<vmem>> -> memref<128x32xf32, #tpu.memory_space<vmem>>
      %dma_start3A_788 = arith.constant 0 : i32
      %dma_start3A_789 = tpu.memref_slice %arg7[%add3A_751, %dma_start3A_788] : memref<80x128xi32, #tpu.memory_space<vmem>> -> memref<1x128xi32, #tpu.memory_space<vmem>>
      %dma_start3A_790 = tpu.memref_squeeze %dma_start3A_789 : memref<1x128xi32, #tpu.memory_space<vmem>> -> memref<128xi32, #tpu.memory_space<vmem>>
      %dma_start3A_791 = arith.constant 0 : i32
      %dma_start3A_792 = arith.constant 0 : i32
      %dma_start3A_793 = tpu.memref_slice %arg9[%dma_start3A_791, %dma_start3A_792] : memref<10240x32xf32, #tpu.memory_space<vmem_shared>> -> memref<10240x32xf32, #tpu.memory_space<vmem_shared>>
      tpu.enqueue_indirect_dma source(%dma_start3A_787 : memref<128x32xf32, #tpu.memory_space<vmem>>) target(%dma_start3A_793 : memref<10240x32xf32, #tpu.memory_space<vmem_shared>>) offsets(%dma_start3A_790 : memref<128xi32, #tpu.memory_space<vmem>>) semaphore(%arg30 : memref<!tpu.dma_semaphore, #tpu.memory_space<semaphore_mem>>) {add = true}
      %scan3A_794 = arith.constant 0 : i32
      scf.yield %scan3A_794 : i32
    }
    %scan3A_294 = arith.constant 8 : i32
    %dma_wait3A_295 = arith.constant 7 : i32
    %dma_wait3A_296 = arith.constant 0 : i32
    %dma_wait3A_297 = arith.constant 0 : i32
    %dma_wait3A_298 = arith.constant 0 : i32
    %dma_wait3A_299 = tpu.memref_slice %arg8[%dma_wait3A_295, %dma_wait3A_297, %dma_wait3A_298] : memref<10x128x32xf32, #tpu.memory_space<vmem>> -> memref<1x128x32xf32, #tpu.memory_space<vmem>>
    %dma_wait3A_300 = tpu.memref_squeeze %dma_wait3A_299 : memref<1x128x32xf32, #tpu.memory_space<vmem>> -> memref<128x32xf32, #tpu.memory_space<vmem>>
    %dma_wait3A_301 = arith.constant 0 : i32
    %dma_wait3A_302 = tpu.memref_slice %arg7[%dma_wait3A_296, %dma_wait3A_301] : memref<80x128xi32, #tpu.memory_space<vmem>> -> memref<1x128xi32, #tpu.memory_space<vmem>>
    %dma_wait3A_303 = tpu.memref_squeeze %dma_wait3A_302 : memref<1x128xi32, #tpu.memory_space<vmem>> -> memref<128xi32, #tpu.memory_space<vmem>>
    %dma_wait3A_304 = arith.constant 0 : i32
    %dma_wait3A_305 = arith.constant 0 : i32
    %dma_wait3A_306 = tpu.memref_slice %arg9[%dma_wait3A_304, %dma_wait3A_305] : memref<10240x32xf32, #tpu.memory_space<vmem_shared>> -> memref<10240x32xf32, #tpu.memory_space<vmem_shared>>
    tpu.wait_indirect_dma semaphore(%arg28 : memref<!tpu.dma_semaphore, #tpu.memory_space<semaphore_mem>>) src(%dma_wait3A_300 : memref<128x32xf32, #tpu.memory_space<vmem>>) dst(%dma_wait3A_306 : memref<10240x32xf32, #tpu.memory_space<vmem_shared>>)
    %dma_wait3A_307 = arith.constant 8 : i32
    %dma_wait3A_308 = arith.constant 0 : i32
    %dma_wait3A_309 = arith.constant 0 : i32
    %dma_wait3A_310 = arith.constant 0 : i32
    %dma_wait3A_311 = tpu.memref_slice %arg8[%dma_wait3A_307, %dma_wait3A_309, %dma_wait3A_310] : memref<10x128x32xf32, #tpu.memory_space<vmem>> -> memref<1x128x32xf32, #tpu.memory_space<vmem>>
    %dma_wait3A_312 = tpu.memref_squeeze %dma_wait3A_311 : memref<1x128x32xf32, #tpu.memory_space<vmem>> -> memref<128x32xf32, #tpu.memory_space<vmem>>
    %dma_wait3A_313 = arith.constant 0 : i32
    %dma_wait3A_314 = tpu.memref_slice %arg7[%dma_wait3A_308, %dma_wait3A_313] : memref<80x128xi32, #tpu.memory_space<vmem>> -> memref<1x128xi32, #tpu.memory_space<vmem>>
    %dma_wait3A_315 = tpu.memref_squeeze %dma_wait3A_314 : memref<1x128xi32, #tpu.memory_space<vmem>> -> memref<128xi32, #tpu.memory_space<vmem>>
    %dma_wait3A_316 = arith.constant 0 : i32
    %dma_wait3A_317 = arith.constant 0 : i32
    %dma_wait3A_318 = tpu.memref_slice %arg9[%dma_wait3A_316, %dma_wait3A_317] : memref<10240x32xf32, #tpu.memory_space<vmem_shared>> -> memref<10240x32xf32, #tpu.memory_space<vmem_shared>>
    tpu.wait_indirect_dma semaphore(%arg29 : memref<!tpu.dma_semaphore, #tpu.memory_space<semaphore_mem>>) src(%dma_wait3A_312 : memref<128x32xf32, #tpu.memory_space<vmem>>) dst(%dma_wait3A_318 : memref<10240x32xf32, #tpu.memory_space<vmem_shared>>)
    %dma_wait3A_319 = arith.constant 9 : i32
    %dma_wait3A_320 = arith.constant 0 : i32
    %dma_wait3A_321 = arith.constant 0 : i32
    %dma_wait3A_322 = arith.constant 0 : i32
    %dma_wait3A_323 = tpu.memref_slice %arg8[%dma_wait3A_319, %dma_wait3A_321, %dma_wait3A_322] : memref<10x128x32xf32, #tpu.memory_space<vmem>> -> memref<1x128x32xf32, #tpu.memory_space<vmem>>
    %dma_wait3A_324 = tpu.memref_squeeze %dma_wait3A_323 : memref<1x128x32xf32, #tpu.memory_space<vmem>> -> memref<128x32xf32, #tpu.memory_space<vmem>>
    %dma_wait3A_325 = arith.constant 0 : i32
    %dma_wait3A_326 = tpu.memref_slice %arg7[%dma_wait3A_320, %dma_wait3A_325] : memref<80x128xi32, #tpu.memory_space<vmem>> -> memref<1x128xi32, #tpu.memory_space<vmem>>
    %dma_wait3A_327 = tpu.memref_squeeze %dma_wait3A_326 : memref<1x128xi32, #tpu.memory_space<vmem>> -> memref<128xi32, #tpu.memory_space<vmem>>
    %dma_wait3A_328 = arith.constant 0 : i32
    %dma_wait3A_329 = arith.constant 0 : i32
    %dma_wait3A_330 = tpu.memref_slice %arg9[%dma_wait3A_328, %dma_wait3A_329] : memref<10240x32xf32, #tpu.memory_space<vmem_shared>> -> memref<10240x32xf32, #tpu.memory_space<vmem_shared>>
    tpu.wait_indirect_dma semaphore(%arg30 : memref<!tpu.dma_semaphore, #tpu.memory_space<semaphore_mem>>) src(%dma_wait3A_324 : memref<128x32xf32, #tpu.memory_space<vmem>>) dst(%dma_wait3A_330 : memref<10240x32xf32, #tpu.memory_space<vmem_shared>>)
    %barrier3A_331 = arith.constant 0 : index
    tpu.barrier barrier_id(%barrier3A_331)
    %mul3A_332 = arith.constant 640 : i32
    %mul3A_333 = arith.muli %arg1, %mul3A_332 : i32
    %mul3A_334 = arith.constant 10240 : i32
    %mul3A_335 = arith.muli %arg0, %mul3A_334 : i32
    %mul3A_336 = arith.constant 640 : i32
    %mul3A_337 = arith.muli %arg1, %mul3A_336 : i32
    %add3A_338 = arith.addi %mul3A_335, %mul3A_337 : i32
    "tpu.region"() ({
      %run_scoped3A = tpu.sem_alloc : memref<!tpu.dma_semaphore, #tpu.memory_space<semaphore_mem>>
      %dma_start3A_339 = arith.constant 0 : i32
      %dma_start3A_340 = tpu.memref_slice %arg5[%add3A_338, %dma_start3A_339] : memref<20480x32xf32, #tpu.memory_space<hbm>> -> memref<640x32xf32, #tpu.memory_space<hbm>>
      %dma_start3A_341 = arith.constant 0 : i32
      %dma_start3A_342 = tpu.memref_slice %arg9[%mul3A_333, %dma_start3A_341] : memref<10240x32xf32, #tpu.memory_space<vmem_shared>> -> memref<640x32xf32, #tpu.memory_space<vmem_shared>>
      tpu.enqueue_dma source(%dma_start3A_342 : memref<640x32xf32, #tpu.memory_space<vmem_shared>>) target(%dma_start3A_340 : memref<640x32xf32, #tpu.memory_space<hbm>>) target_semaphore(%run_scoped3A : memref<!tpu.dma_semaphore, #tpu.memory_space<semaphore_mem>>)
      %dma_wait3A_343 = arith.constant 0 : i32
      %dma_wait3A_344 = tpu.memref_slice %arg5[%add3A_338, %dma_wait3A_343] : memref<20480x32xf32, #tpu.memory_space<hbm>> -> memref<640x32xf32, #tpu.memory_space<hbm>>
      %dma_wait3A_345 = arith.constant 0 : i32
      %dma_wait3A_346 = tpu.memref_slice %arg9[%mul3A_333, %dma_wait3A_345] : memref<10240x32xf32, #tpu.memory_space<vmem_shared>> -> memref<640x32xf32, #tpu.memory_space<vmem_shared>>
      tpu.wait_dma2 semaphore(%run_scoped3A : memref<!tpu.dma_semaphore, #tpu.memory_space<semaphore_mem>>) src(%dma_wait3A_346 : memref<640x32xf32, #tpu.memory_space<vmem_shared>>) dst(%dma_wait3A_344 : memref<640x32xf32, #tpu.memory_space<hbm>>)
      tpu.yield
    }) : () -> ()
    return
  }
}

module attributes {stable_mosaic.version = 14 : i64} {
  func.func @_tc1_body(%arg0: i32, %arg1: memref<320x512xf32, #tpu.memory_space<vmem>>, %arg2: memref<512x128xf32, #tpu.memory_space<vmem>>, %arg3: memref<512x128xf32, #tpu.memory_space<vmem>>, %arg4: memref<1x128xf32, #tpu.memory_space<vmem>>, %arg5: memref<320x128xf32, #tpu.memory_space<vmem>>, %arg6: memref<320x128xf32, #tpu.memory_space<vmem>>) attributes {dimension_semantics = [#tpu.dimension_semantics<arbitrary>], iteration_bounds = array<i64: 8>, scalar_prefetch = 0 : i64, scratch_operands = 0 : i64, tpu.core_type = #tpu.core_type<tc>, window_params = [{transform_indices = @transform_0, window_bounds = array<i64: 320, 512>}, {pipeline_mode = #tpu.pipeline_mode<synchronous>, transform_indices = @transform_1, window_bounds = array<i64: 512, 128>}, {pipeline_mode = #tpu.pipeline_mode<synchronous>, transform_indices = @transform_2, window_bounds = array<i64: 512, 128>}, {pipeline_mode = #tpu.pipeline_mode<synchronous>, transform_indices = @transform_3, window_bounds = array<i64: 1, 128>}, {transform_indices = @transform_4, window_bounds = array<i64: 320, 128>}, {transform_indices = @transform_5, window_bounds = array<i64: 320, 128>}]} {
    %get3A = arith.constant 0 : index
    %get3A_0 = arith.constant 0 : index
    %get3A_1 = vector.load %arg1[%get3A, %get3A_0] : memref<320x512xf32, #tpu.memory_space<vmem>>, vector<320x512xf32>
    %get3A_2 = arith.constant 0 : index
    %get3A_3 = arith.constant 0 : index
    %get3A_4 = vector.load %arg2[%get3A_2, %get3A_3] : memref<512x128xf32, #tpu.memory_space<vmem>>, vector<512x128xf32>
    %dot_general3A = arith.constant dense<0.000000e+00> : vector<320x128xf32>
    %dot_general3A_5 = tpu.matmul %get3A_1, %get3A_4, %dot_general3A {dimension_numbers = #tpu.dot_dimension_numbers<[1], [0], [0], [1], [0, 0, 1, 1], [], []>, transpose_lhs_hint = false} : vector<320x512xf32>, vector<512x128xf32>, vector<320x128xf32> -> vector<320x128xf32>
    %swap3A = arith.constant 0 : index
    %swap3A_6 = arith.constant 0 : index
    %swap3A_7 = vector.load %arg5[%swap3A, %swap3A_6] : memref<320x128xf32, #tpu.memory_space<vmem>>, vector<320x128xf32>
    tpu.vector_store %arg5[%swap3A, %swap3A_6], %dot_general3A_5 {strides = array<i32>} : memref<320x128xf32, #tpu.memory_space<vmem>>, vector<320x128xf32>,
    %get3A_8 = arith.constant 0 : index
    %get3A_9 = arith.constant 0 : index
    %get3A_10 = vector.load %arg3[%get3A_8, %get3A_9] : memref<512x128xf32, #tpu.memory_space<vmem>>, vector<512x128xf32>
    %dot_general3A_11 = arith.constant dense<0.000000e+00> : vector<320x128xf32>
    %dot_general3A_12 = tpu.matmul %get3A_1, %get3A_10, %dot_general3A_11 {dimension_numbers = #tpu.dot_dimension_numbers<[1], [0], [0], [1], [0, 0, 1, 1], [], []>, transpose_lhs_hint = false} : vector<320x512xf32>, vector<512x128xf32>, vector<320x128xf32> -> vector<320x128xf32>
    %get3A_13 = arith.constant 0 : index
    %get3A_14 = arith.constant 0 : index
    %get3A_15 = vector.load %arg4[%get3A_13, %get3A_14] : memref<1x128xf32, #tpu.memory_space<vmem>>, vector<1x128xf32>
    %add3A = vector.broadcast %get3A_15 : vector<1x128xf32> to vector<320x128xf32>
    %add3A_16 = arith.addf %dot_general3A_12, %add3A : vector<320x128xf32>
    %swap3A_17 = arith.constant 0 : index
    %swap3A_18 = arith.constant 0 : index
    %swap3A_19 = vector.load %arg6[%swap3A_17, %swap3A_18] : memref<320x128xf32, #tpu.memory_space<vmem>>, vector<320x128xf32>
    tpu.vector_store %arg6[%swap3A_17, %swap3A_18], %add3A_16 {strides = array<i32>} : memref<320x128xf32, #tpu.memory_space<vmem>>, vector<320x128xf32>,
    return
  }
  func.func @transform_0(%arg0: i32) -> (i32, i32) {
    %c0_i32 = arith.constant 0 : i32
    %c0_i32_0 = arith.constant 0 : i32
    return %arg0, %c0_i32 : i32, i32
  }
  func.func @transform_1(%arg0: i32) -> (i32, i32) {
    %c0_i32 = arith.constant 0 : i32
    %c0_i32_0 = arith.constant 0 : i32
    %c0_i32_1 = arith.constant 0 : i32
    return %c0_i32, %c0_i32_0 : i32, i32
  }
  func.func @transform_2(%arg0: i32) -> (i32, i32) {
    %c0_i32 = arith.constant 0 : i32
    %c0_i32_0 = arith.constant 0 : i32
    %c0_i32_1 = arith.constant 0 : i32
    return %c0_i32, %c0_i32_0 : i32, i32
  }
  func.func @transform_3(%arg0: i32) -> (i32, i32) {
    %c0_i32 = arith.constant 0 : i32
    %c0_i32_0 = arith.constant 0 : i32
    %c0_i32_1 = arith.constant 0 : i32
    return %c0_i32, %c0_i32_0 : i32, i32
  }
  func.func @transform_4(%arg0: i32) -> (i32, i32) {
    %c0_i32 = arith.constant 0 : i32
    %c0_i32_0 = arith.constant 0 : i32
    return %arg0, %c0_i32 : i32, i32
  }
  func.func @transform_5(%arg0: i32) -> (i32, i32) {
    %c0_i32 = arith.constant 0 : i32
    %c0_i32_0 = arith.constant 0 : i32
    return %arg0, %c0_i32 : i32, i32
  }
}

module attributes {stable_mosaic.version = 14 : i64} {
  func.func @_tc2_body(%arg0: i32, %arg1: memref<2x320x128xf32, #tpu.memory_space<vmem>>, %arg2: memref<2x320x128xf32, #tpu.memory_space<vmem>>, %arg3: memref<320x128xf32, #tpu.memory_space<vmem>>, %arg4: memref<128x128xf32, #tpu.memory_space<vmem>>, %arg5: memref<128x128xf32, #tpu.memory_space<vmem>>, %arg6: memref<1x128xf32, #tpu.memory_space<vmem>>, %arg7: memref<320x128xf32, #tpu.memory_space<vmem>>, %arg8: memref<320x128xf32, #tpu.memory_space<vmem>>) attributes {dimension_semantics = [#tpu.dimension_semantics<arbitrary>], iteration_bounds = array<i64: 8>, scalar_prefetch = 0 : i64, scratch_operands = 0 : i64, tpu.core_type = #tpu.core_type<tc>, window_params = [{transform_indices = @transform_0, window_bounds = array<i64: 2, 320, 128>}, {transform_indices = @transform_1, window_bounds = array<i64: 2, 320, 128>}, {transform_indices = @transform_2, window_bounds = array<i64: 320, 128>}, {pipeline_mode = #tpu.pipeline_mode<synchronous>, transform_indices = @transform_3, window_bounds = array<i64: 128, 128>}, {pipeline_mode = #tpu.pipeline_mode<synchronous>, transform_indices = @transform_4, window_bounds = array<i64: 128, 128>}, {pipeline_mode = #tpu.pipeline_mode<synchronous>, transform_indices = @transform_5, window_bounds = array<i64: 1, 128>}, {transform_indices = @transform_6, window_bounds = array<i64: 320, 128>}, {transform_indices = @transform_7, window_bounds = array<i64: 320, 128>}]} {
    %get3A = arith.constant 0 : index
    %get3A_0 = arith.constant 0 : index
    %get3A_1 = arith.constant 0 : index
    %get3A_2 = vector.load %arg1[%get3A, %get3A_0, %get3A_1] : memref<2x320x128xf32, #tpu.memory_space<vmem>>, vector<1x320x128xf32>
    %get3A_3 = vector.shape_cast %get3A_2 : vector<1x320x128xf32> to vector<320x128xf32>
    %get3A_4 = arith.constant 1 : index
    %get3A_5 = arith.constant 0 : index
    %get3A_6 = arith.constant 0 : index
    %get3A_7 = vector.load %arg1[%get3A_4, %get3A_5, %get3A_6] : memref<2x320x128xf32, #tpu.memory_space<vmem>>, vector<1x320x128xf32>
    %get3A_8 = vector.shape_cast %get3A_7 : vector<1x320x128xf32> to vector<320x128xf32>
    %add3A = arith.addf %get3A_3, %get3A_8 : vector<320x128xf32>
    %get3A_9 = arith.constant 0 : index
    %get3A_10 = arith.constant 0 : index
    %get3A_11 = arith.constant 0 : index
    %get3A_12 = vector.load %arg2[%get3A_9, %get3A_10, %get3A_11] : memref<2x320x128xf32, #tpu.memory_space<vmem>>, vector<1x320x128xf32>
    %get3A_13 = vector.shape_cast %get3A_12 : vector<1x320x128xf32> to vector<320x128xf32>
    %get3A_14 = arith.constant 1 : index
    %get3A_15 = arith.constant 0 : index
    %get3A_16 = arith.constant 0 : index
    %get3A_17 = vector.load %arg2[%get3A_14, %get3A_15, %get3A_16] : memref<2x320x128xf32, #tpu.memory_space<vmem>>, vector<1x320x128xf32>
    %get3A_18 = vector.shape_cast %get3A_17 : vector<1x320x128xf32> to vector<320x128xf32>
    %add3A_19 = arith.addf %get3A_13, %get3A_18 : vector<320x128xf32>
    %max3A = arith.constant 1.000000e+00 : f32
    %max3A_20 = vector.broadcast %max3A : f32 to vector<320x128xf32>
    %max3A_21 = arith.maximumf %add3A_19, %max3A_20 : vector<320x128xf32>
    %div3A = arith.constant 1.000000e+00 : f32
    %div3A_22 = vector.broadcast %div3A : f32 to vector<320x128xf32>
    %div3A_23 = arith.divf %div3A_22, %max3A_21 : vector<320x128xf32>
    %mul3A = arith.mulf %add3A, %div3A_23 : vector<320x128xf32>
    %get3A_24 = arith.constant 0 : index
    %get3A_25 = arith.constant 0 : index
    %get3A_26 = vector.load %arg3[%get3A_24, %get3A_25] : memref<320x128xf32, #tpu.memory_space<vmem>>, vector<320x128xf32>
    %add3A_27 = arith.addf %mul3A, %get3A_26 : vector<320x128xf32>
    %max3A_28 = arith.constant 0.000000e+00 : f32
    %max3A_29 = vector.broadcast %max3A_28 : f32 to vector<320x128xf32>
    %max3A_30 = arith.maximumf %add3A_27, %max3A_29 : vector<320x128xf32>
    %get3A_31 = arith.constant 0 : index
    %get3A_32 = arith.constant 0 : index
    %get3A_33 = vector.load %arg4[%get3A_31, %get3A_32] : memref<128x128xf32, #tpu.memory_space<vmem>>, vector<128x128xf32>
    %dot_general3A = arith.constant dense<0.000000e+00> : vector<320x128xf32>
    %dot_general3A_34 = tpu.matmul %max3A_30, %get3A_33, %dot_general3A {dimension_numbers = #tpu.dot_dimension_numbers<[1], [0], [0], [1], [0, 0, 1, 1], [], []>, transpose_lhs_hint = false} : vector<320x128xf32>, vector<128x128xf32>, vector<320x128xf32> -> vector<320x128xf32>
    %swap3A = arith.constant 0 : index
    %swap3A_35 = arith.constant 0 : index
    %swap3A_36 = vector.load %arg7[%swap3A, %swap3A_35] : memref<320x128xf32, #tpu.memory_space<vmem>>, vector<320x128xf32>
    tpu.vector_store %arg7[%swap3A, %swap3A_35], %dot_general3A_34 {strides = array<i32>} : memref<320x128xf32, #tpu.memory_space<vmem>>, vector<320x128xf32>,
    %get3A_37 = arith.constant 0 : index
    %get3A_38 = arith.constant 0 : index
    %get3A_39 = vector.load %arg5[%get3A_37, %get3A_38] : memref<128x128xf32, #tpu.memory_space<vmem>>, vector<128x128xf32>
    %dot_general3A_40 = arith.constant dense<0.000000e+00> : vector<320x128xf32>
    %dot_general3A_41 = tpu.matmul %max3A_30, %get3A_39, %dot_general3A_40 {dimension_numbers = #tpu.dot_dimension_numbers<[1], [0], [0], [1], [0, 0, 1, 1], [], []>, transpose_lhs_hint = false} : vector<320x128xf32>, vector<128x128xf32>, vector<320x128xf32> -> vector<320x128xf32>
    %get3A_42 = arith.constant 0 : index
    %get3A_43 = arith.constant 0 : index
    %get3A_44 = vector.load %arg6[%get3A_42, %get3A_43] : memref<1x128xf32, #tpu.memory_space<vmem>>, vector<1x128xf32>
    %add3A_45 = vector.broadcast %get3A_44 : vector<1x128xf32> to vector<320x128xf32>
    %add3A_46 = arith.addf %dot_general3A_41, %add3A_45 : vector<320x128xf32>
    %swap3A_47 = arith.constant 0 : index
    %swap3A_48 = arith.constant 0 : index
    %swap3A_49 = vector.load %arg8[%swap3A_47, %swap3A_48] : memref<320x128xf32, #tpu.memory_space<vmem>>, vector<320x128xf32>
    tpu.vector_store %arg8[%swap3A_47, %swap3A_48], %add3A_46 {strides = array<i32>} : memref<320x128xf32, #tpu.memory_space<vmem>>, vector<320x128xf32>,
    return
  }
  func.func @transform_0(%arg0: i32) -> (i32, i32, i32) {
    %c0_i32 = arith.constant 0 : i32
    %c0_i32_0 = arith.constant 0 : i32
    %c0_i32_1 = arith.constant 0 : i32
    return %c0_i32, %arg0, %c0_i32_0 : i32, i32, i32
  }
  func.func @transform_1(%arg0: i32) -> (i32, i32, i32) {
    %c0_i32 = arith.constant 0 : i32
    %c0_i32_0 = arith.constant 0 : i32
    %c0_i32_1 = arith.constant 0 : i32
    return %c0_i32, %arg0, %c0_i32_0 : i32, i32, i32
  }
  func.func @transform_2(%arg0: i32) -> (i32, i32) {
    %c0_i32 = arith.constant 0 : i32
    %c0_i32_0 = arith.constant 0 : i32
    return %arg0, %c0_i32 : i32, i32
  }
  func.func @transform_3(%arg0: i32) -> (i32, i32) {
    %c0_i32 = arith.constant 0 : i32
    %c0_i32_0 = arith.constant 0 : i32
    %c0_i32_1 = arith.constant 0 : i32
    return %c0_i32, %c0_i32_0 : i32, i32
  }
  func.func @transform_4(%arg0: i32) -> (i32, i32) {
    %c0_i32 = arith.constant 0 : i32
    %c0_i32_0 = arith.constant 0 : i32
    %c0_i32_1 = arith.constant 0 : i32
    return %c0_i32, %c0_i32_0 : i32, i32
  }
  func.func @transform_5(%arg0: i32) -> (i32, i32) {
    %c0_i32 = arith.constant 0 : i32
    %c0_i32_0 = arith.constant 0 : i32
    %c0_i32_1 = arith.constant 0 : i32
    return %c0_i32, %c0_i32_0 : i32, i32
  }
  func.func @transform_6(%arg0: i32) -> (i32, i32) {
    %c0_i32 = arith.constant 0 : i32
    %c0_i32_0 = arith.constant 0 : i32
    return %arg0, %c0_i32 : i32, i32
  }
  func.func @transform_7(%arg0: i32) -> (i32, i32) {
    %c0_i32 = arith.constant 0 : i32
    %c0_i32_0 = arith.constant 0 : i32
    return %arg0, %c0_i32 : i32, i32
  }
}

module attributes {stable_mosaic.version = 14 : i64} {
  func.func @_tc3_body(%arg0: i32, %arg1: memref<2x320x128xf32, #tpu.memory_space<vmem>>, %arg2: memref<2x320x128xf32, #tpu.memory_space<vmem>>, %arg3: memref<320x128xf32, #tpu.memory_space<vmem>>, %arg4: memref<128x4xf32, #tpu.memory_space<vmem>>, %arg5: memref<1x1xf32, #tpu.memory_space<vmem>>, %arg6: memref<320x4xf32, #tpu.memory_space<vmem>>) attributes {dimension_semantics = [#tpu.dimension_semantics<arbitrary>], iteration_bounds = array<i64: 8>, scalar_prefetch = 0 : i64, scratch_operands = 0 : i64, tpu.core_type = #tpu.core_type<tc>, window_params = [{transform_indices = @transform_0, window_bounds = array<i64: 2, 320, 128>}, {transform_indices = @transform_1, window_bounds = array<i64: 2, 320, 128>}, {transform_indices = @transform_2, window_bounds = array<i64: 320, 128>}, {pipeline_mode = #tpu.pipeline_mode<synchronous>, transform_indices = @transform_3, window_bounds = array<i64: 128, 4>}, {pipeline_mode = #tpu.pipeline_mode<synchronous>, transform_indices = @transform_4, window_bounds = array<i64: 1, 1>}, {transform_indices = @transform_5, window_bounds = array<i64: 320, 4>}]} {
    %get3A = arith.constant 0 : index
    %get3A_0 = arith.constant 0 : index
    %get3A_1 = arith.constant 0 : index
    %get3A_2 = vector.load %arg1[%get3A, %get3A_0, %get3A_1] : memref<2x320x128xf32, #tpu.memory_space<vmem>>, vector<1x320x128xf32>
    %get3A_3 = vector.shape_cast %get3A_2 : vector<1x320x128xf32> to vector<320x128xf32>
    %get3A_4 = arith.constant 1 : index
    %get3A_5 = arith.constant 0 : index
    %get3A_6 = arith.constant 0 : index
    %get3A_7 = vector.load %arg1[%get3A_4, %get3A_5, %get3A_6] : memref<2x320x128xf32, #tpu.memory_space<vmem>>, vector<1x320x128xf32>
    %get3A_8 = vector.shape_cast %get3A_7 : vector<1x320x128xf32> to vector<320x128xf32>
    %add3A = arith.addf %get3A_3, %get3A_8 : vector<320x128xf32>
    %get3A_9 = arith.constant 0 : index
    %get3A_10 = arith.constant 0 : index
    %get3A_11 = arith.constant 0 : index
    %get3A_12 = vector.load %arg2[%get3A_9, %get3A_10, %get3A_11] : memref<2x320x128xf32, #tpu.memory_space<vmem>>, vector<1x320x128xf32>
    %get3A_13 = vector.shape_cast %get3A_12 : vector<1x320x128xf32> to vector<320x128xf32>
    %get3A_14 = arith.constant 1 : index
    %get3A_15 = arith.constant 0 : index
    %get3A_16 = arith.constant 0 : index
    %get3A_17 = vector.load %arg2[%get3A_14, %get3A_15, %get3A_16] : memref<2x320x128xf32, #tpu.memory_space<vmem>>, vector<1x320x128xf32>
    %get3A_18 = vector.shape_cast %get3A_17 : vector<1x320x128xf32> to vector<320x128xf32>
    %add3A_19 = arith.addf %get3A_13, %get3A_18 : vector<320x128xf32>
    %max3A = arith.constant 1.000000e+00 : f32
    %max3A_20 = vector.broadcast %max3A : f32 to vector<320x128xf32>
    %max3A_21 = arith.maximumf %add3A_19, %max3A_20 : vector<320x128xf32>
    %div3A = arith.constant 1.000000e+00 : f32
    %div3A_22 = vector.broadcast %div3A : f32 to vector<320x128xf32>
    %div3A_23 = arith.divf %div3A_22, %max3A_21 : vector<320x128xf32>
    %mul3A = arith.mulf %add3A, %div3A_23 : vector<320x128xf32>
    %get3A_24 = arith.constant 0 : index
    %get3A_25 = arith.constant 0 : index
    %get3A_26 = vector.load %arg3[%get3A_24, %get3A_25] : memref<320x128xf32, #tpu.memory_space<vmem>>, vector<320x128xf32>
    %add3A_27 = arith.addf %mul3A, %get3A_26 : vector<320x128xf32>
    %get3A_28 = arith.constant 0 : index
    %get3A_29 = arith.constant 0 : index
    %get3A_30 = vector.load %arg4[%get3A_28, %get3A_29] : memref<128x4xf32, #tpu.memory_space<vmem>>, vector<128x4xf32>
    %dot_general3A = arith.constant dense<0.000000e+00> : vector<320x4xf32>
    %dot_general3A_31 = tpu.matmul %add3A_27, %get3A_30, %dot_general3A {dimension_numbers = #tpu.dot_dimension_numbers<[1], [0], [0], [1], [0, 0, 1, 1], [], []>, transpose_lhs_hint = false} : vector<320x128xf32>, vector<128x4xf32>, vector<320x4xf32> -> vector<320x4xf32>
    %get3A_32 = arith.constant 0 : index
    %get3A_33 = arith.constant 0 : index
    %get3A_34 = vector.load %arg5[%get3A_32, %get3A_33] : memref<1x1xf32, #tpu.memory_space<vmem>>, vector<1x1xf32>
    %add3A_35 = vector.broadcast %get3A_34 : vector<1x1xf32> to vector<320x4xf32>
    %add3A_36 = arith.addf %dot_general3A_31, %add3A_35 : vector<320x4xf32>
    %swap3A = arith.constant 0 : index
    %swap3A_37 = arith.constant 0 : index
    %swap3A_38 = vector.load %arg6[%swap3A, %swap3A_37] : memref<320x4xf32, #tpu.memory_space<vmem>>, vector<320x4xf32>
    tpu.vector_store %arg6[%swap3A, %swap3A_37], %add3A_36 {strides = array<i32>} : memref<320x4xf32, #tpu.memory_space<vmem>>, vector<320x4xf32>,
    return
  }
  func.func @transform_0(%arg0: i32) -> (i32, i32, i32) {
    %c0_i32 = arith.constant 0 : i32
    %c0_i32_0 = arith.constant 0 : i32
    %c0_i32_1 = arith.constant 0 : i32
    return %c0_i32, %arg0, %c0_i32_0 : i32, i32, i32
  }
  func.func @transform_1(%arg0: i32) -> (i32, i32, i32) {
    %c0_i32 = arith.constant 0 : i32
    %c0_i32_0 = arith.constant 0 : i32
    %c0_i32_1 = arith.constant 0 : i32
    return %c0_i32, %arg0, %c0_i32_0 : i32, i32, i32
  }
  func.func @transform_2(%arg0: i32) -> (i32, i32) {
    %c0_i32 = arith.constant 0 : i32
    %c0_i32_0 = arith.constant 0 : i32
    return %arg0, %c0_i32 : i32, i32
  }
  func.func @transform_3(%arg0: i32) -> (i32, i32) {
    %c0_i32 = arith.constant 0 : i32
    %c0_i32_0 = arith.constant 0 : i32
    %c0_i32_1 = arith.constant 0 : i32
    return %c0_i32, %c0_i32_0 : i32, i32
  }
  func.func @transform_4(%arg0: i32) -> (i32, i32) {
    %c0_i32 = arith.constant 0 : i32
    %c0_i32_0 = arith.constant 0 : i32
    %c0_i32_1 = arith.constant 0 : i32
    return %c0_i32, %c0_i32_0 : i32, i32
  }
  func.func @transform_5(%arg0: i32) -> (i32, i32) {
    %c0_i32 = arith.constant 0 : i32
    %c0_i32_0 = arith.constant 0 : i32
    return %arg0, %c0_i32 : i32, i32
  }
}

</mosaic_0001>

<sc_bundles>
// kernel: kernel.10.cloned.1.call-start
scs
__scs_entry_jumppad:
0x0: {  	(pc) =	sbr.rel $0x88, $3  }
0x1: {  	(tag) =	ssettag $0x0;
	lr =	simm.s32 $0x1  }
0x2: {  	[smem:$0x3F97] =	sst lr;
	_ =	strace $0xD0000000  }
0x3: {  	_ = 	snop  }
0x4: {  	_ = 	snop  }
0x5: {  	_ = 	snop  }
0x6: {  	_ = 	snop  }
0x7: {  	_ = 	snop  }
__scs_overlays_trampoline_lowered:
0x8: {  	[smem:$0x3FA6] =	sst s0  }
0x9: {  	[smem:$0x3FA7] =	sst s1  }
0xa: {  	[smem:$0x3FA8] =	sst s2  }
0xb: {  	[smem:$0x3FA9] =	sst s3  }
0xc: {  	[smem:$0x3FAA] =	sst s4  }
0xd: {  	[smem:$0x3FAB] =	sst s5  }
0xe: {  	[smem:$0x3FAC] =	sst s6  }
0xf: {  	[smem:$0x3FAD] =	sst s7  }
0x10: {  	[smem:$0x3FAE] =	sst s8  }
0x11: {  	[smem:$0x3FAF] =	sst s9;
	s0 =	simm.s32 @!p0 $0x0  }
0x12: {  	s1 =	sld [smem:$0x3F95];
	s0 =	simm.s32 @p0 $0x1  }
0x13: {  	[smem:$0x3FB0] =	sst s0;
	s0 =	simm.s32 @!p1 $0x0  }
0x14: {  	s2 =	sld [smem:$0x3F94];
	s0 =	simm.s32 @p1 $0x1  }
0x15: {  	[smem:$0x3FB1] =	sst s0;
	s0 =	simm.s32 @!p2 $0x0  }
0x16: {  	s3 =	sld [smem:$0x3FDB];
	s0 =	simm.s32 @p2 $0x1  }
0x17: {  	s4 =	simm.s32 $0x1BF5;
	[smem:$0x3FB3] =	sst s0  }
0x18: {  	s0 =	sld [smem:$0x3F96];
	_ =	swait.ge [sflag:s4], $0x0  }
0x19: {  	s7 =	sld [smem:$0x3F97]  }
0x1a: {  	s8 =	sadd.s32 $0xFFFFE003, lr  }
0x1b: {  	s9 =	sadd.s32 $0xFFFFFEF7, lr;
	s5 =	simm.s32 $0xFFFFFFFF;
	p2 =	slt.u32 s8, $0xFFFFF086  }
0x1c: {  	p1 =	slt.u32 s9, $0xF7A;
	s5 =	simm.s32 @!p2 $0x0  }
0x1d: {  	s5 =	simm.s32 @p1 $0x1;
	p0 =	seq.s32 s7, s2  }
0x1e: {  	s7 =	smul.u32 @!p0 $0xF7A, s2;
	p2 =	seq.s32 @!p0 s5, $0x0  }
0x1f: {  	s9 =	smul.u32 $0xF7A, s1;
	s8 =	simm.s32 @!p0 $0x1BF5;
	p2 =	por !p2, p0  }
0x20: {  	[sflag:s8] =	ssyncset.s32 @!p0 $0xFFFFF086;
	s6 =	sadd.s32 @!p0 s3, s7;
	s7 =	simm.s32 @!p0 $0x108  }
0x21: {  	s3 =	sadd.s32 s3, s9;
	s6 =	sadd.s32 @!p0 $0x88, s6;
	s7 =	simm.s32 @p2 $0x1082  }
0x22: {  	[simem:s7], [sflag:s8] =	dma.local @!p0 [hbm:s6], $0xF7A  }
0x23: {  	s9 =	sor.u32 $0xD0000000, s2;
	s6 =	simm.s32 $0x108;
	_ =	swait.ge @!p0 [sflag:s8], $0x0  }
0x24: {  	s3 =	sadd.s32 $0x88, s3;
	s6 =	simm.s32 @!p1 $0x1082;
	[sflag:s4] =	ssyncset.s32 $0xFFFFF086  }
0x25: {  	[simem:s6], [sflag:s4] =	dma.local [hbm:s3], $0xF7A  }
0x26: {  	[smem:$0x3F97] =	sst s1;
	(tag) =	ssettag s2;
	_ =	strace s9  }
0x27: {  	s1 =	sld [smem:$0x3FA7]  }
0x28: {  	s2 =	sld [smem:$0x3FA8]  }
0x29: {  	s4 =	sld [smem:$0x3FAA]  }
0x2a: {  	p0 =	seq.s32 s5, $0x0;
	s5 =	sld [smem:$0x3FAB]  }
0x2b: {  	s6 =	sld [smem:$0x3FAC]  }
0x2c: {  	s7 =	sld [smem:$0x3FAD]  }
0x2d: {  	s3 =	simm.s32 $0x108;
	s8 =	sld [smem:$0x3FAE]  }
0x2e: {  	s3 =	simm.s32 @!p0 $0x1082;
	s9 =	sld [smem:$0x3FAF]  }
0x2f: {  	lr =	sadd.s32 s0, s3;
	s0 =	sld [smem:$0x3FA6]  }
0x30: {  	s3 =	sld [smem:$0x3FA9]  }
0x31: {  	[smem:$0x3FB2] =	sst s10  }
0x32: {  	s10 =	sld [smem:$0x3FB0];
	_ =	sdelay $0x3  }
0x33: {  	p0 =	seq.s32 s10, $0x1;
	s10 =	sld [smem:$0x3FB2];
	_ =	sdelay $0x3  }
0x34: {  	[smem:$0x3FB2] =	sst s10  }
0x35: {  	s10 =	sld [smem:$0x3FB1];
	_ =	sdelay $0x3  }
0x36: {  	p1 =	seq.s32 s10, $0x1;
	s10 =	sld [smem:$0x3FB2];
	_ =	sdelay $0x3  }
0x37: {  	[smem:$0x3FB2] =	sst s10  }
0x38: {  	s10 =	sld [smem:$0x3FB3]  }
0x39: {  	_ = 	snop;
	(pc) =	sbr.ind lr, $3  }
0x3a: {  	_ = 	snop  }
0x3b: {  	_ = 	snop  }
0x3c: {  	p2 =	seq.s32 s10, $0x1;
	s10 =	sld [smem:$0x3FB2]  }
0x3d: {  	_ =	shalt  }
0x3e: {  	_ =	shalt  }
0x3f: {  	_ =	shalt  }
0x40: {  	_ =	shalt  }
0x41: {  	_ =	shalt  }
0x42: {  	_ =	shalt  }
0x43: {  	_ =	shalt  }
0x44: {  	_ =	shalt  }
0x45: {  	_ =	shalt  }
0x46: {  	_ =	shalt  }
0x47: {  	_ =	shalt  }
0x48: {  	_ =	shalt  }
0x49: {  	_ =	shalt  }
0x4a: {  	_ =	shalt  }
0x4b: {  	_ =	shalt  }
0x4c: {  	_ =	shalt  }
0x4d: {  	_ =	shalt  }
0x4e: {  	_ =	shalt  }
0x4f: {  	_ =	shalt  }
0x50: {  	_ =	shalt  }
0x51: {  	_ =	shalt  }
0x52: {  	_ =	shalt  }
0x53: {  	_ =	shalt  }
0x54: {  	_ =	shalt  }
0x55: {  	_ =	shalt  }
0x56: {  	_ =	shalt  }
0x57: {  	_ =	shalt  }
0x58: {  	_ =	shalt  }
0x59: {  	_ =	shalt  }
0x5a: {  	_ =	shalt  }
0x5b: {  	_ =	shalt  }
0x5c: {  	_ =	shalt  }
0x5d: {  	_ =	shalt  }
0x5e: {  	_ =	shalt  }
0x5f: {  	_ =	shalt  }
0x60: {  	_ =	shalt  }
0x61: {  	_ =	shalt  }
0x62: {  	_ =	shalt  }
0x63: {  	_ =	shalt  }
0x64: {  	_ =	shalt  }
0x65: {  	_ =	shalt  }
0x66: {  	_ =	shalt  }
0x67: {  	_ =	shalt  }
0x68: {  	_ =	shalt  }
0x69: {  	_ =	shalt  }
0x6a: {  	_ =	shalt  }
0x6b: {  	_ =	shalt  }
0x6c: {  	_ =	shalt  }
0x6d: {  	_ =	shalt  }
0x6e: {  	_ =	shalt  }
0x6f: {  	_ =	shalt  }
0x70: {  	_ =	shalt  }
0x71: {  	_ =	shalt  }
0x72: {  	_ =	shalt  }
0x73: {  	_ =	shalt  }
0x74: {  	_ =	shalt  }
0x75: {  	_ =	shalt  }
0x76: {  	_ =	shalt  }
0x77: {  	_ =	shalt  }
0x78: {  	_ =	shalt  }
0x79: {  	_ =	shalt  }
0x7a: {  	_ =	shalt  }
0x7b: {  	_ =	shalt  }
0x7c: {  	_ =	shalt  }
0x7d: {  	_ =	shalt  }
0x7e: {  	_ =	shalt  }
0x7f: {  	_ =	shalt  }
0x80: {  	_ =	shalt  }
0x81: {  	_ =	shalt  }
0x82: {  	_ =	shalt  }
0x83: {  	_ =	shalt  }
0x84: {  	_ =	shalt  }
0x85: {  	_ =	shalt  }
0x86: {  	_ =	shalt  }
0x87: {  	_ =	shalt  }
.Lfunc_end0:
.L_simem_size_0:
called_computation.1_lowered:
.L_overlay_start_0:
0x88: {  	s2 =	sld [smem:$0x3FD9]  }
0x89: {  	s3 =	sld [smem:$0x3FFE];
	_ =	sdelay $0x1  }
0x8a: {  	s1 =	srdreg.scid  }
0x8b: {  	s0 =	sand.u32 $0x1, s1  }
0x8c: {  	s16 =	sshll.u32 s0, $0xA;
	s2 =	sadd.s32 s3, s2  }
0x8d: {  	s2 =	sadd.s32 s2, s16  }
0x8e: {  	[smem:$0x3FBE] =	sst s2  }
0x8f: {  	_ = 	snop  }
0x90: {  	(tm) =	ssettm $0x1  }
0x91: {  	s17 =	sld [smem:$0x3FFB];
	_ =	sdelay $0x3  }
0x92: {  	_ =	strace s17  }
0x93: {  	s2 =	sld [smem:$0x3FFC];
	_ =	sdelay $0x3  }
0x94: {  	_ =	strace s2  }
0x95: {  	s2 =	sld [smem:$0x3FFD];
	_ =	sdelay $0x3  }
0x96: {  	_ =	strace s2  }
0x97: {  	_ =	strace $0x8FFFFFFF  }
0x98: {  	s18 =	sld [smem:$0x3FDB];
	_ =	sdelay $0x1  }
0x99: {  	s19 =	simm.s32 $_scs_section_size  }
0x9a: {  	s4 =	simm.s32 $_size__tile_overlayer_lowered;
	s5 =	simm.s32 $_tile_overlayer_lowered  }
0x9b: {  	s22 =	simm.s32 $0x1BFF;
	s21 =	sshll.u32 s5, $0x1;
	s2 =	sadd.s32 s19, s18  }
0x9c: {  	s6 =	simm.s32 $0x0;
	s20 =	sshll.u32 s4, $0x1;
	s4 =	sadd.s32 s21, s2  }
0x9d: {  	[timem:s6], [sflag:s22] =	dma.local [hbm:s4], s20  }
0x9e: {  	_ =	swait.ge [sflag:s22], s20  }
0x9f: {  	s3 =	ssub.s32 $0x0, s20;
	[sflag:s22] =	ssyncset.done $0x0  }
0xa0: {  	[sflag:s22] =	ssyncadd.s32 s3;
	_ =	sdelay $0x1  }
0xa1: {  	s23 =	simm.s32 $0x1B8B  }
0xa2: {  	_ =	swait.ge [sflag:s23], $0x1  }
0xa3: {  	[sflag:s23] =	ssyncset.done $0x0  }
0xa4: {  	s25 =	simm.s32 $0x1B8E;
	s24 =	sld [smem:$0x3FFE];
	[sflag:s23] =	ssyncadd.s32 $0xFFFFFFFF  }
0xa5: {  	s26 =	simm.s32 $execute0_lowered;
	[smem:$0x3FD2] =	sst s25  }
0xa6: {  	s4 =	sshll.u32 s26, $0x1;
	_ =	strace $0x80000049;
	[dreg:$0x1] =	wrdreg $0xFFFFFFFF  }
0xa7: {  	s28 =	simm.s32 $_size_execute0_lowered;
	s2 =	sadd.s32 s2, s4;
	[dreg:$0x0] =	wrdreg $0x0  }
0xa8: {  	s4 =	sshll.u32 s28, $0x1;
	[dreg:$0x2] =	wrdreg s2  }
0xa9: {  	[dreg:$0x3] =	wrdreg s4  }
0xaa: {  	[dreg:$0x4] =	wrdreg $0xC0  }
0xab: {  	_ =	task [dreg:s6], $0x5FFFF  }
0xac: {  	[dreg:$0x1] =	wrdreg $0xFFFFFFFF  }
0xad: {  	[dreg:$0x0] =	wrdreg $0x60  }
0xae: {  	[dreg:$0x2] =	wrdreg s24  }
0xaf: {  	[dreg:$0x3] =	wrdreg $0x140000  }
0xb0: {  	[dreg:$0x4] =	wrdreg $0xF0000  }
0xb1: {  	[dreg:$0x5] =	wrdreg $0x9  }
0xb2: {  	_ =	task.clear_ibuf [dreg:s6], $0x6FFFF;
	_ =	strace $0x90000049  }
0xb3: {  	s29 =	simm.s32 $0x9;
	_ =	strace $0x8000004B  }
0xb4: {  	_ =	swait.ge [sflag:s29], $0x1  }
0xb5: {  	[sflag:s29] =	ssyncadd.s32 $0xFFFFFFFF  }
0xb6: {  	_ =	strace $0x9000004B  }
0xb7: {  	_ =	sfence  }
0xb8: {  	s30 =	sld [smem:$0x0];
	_ =	sdelay $0x2  }
0xb9: {  	s31 =	sshll.u32 s1, $0xD;
	s1 =	sshrl.u32 s1, $0x2  }
0xba: {  	s3 =	sand.u32 $0x4000, s31;
	s1 =	sadd.s32 s1, s30  }
0xbb: {  	s0 =	sor.u32 s3, s0;
	s1 =	sshll.u32 s1, $0x11  }
0xbc: {  	s0 =	sor.u32 s1, s0  }
0xbd: {  	s0 =	sadd.s32 $0x8F2B, s0  }
0xbe: {  	[sflag:s0] =	ssyncadd.remote.s32 $0x1  }
0xbf: {  	_ =	sfence.sel $0xFFFF  }
0xc0: {  	[dreg:$0x0] =	wrdreg $0xFFFFFFFF;
	(pc) =	sbr.abs _section_cstart, $3  }
0xc1: {  	[dreg:$0x1] =	wrdreg $0xFFFFFFFF  }
0xc2: {  	_ =	task.clear_ibuf [dreg:s6], $0x2FFFF;
	_ =	strace $0x9FFFFFFF  }
0xc3: {  	(tm) =	ssettm $0x7FFFFFFF  }
tec
execute0_lowered:
.L_overlay_start_1:
0x0: {  	(tag) =	ssettag $0x1  }
0x1: {  	s0 =	rddreg [dreg:$0x0]  }
0x2: {  	s10 =	stileid.u32;
	s2 =	rddreg [dreg:$0x1]  }
0x3: {  	s1 =	srdreg.scid;
	s3 =	rddreg [dreg:$0x2];
	s6 =	simm.s32 $0x0  }
0x4: {  	s26 =	simm.s32 $0xC000;
	s28 =	simm.s32 $0xF;
	s29 =	simm.s32 $0x80  }
0x5: {  	s31 =	simm.s32 $0x9000;
	s30 =	simm.s32 $0xB000;
	s5 =	smul.u32 $0x5000, s10  }
0x6: {  	s11 =	simm.s32 $0xA;
	s1 =	sand.u32 $0x1, s1;
	s14 =	smul.u32 $0xA00, s10  }
0x7: {  	s4 =	sshll.u32 s10, $0x1;
	[smem:$0x7FF] =	sst s6;
	s9 =	smul.u32 $0x14000, s10  }
0x8: {  	s19 =	sshll.u32 s10, $0x6;
	s4 =	sor.u32 s1, s4;
	_ =	strace $0x8000004A  }
0x9: {  	s8 =	smul.u32 $0xA000, s1;
	s1 =	ssub.s32 $0x2, s1;
	[dreg:$0x8] =	wrdreg s19  }
0xa: {  	[dreg:$0x4] =	wrdreg s26;
	s26 =	simm.s32 $0xE000;
	s4 =	smul.u32 $0x500, s4  }
0xb: {  	s7 =	sshrl.u32 s5, $0x3;
	s15 =	sshrl.u32 s1, $0x1;
	s17 =	sadd.s32 s5, s2  }
0xc: {  	s18 =	sshrl.u32 s9, $0x2;
	s10 =	sadd.s32 s5, s3;
	s5 =	simm.s32 $0x5  }
0xd: {  	s7 =	sadd.s32 s7, s0;
	s25 =	sshrl.u32 s17, $0x3;
	[dreg:$0xa] =	wrdreg s10  }
0xe: {  	s1 =	ssub.s32 s1, s15;
	s7 =	sadd.s32 $0x16400, s7;
	[dreg:$0x11] =	wrdreg s25  }
0xf: {  	s4 =	sadd.s32 s4, s0;
	s24 =	smax.u32 s1, $0x1;
	[dreg:$0x7] =	wrdreg s7  }
0x10: {  	s6 =	sadd.s32 s14, s8;
	s16 =	sadd.s32 $0xC400, s4;
	[dreg:$0x10] =	wrdreg s24  }
0x11: {  	s0 =	sadd.s32 s6, s0;
	s4 =	sadd.s32 $0x2400, s4;
	[dreg:$0x5] =	wrdreg s16  }
0x12: {  	s6 =	sadd.s32 s18, s3;
	s7 =	sor.u32 $0x1C03, s19;
	[dreg:$0x6] =	wrdreg s4  }
0x13: {  	s9 =	simm.s32 $0x11;
	s20 =	sadd.s32 $0x1000, s6;
	[dreg:$0x9] =	wrdreg s7  }
0x14: {  	s15 =	simm.s32 $0x1;
	s21 =	sadd.s32 $0x2000, s6;
	[dreg:$0xb] =	wrdreg s20  }
0x15: {  	s17 =	simm.s32 $0x6000;
	s22 =	sadd.s32 $0x3000, s6;
	[dreg:$0xc] =	wrdreg s21  }
0x16: {  	s25 =	simm.s32 $0xD;
	s23 =	sadd.s32 $0x4000, s6;
	[dreg:$0xd] =	wrdreg s22  }
0x17: {  	s0 =	sadd.s32 $0x20400, s0;
	s19 =	simm.s32 $0x7000;
	[dreg:$0xe] =	wrdreg s23  }
0x18: {  	s6 =	simm.s32 $0x7;
	[dreg:$0xf] =	wrdreg s0;
	s20 =	simm.s32 $0x2  }
0x19: {  	s21 =	simm.s32 $0x3;
	s16 =	simm.s32 $0x5000;
	s23 =	simm.s32 $0xB  }
0x1a: {  	v0 =	vimm.f32 $0.0e+00;
	s22 =	simm.s32 $0xD000;
	s7 =	simm.s32 $0x9;
	s4 =	simm.s32 $0x0  }
.LBB2_1:
0x1b: {  	[dreg:$0x12] =	wrdreg s4  }
0x1c: {  	s1 =	rddreg [dreg:$0x5]  }
0x1d: {  	s12 =	rddreg [dreg:$0x6]  }
0x1e: {  	s0 =	simm.s32 $0x0;
	s14 =	rddreg [dreg:$0x7]  }
0x1f: {  	[tilespmem:s0], [sflag:$0x1] =	stream.linear.gather [hbm4b:s1+s0], $0x2800, $0x38;
	[tilespmem:$0x19000] =	vst v63  }
0x20: {  	s13 =	simm.s32 $0x2800;
	s18 =	rddreg [dreg:$0x9]  }
0x21: {  	[tilespmem:s13], [sflag:$0x2] =	stream.linear.gather [hbm4b:s12+s0], $0x2800, $0x38;
	[tilespmem:$0x19000] =	vst v63  }
0x22: {  	s24 =	rddreg [dreg:$0x11];
	s1 =	simm.s32 $0x0;
	s0 =	simm.s32 $0x80  }
0x23: {  	[spmem:s24], [sflag:s18] =	dma.local [hbm:s14], $0xA00  }
.LBB2_2:
0x24: {  	p0 =	sne.s32 s0, $0x3F80;
	[tilespmem:s1+$0x5000] =	vst v0;
	s8 =	smov.u32 s0;
	s0 =	sadd.s32 $0x80, s0  }
.Ltmp0:
0x25: {  	[tilespmem:s1+$0x5010] =	vst v0;
	(pc) =	sbr.rel @p0 .LBB2_2-.Ltmp0, $2  }
0x26: {  	_ =	sdelay $0x2  }
0x27: {  	s1 =	sshra.s32 s8, $0x2  }
0x28: {  	[tilespmem:s1+$0x5000] =	vst v0  }
0x29: {  	[tilespmem:s1+$0x5010] =	vst v0  }
0x2a: {  	_ =	swait.ge [sflag:s15], $0x2800  }
0x2b: {  	[sflag:s15] =	ssyncset.done $0x0  }
0x2c: {  	[sflag:s15] =	ssyncadd.s32 $0xFFFFD800  }
0x2d: {  	_ =	swait.ge [sflag:s20], $0x2800  }
0x2e: {  	[sflag:s20] =	ssyncset.done $0x0  }
0x2f: {  	[sflag:s20] =	ssyncadd.s32 $0xFFFFD800  }
0x30: {  	_ =	swait.ge [sflag:s21], $0xA00  }
0x31: {  	[sflag:s21] =	ssyncset.done $0x0  }
0x32: {  	[sflag:s21] =	ssyncadd.s32 $0xFFFFF600  }
0x33: {  	[spmem:s10] =	stream.linear.scatter [tilespmem:s16], [sflag:$0xB], $0x1000, $0x38;
	[tilespmem:$0x19000] =	vst v63  }
0x34: {  	s0 =	rddreg [dreg:$0xb]  }
0x35: {  	[spmem:s0] =	stream.linear.scatter [tilespmem:s16], [sflag:$0xC], $0x1000, $0x38;
	[tilespmem:$0x19000] =	vst v63  }
0x36: {  	s12 =	rddreg [dreg:$0xc]  }
0x37: {  	[spmem:s12] =	stream.linear.scatter [tilespmem:s16], [sflag:$0xD], $0x1000, $0x38;
	[tilespmem:$0x19000] =	vst v63  }
0x38: {  	s13 =	rddreg [dreg:$0xd]  }
0x39: {  	[spmem:s13] =	stream.linear.scatter [tilespmem:s16], [sflag:$0xE], $0x1000, $0x38;
	[tilespmem:$0x19000] =	vst v63  }
0x3a: {  	s14 =	rddreg [dreg:$0xe]  }
0x3b: {  	[spmem:s14] =	stream.linear.scatter [tilespmem:s16], [sflag:$0xF], $0x1000, $0x38;
	[tilespmem:$0x19000] =	vst v63  }
0x3c: {  	_ =	swait.ge [sflag:s23], $0x1000  }
0x3d: {  	[sflag:s23] =	ssyncset.done $0x0  }
0x3e: {  	s18 =	simm.s32 $0xC;
	[sflag:s23] =	ssyncadd.s32 $0xFFFFF000  }
0x3f: {  	_ =	swait.ge [sflag:s18], $0x1000  }
0x40: {  	[sflag:s18] =	ssyncset.done $0x0  }
0x41: {  	[sflag:s18] =	ssyncadd.s32 $0xFFFFF000  }
0x42: {  	_ =	swait.ge [sflag:s25], $0x1000  }
0x43: {  	[sflag:s25] =	ssyncset.done $0x0  }
0x44: {  	s24 =	simm.s32 $0xE;
	[sflag:s25] =	ssyncadd.s32 $0xFFFFF000  }
0x45: {  	_ =	swait.ge [sflag:s24], $0x1000  }
0x46: {  	[sflag:s24] =	ssyncset.done $0x0  }
0x47: {  	[sflag:s24] =	ssyncadd.s32 $0xFFFFF000  }
0x48: {  	_ =	swait.ge [sflag:s28], $0x1000  }
0x49: {  	[sflag:s28] =	ssyncset.done $0x0  }
0x4a: {  	[sflag:s28] =	ssyncadd.s32 $0xFFFFF000  }
0x4b: {  	s1 =	simm.s32 $0x0;
	[bflag:$0x0] =	sbarrier.arrive $0xFFFF  }
0x4c: {  	[tilespmem:s16], [sflag:$0x1] =	stream.indirect.gather [spmem:s2], $0x20, s1, s29, $0xb8;
	[tilespmem:$0x19000] =	vst v63  }
0x4d: {  	_ = 	snop  }
0x4e: {  	[tilespmem:s17], [sflag:$0x2] =	stream.indirect.gather [spmem:s2], $0x20, s29, s29, $0xb8;
	[tilespmem:$0x19000] =	vst v63  }
0x4f: {  	s4 =	simm.s32 $0x100  }
0x50: {  	[tilespmem:s19], [sflag:$0x3] =	stream.indirect.gather [spmem:s2], $0x20, s4, s29, $0xb8;
	[tilespmem:$0x19000] =	vst v63  }
0x51: {  	s8 =	simm.s32 $0x180;
	s10 =	simm.s32 $0x8000  }
0x52: {  	[tilespmem:s10], [sflag:$0x4] =	stream.indirect.gather [spmem:s2], $0x20, s8, s29, $0xb8;
	[tilespmem:$0x19000] =	vst v63  }
0x53: {  	s12 =	simm.s32 $0x200  }
0x54: {  	[tilespmem:s31], [sflag:$0x5] =	stream.indirect.gather [spmem:s2], $0x20, s12, s29, $0xb8;
	[tilespmem:$0x19000] =	vst v63  }
0x55: {  	p0 =	por $0x1, $0x1;
	s13 =	simm.s32 $0x280;
	s14 =	simm.s32 $0xA000  }
0x56: {  	[tilespmem:s14], [sflag:$0x6] =	stream.indirect.gather [spmem:s2], $0x20, s13, s29, $0xb8;
	[tilespmem:$0x19000] =	vst v63  }
0x57: {  	s0 =	simm.s32 @!p0 $0x12;
	s18 =	simm.s32 $0x300  }
0x58: {  	[tilespmem:s30], [sflag:$0x7] =	stream.indirect.gather [spmem:s2], $0x20, s18, s29, $0xb8;
	[tilespmem:$0x19000] =	vst v63  }
0x59: {  	_ =	swait.ge @!p0 [sflag:s0], $0x1000  }
0x5a: {  	[sflag:s0] =	ssyncset.done @!p0 $0x0  }
0x5b: {  	s4 =	simm.s32 $0x380;
	s24 =	rddreg [dreg:$0x4];
	[sflag:s0] =	ssyncadd.s32 @!p0 $0xFFFFF000  }
0x5c: {  	[tilespmem:s24], [sflag:$0x8] =	stream.indirect.gather [spmem:s2], $0x20, s4, s29, $0xb8;
	[tilespmem:$0x19000] =	vst v63  }
0x5d: {  	_ =	swait.ge [sflag:s15], $0x1000  }
0x5e: {  	[sflag:s15] =	ssyncset.done $0x0  }
0x5f: {  	s1 =	simm.s32 @!p0 $0x13;
	s8 =	simm.s32 $0x2800;
	[sflag:s15] =	ssyncadd.s32 $0xFFFFF000  }
0x60: {  	[spmem:s3] =	stream.indirect.scatter.add.f32 [tilespmem:s16], [sflag:$0xB], $0x20, s8, s29, $0xb8;
	[tilespmem:$0x19000] =	vst v63  }
0x61: {  	_ =	swait.ge @!p0 [sflag:s1], $0x1000  }
0x62: {  	[sflag:s1] =	ssyncset.done @!p0 $0x0  }
0x63: {  	s10 =	simm.s32 $0x400;
	[sflag:s1] =	ssyncadd.s32 @!p0 $0xFFFFF000  }
0x64: {  	[tilespmem:s22], [sflag:$0x9] =	stream.indirect.gather [spmem:s2], $0x20, s10, s29, $0xb8;
	[tilespmem:$0x19000] =	vst v63  }
0x65: {  	_ =	swait.ge [sflag:s20], $0x1000  }
0x66: {  	[sflag:s20] =	ssyncset.done $0x0  }
0x67: {  	s12 =	simm.s32 $0x2880;
	s1 =	simm.s32 @!p0 $0x14;
	[sflag:s20] =	ssyncadd.s32 $0xFFFFF000  }
0x68: {  	[spmem:s3] =	stream.indirect.scatter.add.f32 [tilespmem:s17], [sflag:$0xC], $0x20, s12, s29, $0xb8;
	[tilespmem:$0x19000] =	vst v63  }
0x69: {  	_ =	swait.ge @!p0 [sflag:s1], $0x1000  }
0x6a: {  	[sflag:s1] =	ssyncset.done @!p0 $0x0  }
0x6b: {  	s13 =	simm.s32 $0x480;
	[sflag:s1] =	ssyncadd.s32 @!p0 $0xFFFFF000  }
0x6c: {  	[tilespmem:s26], [sflag:$0xA] =	stream.indirect.gather [spmem:s2], $0x20, s13, s29, $0xb8;
	[tilespmem:$0x19000] =	vst v63  }
0x6d: {  	_ =	swait.ge [sflag:s21], $0x1000  }
0x6e: {  	[sflag:s21] =	ssyncset.done $0x0  }
0x6f: {  	s14 =	simm.s32 $0x2900;
	[sflag:s21] =	ssyncadd.s32 $0xFFFFF000  }
0x70: {  	[spmem:s3] =	stream.indirect.scatter.add.f32 [tilespmem:s19], [sflag:$0xD], $0x20, s14, s29, $0xb8;
	[tilespmem:$0x19000] =	vst v63  }
0x71: {  	_ =	swait.ge [sflag:s23], $0x1000  }
0x72: {  	p0 =	por $0x0, $0x0;
	[sflag:s23] =	ssyncset.done $0x0  }
0x73: {  	s0 =	simm.s32 @p0 $0x4;
	[sflag:s23] =	ssyncadd.s32 $0xFFFFF000  }
0x74: {  	_ =	swait.ge @p0 [sflag:s0], $0x1000  }
0x75: {  	s1 =	simm.s32 @p0 $0x2980;
	s8 =	simm.s32 @p0 $0xC;
	[sflag:s0] =	ssyncset.done @p0 $0x0  }
0x76: {  	s10 =	simm.s32 @p0 $0x80;
	[sflag:s0] =	ssyncadd.s32 @p0 $0xFFFFF000;
	s0 =	simm.s32 @p0 $0x8000  }
0x77: {  	[spmem:s3] =	stream.indirect.scatter.add.f32 @p0 [tilespmem:s0], [sflag:$0xE], $0x20, s1, s10, $0xb8;
	[tilespmem:$0x19000] =	vst v63  }
0x78: {  	_ =	swait.ge @p0 [sflag:s8], $0x1000  }
0x79: {  	s12 =	simm.s32 @!p0 $0x5000;
	s0 =	simm.s32 @!p0 $0x500;
	[sflag:s8] =	ssyncset.done @p0 $0x0  }
0x7a: {  	s1 =	simm.s32 @!p0 $0x4;
	[sflag:s8] =	ssyncadd.s32 @p0 $0xFFFFF000;
	s8 =	simm.s32 @!p0 $0x80  }
0x7b: {  	[tilespmem:s12], [sflag:$0x1] =	stream.indirect.gather @!p0 [spmem:s2], $0x20, s0, s8, $0xb8;
	[tilespmem:$0x19000] =	vst v63  }
0x7c: {  	_ =	swait.ge @!p0 [sflag:s1], $0x1000  }
0x7d: {  	s0 =	simm.s32 @!p0 $0x2980;
	[sflag:s1] =	ssyncset.done @!p0 $0x0  }
0x7e: {  	s12 =	simm.s32 @!p0 $0xC;
	[sflag:s1] =	ssyncadd.s32 @!p0 $0xFFFFF000;
	s1 =	simm.s32 @!p0 $0x8000  }
0x7f: {  	[spmem:s3] =	stream.indirect.scatter.add.f32 @!p0 [tilespmem:s1], [sflag:$0xE], $0x20, s0, s8, $0xb8;
	[tilespmem:$0x19000] =	vst v63  }
0x80: {  	_ =	swait.ge @!p0 [sflag:s12], $0x1000  }
0x81: {  	[sflag:s12] =	ssyncset.done @!p0 $0x0  }
0x82: {  	s0 =	simm.s32 @!p0 $0x580;
	[sflag:s12] =	ssyncadd.s32 @!p0 $0xFFFFF000;
	s12 =	simm.s32 @!p0 $0x6000  }
0x83: {  	[tilespmem:s12], [sflag:$0x2] =	stream.indirect.gather @!p0 [spmem:s2], $0x20, s0, s8, $0xb8;
	[tilespmem:$0x19000] =	vst v63  }
0x84: {  	_ =	swait.ge [sflag:s5], $0x1000  }
0x85: {  	[sflag:s5] =	ssyncset.done $0x0  }
0x86: {  	s18 =	simm.s32 $0x2A00;
	[sflag:s5] =	ssyncadd.s32 $0xFFFFF000  }
0x87: {  	[spmem:s3] =	stream.indirect.scatter.add.f32 [tilespmem:s31], [sflag:$0xF], $0x20, s18, s29, $0xb8;
	[tilespmem:$0x19000] =	vst v63  }
0x88: {  	_ =	swait.ge [sflag:s25], $0x1000  }
0x89: {  	[sflag:s25] =	ssyncset.done $0x0  }
0x8a: {  	s0 =	simm.s32 @p0 $0x6;
	[sflag:s25] =	ssyncadd.s32 $0xFFFFF000  }
0x8b: {  	_ =	swait.ge @p0 [sflag:s0], $0x1000  }
0x8c: {  	[sflag:s0] =	ssyncset.done @p0 $0x0  }
0x8d: {  	s12 =	simm.s32 @p0 $0x2A80;
	[sflag:s0] =	ssyncadd.s32 @p0 $0xFFFFF000;
	s0 =	simm.s32 @p0 $0xA000  }
0x8e: {  	[spmem:s3] =	stream.indirect.scatter.add.f32 @p0 [tilespmem:s0], [sflag:$0x10], $0x20, s12, s10, $0xb8;
	[tilespmem:$0x19000] =	vst v63  }
0x8f: {  	s0 =	simm.s32 @p0 $0xE  }
0x90: {  	_ =	swait.ge @p0 [sflag:s0], $0x1000  }
0x91: {  	[sflag:s0] =	ssyncset.done @p0 $0x0  }
0x92: {  	s12 =	simm.s32 @!p0 $0x600;
	[sflag:s0] =	ssyncadd.s32 @p0 $0xFFFFF000;
	s0 =	simm.s32 @!p0 $0x7000  }
0x93: {  	[tilespmem:s0], [sflag:$0x3] =	stream.indirect.gather @!p0 [spmem:s2], $0x20, s12, s8, $0xb8;
	[tilespmem:$0x19000] =	vst v63  }
0x94: {  	s0 =	simm.s32 @!p0 $0x6  }
0x95: {  	_ =	swait.ge @!p0 [sflag:s0], $0x1000  }
0x96: {  	[sflag:s0] =	ssyncset.done @!p0 $0x0  }
0x97: {  	s12 =	simm.s32 @!p0 $0x2A80;
	[sflag:s0] =	ssyncadd.s32 @!p0 $0xFFFFF000;
	s0 =	simm.s32 @!p0 $0xA000  }
0x98: {  	[spmem:s3] =	stream.indirect.scatter.add.f32 @!p0 [tilespmem:s0], [sflag:$0x10], $0x20, s12, s8, $0xb8;
	[tilespmem:$0x19000] =	vst v63  }
0x99: {  	s12 =	simm.s32 @!p0 $0xE  }
0x9a: {  	_ =	swait.ge @!p0 [sflag:s12], $0x1000  }
0x9b: {  	[sflag:s12] =	ssyncset.done @!p0 $0x0  }
0x9c: {  	[sflag:s12] =	ssyncadd.s32 @!p0 $0xFFFFF000;
	s12 =	simm.s32 @!p0 $0x680  }
0x9d: {  	[tilespmem:s1], [sflag:$0x4] =	stream.indirect.gather @!p0 [spmem:s2], $0x20, s12, s8, $0xb8;
	[tilespmem:$0x19000] =	vst v63  }
0x9e: {  	_ =	swait.ge [sflag:s6], $0x1000  }
0x9f: {  	[sflag:s6] =	ssyncset.done $0x0  }
0xa0: {  	s24 =	simm.s32 $0x2B00;
	[sflag:s6] =	ssyncadd.s32 $0xFFFFF000  }
0xa1: {  	[spmem:s3] =	stream.indirect.scatter.add.f32 [tilespmem:s30], [sflag:$0x11], $0x20, s24, s29, $0xb8;
	[tilespmem:$0x19000] =	vst v63  }
0xa2: {  	_ =	swait.ge [sflag:s28], $0x1000  }
0xa3: {  	[sflag:s28] =	ssyncset.done $0x0  }
0xa4: {  	s1 =	simm.s32 @p0 $0x8;
	[sflag:s28] =	ssyncadd.s32 $0xFFFFF000  }
0xa5: {  	_ =	swait.ge @p0 [sflag:s1], $0x1000  }
0xa6: {  	[sflag:s1] =	ssyncset.done @p0 $0x0  }
0xa7: {  	s12 =	simm.s32 @p0 $0x2B80;
	[sflag:s1] =	ssyncadd.s32 @p0 $0xFFFFF000;
	s1 =	simm.s32 @p0 $0xC000  }
0xa8: {  	[spmem:s3] =	stream.indirect.scatter.add.f32 @p0 [tilespmem:s1], [sflag:$0x12], $0x20, s12, s10, $0xb8;
	[tilespmem:$0x19000] =	vst v63  }
0xa9: {  	s1 =	simm.s32 @p0 $0x10  }
0xaa: {  	_ =	swait.ge @p0 [sflag:s1], $0x1000  }
0xab: {  	[sflag:s1] =	ssyncset.done @p0 $0x0  }
0xac: {  	s10 =	simm.s32 @!p0 $0x700;
	[sflag:s1] =	ssyncadd.s32 @p0 $0xFFFFF000;
	s1 =	simm.s32 @!p0 $0x9000  }
0xad: {  	[tilespmem:s1], [sflag:$0x5] =	stream.indirect.gather @!p0 [spmem:s2], $0x20, s10, s8, $0xb8;
	[tilespmem:$0x19000] =	vst v63  }
0xae: {  	s1 =	simm.s32 @!p0 $0x8  }
0xaf: {  	_ =	swait.ge @!p0 [sflag:s1], $0x1000  }
0xb0: {  	[sflag:s1] =	ssyncset.done @!p0 $0x0  }
0xb1: {  	s10 =	simm.s32 @!p0 $0x2B80;
	[sflag:s1] =	ssyncadd.s32 @!p0 $0xFFFFF000;
	s1 =	simm.s32 @!p0 $0xC000  }
0xb2: {  	[spmem:s3] =	stream.indirect.scatter.add.f32 @!p0 [tilespmem:s1], [sflag:$0x12], $0x20, s10, s8, $0xb8;
	[tilespmem:$0x19000] =	vst v63  }
0xb3: {  	s1 =	simm.s32 @!p0 $0x10  }
0xb4: {  	_ =	swait.ge @!p0 [sflag:s1], $0x1000  }
0xb5: {  	[sflag:s1] =	ssyncset.done @!p0 $0x0  }
0xb6: {  	[sflag:s1] =	ssyncadd.s32 @!p0 $0xFFFFF000;
	s1 =	simm.s32 @!p0 $0x780  }
0xb7: {  	[tilespmem:s0], [sflag:$0x6] =	stream.indirect.gather @!p0 [spmem:s2], $0x20, s1, s8, $0xb8;
	[tilespmem:$0x19000] =	vst v63  }
0xb8: {  	_ =	swait.ge [sflag:s7], $0x1000  }
0xb9: {  	[sflag:s7] =	ssyncset.done $0x0  }
0xba: {  	s31 =	simm.s32 $0x2C00;
	[sflag:s7] =	ssyncadd.s32 $0xFFFFF000  }
0xbb: {  	[spmem:s3] =	stream.indirect.scatter.add.f32 [tilespmem:s22], [sflag:$0x13], $0x20, s31, s29, $0xb8;
	[tilespmem:$0x19000] =	vst v63  }
0xbc: {  	_ =	swait.ge [sflag:s9], $0x1000  }
0xbd: {  	[sflag:s9] =	ssyncset.done $0x0  }
0xbe: {  	s0 =	simm.s32 @!p0 $0x800;
	s1 =	simm.s32 @!p0 $0xB000;
	[sflag:s9] =	ssyncadd.s32 $0xFFFFF000  }
0xbf: {  	[tilespmem:s1], [sflag:$0x7] =	stream.indirect.gather @!p0 [spmem:s2], $0x20, s0, s8, $0xb8;
	[tilespmem:$0x19000] =	vst v63  }
0xc0: {  	p1 =	por $0x0, $0x0;
	s18 =	simm.s32 $0x1400;
	_ =	swait.ge [sflag:s11], $0x1000  }
0xc1: {  	s8 =	simm.s32 $0x2800;
	s0 =	simm.s32 $0x2C80;
	[sflag:s11] =	ssyncset.done $0x0  }
.LBB2_4:
0xc2: {  	s1 =	simm.s32 @!p1 $0x12;
	[sflag:s11] =	ssyncadd.s32 $0xFFFFF000  }
0xc3: {  	[spmem:s3] =	stream.indirect.scatter.add.f32 [tilespmem:s26], [sflag:$0x14], $0x20, s0, s29, $0xb8;
	[tilespmem:$0x19000] =	vst v63  }
0xc4: {  	_ =	swait.ge @!p1 [sflag:s1], $0x1000  }
0xc5: {  	s24 =	sshra.s32 s18, $0x2;
	[sflag:s1] =	ssyncset.done @!p1 $0x0  }
0xc6: {  	s10 =	sadd.s32 $0x380, s24;
	s4 =	rddreg [dreg:$0x4];
	[sflag:s1] =	ssyncadd.s32 @!p1 $0xFFFFF000  }
0xc7: {  	[tilespmem:s4], [sflag:$0x8] =	stream.indirect.gather [spmem:s2], $0x20, s10, s29, $0xb8;
	[tilespmem:$0x19000] =	vst v63  }
0xc8: {  	_ =	swait.ge [sflag:s15], $0x1000  }
0xc9: {  	[sflag:s15] =	ssyncset.done $0x0  }
0xca: {  	s12 =	sadd.s32 $0x2800, s24;
	s1 =	simm.s32 @!p1 $0x13;
	[sflag:s15] =	ssyncadd.s32 $0xFFFFF000  }
0xcb: {  	[spmem:s3] =	stream.indirect.scatter.add.f32 [tilespmem:s16], [sflag:$0xB], $0x20, s12, s29, $0xb8;
	[tilespmem:$0x19000] =	vst v63  }
0xcc: {  	_ =	swait.ge @!p1 [sflag:s1], $0x1000  }
0xcd: {  	[sflag:s1] =	ssyncset.done @!p1 $0x0  }
0xce: {  	s14 =	sadd.s32 $0x400, s24;
	[sflag:s1] =	ssyncadd.s32 @!p1 $0xFFFFF000  }
0xcf: {  	[tilespmem:s22], [sflag:$0x9] =	stream.indirect.gather [spmem:s2], $0x20, s14, s29, $0xb8;
	[tilespmem:$0x19000] =	vst v63  }
0xd0: {  	_ =	swait.ge [sflag:s20], $0x1000  }
0xd1: {  	[sflag:s20] =	ssyncset.done $0x0  }
0xd2: {  	s15 =	sadd.s32 $0x2880, s24;
	s1 =	simm.s32 @!p1 $0x14;
	[sflag:s20] =	ssyncadd.s32 $0xFFFFF000  }
0xd3: {  	[spmem:s3] =	stream.indirect.scatter.add.f32 [tilespmem:s17], [sflag:$0xC], $0x20, s15, s29, $0xb8;
	[tilespmem:$0x19000] =	vst v63  }
0xd4: {  	_ =	swait.ge @!p1 [sflag:s1], $0x1000  }
0xd5: {  	[sflag:s1] =	ssyncset.done @!p1 $0x0  }
0xd6: {  	s16 =	sadd.s32 $0x480, s24;
	[sflag:s1] =	ssyncadd.s32 @!p1 $0xFFFFF000  }
0xd7: {  	[tilespmem:s26], [sflag:$0xA] =	stream.indirect.gather [spmem:s2], $0x20, s16, s29, $0xb8;
	[tilespmem:$0x19000] =	vst v63  }
0xd8: {  	_ =	swait.ge [sflag:s21], $0x1000  }
0xd9: {  	[sflag:s21] =	ssyncset.done $0x0  }
0xda: {  	s17 =	sadd.s32 $0x2900, s24;
	[sflag:s21] =	ssyncadd.s32 $0xFFFFF000  }
0xdb: {  	[spmem:s3] =	stream.indirect.scatter.add.f32 [tilespmem:s19], [sflag:$0xD], $0x20, s17, s29, $0xb8;
	[tilespmem:$0x19000] =	vst v63  }
0xdc: {  	_ =	swait.ge [sflag:s23], $0x1000  }
0xdd: {  	p1 =	seq.s32 s18, $0x8C00;
	[sflag:s23] =	ssyncset.done $0x0  }
0xde: {  	s0 =	simm.s32 @p1 $0x4;
	[sflag:s23] =	ssyncadd.s32 $0xFFFFF000  }
0xdf: {  	s1 =	sshra.s32 @p1 s18, $0x2;
	_ =	swait.ge @p1 [sflag:s0], $0x1000  }
0xe0: {  	s15 =	simm.s32 @p1 $0xC;
	s14 =	simm.s32 @p1 $0x80;
	[sflag:s0] =	ssyncset.done @p1 $0x0  }
0xe1: {  	s10 =	sadd.s32 @p1 $0x2980, s1;
	[sflag:s0] =	ssyncadd.s32 @p1 $0xFFFFF000;
	s0 =	simm.s32 @p1 $0x8000  }
0xe2: {  	[spmem:s3] =	stream.indirect.scatter.add.f32 @p1 [tilespmem:s0], [sflag:$0xE], $0x20, s10, s14, $0xb8;
	[tilespmem:$0x19000] =	vst v63  }
0xe3: {  	s12 =	sshra.s32 @!p1 s18, $0x2;
	_ =	swait.ge @p1 [sflag:s15], $0x1000  }
0xe4: {  	s18 =	simm.s32 @!p1 $0x4;
	s26 =	simm.s32 @!p1 $0x80;
	[sflag:s15] =	ssyncset.done @p1 $0x0  }
0xe5: {  	s16 =	sadd.s32 @!p1 $0x500, s12;
	s0 =	simm.s32 @!p1 $0x5000;
	[sflag:s15] =	ssyncadd.s32 @p1 $0xFFFFF000  }
0xe6: {  	[tilespmem:s0], [sflag:$0x1] =	stream.indirect.gather @!p1 [spmem:s2], $0x20, s16, s26, $0xb8;
	[tilespmem:$0x19000] =	vst v63  }
0xe7: {  	s22 =	sadd.s32 @p1 $0x2B80, s1;
	_ =	swait.ge @!p1 [sflag:s18], $0x1000  }
0xe8: {  	s17 =	sadd.s32 @p1 $0x2A80, s1;
	s1 =	simm.s32 @!p1 $0x8000;
	[sflag:s18] =	ssyncset.done @!p1 $0x0  }
0xe9: {  	s10 =	sadd.s32 @!p1 $0x2980, s12;
	[sflag:s18] =	ssyncadd.s32 @!p1 $0xFFFFF000;
	s18 =	simm.s32 @!p1 $0xC  }
0xea: {  	[spmem:s3] =	stream.indirect.scatter.add.f32 @!p1 [tilespmem:s1], [sflag:$0xE], $0x20, s10, s26, $0xb8;
	[tilespmem:$0x19000] =	vst v63  }
0xeb: {  	_ =	swait.ge @!p1 [sflag:s18], $0x1000  }
0xec: {  	[sflag:s18] =	ssyncset.done @!p1 $0x0  }
0xed: {  	s31 =	sadd.s32 @!p1 $0x580, s12;
	s19 =	simm.s32 @!p1 $0x6000;
	[sflag:s18] =	ssyncadd.s32 @!p1 $0xFFFFF000  }
0xee: {  	[tilespmem:s19], [sflag:$0x2] =	stream.indirect.gather @!p1 [spmem:s2], $0x20, s31, s26, $0xb8;
	[tilespmem:$0x19000] =	vst v63  }
0xef: {  	_ =	swait.ge [sflag:s5], $0x1000  }
0xf0: {  	[sflag:s5] =	ssyncset.done $0x0  }
0xf1: {  	s31 =	simm.s32 $0x9000;
	s19 =	sadd.s32 $0x2A00, s24;
	[sflag:s5] =	ssyncadd.s32 $0xFFFFF000  }
0xf2: {  	[spmem:s3] =	stream.indirect.scatter.add.f32 [tilespmem:s31], [sflag:$0xF], $0x20, s19, s29, $0xb8;
	[tilespmem:$0x19000] =	vst v63  }
0xf3: {  	_ =	swait.ge [sflag:s25], $0x1000  }
0xf4: {  	s13 =	smov.u32 s8;
	[sflag:s25] =	ssyncset.done $0x0  }
0xf5: {  	s18 =	smov.u32 s13;
	s13 =	simm.s32 @p1 $0x6;
	[sflag:s25] =	ssyncadd.s32 $0xFFFFF000  }
0xf6: {  	_ =	swait.ge @p1 [sflag:s13], $0x1000  }
0xf7: {  	[sflag:s13] =	ssyncset.done @p1 $0x0  }
0xf8: {  	s19 =	simm.s32 @p1 $0xE;
	[sflag:s13] =	ssyncadd.s32 @p1 $0xFFFFF000;
	s13 =	simm.s32 @p1 $0xA000  }
0xf9: {  	[spmem:s3] =	stream.indirect.scatter.add.f32 @p1 [tilespmem:s13], [sflag:$0x10], $0x20, s17, s14, $0xb8;
	[tilespmem:$0x19000] =	vst v63  }
0xfa: {  	_ =	swait.ge @p1 [sflag:s19], $0x1000  }
0xfb: {  	s4 =	sadd.s32 @!p1 $0x600, s12;
	[sflag:s19] =	ssyncset.done @p1 $0x0  }
0xfc: {  	s13 =	simm.s32 @!p1 $0x7000;
	s17 =	simm.s32 @!p1 $0x6;
	[sflag:s19] =	ssyncadd.s32 @p1 $0xFFFFF000  }
0xfd: {  	[tilespmem:s13], [sflag:$0x3] =	stream.indirect.gather @!p1 [spmem:s2], $0x20, s4, s26, $0xb8;
	[tilespmem:$0x19000] =	vst v63  }
0xfe: {  	_ =	swait.ge @!p1 [sflag:s17], $0x1000  }
0xff: {  	s0 =	sadd.s32 @!p1 $0x2A80, s12;
	[sflag:s17] =	ssyncset.done @!p1 $0x0  }
0x100: {  	s13 =	simm.s32 @!p1 $0xA000;
	s4 =	simm.s32 @!p1 $0xE;
	[sflag:s17] =	ssyncadd.s32 @!p1 $0xFFFFF000  }
0x101: {  	[spmem:s3] =	stream.indirect.scatter.add.f32 @!p1 [tilespmem:s13], [sflag:$0x10], $0x20, s0, s26, $0xb8;
	[tilespmem:$0x19000] =	vst v63  }
0x102: {  	_ =	swait.ge @!p1 [sflag:s4], $0x1000  }
0x103: {  	[sflag:s4] =	ssyncset.done @!p1 $0x0  }
0x104: {  	s30 =	sadd.s32 @!p1 $0x680, s12;
	[sflag:s4] =	ssyncadd.s32 @!p1 $0xFFFFF000  }
0x105: {  	[tilespmem:s1], [sflag:$0x4] =	stream.indirect.gather @!p1 [spmem:s2], $0x20, s30, s26, $0xb8;
	[tilespmem:$0x19000] =	vst v63  }
0x106: {  	_ =	swait.ge [sflag:s6], $0x1000  }
0x107: {  	[sflag:s6] =	ssyncset.done $0x0  }
0x108: {  	s4 =	sadd.s32 $0x2B00, s24;
	s30 =	simm.s32 $0xB000;
	[sflag:s6] =	ssyncadd.s32 $0xFFFFF000  }
0x109: {  	[spmem:s3] =	stream.indirect.scatter.add.f32 [tilespmem:s30], [sflag:$0x11], $0x20, s4, s29, $0xb8;
	[tilespmem:$0x19000] =	vst v63  }
0x10a: {  	_ =	swait.ge [sflag:s28], $0x1000  }
0x10b: {  	[sflag:s28] =	ssyncset.done $0x0  }
0x10c: {  	s0 =	simm.s32 @p1 $0x8;
	[sflag:s28] =	ssyncadd.s32 $0xFFFFF000  }
0x10d: {  	_ =	swait.ge @p1 [sflag:s0], $0x1000  }
0x10e: {  	[sflag:s0] =	ssyncset.done @p1 $0x0  }
0x10f: {  	s1 =	simm.s32 @p1 $0x10;
	[sflag:s0] =	ssyncadd.s32 @p1 $0xFFFFF000;
	s0 =	simm.s32 @p1 $0xC000  }
0x110: {  	[spmem:s3] =	stream.indirect.scatter.add.f32 @p1 [tilespmem:s0], [sflag:$0x12], $0x20, s22, s14, $0xb8;
	[tilespmem:$0x19000] =	vst v63  }
0x111: {  	_ =	swait.ge @p1 [sflag:s1], $0x1000  }
0x112: {  	s16 =	sadd.s32 @!p1 $0x700, s12;
	[sflag:s1] =	ssyncset.done @p1 $0x0  }
0x113: {  	s0 =	simm.s32 @!p1 $0x9000;
	[sflag:s1] =	ssyncadd.s32 @p1 $0xFFFFF000;
	s1 =	simm.s32 @!p1 $0x8  }
0x114: {  	[tilespmem:s0], [sflag:$0x5] =	stream.indirect.gather @!p1 [spmem:s2], $0x20, s16, s26, $0xb8;
	[tilespmem:$0x19000] =	vst v63  }
0x115: {  	_ =	swait.ge @!p1 [sflag:s1], $0x1000  }
0x116: {  	s10 =	sadd.s32 @!p1 $0x2B80, s12;
	[sflag:s1] =	ssyncset.done @!p1 $0x0  }
0x117: {  	s0 =	simm.s32 @!p1 $0xC000;
	[sflag:s1] =	ssyncadd.s32 @!p1 $0xFFFFF000;
	s1 =	simm.s32 @!p1 $0x10  }
0x118: {  	[spmem:s3] =	stream.indirect.scatter.add.f32 @!p1 [tilespmem:s0], [sflag:$0x12], $0x20, s10, s26, $0xb8;
	[tilespmem:$0x19000] =	vst v63  }
0x119: {  	_ =	swait.ge @!p1 [sflag:s1], $0x1000  }
0x11a: {  	[sflag:s1] =	ssyncset.done @!p1 $0x0  }
0x11b: {  	s15 =	sadd.s32 @!p1 $0x780, s12;
	[sflag:s1] =	ssyncadd.s32 @!p1 $0xFFFFF000  }
0x11c: {  	[tilespmem:s13], [sflag:$0x6] =	stream.indirect.gather @!p1 [spmem:s2], $0x20, s15, s26, $0xb8;
	[tilespmem:$0x19000] =	vst v63  }
0x11d: {  	s8 =	sadd.s32 $0x1400, s8;
	_ =	swait.ge [sflag:s7], $0x1000  }
0x11e: {  	p0 =	sne.s32 s8, $0xA000;
	[sflag:s7] =	ssyncset.done $0x0  }
0x11f: {  	s22 =	simm.s32 $0xD000;
	s14 =	sadd.s32 $0x2C00, s24;
	[sflag:s7] =	ssyncadd.s32 $0xFFFFF000  }
0x120: {  	[spmem:s3] =	stream.indirect.scatter.add.f32 [tilespmem:s22], [sflag:$0x13], $0x20, s14, s29, $0xb8;
	[tilespmem:$0x19000] =	vst v63  }
0x121: {  	s12 =	sadd.s32 @!p1 $0x800, s12;
	s19 =	simm.s32 $0x7000;
	_ =	swait.ge [sflag:s9], $0x1000  }
.Ltmp1:
0x122: {  	s17 =	simm.s32 $0x6000;
	[sflag:s9] =	ssyncset.done $0x0;
	(pc) =	sbr.rel @p0 .LBB2_4-.Ltmp1, $4  }
0x123: {  	s16 =	simm.s32 $0x5000;
	s0 =	simm.s32 @!p1 $0xB000;
	[sflag:s9] =	ssyncadd.s32 $0xFFFFF000  }
0x124: {  	[tilespmem:s0], [sflag:$0x7] =	stream.indirect.gather @!p1 [spmem:s2], $0x20, s12, s26, $0xb8;
	[tilespmem:$0x19000] =	vst v63  }
0x125: {  	s15 =	simm.s32 $0x1;
	s26 =	simm.s32 $0xE000;
	_ =	swait.ge [sflag:s11], $0x1000  }
0x126: {  	p1 =	seq.s32 s18, $0x0;
	s0 =	sadd.s32 $0x2C80, s24;
	[sflag:s11] =	ssyncset.done $0x0  }
0x127: {  	s1 =	simm.s32 @!p1 $0x12;
	[sflag:s11] =	ssyncadd.s32 $0xFFFFF000  }
0x128: {  	[spmem:s3] =	stream.indirect.scatter.add.f32 [tilespmem:s26], [sflag:$0x14], $0x20, s0, s29, $0xb8;
	[tilespmem:$0x19000] =	vst v63  }
0x129: {  	_ =	swait.ge @!p1 [sflag:s1], $0x1000  }
0x12a: {  	s8 =	sshra.s32 s18, $0x2;
	[sflag:s1] =	ssyncset.done @!p1 $0x0  }
0x12b: {  	s24 =	sadd.s32 $0x380, s8;
	s14 =	rddreg [dreg:$0x4];
	[sflag:s1] =	ssyncadd.s32 @!p1 $0xFFFFF000  }
0x12c: {  	[tilespmem:s14], [sflag:$0x8] =	stream.indirect.gather [spmem:s2], $0x20, s24, s29, $0xb8;
	[tilespmem:$0x19000] =	vst v63  }
0x12d: {  	_ =	swait.ge [sflag:s15], $0x1000  }
0x12e: {  	[sflag:s15] =	ssyncset.done $0x0  }
0x12f: {  	s4 =	sadd.s32 $0x2800, s8;
	s1 =	simm.s32 @!p1 $0x13;
	[sflag:s15] =	ssyncadd.s32 $0xFFFFF000  }
0x130: {  	[spmem:s3] =	stream.indirect.scatter.add.f32 [tilespmem:s16], [sflag:$0xB], $0x20, s4, s29, $0xb8;
	[tilespmem:$0x19000] =	vst v63  }
0x131: {  	_ =	swait.ge @!p1 [sflag:s1], $0x1000  }
0x132: {  	[sflag:s1] =	ssyncset.done @!p1 $0x0  }
0x133: {  	s10 =	sadd.s32 $0x400, s8;
	[sflag:s1] =	ssyncadd.s32 @!p1 $0xFFFFF000  }
0x134: {  	[tilespmem:s22], [sflag:$0x9] =	stream.indirect.gather [spmem:s2], $0x20, s10, s29, $0xb8;
	[tilespmem:$0x19000] =	vst v63  }
0x135: {  	_ =	swait.ge [sflag:s20], $0x1000  }
0x136: {  	[sflag:s20] =	ssyncset.done $0x0  }
0x137: {  	s12 =	sadd.s32 $0x2880, s8;
	s1 =	simm.s32 @!p1 $0x14;
	[sflag:s20] =	ssyncadd.s32 $0xFFFFF000  }
0x138: {  	[spmem:s3] =	stream.indirect.scatter.add.f32 [tilespmem:s17], [sflag:$0xC], $0x20, s12, s29, $0xb8;
	[tilespmem:$0x19000] =	vst v63  }
0x139: {  	_ =	swait.ge @!p1 [sflag:s1], $0x1000  }
0x13a: {  	[sflag:s1] =	ssyncset.done @!p1 $0x0  }
0x13b: {  	s13 =	sadd.s32 $0x480, s8;
	[sflag:s1] =	ssyncadd.s32 @!p1 $0xFFFFF000  }
0x13c: {  	[tilespmem:s26], [sflag:$0xA] =	stream.indirect.gather [spmem:s2], $0x20, s13, s29, $0xb8;
	[tilespmem:$0x19000] =	vst v63  }
0x13d: {  	_ =	swait.ge [sflag:s21], $0x1000  }
0x13e: {  	[sflag:s21] =	ssyncset.done $0x0  }
0x13f: {  	s14 =	sadd.s32 $0x2900, s8;
	[sflag:s21] =	ssyncadd.s32 $0xFFFFF000  }
0x140: {  	[spmem:s3] =	stream.indirect.scatter.add.f32 [tilespmem:s19], [sflag:$0xD], $0x20, s14, s29, $0xb8;
	[tilespmem:$0x19000] =	vst v63  }
0x141: {  	_ =	swait.ge [sflag:s23], $0x1000  }
0x142: {  	p0 =	seq.s32 s18, $0x8C00;
	[sflag:s23] =	ssyncset.done $0x0  }
0x143: {  	s0 =	simm.s32 @p0 $0x4;
	[sflag:s23] =	ssyncadd.s32 $0xFFFFF000  }
0x144: {  	s13 =	sshra.s32 @p0 s18, $0x2;
	_ =	swait.ge @p0 [sflag:s0], $0x1000  }
0x145: {  	s4 =	simm.s32 @p0 $0xC;
	s1 =	sadd.s32 @p0 $0x2980, s13;
	[sflag:s0] =	ssyncset.done @p0 $0x0  }
0x146: {  	s14 =	simm.s32 @p0 $0x80;
	[sflag:s0] =	ssyncadd.s32 @p0 $0xFFFFF000;
	s0 =	simm.s32 @p0 $0x8000  }
0x147: {  	[spmem:s3] =	stream.indirect.scatter.add.f32 @p0 [tilespmem:s0], [sflag:$0xE], $0x20, s1, s14, $0xb8;
	[tilespmem:$0x19000] =	vst v63  }
0x148: {  	s10 =	sshra.s32 @!p0 s18, $0x2;
	_ =	swait.ge @p0 [sflag:s4], $0x1000  }
0x149: {  	s12 =	simm.s32 @!p0 $0x80;
	s0 =	sadd.s32 @!p0 $0x500, s10;
	[sflag:s4] =	ssyncset.done @p0 $0x0  }
0x14a: {  	s1 =	simm.s32 @!p0 $0x4;
	[sflag:s4] =	ssyncadd.s32 @p0 $0xFFFFF000;
	s4 =	simm.s32 @!p0 $0x5000  }
0x14b: {  	[tilespmem:s4], [sflag:$0x1] =	stream.indirect.gather @!p0 [spmem:s2], $0x20, s0, s12, $0xb8;
	[tilespmem:$0x19000] =	vst v63  }
0x14c: {  	_ =	swait.ge @!p0 [sflag:s1], $0x1000  }
0x14d: {  	s0 =	sadd.s32 @!p0 $0x2980, s10;
	[sflag:s1] =	ssyncset.done @!p0 $0x0  }
0x14e: {  	s4 =	simm.s32 @!p0 $0xC;
	[sflag:s1] =	ssyncadd.s32 @!p0 $0xFFFFF000;
	s1 =	simm.s32 @!p0 $0x8000  }
0x14f: {  	[spmem:s3] =	stream.indirect.scatter.add.f32 @!p0 [tilespmem:s1], [sflag:$0xE], $0x20, s0, s12, $0xb8;
	[tilespmem:$0x19000] =	vst v63  }
0x150: {  	_ =	swait.ge @!p0 [sflag:s4], $0x1000  }
0x151: {  	[sflag:s4] =	ssyncset.done @!p0 $0x0  }
0x152: {  	s0 =	sadd.s32 @!p0 $0x580, s10;
	[sflag:s4] =	ssyncadd.s32 @!p0 $0xFFFFF000;
	s4 =	simm.s32 @!p0 $0x6000  }
0x153: {  	[tilespmem:s4], [sflag:$0x2] =	stream.indirect.gather @!p0 [spmem:s2], $0x20, s0, s12, $0xb8;
	[tilespmem:$0x19000] =	vst v63  }
0x154: {  	_ =	swait.ge [sflag:s5], $0x1000  }
0x155: {  	[sflag:s5] =	ssyncset.done $0x0  }
0x156: {  	s24 =	sadd.s32 $0x2A00, s8;
	[sflag:s5] =	ssyncadd.s32 $0xFFFFF000  }
0x157: {  	[spmem:s3] =	stream.indirect.scatter.add.f32 [tilespmem:s31], [sflag:$0xF], $0x20, s24, s29, $0xb8;
	[tilespmem:$0x19000] =	vst v63  }
0x158: {  	_ =	swait.ge [sflag:s25], $0x1000  }
0x159: {  	[sflag:s25] =	ssyncset.done $0x0  }
0x15a: {  	s0 =	simm.s32 @p0 $0x6;
	[sflag:s25] =	ssyncadd.s32 $0xFFFFF000  }
0x15b: {  	_ =	swait.ge @p0 [sflag:s0], $0x1000  }
0x15c: {  	[sflag:s0] =	ssyncset.done @p0 $0x0  }
0x15d: {  	s4 =	sadd.s32 @p0 $0x2A80, s13;
	[sflag:s0] =	ssyncadd.s32 @p0 $0xFFFFF000;
	s0 =	simm.s32 @p0 $0xA000  }
0x15e: {  	[spmem:s3] =	stream.indirect.scatter.add.f32 @p0 [tilespmem:s0], [sflag:$0x10], $0x20, s4, s14, $0xb8;
	[tilespmem:$0x19000] =	vst v63  }
0x15f: {  	s0 =	simm.s32 @p0 $0xE  }
0x160: {  	_ =	swait.ge @p0 [sflag:s0], $0x1000  }
0x161: {  	[sflag:s0] =	ssyncset.done @p0 $0x0  }
0x162: {  	s4 =	sadd.s32 @!p0 $0x600, s10;
	[sflag:s0] =	ssyncadd.s32 @p0 $0xFFFFF000;
	s0 =	simm.s32 @!p0 $0x7000  }
0x163: {  	[tilespmem:s0], [sflag:$0x3] =	stream.indirect.gather @!p0 [spmem:s2], $0x20, s4, s12, $0xb8;
	[tilespmem:$0x19000] =	vst v63  }
0x164: {  	s0 =	simm.s32 @!p0 $0x6  }
0x165: {  	_ =	swait.ge @!p0 [sflag:s0], $0x1000  }
0x166: {  	[sflag:s0] =	ssyncset.done @!p0 $0x0  }
0x167: {  	s4 =	sadd.s32 @!p0 $0x2A80, s10;
	[sflag:s0] =	ssyncadd.s32 @!p0 $0xFFFFF000;
	s0 =	simm.s32 @!p0 $0xA000  }
0x168: {  	[spmem:s3] =	stream.indirect.scatter.add.f32 @!p0 [tilespmem:s0], [sflag:$0x10], $0x20, s4, s12, $0xb8;
	[tilespmem:$0x19000] =	vst v63  }
0x169: {  	s4 =	simm.s32 @!p0 $0xE  }
0x16a: {  	_ =	swait.ge @!p0 [sflag:s4], $0x1000  }
0x16b: {  	[sflag:s4] =	ssyncset.done @!p0 $0x0  }
0x16c: {  	[sflag:s4] =	ssyncadd.s32 @!p0 $0xFFFFF000;
	s4 =	sadd.s32 @!p0 $0x680, s10  }
0x16d: {  	[tilespmem:s1], [sflag:$0x4] =	stream.indirect.gather @!p0 [spmem:s2], $0x20, s4, s12, $0xb8;
	[tilespmem:$0x19000] =	vst v63  }
0x16e: {  	_ =	swait.ge [sflag:s6], $0x1000  }
0x16f: {  	[sflag:s6] =	ssyncset.done $0x0  }
0x170: {  	s4 =	sadd.s32 $0x2B00, s8;
	[sflag:s6] =	ssyncadd.s32 $0xFFFFF000  }
0x171: {  	[spmem:s3] =	stream.indirect.scatter.add.f32 [tilespmem:s30], [sflag:$0x11], $0x20, s4, s29, $0xb8;
	[tilespmem:$0x19000] =	vst v63  }
0x172: {  	_ =	swait.ge [sflag:s28], $0x1000  }
0x173: {  	[sflag:s28] =	ssyncset.done $0x0  }
0x174: {  	s1 =	simm.s32 @p0 $0x8;
	[sflag:s28] =	ssyncadd.s32 $0xFFFFF000  }
0x175: {  	_ =	swait.ge @p0 [sflag:s1], $0x1000  }
0x176: {  	[sflag:s1] =	ssyncset.done @p0 $0x0  }
0x177: {  	s4 =	sadd.s32 @p0 $0x2B80, s13;
	[sflag:s1] =	ssyncadd.s32 @p0 $0xFFFFF000;
	s1 =	simm.s32 @p0 $0xC000  }
0x178: {  	[spmem:s3] =	stream.indirect.scatter.add.f32 @p0 [tilespmem:s1], [sflag:$0x12], $0x20, s4, s14, $0xb8;
	[tilespmem:$0x19000] =	vst v63  }
0x179: {  	s1 =	simm.s32 @p0 $0x10  }
0x17a: {  	_ =	swait.ge @p0 [sflag:s1], $0x1000  }
0x17b: {  	[sflag:s1] =	ssyncset.done @p0 $0x0  }
0x17c: {  	s4 =	sadd.s32 @!p0 $0x700, s10;
	[sflag:s1] =	ssyncadd.s32 @p0 $0xFFFFF000;
	s1 =	simm.s32 @!p0 $0x9000  }
0x17d: {  	[tilespmem:s1], [sflag:$0x5] =	stream.indirect.gather @!p0 [spmem:s2], $0x20, s4, s12, $0xb8;
	[tilespmem:$0x19000] =	vst v63  }
0x17e: {  	s1 =	simm.s32 @!p0 $0x8  }
0x17f: {  	_ =	swait.ge @!p0 [sflag:s1], $0x1000  }
0x180: {  	[sflag:s1] =	ssyncset.done @!p0 $0x0  }
0x181: {  	s4 =	sadd.s32 @!p0 $0x2B80, s10;
	[sflag:s1] =	ssyncadd.s32 @!p0 $0xFFFFF000;
	s1 =	simm.s32 @!p0 $0xC000  }
0x182: {  	[spmem:s3] =	stream.indirect.scatter.add.f32 @!p0 [tilespmem:s1], [sflag:$0x12], $0x20, s4, s12, $0xb8;
	[tilespmem:$0x19000] =	vst v63  }
0x183: {  	s1 =	simm.s32 @!p0 $0x10  }
0x184: {  	_ =	swait.ge @!p0 [sflag:s1], $0x1000  }
0x185: {  	[sflag:s1] =	ssyncset.done @!p0 $0x0  }
0x186: {  	[sflag:s1] =	ssyncadd.s32 @!p0 $0xFFFFF000;
	s1 =	sadd.s32 @!p0 $0x780, s10  }
0x187: {  	[tilespmem:s0], [sflag:$0x6] =	stream.indirect.gather @!p0 [spmem:s2], $0x20, s1, s12, $0xb8;
	[tilespmem:$0x19000] =	vst v63  }
0x188: {  	_ =	swait.ge [sflag:s7], $0x1000  }
0x189: {  	[sflag:s7] =	ssyncset.done $0x0  }
0x18a: {  	s18 =	sadd.s32 $0x2C00, s8;
	[sflag:s7] =	ssyncadd.s32 $0xFFFFF000  }
0x18b: {  	[spmem:s3] =	stream.indirect.scatter.add.f32 [tilespmem:s22], [sflag:$0x13], $0x20, s18, s29, $0xb8;
	[tilespmem:$0x19000] =	vst v63  }
0x18c: {  	_ =	swait.ge [sflag:s9], $0x1000  }
0x18d: {  	[sflag:s9] =	ssyncset.done $0x0  }
0x18e: {  	s0 =	sadd.s32 @!p0 $0x800, s10;
	s1 =	simm.s32 @!p0 $0xB000;
	[sflag:s9] =	ssyncadd.s32 $0xFFFFF000  }
0x18f: {  	[tilespmem:s1], [sflag:$0x7] =	stream.indirect.gather @!p0 [spmem:s2], $0x20, s0, s12, $0xb8;
	[tilespmem:$0x19000] =	vst v63  }
0x190: {  	_ =	swait.ge [sflag:s11], $0x1000  }
0x191: {  	[sflag:s11] =	ssyncset.done $0x0  }
0x192: {  	s24 =	sadd.s32 $0x2C80, s8;
	s1 =	simm.s32 $0x12;
	[sflag:s11] =	ssyncadd.s32 $0xFFFFF000  }
0x193: {  	[spmem:s3] =	stream.indirect.scatter.add.f32 [tilespmem:s26], [sflag:$0x14], $0x20, s24, s29, $0xb8;
	[tilespmem:$0x19000] =	vst v63  }
0x194: {  	_ =	swait.ge [sflag:s1], $0x1000  }
0x195: {  	[sflag:s1] =	ssyncset.done $0x0  }
0x196: {  	s4 =	simm.s32 $0x13;
	[sflag:s1] =	ssyncadd.s32 $0xFFFFF000  }
0x197: {  	_ =	swait.ge [sflag:s4], $0x1000  }
0x198: {  	[sflag:s4] =	ssyncset.done $0x0  }
0x199: {  	s8 =	simm.s32 $0x14;
	[sflag:s4] =	ssyncadd.s32 $0xFFFFF000  }
0x19a: {  	_ =	swait.ge [sflag:s8], $0x1000  }
0x19b: {  	[sflag:s8] =	ssyncset.done $0x0  }
0x19c: {  	[sflag:s8] =	ssyncadd.s32 $0xFFFFF000  }
0x19d: {  	[bflag:$0x0] =	sbarrier.arrive $0xFFFF  }
0x19e: {  	s10 =	rddreg [dreg:$0x8]  }
0x19f: {  	s0 =	sor.u32 $0x1C15, s10;
	s10 =	rddreg [dreg:$0xa]  }
0x1a0: {  	s14 =	simm.s32 $0x15;
	s13 =	rddreg [dreg:$0xf];
	s12 =	sshrl.u32 s10, $0x3  }
0x1a1: {  	[hbm:s13], [sflag:s0] =	dma.local [spmem:s12], $0xA00  }
0x1a2: {  	_ =	swait.ge [sflag:s14], $0xA00  }
0x1a3: {  	s18 =	rddreg [dreg:$0x12]  }
0x1a4: {  	s24 =	rddreg [dreg:$0x10];
	s4 =	sadd.s32 $0x1, s18  }
0x1a5: {  	p0 =	sne.s32 s4, s24  }
.Ltmp2:
0x1a6: {  	_ = 	snop;
	(pc) =	sbr.rel @p0 .LBB2_1-.Ltmp2, $3  }
0x1a7: {  	_ =	sdelay $0x1  }
0x1a8: {  	[sflag:s14] =	ssyncset.done $0x0  }
0x1a9: {  	[sflag:s14] =	ssyncadd.s32 $0xFFFFF600  }
0x1aa: {  	_ =	sfence.sel $0x180000  }
0x1ab: {  	[bflag:$0x0] =	sbarrier.arrive $0xFFFF  }
0x1ac: {  	_ =	strace $0x9000004A  }
0x1ad: {  	s0 =	stileid.u32;
	[bflag:$0x2] =	sbarrier.arrive $0xFFFF  }
0x1ae: {  	p0 =	sne.s32 s0, $0x0;
	s0 =	rddreg [dreg:$0x3]  }
0x1af: {  	s0 =	sadd.s32 @!p0 $0x100000, s0  }
0x1b0: {  	[sflag:s0] =	ssyncadd.tile.s32 @!p0 $0x1;
	_ =	shalt  }
.Lfunc_end2:
_tile_overlayer_lowered:
.L_overlay_start_2:
0x1b1: {  	(tag) =	ssettag $0x2  }
0x1b2: {  	s0 =	rddreg [dreg:$0x0];
	s2 =	stileid.u32  }
0x1b3: {  	s1 =	rddreg [dreg:$0x1];
	p0 =	sne.s32 s2, $0x0  }
0x1b4: {  	s3 =	rddreg [dreg:$0x2];
	[bflag:$0x3] =	sbarrier.arrive $0xFFFF;
	s2 =	simm.s32 @!p0 $0x1C15  }
0x1b5: {  	[timem:s3], [sflag:s2] =	dma.local @!p0 [hbm:s0], s1  }
0x1b6: {  	s0 =	simm.s32 @!p0 $0x15  }
0x1b7: {  	_ =	swait.ge @!p0 [sflag:s0], s1  }
0x1b8: {  	s1 =	ssub.s32 @!p0 $0x0, s1;
	[sflag:s0] =	ssyncset.done @!p0 $0x0  }
0x1b9: {  	[sflag:s0] =	ssyncadd.s32 @!p0 s1  }
0x1ba: {  	[bflag:$0x3] =	sbarrier.arrive $0xFFFF  }
0x1bb: {  	_ =	shalt  }

// kernel: kernel.7.cloned.1.call-start
scs
__scs_entry_jumppad:
0x0: {  	(pc) =	sbr.rel $0x88, $3  }
0x1: {  	(tag) =	ssettag $0x0;
	lr =	simm.s32 $0x1  }
0x2: {  	[smem:$0x3F97] =	sst lr;
	_ =	strace $0xD0000000  }
0x3: {  	_ = 	snop  }
0x4: {  	_ = 	snop  }
0x5: {  	_ = 	snop  }
0x6: {  	_ = 	snop  }
0x7: {  	_ = 	snop  }
__scs_overlays_trampoline_lowered:
0x8: {  	[smem:$0x3FA6] =	sst s0  }
0x9: {  	[smem:$0x3FA7] =	sst s1  }
0xa: {  	[smem:$0x3FA8] =	sst s2  }
0xb: {  	[smem:$0x3FA9] =	sst s3  }
0xc: {  	[smem:$0x3FAA] =	sst s4  }
0xd: {  	[smem:$0x3FAB] =	sst s5  }
0xe: {  	[smem:$0x3FAC] =	sst s6  }
0xf: {  	[smem:$0x3FAD] =	sst s7  }
0x10: {  	[smem:$0x3FAE] =	sst s8  }
0x11: {  	[smem:$0x3FAF] =	sst s9;
	s0 =	simm.s32 @!p0 $0x0  }
0x12: {  	s1 =	sld [smem:$0x3F95];
	s0 =	simm.s32 @p0 $0x1  }
0x13: {  	[smem:$0x3FB0] =	sst s0;
	s0 =	simm.s32 @!p1 $0x0  }
0x14: {  	s2 =	sld [smem:$0x3F94];
	s0 =	simm.s32 @p1 $0x1  }
0x15: {  	[smem:$0x3FB1] =	sst s0;
	s0 =	simm.s32 @!p2 $0x0  }
0x16: {  	s3 =	sld [smem:$0x3FDB];
	s0 =	simm.s32 @p2 $0x1  }
0x17: {  	s4 =	simm.s32 $0x1BF5;
	[smem:$0x3FB3] =	sst s0  }
0x18: {  	s0 =	sld [smem:$0x3F96];
	_ =	swait.ge [sflag:s4], $0x0  }
0x19: {  	s7 =	sld [smem:$0x3F97]  }
0x1a: {  	s8 =	sadd.s32 $0xFFFFE003, lr  }
0x1b: {  	s9 =	sadd.s32 $0xFFFFFEF7, lr;
	s5 =	simm.s32 $0xFFFFFFFF;
	p2 =	slt.u32 s8, $0xFFFFF086  }
0x1c: {  	p1 =	slt.u32 s9, $0xF7A;
	s5 =	simm.s32 @!p2 $0x0  }
0x1d: {  	s5 =	simm.s32 @p1 $0x1;
	p0 =	seq.s32 s7, s2  }
0x1e: {  	s7 =	smul.u32 @!p0 $0xF7A, s2;
	p2 =	seq.s32 @!p0 s5, $0x0  }
0x1f: {  	s9 =	smul.u32 $0xF7A, s1;
	s8 =	simm.s32 @!p0 $0x1BF5;
	p2 =	por !p2, p0  }
0x20: {  	[sflag:s8] =	ssyncset.s32 @!p0 $0xFFFFF086;
	s6 =	sadd.s32 @!p0 s3, s7;
	s7 =	simm.s32 @!p0 $0x108  }
0x21: {  	s3 =	sadd.s32 s3, s9;
	s6 =	sadd.s32 @!p0 $0x88, s6;
	s7 =	simm.s32 @p2 $0x1082  }
0x22: {  	[simem:s7], [sflag:s8] =	dma.local @!p0 [hbm:s6], $0xF7A  }
0x23: {  	s9 =	sor.u32 $0xD0000000, s2;
	s6 =	simm.s32 $0x108;
	_ =	swait.ge @!p0 [sflag:s8], $0x0  }
0x24: {  	s3 =	sadd.s32 $0x88, s3;
	s6 =	simm.s32 @!p1 $0x1082;
	[sflag:s4] =	ssyncset.s32 $0xFFFFF086  }
0x25: {  	[simem:s6], [sflag:s4] =	dma.local [hbm:s3], $0xF7A  }
0x26: {  	[smem:$0x3F97] =	sst s1;
	(tag) =	ssettag s2;
	_ =	strace s9  }
0x27: {  	s1 =	sld [smem:$0x3FA7]  }
0x28: {  	s2 =	sld [smem:$0x3FA8]  }
0x29: {  	s4 =	sld [smem:$0x3FAA]  }
0x2a: {  	p0 =	seq.s32 s5, $0x0;
	s5 =	sld [smem:$0x3FAB]  }
0x2b: {  	s6 =	sld [smem:$0x3FAC]  }
0x2c: {  	s7 =	sld [smem:$0x3FAD]  }
0x2d: {  	s3 =	simm.s32 $0x108;
	s8 =	sld [smem:$0x3FAE]  }
0x2e: {  	s3 =	simm.s32 @!p0 $0x1082;
	s9 =	sld [smem:$0x3FAF]  }
0x2f: {  	lr =	sadd.s32 s0, s3;
	s0 =	sld [smem:$0x3FA6]  }
0x30: {  	s3 =	sld [smem:$0x3FA9]  }
0x31: {  	[smem:$0x3FB2] =	sst s10  }
0x32: {  	s10 =	sld [smem:$0x3FB0];
	_ =	sdelay $0x3  }
0x33: {  	p0 =	seq.s32 s10, $0x1;
	s10 =	sld [smem:$0x3FB2];
	_ =	sdelay $0x3  }
0x34: {  	[smem:$0x3FB2] =	sst s10  }
0x35: {  	s10 =	sld [smem:$0x3FB1];
	_ =	sdelay $0x3  }
0x36: {  	p1 =	seq.s32 s10, $0x1;
	s10 =	sld [smem:$0x3FB2];
	_ =	sdelay $0x3  }
0x37: {  	[smem:$0x3FB2] =	sst s10  }
0x38: {  	s10 =	sld [smem:$0x3FB3]  }
0x39: {  	_ = 	snop;
	(pc) =	sbr.ind lr, $3  }
0x3a: {  	_ = 	snop  }
0x3b: {  	_ = 	snop  }
0x3c: {  	p2 =	seq.s32 s10, $0x1;
	s10 =	sld [smem:$0x3FB2]  }
0x3d: {  	_ =	shalt  }
0x3e: {  	_ =	shalt  }
0x3f: {  	_ =	shalt  }
0x40: {  	_ =	shalt  }
0x41: {  	_ =	shalt  }
0x42: {  	_ =	shalt  }
0x43: {  	_ =	shalt  }
0x44: {  	_ =	shalt  }
0x45: {  	_ =	shalt  }
0x46: {  	_ =	shalt  }
0x47: {  	_ =	shalt  }
0x48: {  	_ =	shalt  }
0x49: {  	_ =	shalt  }
0x4a: {  	_ =	shalt  }
0x4b: {  	_ =	shalt  }
0x4c: {  	_ =	shalt  }
0x4d: {  	_ =	shalt  }
0x4e: {  	_ =	shalt  }
0x4f: {  	_ =	shalt  }
0x50: {  	_ =	shalt  }
0x51: {  	_ =	shalt  }
0x52: {  	_ =	shalt  }
0x53: {  	_ =	shalt  }
0x54: {  	_ =	shalt  }
0x55: {  	_ =	shalt  }
0x56: {  	_ =	shalt  }
0x57: {  	_ =	shalt  }
0x58: {  	_ =	shalt  }
0x59: {  	_ =	shalt  }
0x5a: {  	_ =	shalt  }
0x5b: {  	_ =	shalt  }
0x5c: {  	_ =	shalt  }
0x5d: {  	_ =	shalt  }
0x5e: {  	_ =	shalt  }
0x5f: {  	_ =	shalt  }
0x60: {  	_ =	shalt  }
0x61: {  	_ =	shalt  }
0x62: {  	_ =	shalt  }
0x63: {  	_ =	shalt  }
0x64: {  	_ =	shalt  }
0x65: {  	_ =	shalt  }
0x66: {  	_ =	shalt  }
0x67: {  	_ =	shalt  }
0x68: {  	_ =	shalt  }
0x69: {  	_ =	shalt  }
0x6a: {  	_ =	shalt  }
0x6b: {  	_ =	shalt  }
0x6c: {  	_ =	shalt  }
0x6d: {  	_ =	shalt  }
0x6e: {  	_ =	shalt  }
0x6f: {  	_ =	shalt  }
0x70: {  	_ =	shalt  }
0x71: {  	_ =	shalt  }
0x72: {  	_ =	shalt  }
0x73: {  	_ =	shalt  }
0x74: {  	_ =	shalt  }
0x75: {  	_ =	shalt  }
0x76: {  	_ =	shalt  }
0x77: {  	_ =	shalt  }
0x78: {  	_ =	shalt  }
0x79: {  	_ =	shalt  }
0x7a: {  	_ =	shalt  }
0x7b: {  	_ =	shalt  }
0x7c: {  	_ =	shalt  }
0x7d: {  	_ =	shalt  }
0x7e: {  	_ =	shalt  }
0x7f: {  	_ =	shalt  }
0x80: {  	_ =	shalt  }
0x81: {  	_ =	shalt  }
0x82: {  	_ =	shalt  }
0x83: {  	_ =	shalt  }
0x84: {  	_ =	shalt  }
0x85: {  	_ =	shalt  }
0x86: {  	_ =	shalt  }
0x87: {  	_ =	shalt  }
.Lfunc_end0:
.L_simem_size_0:
called_computation_lowered:
.L_overlay_start_0:
0x88: {  	s2 =	sld [smem:$0x3FD9]  }
0x89: {  	s3 =	sld [smem:$0x3FFE];
	_ =	sdelay $0x1  }
0x8a: {  	s1 =	srdreg.scid  }
0x8b: {  	s0 =	sand.u32 $0x1, s1  }
0x8c: {  	s16 =	sshll.u32 s0, $0xA;
	s2 =	sadd.s32 s3, s2  }
0x8d: {  	s2 =	sadd.s32 s2, s16  }
0x8e: {  	[smem:$0x3FBE] =	sst s2  }
0x8f: {  	_ = 	snop  }
0x90: {  	(tm) =	ssettm $0x1  }
0x91: {  	s17 =	sld [smem:$0x3FFB];
	_ =	sdelay $0x3  }
0x92: {  	_ =	strace s17  }
0x93: {  	s2 =	sld [smem:$0x3FFC];
	_ =	sdelay $0x3  }
0x94: {  	_ =	strace s2  }
0x95: {  	s2 =	sld [smem:$0x3FFD];
	_ =	sdelay $0x3  }
0x96: {  	_ =	strace s2  }
0x97: {  	_ =	strace $0x8FFFFFFF  }
0x98: {  	s18 =	sld [smem:$0x3FDB];
	_ =	sdelay $0x1  }
0x99: {  	s19 =	simm.s32 $_scs_section_size  }
0x9a: {  	s4 =	simm.s32 $_size__tile_overlayer_lowered;
	s5 =	simm.s32 $_tile_overlayer_lowered  }
0x9b: {  	s22 =	simm.s32 $0x1BFF;
	s21 =	sshll.u32 s5, $0x1;
	s2 =	sadd.s32 s19, s18  }
0x9c: {  	s6 =	simm.s32 $0x0;
	s20 =	sshll.u32 s4, $0x1;
	s4 =	sadd.s32 s21, s2  }
0x9d: {  	[timem:s6], [sflag:s22] =	dma.local [hbm:s4], s20  }
0x9e: {  	_ =	swait.ge [sflag:s22], s20  }
0x9f: {  	s3 =	ssub.s32 $0x0, s20;
	[sflag:s22] =	ssyncset.done $0x0  }
0xa0: {  	[sflag:s22] =	ssyncadd.s32 s3;
	_ =	sdelay $0x1  }
0xa1: {  	s23 =	simm.s32 $0x1B8B  }
0xa2: {  	_ =	swait.ge [sflag:s23], $0x1  }
0xa3: {  	[sflag:s23] =	ssyncset.done $0x0  }
0xa4: {  	s25 =	simm.s32 $0x1B8E;
	s24 =	sld [smem:$0x3FFE];
	[sflag:s23] =	ssyncadd.s32 $0xFFFFFFFF  }
0xa5: {  	s26 =	simm.s32 $execute0_lowered;
	[smem:$0x3FD2] =	sst s25  }
0xa6: {  	s4 =	sshll.u32 s26, $0x1;
	_ =	strace $0x80000046;
	[dreg:$0x1] =	wrdreg $0xFFFFFFFF  }
0xa7: {  	s28 =	simm.s32 $_size_execute0_lowered;
	s2 =	sadd.s32 s2, s4;
	[dreg:$0x0] =	wrdreg $0x0  }
0xa8: {  	s4 =	sshll.u32 s28, $0x1;
	[dreg:$0x2] =	wrdreg s2  }
0xa9: {  	[dreg:$0x3] =	wrdreg s4  }
0xaa: {  	[dreg:$0x4] =	wrdreg $0xC0  }
0xab: {  	_ =	task [dreg:s6], $0x5FFFF  }
0xac: {  	[dreg:$0x1] =	wrdreg $0xFFFFFFFF  }
0xad: {  	[dreg:$0x0] =	wrdreg $0x60  }
0xae: {  	[dreg:$0x2] =	wrdreg s24  }
0xaf: {  	[dreg:$0x3] =	wrdreg $0x140000  }
0xb0: {  	[dreg:$0x4] =	wrdreg $0xF0000  }
0xb1: {  	[dreg:$0x5] =	wrdreg $0x1A0000  }
0xb2: {  	[dreg:$0x6] =	wrdreg $0x9  }
0xb3: {  	_ =	task.clear_ibuf [dreg:s6], $0x7FFFF;
	_ =	strace $0x90000046  }
0xb4: {  	s29 =	simm.s32 $0x9;
	_ =	strace $0x80000048  }
0xb5: {  	_ =	swait.ge [sflag:s29], $0x1  }
0xb6: {  	[sflag:s29] =	ssyncadd.s32 $0xFFFFFFFF  }
0xb7: {  	_ =	strace $0x90000048  }
0xb8: {  	_ =	sfence  }
0xb9: {  	s30 =	sld [smem:$0x0];
	_ =	sdelay $0x2  }
0xba: {  	s31 =	sshll.u32 s1, $0xD;
	s1 =	sshrl.u32 s1, $0x2  }
0xbb: {  	s3 =	sand.u32 $0x4000, s31;
	s1 =	sadd.s32 s1, s30  }
0xbc: {  	s0 =	sor.u32 s3, s0;
	s1 =	sshll.u32 s1, $0x11  }
0xbd: {  	s0 =	sor.u32 s1, s0  }
0xbe: {  	s0 =	sadd.s32 $0x8F2B, s0  }
0xbf: {  	[sflag:s0] =	ssyncadd.remote.s32 $0x1  }
0xc0: {  	_ =	sfence.sel $0xFFFF  }
0xc1: {  	[dreg:$0x0] =	wrdreg $0xFFFFFFFF;
	(pc) =	sbr.abs _section_cstart, $3  }
0xc2: {  	[dreg:$0x1] =	wrdreg $0xFFFFFFFF  }
0xc3: {  	_ =	task.clear_ibuf [dreg:s6], $0x2FFFF;
	_ =	strace $0x9FFFFFFF  }
0xc4: {  	(tm) =	ssettm $0x7FFFFFFF  }
0xc5: {  	_ =	shalt  }
tec
execute0_lowered:
.L_overlay_start_1:
0x0: {  	(tag) =	ssettag $0x1  }
0x1: {  	s0 =	rddreg [dreg:$0x0]  }
0x2: {  	s2 =	rddreg [dreg:$0x1]  }
0x3: {  	s3 =	rddreg [dreg:$0x2]  }
0x4: {  	s4 =	rddreg [dreg:$0x3];
	s10 =	stileid.u32  }
0x5: {  	s8 =	simm.s32 $0x0;
	s5 =	srdreg.scid;
	s31 =	simm.s32 $0xB  }
0x6: {  	s28 =	simm.s32 $0x13;
	s29 =	simm.s32 $0x14;
	s1 =	smul.u32 $0x5000, s10  }
0x7: {  	s5 =	sand.u32 $0x1, s5;
	s6 =	sshll.u32 s10, $0x1;
	s7 =	smul.u32 $0x280, s10  }
0x8: {  	[smem:$0x7FF] =	sst s8;
	s13 =	sshll.u32 s10, $0x6;
	s10 =	simm.s32 $0xF  }
0x9: {  	s8 =	simm.s32 $0x0;
	s6 =	sor.u32 s5, s6;
	s26 =	smul.u32 $0x2800, s5  }
0xa: {  	_ =	strace $0x80000047;
	s5 =	ssub.s32 $0x2, s5;
	[dreg:$0x7] =	wrdreg s13  }
0xb: {  	s9 =	sshrl.u32 s1, $0x3;
	s6 =	smul.u32 $0x500, s6;
	s30 =	sshrl.u32 s5, $0x1  }
0xc: {  	s12 =	sadd.s32 s1, s2;
	s18 =	sadd.s32 s1, s3;
	s19 =	sadd.s32 s1, s4  }
0xd: {  	s15 =	sadd.s32 $0x1000, s1;
	s16 =	sadd.s32 $0x2000, s1;
	[dreg:$0xa] =	wrdreg s18  }
0xe: {  	s22 =	sadd.s32 $0x3000, s1;
	s17 =	sadd.s32 s15, s3;
	[dreg:$0xb] =	wrdreg s19  }
0xf: {  	s1 =	sadd.s32 $0x4000, s1;
	s20 =	sadd.s32 s16, s3;
	[dreg:$0xc] =	wrdreg s17  }
0x10: {  	s9 =	sadd.s32 s9, s0;
	s21 =	sadd.s32 s16, s4;
	[dreg:$0xe] =	wrdreg s20  }
0x11: {  	s7 =	sadd.s32 s7, s26;
	s23 =	sadd.s32 s22, s3;
	[dreg:$0xf] =	wrdreg s21  }
0x12: {  	s5 =	ssub.s32 s5, s30;
	s24 =	sadd.s32 s1, s3;
	[dreg:$0x10] =	wrdreg s23  }
0x13: {  	s1 =	sadd.s32 s1, s4;
	s30 =	sshrl.u32 s12, $0x3;
	[dreg:$0x12] =	wrdreg s24  }
0x14: {  	s6 =	sadd.s32 s6, s0;
	s7 =	sshll.u32 s7, $0x2;
	[dreg:$0x13] =	wrdreg s1  }
0x15: {  	s14 =	sadd.s32 $0x16400, s9;
	s26 =	smax.u32 s5, $0x1;
	[dreg:$0x17] =	wrdreg s30  }
0x16: {  	s20 =	simm.s32 $0x1;
	s23 =	simm.s32 $0x2;
	s1 =	simm.s32 $0xC  }
0x17: {  	s24 =	simm.s32 $0x11;
	s5 =	simm.s32 $0xD;
	[dreg:$0x8] =	wrdreg s14  }
0x18: {  	s21 =	simm.s32 $0x12;
	s11 =	sadd.s32 $0xC400, s6;
	[dreg:$0x16] =	wrdreg s26  }
0x19: {  	s0 =	sadd.s32 s7, s0;
	s6 =	sadd.s32 $0x2400, s6;
	[dreg:$0x5] =	wrdreg s11  }
0x1a: {  	s7 =	sor.u32 $0x1C03, s13;
	s26 =	simm.s32 $0x5000;
	[dreg:$0x6] =	wrdreg s6  }
0x1b: {  	s14 =	simm.s32 $0x80;
	[dreg:$0x9] =	wrdreg s7;
	s7 =	sadd.s32 s15, s4  }
0x1c: {  	s25 =	sadd.s32 $0x20400, s0;
	s0 =	sadd.s32 $0x34400, s0;
	[dreg:$0xd] =	wrdreg s7  }
0x1d: {  	s6 =	simm.s32 $0xA;
	s7 =	sadd.s32 s22, s4;
	[dreg:$0x14] =	wrdreg s25  }
0x1e: {  	[dreg:$0x15] =	wrdreg s0;
	s25 =	simm.s32 $0x3;
	s0 =	simm.s32 $0x10  }
0x1f: {  	v0 =	vimm.f32 $0.0e+00;
	v1 =	vimm.f32 $1.000000000e+00;
	s22 =	simm.s32 $0x19000;
	[dreg:$0x11] =	wrdreg s7;
	s7 =	simm.s32 $0xE  }
.LBB2_1:
0x20: {  	s16 =	rddreg [dreg:$0x5]  }
0x21: {  	s13 =	rddreg [dreg:$0x6]  }
0x22: {  	s15 =	simm.s32 $0x0;
	s30 =	rddreg [dreg:$0x17]  }
0x23: {  	[tilespmem:s15], [sflag:$0x1] =	stream.linear.gather [hbm4b:s16+s15], $0x2800, $0x38;
	[tilespmem:$0x1F000] =	vst v63  }
0x24: {  	s17 =	simm.s32 $0x2800;
	s16 =	rddreg [dreg:$0x8]  }
0x25: {  	[tilespmem:s17], [sflag:$0x2] =	stream.linear.gather [hbm4b:s13+s15], $0x2800, $0x38;
	[tilespmem:$0x1F000] =	vst v63  }
0x26: {  	s17 =	rddreg [dreg:$0x9];
	s15 =	simm.s32 $0x0  }
0x27: {  	[spmem:s30], [sflag:s17] =	dma.local [hbm:s16], $0xA00  }
.LBB2_2:
0x28: {  	p0 =	sne.s32 s15, $0x3F80  }
.Ltmp0:
0x29: {  	_ = 	snop;
	(pc) =	sbr.rel @p0 .LBB2_2-.Ltmp0, $4  }
0x2a: {  	_ = 	snop  }
0x2b: {  	s16 =	sshra.s32 s15, $0x2  }
0x2c: {  	[tilespmem:s16+$0x5000] =	vst v0  }
0x2d: {  	s15 =	sadd.s32 $0x80, s15;
	[tilespmem:s16+$0x5010] =	vst v0  }
0x2e: {  	[dreg:$0x18] =	wrdreg s8;
	s15 =	simm.s32 $0x80;
	s16 =	simm.s32 $0x0  }
.LBB2_4:
0x2f: {  	p0 =	sne.s32 s15, $0x3F80;
	[tilespmem:s16+$0x19000] =	vst v1;
	s17 =	smov.u32 s15;
	s15 =	sadd.s32 $0x80, s15  }
.Ltmp1:
0x30: {  	[tilespmem:s16+$0x19010] =	vst v1;
	(pc) =	sbr.rel @p0 .LBB2_4-.Ltmp1, $2  }
0x31: {  	_ =	sdelay $0x2  }
0x32: {  	s16 =	sshra.s32 s17, $0x2  }
0x33: {  	[tilespmem:s16+$0x19000] =	vst v1  }
0x34: {  	[tilespmem:s16+$0x19010] =	vst v1  }
0x35: {  	_ =	swait.ge [sflag:s20], $0x2800  }
0x36: {  	[sflag:s20] =	ssyncset.done $0x0  }
0x37: {  	[sflag:s20] =	ssyncadd.s32 $0xFFFFD800  }
0x38: {  	_ =	swait.ge [sflag:s23], $0x2800  }
0x39: {  	[sflag:s23] =	ssyncset.done $0x0  }
0x3a: {  	[sflag:s23] =	ssyncadd.s32 $0xFFFFD800  }
0x3b: {  	_ =	swait.ge [sflag:s25], $0xA00  }
0x3c: {  	[sflag:s25] =	ssyncset.done $0x0  }
0x3d: {  	[sflag:s25] =	ssyncadd.s32 $0xFFFFF600  }
0x3e: {  	[spmem:s18] =	stream.linear.scatter [tilespmem:s26], [sflag:$0xB], $0x1000, $0x38;
	[tilespmem:$0x1F000] =	vst v63  }
0x3f: {  	_ = 	snop  }
0x40: {  	[spmem:s19] =	stream.linear.scatter [tilespmem:s26], [sflag:$0x10], $0x1000, $0x38;
	[tilespmem:$0x1F000] =	vst v63  }
0x41: {  	s15 =	rddreg [dreg:$0xc]  }
0x42: {  	[spmem:s15] =	stream.linear.scatter [tilespmem:s26], [sflag:$0xC], $0x1000, $0x38;
	[tilespmem:$0x1F000] =	vst v63  }
0x43: {  	s12 =	rddreg [dreg:$0xd]  }
0x44: {  	[spmem:s12] =	stream.linear.scatter [tilespmem:s26], [sflag:$0x11], $0x1000, $0x38;
	[tilespmem:$0x1F000] =	vst v63  }
0x45: {  	s13 =	rddreg [dreg:$0xe]  }
0x46: {  	[spmem:s13] =	stream.linear.scatter [tilespmem:s26], [sflag:$0xD], $0x1000, $0x38;
	[tilespmem:$0x1F000] =	vst v63  }
0x47: {  	s16 =	rddreg [dreg:$0xf]  }
0x48: {  	[spmem:s16] =	stream.linear.scatter [tilespmem:s26], [sflag:$0x12], $0x1000, $0x38;
	[tilespmem:$0x1F000] =	vst v63  }
0x49: {  	s17 =	rddreg [dreg:$0x10]  }
0x4a: {  	[spmem:s17] =	stream.linear.scatter [tilespmem:s26], [sflag:$0xE], $0x1000, $0x38;
	[tilespmem:$0x1F000] =	vst v63  }
0x4b: {  	s18 =	rddreg [dreg:$0x11]  }
0x4c: {  	[spmem:s18] =	stream.linear.scatter [tilespmem:s26], [sflag:$0x13], $0x1000, $0x38;
	[tilespmem:$0x1F000] =	vst v63  }
0x4d: {  	s19 =	rddreg [dreg:$0x12]  }
0x4e: {  	[spmem:s19] =	stream.linear.scatter [tilespmem:s26], [sflag:$0xF], $0x1000, $0x38;
	[tilespmem:$0x1F000] =	vst v63  }
0x4f: {  	s30 =	rddreg [dreg:$0x13]  }
0x50: {  	[spmem:s30] =	stream.linear.scatter [tilespmem:s26], [sflag:$0x14], $0x1000, $0x38;
	[tilespmem:$0x1F000] =	vst v63  }
0x51: {  	_ =	swait.ge [sflag:s31], $0x1000  }
0x52: {  	[sflag:s31] =	ssyncset.done $0x0  }
0x53: {  	[sflag:s31] =	ssyncadd.s32 $0xFFFFF000  }
0x54: {  	_ =	swait.ge [sflag:s0], $0x1000  }
0x55: {  	[sflag:s0] =	ssyncset.done $0x0  }
0x56: {  	[sflag:s0] =	ssyncadd.s32 $0xFFFFF000  }
0x57: {  	_ =	swait.ge [sflag:s1], $0x1000  }
0x58: {  	[sflag:s1] =	ssyncset.done $0x0  }
0x59: {  	[sflag:s1] =	ssyncadd.s32 $0xFFFFF000  }
0x5a: {  	_ =	swait.ge [sflag:s24], $0x1000  }
0x5b: {  	[sflag:s24] =	ssyncset.done $0x0  }
0x5c: {  	[sflag:s24] =	ssyncadd.s32 $0xFFFFF000  }
0x5d: {  	_ =	swait.ge [sflag:s5], $0x1000  }
0x5e: {  	[sflag:s5] =	ssyncset.done $0x0  }
0x5f: {  	[sflag:s5] =	ssyncadd.s32 $0xFFFFF000  }
0x60: {  	_ =	swait.ge [sflag:s21], $0x1000  }
0x61: {  	[sflag:s21] =	ssyncset.done $0x0  }
0x62: {  	[sflag:s21] =	ssyncadd.s32 $0xFFFFF000  }
0x63: {  	_ =	swait.ge [sflag:s7], $0x1000  }
0x64: {  	[sflag:s7] =	ssyncset.done $0x0  }
0x65: {  	[sflag:s7] =	ssyncadd.s32 $0xFFFFF000  }
0x66: {  	_ =	swait.ge [sflag:s28], $0x1000  }
0x67: {  	[sflag:s28] =	ssyncset.done $0x0  }
0x68: {  	[sflag:s28] =	ssyncadd.s32 $0xFFFFF000  }
0x69: {  	_ =	swait.ge [sflag:s10], $0x1000  }
0x6a: {  	[sflag:s10] =	ssyncset.done $0x0  }
0x6b: {  	[sflag:s10] =	ssyncadd.s32 $0xFFFFF000  }
0x6c: {  	_ =	swait.ge [sflag:s29], $0x1000  }
0x6d: {  	[sflag:s29] =	ssyncset.done $0x0  }
0x6e: {  	[sflag:s29] =	ssyncadd.s32 $0xFFFFF000  }
0x6f: {  	s8 =	simm.s32 $0x0;
	[bflag:$0x0] =	sbarrier.arrive $0xFFFF  }
0x70: {  	[tilespmem:s26], [sflag:$0x1] =	stream.indirect.gather [spmem:s2], $0x20, s8, s14, $0xb8;
	[tilespmem:$0x1F000] =	vst v63  }
0x71: {  	s28 =	simm.s32 $0x6000  }
0x72: {  	[tilespmem:s28], [sflag:$0x2] =	stream.indirect.gather [spmem:s2], $0x20, s14, s14, $0xb8;
	[tilespmem:$0x1F000] =	vst v63  }
0x73: {  	s9 =	simm.s32 $0x100;
	s29 =	simm.s32 $0x7000  }
0x74: {  	[tilespmem:s29], [sflag:$0x3] =	stream.indirect.gather [spmem:s2], $0x20, s9, s14, $0xb8;
	[tilespmem:$0x1F000] =	vst v63  }
0x75: {  	s11 =	simm.s32 $0x180;
	s12 =	simm.s32 $0x8000  }
0x76: {  	[tilespmem:s12], [sflag:$0x4] =	stream.indirect.gather [spmem:s2], $0x20, s11, s14, $0xb8;
	[tilespmem:$0x1F000] =	vst v63  }
0x77: {  	p0 =	por $0x1, $0x1;
	s13 =	simm.s32 $0x200;
	s19 =	simm.s32 $0x9000  }
0x78: {  	[tilespmem:s19], [sflag:$0x5] =	stream.indirect.gather [spmem:s2], $0x20, s13, s14, $0xb8;
	[tilespmem:$0x1F000] =	vst v63  }
0x79: {  	p0 =	por p0, p0;
	s16 =	simm.s32 $0x280;
	s11 =	simm.s32 $0xA000  }
0x7a: {  	[tilespmem:s11], [sflag:$0x6] =	stream.indirect.gather [spmem:s2], $0x20, s16, s14, $0xb8;
	[tilespmem:$0x1F000] =	vst v63  }
0x7b: {  	s15 =	simm.s32 @!p0 $0x12;
	s17 =	simm.s32 $0x300;
	s13 =	simm.s32 $0xB000  }
0x7c: {  	[tilespmem:s13], [sflag:$0x7] =	stream.indirect.gather [spmem:s2], $0x20, s17, s14, $0xb8;
	[tilespmem:$0x1F000] =	vst v63  }
0x7d: {  	_ =	swait.ge @!p0 [sflag:s15], $0x1000  }
0x7e: {  	[sflag:s15] =	ssyncset.done @!p0 $0x0  }
0x7f: {  	[sflag:s15] =	ssyncadd.s32 @!p0 $0xFFFFF000  }
0x80: {  	_ =	swait.ge @!p0 [sflag:s15], $0x1000  }
0x81: {  	[sflag:s15] =	ssyncset.done @!p0 $0x0  }
0x82: {  	s18 =	simm.s32 $0x380;
	s8 =	simm.s32 $0xC000;
	[sflag:s15] =	ssyncadd.s32 @!p0 $0xFFFFF000  }
0x83: {  	[tilespmem:s8], [sflag:$0x8] =	stream.indirect.gather [spmem:s2], $0x20, s18, s14, $0xb8;
	[tilespmem:$0x1F000] =	vst v63  }
0x84: {  	_ =	swait.ge [sflag:s20], $0x1000  }
0x85: {  	[sflag:s20] =	ssyncset.done $0x0  }
0x86: {  	s21 =	simm.s32 $0x2800;
	[sflag:s20] =	ssyncadd.s32 $0xFFFFF000  }
0x87: {  	[spmem:s3] =	stream.indirect.scatter.add.f32 [tilespmem:s26], [sflag:$0xB], $0x20, s21, s14, $0xb8;
	[tilespmem:$0x1F000] =	vst v63  }
0x88: {  	s16 =	simm.s32 @!p0 $0x13  }
0x89: {  	[spmem:s4] =	stream.indirect.scatter.add.f32 [tilespmem:s22], [sflag:$0xB], $0x20, s21, s14, $0xb8;
	[tilespmem:$0x1F000] =	vst v63  }
0x8a: {  	_ =	swait.ge @!p0 [sflag:s16], $0x1000  }
0x8b: {  	[sflag:s16] =	ssyncset.done @!p0 $0x0  }
0x8c: {  	[sflag:s16] =	ssyncadd.s32 @!p0 $0xFFFFF000  }
0x8d: {  	_ =	swait.ge @!p0 [sflag:s16], $0x1000  }
0x8e: {  	[sflag:s16] =	ssyncset.done @!p0 $0x0  }
0x8f: {  	s30 =	simm.s32 $0x400;
	s18 =	simm.s32 $0xD000;
	[sflag:s16] =	ssyncadd.s32 @!p0 $0xFFFFF000  }
0x90: {  	[tilespmem:s18], [sflag:$0x9] =	stream.indirect.gather [spmem:s2], $0x20, s30, s14, $0xb8;
	[tilespmem:$0x1F000] =	vst v63  }
0x91: {  	_ =	swait.ge [sflag:s23], $0x1000  }
0x92: {  	[sflag:s23] =	ssyncset.done $0x0  }
0x93: {  	s9 =	simm.s32 $0x2880;
	[sflag:s23] =	ssyncadd.s32 $0xFFFFF000  }
0x94: {  	[spmem:s3] =	stream.indirect.scatter.add.f32 [tilespmem:s28], [sflag:$0xC], $0x20, s9, s14, $0xb8;
	[tilespmem:$0x1F000] =	vst v63  }
0x95: {  	s16 =	simm.s32 @!p0 $0x14  }
0x96: {  	[spmem:s4] =	stream.indirect.scatter.add.f32 [tilespmem:s22], [sflag:$0xC], $0x20, s9, s14, $0xb8;
	[tilespmem:$0x1F000] =	vst v63  }
0x97: {  	_ =	swait.ge @!p0 [sflag:s16], $0x1000  }
0x98: {  	[sflag:s16] =	ssyncset.done @!p0 $0x0  }
0x99: {  	[sflag:s16] =	ssyncadd.s32 @!p0 $0xFFFFF000  }
0x9a: {  	_ =	swait.ge @!p0 [sflag:s16], $0x1000  }
0x9b: {  	[sflag:s16] =	ssyncset.done @!p0 $0x0  }
0x9c: {  	s9 =	simm.s32 $0xE000;
	[sflag:s16] =	ssyncadd.s32 @!p0 $0xFFFFF000;
	s16 =	simm.s32 $0x480  }
0x9d: {  	[tilespmem:s9], [sflag:$0xA] =	stream.indirect.gather [spmem:s2], $0x20, s16, s14, $0xb8;
	[tilespmem:$0x1F000] =	vst v63  }
0x9e: {  	_ =	swait.ge [sflag:s25], $0x1000  }
0x9f: {  	[sflag:s25] =	ssyncset.done $0x0  }
0xa0: {  	s17 =	simm.s32 $0x2900;
	[sflag:s25] =	ssyncadd.s32 $0xFFFFF000  }
0xa1: {  	[spmem:s3] =	stream.indirect.scatter.add.f32 [tilespmem:s29], [sflag:$0xD], $0x20, s17, s14, $0xb8;
	[tilespmem:$0x1F000] =	vst v63  }
0xa2: {  	_ = 	snop  }
0xa3: {  	[spmem:s4] =	stream.indirect.scatter.add.f32 [tilespmem:s22], [sflag:$0xD], $0x20, s17, s14, $0xb8;
	[tilespmem:$0x1F000] =	vst v63  }
0xa4: {  	_ =	swait.ge [sflag:s31], $0x1000  }
0xa5: {  	[sflag:s31] =	ssyncset.done $0x0  }
0xa6: {  	[sflag:s31] =	ssyncadd.s32 $0xFFFFF000  }
0xa7: {  	p0 =	por $0x0, $0x0;
	_ =	swait.ge [sflag:s31], $0x1000  }
0xa8: {  	s21 =	simm.s32 $0x4;
	s16 =	simm.s32 @!p0 $0x5000;
	[sflag:s31] =	ssyncset.done $0x0  }
0xa9: {  	s15 =	simm.s32 @!p0 $0x80;
	s17 =	simm.s32 @!p0 $0x500;
	[sflag:s31] =	ssyncadd.s32 $0xFFFFF000  }
0xaa: {  	[tilespmem:s16], [sflag:$0x1] =	stream.indirect.gather @!p0 [spmem:s2], $0x20, s17, s15, $0xb8;
	[tilespmem:$0x1F000] =	vst v63  }
0xab: {  	_ =	swait.ge [sflag:s21], $0x1000  }
0xac: {  	[sflag:s21] =	ssyncset.done $0x0  }
0xad: {  	s30 =	simm.s32 $0x2980;
	[sflag:s21] =	ssyncadd.s32 $0xFFFFF000  }
0xae: {  	[spmem:s3] =	stream.indirect.scatter.add.f32 [tilespmem:s12], [sflag:$0xE], $0x20, s30, s14, $0xb8;
	[tilespmem:$0x1F000] =	vst v63  }
0xaf: {  	_ = 	snop  }
0xb0: {  	[spmem:s4] =	stream.indirect.scatter.add.f32 [tilespmem:s22], [sflag:$0xE], $0x20, s30, s14, $0xb8;
	[tilespmem:$0x1F000] =	vst v63  }
0xb1: {  	_ =	swait.ge [sflag:s1], $0x1000  }
0xb2: {  	[sflag:s1] =	ssyncset.done $0x0  }
0xb3: {  	[sflag:s1] =	ssyncadd.s32 $0xFFFFF000  }
0xb4: {  	_ =	swait.ge [sflag:s1], $0x1000  }
0xb5: {  	s16 =	simm.s32 @!p0 $0x580;
	[sflag:s1] =	ssyncset.done $0x0  }
0xb6: {  	s17 =	simm.s32 @!p0 $0x6000;
	s12 =	simm.s32 $0x5;
	[sflag:s1] =	ssyncadd.s32 $0xFFFFF000  }
0xb7: {  	[tilespmem:s17], [sflag:$0x2] =	stream.indirect.gather @!p0 [spmem:s2], $0x20, s16, s15, $0xb8;
	[tilespmem:$0x1F000] =	vst v63  }
0xb8: {  	_ =	swait.ge [sflag:s12], $0x1000  }
0xb9: {  	[sflag:s12] =	ssyncset.done $0x0  }
0xba: {  	s17 =	simm.s32 $0x2A00;
	[sflag:s12] =	ssyncadd.s32 $0xFFFFF000  }
0xbb: {  	[spmem:s3] =	stream.indirect.scatter.add.f32 [tilespmem:s19], [sflag:$0xF], $0x20, s17, s14, $0xb8;
	[tilespmem:$0x1F000] =	vst v63  }
0xbc: {  	_ = 	snop  }
0xbd: {  	[spmem:s4] =	stream.indirect.scatter.add.f32 [tilespmem:s22], [sflag:$0xF], $0x20, s17, s14, $0xb8;
	[tilespmem:$0x1F000] =	vst v63  }
0xbe: {  	_ =	swait.ge [sflag:s5], $0x1000  }
0xbf: {  	[sflag:s5] =	ssyncset.done $0x0  }
0xc0: {  	[sflag:s5] =	ssyncadd.s32 $0xFFFFF000  }
0xc1: {  	_ =	swait.ge [sflag:s5], $0x1000  }
0xc2: {  	s21 =	simm.s32 $0x6;
	[sflag:s5] =	ssyncset.done $0x0  }
0xc3: {  	s16 =	simm.s32 @!p0 $0x600;
	s17 =	simm.s32 @!p0 $0x7000;
	[sflag:s5] =	ssyncadd.s32 $0xFFFFF000  }
0xc4: {  	[tilespmem:s17], [sflag:$0x3] =	stream.indirect.gather @!p0 [spmem:s2], $0x20, s16, s15, $0xb8;
	[tilespmem:$0x1F000] =	vst v63  }
0xc5: {  	_ =	swait.ge [sflag:s21], $0x1000  }
0xc6: {  	[sflag:s21] =	ssyncset.done $0x0  }
0xc7: {  	s30 =	simm.s32 $0x2A80;
	[sflag:s21] =	ssyncadd.s32 $0xFFFFF000  }
0xc8: {  	[spmem:s3] =	stream.indirect.scatter.add.f32 [tilespmem:s11], [sflag:$0x10], $0x20, s30, s14, $0xb8;
	[tilespmem:$0x1F000] =	vst v63  }
0xc9: {  	_ = 	snop  }
0xca: {  	[spmem:s4] =	stream.indirect.scatter.add.f32 [tilespmem:s22], [sflag:$0x10], $0x20, s30, s14, $0xb8;
	[tilespmem:$0x1F000] =	vst v63  }
0xcb: {  	_ =	swait.ge [sflag:s7], $0x1000  }
0xcc: {  	[sflag:s7] =	ssyncset.done $0x0  }
0xcd: {  	[sflag:s7] =	ssyncadd.s32 $0xFFFFF000  }
0xce: {  	_ =	swait.ge [sflag:s7], $0x1000  }
0xcf: {  	[sflag:s7] =	ssyncset.done $0x0  }
0xd0: {  	s16 =	simm.s32 @!p0 $0x680;
	s17 =	simm.s32 @!p0 $0x8000;
	[sflag:s7] =	ssyncadd.s32 $0xFFFFF000  }
0xd1: {  	[tilespmem:s17], [sflag:$0x4] =	stream.indirect.gather @!p0 [spmem:s2], $0x20, s16, s15, $0xb8;
	[tilespmem:$0x1F000] =	vst v63  }
0xd2: {  	s16 =	simm.s32 $0x7  }
0xd3: {  	_ =	swait.ge [sflag:s16], $0x1000  }
0xd4: {  	[sflag:s16] =	ssyncset.done $0x0  }
0xd5: {  	s17 =	simm.s32 $0x2B00;
	[sflag:s16] =	ssyncadd.s32 $0xFFFFF000  }
0xd6: {  	[spmem:s3] =	stream.indirect.scatter.add.f32 [tilespmem:s13], [sflag:$0x11], $0x20, s17, s14, $0xb8;
	[tilespmem:$0x1F000] =	vst v63  }
0xd7: {  	_ = 	snop  }
0xd8: {  	[spmem:s4] =	stream.indirect.scatter.add.f32 [tilespmem:s22], [sflag:$0x11], $0x20, s17, s14, $0xb8;
	[tilespmem:$0x1F000] =	vst v63  }
0xd9: {  	_ =	swait.ge [sflag:s10], $0x1000  }
0xda: {  	[sflag:s10] =	ssyncset.done $0x0  }
0xdb: {  	[sflag:s10] =	ssyncadd.s32 $0xFFFFF000  }
0xdc: {  	_ =	swait.ge [sflag:s10], $0x1000  }
0xdd: {  	s16 =	simm.s32 @!p0 $0x700;
	[sflag:s10] =	ssyncset.done $0x0  }
0xde: {  	s13 =	simm.s32 $0x8;
	s17 =	simm.s32 @!p0 $0x9000;
	[sflag:s10] =	ssyncadd.s32 $0xFFFFF000  }
0xdf: {  	[tilespmem:s17], [sflag:$0x5] =	stream.indirect.gather @!p0 [spmem:s2], $0x20, s16, s15, $0xb8;
	[tilespmem:$0x1F000] =	vst v63  }
0xe0: {  	_ =	swait.ge [sflag:s13], $0x1000  }
0xe1: {  	[sflag:s13] =	ssyncset.done $0x0  }
0xe2: {  	s19 =	simm.s32 $0x2B80;
	[sflag:s13] =	ssyncadd.s32 $0xFFFFF000  }
0xe3: {  	[spmem:s3] =	stream.indirect.scatter.add.f32 [tilespmem:s8], [sflag:$0x12], $0x20, s19, s14, $0xb8;
	[tilespmem:$0x1F000] =	vst v63  }
0xe4: {  	_ = 	snop  }
0xe5: {  	[spmem:s4] =	stream.indirect.scatter.add.f32 [tilespmem:s22], [sflag:$0x12], $0x20, s19, s14, $0xb8;
	[tilespmem:$0x1F000] =	vst v63  }
0xe6: {  	_ =	swait.ge [sflag:s0], $0x1000  }
0xe7: {  	[sflag:s0] =	ssyncset.done $0x0  }
0xe8: {  	[sflag:s0] =	ssyncadd.s32 $0xFFFFF000  }
0xe9: {  	_ =	swait.ge [sflag:s0], $0x1000  }
0xea: {  	s21 =	simm.s32 $0x9;
	[sflag:s0] =	ssyncset.done $0x0  }
0xeb: {  	s16 =	simm.s32 @!p0 $0x780;
	s17 =	simm.s32 @!p0 $0xA000;
	[sflag:s0] =	ssyncadd.s32 $0xFFFFF000  }
0xec: {  	[tilespmem:s17], [sflag:$0x6] =	stream.indirect.gather @!p0 [spmem:s2], $0x20, s16, s15, $0xb8;
	[tilespmem:$0x1F000] =	vst v63  }
0xed: {  	_ =	swait.ge [sflag:s21], $0x1000  }
0xee: {  	[sflag:s21] =	ssyncset.done $0x0  }
0xef: {  	s30 =	simm.s32 $0x2C00;
	[sflag:s21] =	ssyncadd.s32 $0xFFFFF000  }
0xf0: {  	[spmem:s3] =	stream.indirect.scatter.add.f32 [tilespmem:s18], [sflag:$0x13], $0x20, s30, s14, $0xb8;
	[tilespmem:$0x1F000] =	vst v63  }
0xf1: {  	_ = 	snop  }
0xf2: {  	[spmem:s4] =	stream.indirect.scatter.add.f32 [tilespmem:s22], [sflag:$0x13], $0x20, s30, s14, $0xb8;
	[tilespmem:$0x1F000] =	vst v63  }
0xf3: {  	_ =	swait.ge [sflag:s24], $0x1000  }
0xf4: {  	[sflag:s24] =	ssyncset.done $0x0  }
0xf5: {  	[sflag:s24] =	ssyncadd.s32 $0xFFFFF000  }
0xf6: {  	_ =	swait.ge [sflag:s24], $0x1000  }
0xf7: {  	[sflag:s24] =	ssyncset.done $0x0  }
0xf8: {  	s16 =	simm.s32 @!p0 $0x800;
	s17 =	simm.s32 @!p0 $0xB000;
	[sflag:s24] =	ssyncadd.s32 $0xFFFFF000  }
0xf9: {  	[tilespmem:s17], [sflag:$0x7] =	stream.indirect.gather @!p0 [spmem:s2], $0x20, s16, s15, $0xb8;
	[tilespmem:$0x1F000] =	vst v63  }
0xfa: {  	p6 =	por $0x0, $0x0;
	s17 =	simm.s32 $0x2C80;
	_ =	swait.ge [sflag:s6], $0x1000  }
0xfb: {  	s15 =	simm.s32 $0x1400;
	s16 =	simm.s32 $0x2800;
	[sflag:s6] =	ssyncset.done $0x0  }
0xfc: {  	p0 =	por p6, p6;
	[sflag:s6] =	ssyncadd.s32 $0xFFFFF000;
	s6 =	simm.s32 $0xA  }
0xfd: {  	[spmem:s3] =	stream.indirect.scatter.add.f32 [tilespmem:s9], [sflag:$0x14], $0x20, s17, s14, $0xb8;
	[tilespmem:$0x1F000] =	vst v63  }
.LBB2_6:
0xfe: {  	[spmem:s4] =	stream.indirect.scatter.add.f32 [tilespmem:s22], [sflag:$0x14], $0x20, s17, s14, $0xb8;
	[tilespmem:$0x1F000] =	vst v63  }
0xff: {  	s21 =	smov.u32 s16  }
0x100: {  	s16 =	sadd.s32 $0x1400, s16;
	s18 =	simm.s32 @!p0 $0x12;
	p2 =	seq.s32 s21, $0x0  }
0x101: {  	p1 =	sne.s32 s16, $0xA000;
	_ =	swait.ge @!p0 [sflag:s18], $0x1000  }
0x102: {  	[sflag:s18] =	ssyncset.done @!p0 $0x0  }
0x103: {  	[sflag:s18] =	ssyncadd.s32 @!p0 $0xFFFFF000  }
0x104: {  	_ =	swait.ge @!p0 [sflag:s18], $0x1000  }
0x105: {  	s17 =	sshra.s32 s15, $0x2;
	[sflag:s18] =	ssyncset.done @!p0 $0x0  }
0x106: {  	[sflag:s18] =	ssyncadd.s32 @!p0 $0xFFFFF000;
	s18 =	sadd.s32 $0x380, s17  }
0x107: {  	[tilespmem:s8], [sflag:$0x8] =	stream.indirect.gather [spmem:s2], $0x20, s18, s14, $0xb8;
	[tilespmem:$0x1F000] =	vst v63  }
0x108: {  	_ =	swait.ge [sflag:s20], $0x1000  }
0x109: {  	[sflag:s20] =	ssyncset.done $0x0  }
0x10a: {  	s18 =	sadd.s32 $0x2800, s17;
	[sflag:s20] =	ssyncadd.s32 $0xFFFFF000  }
0x10b: {  	[spmem:s3] =	stream.indirect.scatter.add.f32 [tilespmem:s26], [sflag:$0xB], $0x20, s18, s14, $0xb8;
	[tilespmem:$0x1F000] =	vst v63  }
0x10c: {  	s19 =	simm.s32 @!p0 $0x13;
	s8 =	simm.s32 $0xC000  }
0x10d: {  	[spmem:s4] =	stream.indirect.scatter.add.f32 [tilespmem:s22], [sflag:$0xB], $0x20, s18, s14, $0xb8;
	[tilespmem:$0x1F000] =	vst v63  }
0x10e: {  	_ =	swait.ge @!p0 [sflag:s19], $0x1000  }
0x10f: {  	[sflag:s19] =	ssyncset.done @!p0 $0x0  }
0x110: {  	[sflag:s19] =	ssyncadd.s32 @!p0 $0xFFFFF000  }
0x111: {  	_ =	swait.ge @!p0 [sflag:s19], $0x1000  }
0x112: {  	[sflag:s19] =	ssyncset.done @!p0 $0x0  }
0x113: {  	s30 =	simm.s32 $0xD000;
	s18 =	sadd.s32 $0x400, s17;
	[sflag:s19] =	ssyncadd.s32 @!p0 $0xFFFFF000  }
0x114: {  	[tilespmem:s30], [sflag:$0x9] =	stream.indirect.gather [spmem:s2], $0x20, s18, s14, $0xb8;
	[tilespmem:$0x1F000] =	vst v63  }
0x115: {  	_ =	swait.ge [sflag:s23], $0x1000  }
0x116: {  	[sflag:s23] =	ssyncset.done $0x0  }
0x117: {  	s18 =	sadd.s32 $0x2880, s17;
	[sflag:s23] =	ssyncadd.s32 $0xFFFFF000  }
0x118: {  	[spmem:s3] =	stream.indirect.scatter.add.f32 [tilespmem:s28], [sflag:$0xC], $0x20, s18, s14, $0xb8;
	[tilespmem:$0x1F000] =	vst v63  }
0x119: {  	s19 =	simm.s32 @!p0 $0x14  }
0x11a: {  	[spmem:s4] =	stream.indirect.scatter.add.f32 [tilespmem:s22], [sflag:$0xC], $0x20, s18, s14, $0xb8;
	[tilespmem:$0x1F000] =	vst v63  }
0x11b: {  	_ =	swait.ge @!p0 [sflag:s19], $0x1000  }
0x11c: {  	[sflag:s19] =	ssyncset.done @!p0 $0x0  }
0x11d: {  	[sflag:s19] =	ssyncadd.s32 @!p0 $0xFFFFF000  }
0x11e: {  	_ =	swait.ge @!p0 [sflag:s19], $0x1000  }
0x11f: {  	s9 =	simm.s32 $0xE000;
	[sflag:s19] =	ssyncset.done @!p0 $0x0  }
0x120: {  	s18 =	sadd.s32 $0x480, s17;
	[sflag:s19] =	ssyncadd.s32 @!p0 $0xFFFFF000;
	p0 =	por p2, p2  }
0x121: {  	[tilespmem:s9], [sflag:$0xA] =	stream.indirect.gather [spmem:s2], $0x20, s18, s14, $0xb8;
	[tilespmem:$0x1F000] =	vst v63  }
0x122: {  	_ =	swait.ge [sflag:s25], $0x1000  }
0x123: {  	[sflag:s25] =	ssyncset.done $0x0  }
0x124: {  	s18 =	sadd.s32 $0x2900, s17;
	[sflag:s25] =	ssyncadd.s32 $0xFFFFF000  }
0x125: {  	[spmem:s3] =	stream.indirect.scatter.add.f32 [tilespmem:s29], [sflag:$0xD], $0x20, s18, s14, $0xb8;
	[tilespmem:$0x1F000] =	vst v63  }
0x126: {  	_ = 	snop  }
0x127: {  	[spmem:s4] =	stream.indirect.scatter.add.f32 [tilespmem:s22], [sflag:$0xD], $0x20, s18, s14, $0xb8;
	[tilespmem:$0x1F000] =	vst v63  }
0x128: {  	_ =	swait.ge [sflag:s31], $0x1000  }
0x129: {  	[sflag:s31] =	ssyncset.done $0x0  }
0x12a: {  	p2 =	seq.s32 s15, $0x8C00;
	[sflag:s31] =	ssyncadd.s32 $0xFFFFF000  }
0x12b: {  	s11 =	simm.s32 $0x4;
	s15 =	sshra.s32 @!p2 s15, $0x2;
	_ =	swait.ge [sflag:s31], $0x1000  }
0x12c: {  	s19 =	simm.s32 @!p2 $0x5000;
	s20 =	sadd.s32 @!p2 $0x500, s15;
	[sflag:s31] =	ssyncset.done $0x0  }
0x12d: {  	s23 =	sadd.s32 @!p2 $0x700, s15;
	s18 =	simm.s32 @!p2 $0x80;
	[sflag:s31] =	ssyncadd.s32 $0xFFFFF000  }
0x12e: {  	[tilespmem:s19], [sflag:$0x1] =	stream.indirect.gather @!p2 [spmem:s2], $0x20, s20, s18, $0xb8;
	[tilespmem:$0x1F000] =	vst v63  }
0x12f: {  	s26 =	sadd.s32 @!p2 $0x580, s15;
	s20 =	sadd.s32 @!p2 $0x780, s15;
	_ =	swait.ge [sflag:s11], $0x1000  }
0x130: {  	s28 =	sadd.s32 @!p2 $0x600, s15;
	s25 =	sadd.s32 @!p2 $0x680, s15;
	[sflag:s11] =	ssyncset.done $0x0  }
0x131: {  	s29 =	sadd.s32 $0x2980, s17;
	[sflag:s11] =	ssyncadd.s32 $0xFFFFF000;
	s11 =	simm.s32 $0x8000  }
0x132: {  	[spmem:s3] =	stream.indirect.scatter.add.f32 [tilespmem:s11], [sflag:$0xE], $0x20, s29, s14, $0xb8;
	[tilespmem:$0x1F000] =	vst v63  }
0x133: {  	s19 =	sadd.s32 @!p2 $0x800, s15;
	s15 =	smov.u32 s21  }
0x134: {  	[spmem:s4] =	stream.indirect.scatter.add.f32 [tilespmem:s22], [sflag:$0xE], $0x20, s29, s14, $0xb8;
	[tilespmem:$0x1F000] =	vst v63  }
0x135: {  	s29 =	simm.s32 $0x7000  }
0x136: {  	_ =	swait.ge [sflag:s1], $0x1000  }
0x137: {  	[sflag:s1] =	ssyncset.done $0x0  }
0x138: {  	[sflag:s1] =	ssyncadd.s32 $0xFFFFF000  }
0x139: {  	_ =	swait.ge [sflag:s1], $0x1000  }
0x13a: {  	[sflag:s1] =	ssyncset.done $0x0  }
0x13b: {  	s21 =	simm.s32 @!p2 $0x6000;
	[sflag:s1] =	ssyncadd.s32 $0xFFFFF000  }
0x13c: {  	[tilespmem:s21], [sflag:$0x2] =	stream.indirect.gather @!p2 [spmem:s2], $0x20, s26, s18, $0xb8;
	[tilespmem:$0x1F000] =	vst v63  }
0x13d: {  	s26 =	simm.s32 $0x5000  }
0x13e: {  	_ =	swait.ge [sflag:s12], $0x1000  }
0x13f: {  	[sflag:s12] =	ssyncset.done $0x0  }
0x140: {  	s11 =	simm.s32 $0x9000;
	s21 =	sadd.s32 $0x2A00, s17;
	[sflag:s12] =	ssyncadd.s32 $0xFFFFF000  }
0x141: {  	[spmem:s3] =	stream.indirect.scatter.add.f32 [tilespmem:s11], [sflag:$0xF], $0x20, s21, s14, $0xb8;
	[tilespmem:$0x1F000] =	vst v63  }
0x142: {  	_ = 	snop  }
0x143: {  	[spmem:s4] =	stream.indirect.scatter.add.f32 [tilespmem:s22], [sflag:$0xF], $0x20, s21, s14, $0xb8;
	[tilespmem:$0x1F000] =	vst v63  }
0x144: {  	_ =	swait.ge [sflag:s5], $0x1000  }
0x145: {  	[sflag:s5] =	ssyncset.done $0x0  }
0x146: {  	[sflag:s5] =	ssyncadd.s32 $0xFFFFF000  }
0x147: {  	_ =	swait.ge [sflag:s5], $0x1000  }
0x148: {  	[sflag:s5] =	ssyncset.done $0x0  }
0x149: {  	s21 =	simm.s32 @!p2 $0x7000;
	[sflag:s5] =	ssyncadd.s32 $0xFFFFF000  }
0x14a: {  	[tilespmem:s21], [sflag:$0x3] =	stream.indirect.gather @!p2 [spmem:s2], $0x20, s28, s18, $0xb8;
	[tilespmem:$0x1F000] =	vst v63  }
0x14b: {  	s11 =	simm.s32 $0x6;
	s28 =	simm.s32 $0x6000  }
0x14c: {  	_ =	swait.ge [sflag:s11], $0x1000  }
0x14d: {  	[sflag:s11] =	ssyncset.done $0x0  }
0x14e: {  	s21 =	sadd.s32 $0x2A80, s17;
	[sflag:s11] =	ssyncadd.s32 $0xFFFFF000;
	s11 =	simm.s32 $0xA000  }
0x14f: {  	[spmem:s3] =	stream.indirect.scatter.add.f32 [tilespmem:s11], [sflag:$0x10], $0x20, s21, s14, $0xb8;
	[tilespmem:$0x1F000] =	vst v63  }
0x150: {  	_ = 	snop  }
0x151: {  	[spmem:s4] =	stream.indirect.scatter.add.f32 [tilespmem:s22], [sflag:$0x10], $0x20, s21, s14, $0xb8;
	[tilespmem:$0x1F000] =	vst v63  }
0x152: {  	_ =	swait.ge [sflag:s7], $0x1000  }
0x153: {  	[sflag:s7] =	ssyncset.done $0x0  }
0x154: {  	[sflag:s7] =	ssyncadd.s32 $0xFFFFF000  }
0x155: {  	_ =	swait.ge [sflag:s7], $0x1000  }
0x156: {  	[sflag:s7] =	ssyncset.done $0x0  }
0x157: {  	s21 =	simm.s32 @!p2 $0x8000;
	[sflag:s7] =	ssyncadd.s32 $0xFFFFF000  }
0x158: {  	[tilespmem:s21], [sflag:$0x4] =	stream.indirect.gather @!p2 [spmem:s2], $0x20, s25, s18, $0xb8;
	[tilespmem:$0x1F000] =	vst v63  }
0x159: {  	s11 =	simm.s32 $0x7;
	s25 =	simm.s32 $0x3  }
0x15a: {  	_ =	swait.ge [sflag:s11], $0x1000  }
0x15b: {  	[sflag:s11] =	ssyncset.done $0x0  }
0x15c: {  	s21 =	sadd.s32 $0x2B00, s17;
	[sflag:s11] =	ssyncadd.s32 $0xFFFFF000;
	s11 =	simm.s32 $0xB000  }
0x15d: {  	[spmem:s3] =	stream.indirect.scatter.add.f32 [tilespmem:s11], [sflag:$0x11], $0x20, s21, s14, $0xb8;
	[tilespmem:$0x1F000] =	vst v63  }
0x15e: {  	_ = 	snop  }
0x15f: {  	[spmem:s4] =	stream.indirect.scatter.add.f32 [tilespmem:s22], [sflag:$0x11], $0x20, s21, s14, $0xb8;
	[tilespmem:$0x1F000] =	vst v63  }
0x160: {  	_ =	swait.ge [sflag:s10], $0x1000  }
0x161: {  	[sflag:s10] =	ssyncset.done $0x0  }
0x162: {  	[sflag:s10] =	ssyncadd.s32 $0xFFFFF000  }
0x163: {  	_ =	swait.ge [sflag:s10], $0x1000  }
0x164: {  	[sflag:s10] =	ssyncset.done $0x0  }
0x165: {  	s21 =	simm.s32 @!p2 $0x9000;
	[sflag:s10] =	ssyncadd.s32 $0xFFFFF000  }
0x166: {  	[tilespmem:s21], [sflag:$0x5] =	stream.indirect.gather @!p2 [spmem:s2], $0x20, s23, s18, $0xb8;
	[tilespmem:$0x1F000] =	vst v63  }
0x167: {  	s23 =	simm.s32 $0x2  }
0x168: {  	_ =	swait.ge [sflag:s13], $0x1000  }
0x169: {  	[sflag:s13] =	ssyncset.done $0x0  }
0x16a: {  	s21 =	sadd.s32 $0x2B80, s17;
	[sflag:s13] =	ssyncadd.s32 $0xFFFFF000  }
0x16b: {  	[spmem:s3] =	stream.indirect.scatter.add.f32 [tilespmem:s8], [sflag:$0x12], $0x20, s21, s14, $0xb8;
	[tilespmem:$0x1F000] =	vst v63  }
0x16c: {  	_ = 	snop  }
0x16d: {  	[spmem:s4] =	stream.indirect.scatter.add.f32 [tilespmem:s22], [sflag:$0x12], $0x20, s21, s14, $0xb8;
	[tilespmem:$0x1F000] =	vst v63  }
0x16e: {  	_ =	swait.ge [sflag:s0], $0x1000  }
0x16f: {  	[sflag:s0] =	ssyncset.done $0x0  }
0x170: {  	[sflag:s0] =	ssyncadd.s32 $0xFFFFF000  }
0x171: {  	_ =	swait.ge [sflag:s0], $0x1000  }
0x172: {  	[sflag:s0] =	ssyncset.done $0x0  }
0x173: {  	s21 =	simm.s32 @!p2 $0xA000;
	[sflag:s0] =	ssyncadd.s32 $0xFFFFF000  }
0x174: {  	[tilespmem:s21], [sflag:$0x6] =	stream.indirect.gather @!p2 [spmem:s2], $0x20, s20, s18, $0xb8;
	[tilespmem:$0x1F000] =	vst v63  }
0x175: {  	s21 =	simm.s32 $0x9  }
0x176: {  	_ =	swait.ge [sflag:s21], $0x1000  }
0x177: {  	[sflag:s21] =	ssyncset.done $0x0  }
0x178: {  	s20 =	sadd.s32 $0x2C00, s17;
	[sflag:s21] =	ssyncadd.s32 $0xFFFFF000  }
0x179: {  	[spmem:s3] =	stream.indirect.scatter.add.f32 [tilespmem:s30], [sflag:$0x13], $0x20, s20, s14, $0xb8;
	[tilespmem:$0x1F000] =	vst v63  }
0x17a: {  	_ = 	snop  }
0x17b: {  	[spmem:s4] =	stream.indirect.scatter.add.f32 [tilespmem:s22], [sflag:$0x13], $0x20, s20, s14, $0xb8;
	[tilespmem:$0x1F000] =	vst v63  }
0x17c: {  	_ =	swait.ge [sflag:s24], $0x1000  }
0x17d: {  	[sflag:s24] =	ssyncset.done $0x0  }
0x17e: {  	[sflag:s24] =	ssyncadd.s32 $0xFFFFF000  }
0x17f: {  	_ =	swait.ge [sflag:s24], $0x1000  }
0x180: {  	[sflag:s24] =	ssyncset.done $0x0  }
0x181: {  	s20 =	simm.s32 @!p2 $0xB000;
	[sflag:s24] =	ssyncadd.s32 $0xFFFFF000  }
0x182: {  	[tilespmem:s20], [sflag:$0x7] =	stream.indirect.gather @!p2 [spmem:s2], $0x20, s19, s18, $0xb8;
	[tilespmem:$0x1F000] =	vst v63  }
.Ltmp2:
0x183: {  	s8 =	simm.s32 $0xC000;
	s20 =	simm.s32 $0x1;
	(pc) =	sbr.rel @p1 .LBB2_6-.Ltmp2, $4  }
0x184: {  	_ =	swait.ge [sflag:s6], $0x1000  }
0x185: {  	[sflag:s6] =	ssyncset.done $0x0  }
0x186: {  	s17 =	sadd.s32 $0x2C80, s17;
	[sflag:s6] =	ssyncadd.s32 $0xFFFFF000  }
0x187: {  	[spmem:s3] =	stream.indirect.scatter.add.f32 [tilespmem:s9], [sflag:$0x14], $0x20, s17, s14, $0xb8;
	[tilespmem:$0x1F000] =	vst v63  }
0x188: {  	[spmem:s4] =	stream.indirect.scatter.add.f32 [tilespmem:s22], [sflag:$0x14], $0x20, s17, s14, $0xb8;
	[tilespmem:$0x1F000] =	vst v63  }
0x189: {  	s17 =	simm.s32 @!p0 $0x12  }
0x18a: {  	_ =	swait.ge @!p0 [sflag:s17], $0x1000  }
0x18b: {  	[sflag:s17] =	ssyncset.done @!p0 $0x0  }
0x18c: {  	[sflag:s17] =	ssyncadd.s32 @!p0 $0xFFFFF000  }
0x18d: {  	_ =	swait.ge @!p0 [sflag:s17], $0x1000  }
0x18e: {  	s16 =	sshra.s32 s15, $0x2;
	[sflag:s17] =	ssyncset.done @!p0 $0x0  }
0x18f: {  	s19 =	sadd.s32 $0x380, s16;
	[sflag:s17] =	ssyncadd.s32 @!p0 $0xFFFFF000  }
0x190: {  	[tilespmem:s8], [sflag:$0x8] =	stream.indirect.gather [spmem:s2], $0x20, s19, s14, $0xb8;
	[tilespmem:$0x1F000] =	vst v63  }
0x191: {  	_ =	swait.ge [sflag:s20], $0x1000  }
0x192: {  	[sflag:s20] =	ssyncset.done $0x0  }
0x193: {  	s30 =	sadd.s32 $0x2800, s16;
	[sflag:s20] =	ssyncadd.s32 $0xFFFFF000  }
0x194: {  	[spmem:s3] =	stream.indirect.scatter.add.f32 [tilespmem:s26], [sflag:$0xB], $0x20, s30, s14, $0xb8;
	[tilespmem:$0x1F000] =	vst v63  }
0x195: {  	s18 =	simm.s32 @!p0 $0x13  }
0x196: {  	[spmem:s4] =	stream.indirect.scatter.add.f32 [tilespmem:s22], [sflag:$0xB], $0x20, s30, s14, $0xb8;
	[tilespmem:$0x1F000] =	vst v63  }
0x197: {  	_ =	swait.ge @!p0 [sflag:s18], $0x1000  }
0x198: {  	[sflag:s18] =	ssyncset.done @!p0 $0x0  }
0x199: {  	[sflag:s18] =	ssyncadd.s32 @!p0 $0xFFFFF000  }
0x19a: {  	_ =	swait.ge @!p0 [sflag:s18], $0x1000  }
0x19b: {  	[sflag:s18] =	ssyncset.done @!p0 $0x0  }
0x19c: {  	s8 =	sadd.s32 $0x400, s16;
	s30 =	simm.s32 $0xD000;
	[sflag:s18] =	ssyncadd.s32 @!p0 $0xFFFFF000  }
0x19d: {  	[tilespmem:s30], [sflag:$0x9] =	stream.indirect.gather [spmem:s2], $0x20, s8, s14, $0xb8;
	[tilespmem:$0x1F000] =	vst v63  }
0x19e: {  	_ =	swait.ge [sflag:s23], $0x1000  }
0x19f: {  	[sflag:s23] =	ssyncset.done $0x0  }
0x1a0: {  	s9 =	sadd.s32 $0x2880, s16;
	[sflag:s23] =	ssyncadd.s32 $0xFFFFF000  }
0x1a1: {  	[spmem:s3] =	stream.indirect.scatter.add.f32 [tilespmem:s28], [sflag:$0xC], $0x20, s9, s14, $0xb8;
	[tilespmem:$0x1F000] =	vst v63  }
0x1a2: {  	s18 =	simm.s32 @!p0 $0x14  }
0x1a3: {  	[spmem:s4] =	stream.indirect.scatter.add.f32 [tilespmem:s22], [sflag:$0xC], $0x20, s9, s14, $0xb8;
	[tilespmem:$0x1F000] =	vst v63  }
0x1a4: {  	_ =	swait.ge @!p0 [sflag:s18], $0x1000  }
0x1a5: {  	[sflag:s18] =	ssyncset.done @!p0 $0x0  }
0x1a6: {  	[sflag:s18] =	ssyncadd.s32 @!p0 $0xFFFFF000  }
0x1a7: {  	_ =	swait.ge @!p0 [sflag:s18], $0x1000  }
0x1a8: {  	[sflag:s18] =	ssyncset.done @!p0 $0x0  }
0x1a9: {  	s11 =	sadd.s32 $0x480, s16;
	s9 =	simm.s32 $0xE000;
	[sflag:s18] =	ssyncadd.s32 @!p0 $0xFFFFF000  }
0x1aa: {  	[tilespmem:s9], [sflag:$0xA] =	stream.indirect.gather [spmem:s2], $0x20, s11, s14, $0xb8;
	[tilespmem:$0x1F000] =	vst v63  }
0x1ab: {  	_ =	swait.ge [sflag:s25], $0x1000  }
0x1ac: {  	[sflag:s25] =	ssyncset.done $0x0  }
0x1ad: {  	s18 =	sadd.s32 $0x2900, s16;
	[sflag:s25] =	ssyncadd.s32 $0xFFFFF000  }
0x1ae: {  	[spmem:s3] =	stream.indirect.scatter.add.f32 [tilespmem:s29], [sflag:$0xD], $0x20, s18, s14, $0xb8;
	[tilespmem:$0x1F000] =	vst v63  }
0x1af: {  	_ = 	snop  }
0x1b0: {  	[spmem:s4] =	stream.indirect.scatter.add.f32 [tilespmem:s22], [sflag:$0xD], $0x20, s18, s14, $0xb8;
	[tilespmem:$0x1F000] =	vst v63  }
0x1b1: {  	_ =	swait.ge [sflag:s31], $0x1000  }
0x1b2: {  	[sflag:s31] =	ssyncset.done $0x0  }
0x1b3: {  	p0 =	seq.s32 s15, $0x8C00;
	[sflag:s31] =	ssyncadd.s32 $0xFFFFF000  }
0x1b4: {  	s15 =	sshra.s32 @!p0 s15, $0x2;
	_ =	swait.ge [sflag:s31], $0x1000  }
0x1b5: {  	s17 =	simm.s32 @!p0 $0x80;
	s11 =	simm.s32 $0x4;
	[sflag:s31] =	ssyncset.done $0x0  }
0x1b6: {  	s19 =	sadd.s32 @!p0 $0x500, s15;
	s18 =	simm.s32 @!p0 $0x5000;
	[sflag:s31] =	ssyncadd.s32 $0xFFFFF000  }
0x1b7: {  	[tilespmem:s18], [sflag:$0x1] =	stream.indirect.gather @!p0 [spmem:s2], $0x20, s19, s17, $0xb8;
	[tilespmem:$0x1F000] =	vst v63  }
0x1b8: {  	_ =	swait.ge [sflag:s11], $0x1000  }
0x1b9: {  	[sflag:s11] =	ssyncset.done $0x0  }
0x1ba: {  	s18 =	sadd.s32 $0x2980, s16;
	s19 =	simm.s32 $0x8000;
	[sflag:s11] =	ssyncadd.s32 $0xFFFFF000  }
0x1bb: {  	[spmem:s3] =	stream.indirect.scatter.add.f32 [tilespmem:s19], [sflag:$0xE], $0x20, s18, s14, $0xb8;
	[tilespmem:$0x1F000] =	vst v63  }
0x1bc: {  	_ = 	snop  }
0x1bd: {  	[spmem:s4] =	stream.indirect.scatter.add.f32 [tilespmem:s22], [sflag:$0xE], $0x20, s18, s14, $0xb8;
	[tilespmem:$0x1F000] =	vst v63  }
0x1be: {  	_ =	swait.ge [sflag:s1], $0x1000  }
0x1bf: {  	[sflag:s1] =	ssyncset.done $0x0  }
0x1c0: {  	[sflag:s1] =	ssyncadd.s32 $0xFFFFF000  }
0x1c1: {  	_ =	swait.ge [sflag:s1], $0x1000  }
0x1c2: {  	[sflag:s1] =	ssyncset.done $0x0  }
0x1c3: {  	s19 =	simm.s32 @!p0 $0x6000;
	s18 =	sadd.s32 @!p0 $0x580, s15;
	[sflag:s1] =	ssyncadd.s32 $0xFFFFF000  }
0x1c4: {  	[tilespmem:s19], [sflag:$0x2] =	stream.indirect.gather @!p0 [spmem:s2], $0x20, s18, s17, $0xb8;
	[tilespmem:$0x1F000] =	vst v63  }
0x1c5: {  	_ =	swait.ge [sflag:s12], $0x1000  }
0x1c6: {  	[sflag:s12] =	ssyncset.done $0x0  }
0x1c7: {  	s19 =	sadd.s32 $0x2A00, s16;
	[sflag:s12] =	ssyncadd.s32 $0xFFFFF000;
	s12 =	simm.s32 $0x9000  }
0x1c8: {  	[spmem:s3] =	stream.indirect.scatter.add.f32 [tilespmem:s12], [sflag:$0xF], $0x20, s19, s14, $0xb8;
	[tilespmem:$0x1F000] =	vst v63  }
0x1c9: {  	_ = 	snop  }
0x1ca: {  	[spmem:s4] =	stream.indirect.scatter.add.f32 [tilespmem:s22], [sflag:$0xF], $0x20, s19, s14, $0xb8;
	[tilespmem:$0x1F000] =	vst v63  }
0x1cb: {  	_ =	swait.ge [sflag:s5], $0x1000  }
0x1cc: {  	[sflag:s5] =	ssyncset.done $0x0  }
0x1cd: {  	[sflag:s5] =	ssyncadd.s32 $0xFFFFF000  }
0x1ce: {  	_ =	swait.ge [sflag:s5], $0x1000  }
0x1cf: {  	[sflag:s5] =	ssyncset.done $0x0  }
0x1d0: {  	s18 =	sadd.s32 @!p0 $0x600, s15;
	s19 =	simm.s32 @!p0 $0x7000;
	[sflag:s5] =	ssyncadd.s32 $0xFFFFF000  }
0x1d1: {  	[tilespmem:s19], [sflag:$0x3] =	stream.indirect.gather @!p0 [spmem:s2], $0x20, s18, s17, $0xb8;
	[tilespmem:$0x1F000] =	vst v63  }
0x1d2: {  	s18 =	simm.s32 $0x6  }
0x1d3: {  	_ =	swait.ge [sflag:s18], $0x1000  }
0x1d4: {  	[sflag:s18] =	ssyncset.done $0x0  }
0x1d5: {  	s12 =	simm.s32 $0xA000;
	s19 =	sadd.s32 $0x2A80, s16;
	[sflag:s18] =	ssyncadd.s32 $0xFFFFF000  }
0x1d6: {  	[spmem:s3] =	stream.indirect.scatter.add.f32 [tilespmem:s12], [sflag:$0x10], $0x20, s19, s14, $0xb8;
	[tilespmem:$0x1F000] =	vst v63  }
0x1d7: {  	_ = 	snop  }
0x1d8: {  	[spmem:s4] =	stream.indirect.scatter.add.f32 [tilespmem:s22], [sflag:$0x10], $0x20, s19, s14, $0xb8;
	[tilespmem:$0x1F000] =	vst v63  }
0x1d9: {  	_ =	swait.ge [sflag:s7], $0x1000  }
0x1da: {  	[sflag:s7] =	ssyncset.done $0x0  }
0x1db: {  	[sflag:s7] =	ssyncadd.s32 $0xFFFFF000  }
0x1dc: {  	_ =	swait.ge [sflag:s7], $0x1000  }
0x1dd: {  	[sflag:s7] =	ssyncset.done $0x0  }
0x1de: {  	s18 =	sadd.s32 @!p0 $0x680, s15;
	s19 =	simm.s32 @!p0 $0x8000;
	[sflag:s7] =	ssyncadd.s32 $0xFFFFF000  }
0x1df: {  	[tilespmem:s19], [sflag:$0x4] =	stream.indirect.gather @!p0 [spmem:s2], $0x20, s18, s17, $0xb8;
	[tilespmem:$0x1F000] =	vst v63  }
0x1e0: {  	s18 =	simm.s32 $0x7  }
0x1e1: {  	_ =	swait.ge [sflag:s18], $0x1000  }
0x1e2: {  	[sflag:s18] =	ssyncset.done $0x0  }
0x1e3: {  	s12 =	simm.s32 $0xB000;
	s19 =	sadd.s32 $0x2B00, s16;
	[sflag:s18] =	ssyncadd.s32 $0xFFFFF000  }
0x1e4: {  	[spmem:s3] =	stream.indirect.scatter.add.f32 [tilespmem:s12], [sflag:$0x11], $0x20, s19, s14, $0xb8;
	[tilespmem:$0x1F000] =	vst v63  }
0x1e5: {  	_ = 	snop  }
0x1e6: {  	[spmem:s4] =	stream.indirect.scatter.add.f32 [tilespmem:s22], [sflag:$0x11], $0x20, s19, s14, $0xb8;
	[tilespmem:$0x1F000] =	vst v63  }
0x1e7: {  	_ =	swait.ge [sflag:s10], $0x1000  }
0x1e8: {  	[sflag:s10] =	ssyncset.done $0x0  }
0x1e9: {  	[sflag:s10] =	ssyncadd.s32 $0xFFFFF000  }
0x1ea: {  	_ =	swait.ge [sflag:s10], $0x1000  }
0x1eb: {  	[sflag:s10] =	ssyncset.done $0x0  }
0x1ec: {  	s18 =	sadd.s32 @!p0 $0x700, s15;
	s19 =	simm.s32 @!p0 $0x9000;
	[sflag:s10] =	ssyncadd.s32 $0xFFFFF000  }
0x1ed: {  	[tilespmem:s19], [sflag:$0x5] =	stream.indirect.gather @!p0 [spmem:s2], $0x20, s18, s17, $0xb8;
	[tilespmem:$0x1F000] =	vst v63  }
0x1ee: {  	_ =	swait.ge [sflag:s13], $0x1000  }
0x1ef: {  	[sflag:s13] =	ssyncset.done $0x0  }
0x1f0: {  	s8 =	simm.s32 $0xC000;
	s19 =	sadd.s32 $0x2B80, s16;
	[sflag:s13] =	ssyncadd.s32 $0xFFFFF000  }
0x1f1: {  	[spmem:s3] =	stream.indirect.scatter.add.f32 [tilespmem:s8], [sflag:$0x12], $0x20, s19, s14, $0xb8;
	[tilespmem:$0x1F000] =	vst v63  }
0x1f2: {  	_ = 	snop  }
0x1f3: {  	[spmem:s4] =	stream.indirect.scatter.add.f32 [tilespmem:s22], [sflag:$0x12], $0x20, s19, s14, $0xb8;
	[tilespmem:$0x1F000] =	vst v63  }
0x1f4: {  	_ =	swait.ge [sflag:s0], $0x1000  }
0x1f5: {  	[sflag:s0] =	ssyncset.done $0x0  }
0x1f6: {  	[sflag:s0] =	ssyncadd.s32 $0xFFFFF000  }
0x1f7: {  	_ =	swait.ge [sflag:s0], $0x1000  }
0x1f8: {  	[sflag:s0] =	ssyncset.done $0x0  }
0x1f9: {  	s18 =	sadd.s32 @!p0 $0x780, s15;
	s19 =	simm.s32 @!p0 $0xA000;
	[sflag:s0] =	ssyncadd.s32 $0xFFFFF000  }
0x1fa: {  	[tilespmem:s19], [sflag:$0x6] =	stream.indirect.gather @!p0 [spmem:s2], $0x20, s18, s17, $0xb8;
	[tilespmem:$0x1F000] =	vst v63  }
0x1fb: {  	_ =	swait.ge [sflag:s21], $0x1000  }
0x1fc: {  	[sflag:s21] =	ssyncset.done $0x0  }
0x1fd: {  	[sflag:s21] =	ssyncadd.s32 $0xFFFFF000;
	s21 =	sadd.s32 $0x2C00, s16  }
0x1fe: {  	[spmem:s3] =	stream.indirect.scatter.add.f32 [tilespmem:s30], [sflag:$0x13], $0x20, s21, s14, $0xb8;
	[tilespmem:$0x1F000] =	vst v63  }
0x1ff: {  	_ = 	snop  }
0x200: {  	[spmem:s4] =	stream.indirect.scatter.add.f32 [tilespmem:s22], [sflag:$0x13], $0x20, s21, s14, $0xb8;
	[tilespmem:$0x1F000] =	vst v63  }
0x201: {  	_ =	swait.ge [sflag:s24], $0x1000  }
0x202: {  	[sflag:s24] =	ssyncset.done $0x0  }
0x203: {  	[sflag:s24] =	ssyncadd.s32 $0xFFFFF000  }
0x204: {  	_ =	swait.ge [sflag:s24], $0x1000  }
0x205: {  	[sflag:s24] =	ssyncset.done $0x0  }
0x206: {  	s15 =	sadd.s32 @!p0 $0x800, s15;
	s18 =	simm.s32 @!p0 $0xB000;
	[sflag:s24] =	ssyncadd.s32 $0xFFFFF000  }
0x207: {  	[tilespmem:s18], [sflag:$0x7] =	stream.indirect.gather @!p0 [spmem:s2], $0x20, s15, s17, $0xb8;
	[tilespmem:$0x1F000] =	vst v63  }
0x208: {  	_ =	swait.ge [sflag:s6], $0x1000  }
0x209: {  	[sflag:s6] =	ssyncset.done $0x0  }
0x20a: {  	s30 =	sadd.s32 $0x2C80, s16;
	[sflag:s6] =	ssyncadd.s32 $0xFFFFF000  }
0x20b: {  	[spmem:s3] =	stream.indirect.scatter.add.f32 [tilespmem:s9], [sflag:$0x14], $0x20, s30, s14, $0xb8;
	[tilespmem:$0x1F000] =	vst v63  }
0x20c: {  	s21 =	simm.s32 $0x12  }
0x20d: {  	[spmem:s4] =	stream.indirect.scatter.add.f32 [tilespmem:s22], [sflag:$0x14], $0x20, s30, s14, $0xb8;
	[tilespmem:$0x1F000] =	vst v63  }
0x20e: {  	_ =	swait.ge [sflag:s21], $0x1000  }
0x20f: {  	[sflag:s21] =	ssyncset.done $0x0  }
0x210: {  	[sflag:s21] =	ssyncadd.s32 $0xFFFFF000  }
0x211: {  	_ =	swait.ge [sflag:s21], $0x1000  }
0x212: {  	[sflag:s21] =	ssyncset.done $0x0  }
0x213: {  	s28 =	simm.s32 $0x13;
	[sflag:s21] =	ssyncadd.s32 $0xFFFFF000  }
0x214: {  	_ =	swait.ge [sflag:s28], $0x1000  }
0x215: {  	[sflag:s28] =	ssyncset.done $0x0  }
0x216: {  	[sflag:s28] =	ssyncadd.s32 $0xFFFFF000  }
0x217: {  	_ =	swait.ge [sflag:s28], $0x1000  }
0x218: {  	[sflag:s28] =	ssyncset.done $0x0  }
0x219: {  	s29 =	simm.s32 $0x14;
	[sflag:s28] =	ssyncadd.s32 $0xFFFFF000  }
0x21a: {  	_ =	swait.ge [sflag:s29], $0x1000  }
0x21b: {  	[sflag:s29] =	ssyncset.done $0x0  }
0x21c: {  	[sflag:s29] =	ssyncadd.s32 $0xFFFFF000  }
0x21d: {  	_ =	swait.ge [sflag:s29], $0x1000  }
0x21e: {  	[sflag:s29] =	ssyncset.done $0x0  }
0x21f: {  	[sflag:s29] =	ssyncadd.s32 $0xFFFFF000  }
0x220: {  	[bflag:$0x0] =	sbarrier.arrive $0xFFFF  }
0x221: {  	s6 =	rddreg [dreg:$0x7]  }
0x222: {  	s11 =	simm.s32 $0x15;
	s18 =	rddreg [dreg:$0xa]  }
0x223: {  	s9 =	rddreg [dreg:$0x14];
	s15 =	sor.u32 $0x1C15, s6;
	s8 =	sshrl.u32 s18, $0x3  }
0x224: {  	[hbm:s9], [sflag:s15] =	dma.local [spmem:s8], $0xA00  }
0x225: {  	_ =	swait.ge [sflag:s11], $0xA00  }
0x226: {  	[sflag:s11] =	ssyncset.done $0x0;
	s19 =	rddreg [dreg:$0xb]  }
0x227: {  	s13 =	rddreg [dreg:$0x15];
	[sflag:s11] =	ssyncadd.s32 $0xFFFFF600;
	s12 =	sshrl.u32 s19, $0x3  }
0x228: {  	[hbm:s13], [sflag:s15] =	dma.local [spmem:s12], $0xA00  }
0x229: {  	_ =	swait.ge [sflag:s11], $0xA00  }
0x22a: {  	s17 =	rddreg [dreg:$0x18]  }
0x22b: {  	s30 =	rddreg [dreg:$0x16];
	s8 =	sadd.s32 $0x1, s17  }
0x22c: {  	p0 =	sne.s32 s8, s30  }
.Ltmp3:
0x22d: {  	_ = 	snop;
	(pc) =	sbr.rel @p0 .LBB2_1-.Ltmp3, $3  }
0x22e: {  	_ =	sdelay $0x1  }
0x22f: {  	[sflag:s11] =	ssyncset.done $0x0  }
0x230: {  	s6 =	simm.s32 $0xA;
	[sflag:s11] =	ssyncadd.s32 $0xFFFFF600  }
0x231: {  	_ =	sfence.sel $0x180000  }
0x232: {  	[bflag:$0x0] =	sbarrier.arrive $0xFFFF  }
0x233: {  	_ =	strace $0x90000047  }
0x234: {  	s0 =	stileid.u32;
	[bflag:$0x2] =	sbarrier.arrive $0xFFFF  }
0x235: {  	p0 =	sne.s32 s0, $0x0;
	s0 =	rddreg [dreg:$0x4]  }
0x236: {  	s0 =	sadd.s32 @!p0 $0x100000, s0  }
0x237: {  	[sflag:s0] =	ssyncadd.tile.s32 @!p0 $0x1;
	_ =	shalt  }
.Lfunc_end2:
_tile_overlayer_lowered:
.L_overlay_start_2:
0x238: {  	(tag) =	ssettag $0x2  }
0x239: {  	s0 =	rddreg [dreg:$0x0];
	s2 =	stileid.u32  }
0x23a: {  	s1 =	rddreg [dreg:$0x1];
	p0 =	sne.s32 s2, $0x0  }
0x23b: {  	s3 =	rddreg [dreg:$0x2];
	[bflag:$0x3] =	sbarrier.arrive $0xFFFF;
	s2 =	simm.s32 @!p0 $0x1C15  }
0x23c: {  	[timem:s3], [sflag:s2] =	dma.local @!p0 [hbm:s0], s1  }
0x23d: {  	s0 =	simm.s32 @!p0 $0x15  }
0x23e: {  	_ =	swait.ge @!p0 [sflag:s0], s1  }
0x23f: {  	s1 =	ssub.s32 @!p0 $0x0, s1;
	[sflag:s0] =	ssyncset.done @!p0 $0x0  }
0x240: {  	[sflag:s0] =	ssyncadd.s32 @!p0 s1  }
0x241: {  	[bflag:$0x3] =	sbarrier.arrive $0xFFFF  }
0x242: {  	_ =	shalt  }

</sc_bundles>
